<compile_context>
chip_gen: v7x
topology: tpu7x:2x2x1
jax: 0.10.2.dev20260603
libtpu: 0.0.44.dev20260713+nightly
codegen_flags: <defaults>
</compile_context>

<pallas_src>
import functools

import jax
import jax.numpy as jnp
from jax import lax
from jax.experimental import pallas as pl
from jax.experimental.pallas import tpu as pltpu
from jax.experimental.pallas import tpu_sc as plsc

N = 10000
E = 160000
T = 160000
F = 128
H = 64
MU = 100
INV_STEP = 10.0
MU_PAD = 1e4

NC = 2
NS = 16
LANES = 16
NW = NC * NS
C = 128
E_SPLIT = (80000, 80000)
T_SPLIT = (80000, 80000)


def _proj_body(h_ref, w_ref, out_ref):
    out_ref[:] = lax.dot_general(
        h_ref[:], w_ref[:], (((1,), (0,)), ((), ())),
        preferred_element_type=jnp.float32)


def _project(h2, wstack2):
    return pl.pallas_call(
        _proj_body,
        grid=(5,),
        in_specs=[pl.BlockSpec((N // 2, 2 * F), lambda k: (0, 0)),
                  pl.BlockSpec((2 * F, F), lambda k: (k, 0))],
        out_specs=pl.BlockSpec((N // 2, F), lambda k: (k, 0)),
        out_shape=jax.ShapeDtypeStruct((5 * N // 2, F), jnp.float32),
    )(h2, wstack2)


def _mesh():
    return plsc.VectorSubcoreMesh(core_axis_name="c", subcore_axis_name="s")


def _worker_range(nch):
    wid = lax.axis_index("s") * NC + lax.axis_index("c")
    nj_min = nch // NW
    rem = nch - nj_min * NW
    nj = jnp.where(wid < rem, nj_min + 1, nj_min)
    cbase = nj_min * wid + jnp.minimum(wid, rem)
    return cbase, nj


def _gather2(table, idx_a, idx_b, n):
    nch = n // C

    @functools.partial(
        pl.kernel, mesh=_mesh(),
        compiler_params=pltpu.CompilerParams(use_tc_tiling_on_sc=False),
        out_type=jax.ShapeDtypeStruct((n, 2 * H), jnp.float32),
        scratch_types=[
            pltpu.VMEM((C,), jnp.int32), pltpu.VMEM((C,), jnp.int32),
            pltpu.VMEM((C,), jnp.int32), pltpu.VMEM((C,), jnp.int32),
            pltpu.VMEM((C, H), jnp.float32), pltpu.VMEM((C, H), jnp.float32),
            pltpu.VMEM((C, H), jnp.float32), pltpu.VMEM((C, H), jnp.float32),
            pltpu.SemaphoreType.DMA, pltpu.SemaphoreType.DMA,
            pltpu.SemaphoreType.DMA, pltpu.SemaphoreType.DMA,
        ],
    )
    def k(tab, iah, ibh, outh,
          ia0, ib0, ia1, ib1, ra0, rb0, ra1, rb1, gs0, gs1, ws0, ws1):
        cbase, nj = _worker_range(nch)

        def load_idx(j, ia, ib):
            base = (cbase + j) * C
            pltpu.sync_copy(iah.at[pl.ds(base, C)], ia)
            pltpu.sync_copy(ibh.at[pl.ds(base, C)], ib)

        def fire_g(ia, ib, ra, rb, gs):
            pltpu.async_copy(tab.at[ia], ra, gs)
            pltpu.async_copy(tab.at[ib], rb, gs)

        def wait_g(ia, ib, ra, rb, gs):
            pltpu.make_async_copy(tab.at[ia], ra, gs).wait()
            pltpu.make_async_copy(tab.at[ib], rb, gs).wait()

        def fire_w(j, ra, rb, ws):
            base = (cbase + j) * C
            pltpu.async_copy(ra, outh.at[pl.ds(base, C), pl.ds(0, H)], ws)
            pltpu.async_copy(rb, outh.at[pl.ds(base, C), pl.ds(H, H)], ws)

        def wait_w(ra, rb, ws):
            b0 = cbase * C
            pltpu.make_async_copy(ra, outh.at[pl.ds(b0, C), pl.ds(0, H)],
                                  ws).wait()
            pltpu.make_async_copy(rb, outh.at[pl.ds(b0, C), pl.ds(H, H)],
                                  ws).wait()

        load_idx(0, ia0, ib0)
        fire_g(ia0, ib0, ra0, rb0, gs0)

        def step2(j2, _):
            j = j2 * 2

            @pl.when(j + 1 < nj)
            def _():
                @pl.when(j >= 1)
                def _():
                    wait_w(ra1, rb1, ws1)
                load_idx(j + 1, ia1, ib1)

            wait_g(ia0, ib0, ra0, rb0, gs0)
            fire_w(j, ra0, rb0, ws0)

            @pl.when(j + 1 < nj)
            def _():
                fire_g(ia1, ib1, ra1, rb1, gs1)

                @pl.when(j + 2 < nj)
                def _():
                    wait_w(ra0, rb0, ws0)
                    load_idx(j + 2, ia0, ib0)

                wait_g(ia1, ib1, ra1, rb1, gs1)
                fire_w(j + 1, ra1, rb1, ws1)

                @pl.when(j + 2 < nj)
                def _():
                    fire_g(ia0, ib0, ra0, rb0, gs0)

            return 0

        lax.fori_loop(0, (nch // NW + 2) // 2, step2, 0)
        wait_w(ra0, rb0, ws0)
        wait_w(ra1, rb1, ws1)

    return k(table, idx_a, idx_b)


def _gather3(table, idx_a, idx_b, idx_c, n):
    nch = n // C

    @functools.partial(
        pl.kernel, mesh=_mesh(),
        compiler_params=pltpu.CompilerParams(use_tc_tiling_on_sc=False),
        out_type=jax.ShapeDtypeStruct((n, 2 * H), jnp.float32),
        scratch_types=[
            pltpu.VMEM((C,), jnp.int32), pltpu.VMEM((C,), jnp.int32),
            pltpu.VMEM((C,), jnp.int32),
            pltpu.VMEM((C,), jnp.int32), pltpu.VMEM((C,), jnp.int32),
            pltpu.VMEM((C,), jnp.int32),
            pltpu.VMEM((C, H), jnp.float32), pltpu.VMEM((C, H), jnp.float32),
            pltpu.VMEM((C, H), jnp.float32), pltpu.VMEM((C, H), jnp.float32),
            pltpu.VMEM((C, H), jnp.float32), pltpu.VMEM((C, H), jnp.float32),
            pltpu.SemaphoreType.DMA, pltpu.SemaphoreType.DMA,
            pltpu.SemaphoreType.DMA, pltpu.SemaphoreType.DMA,
        ],
    )
    def k(tab, iah, ibh, ich, outh,
          ia0, ib0, ic0, ia1, ib1, ic1, ra0, rb0, rc0, ra1, rb1, rc1,
          gs0, gs1, ws0, ws1):
        cbase, nj = _worker_range(nch)

        def load_idx(j, ia, ib, ic):
            base = (cbase + j) * C
            pltpu.sync_copy(iah.at[pl.ds(base, C)], ia)
            pltpu.sync_copy(ibh.at[pl.ds(base, C)], ib)
            pltpu.sync_copy(ich.at[pl.ds(base, C)], ic)

        def fire_g(ia, ib, ic, ra, rb, rc, gs):
            pltpu.async_copy(tab.at[ia], ra, gs)
            pltpu.async_copy(tab.at[ib], rb, gs)
            pltpu.async_copy(tab.at[ic], rc, gs)

        def wait_g(ia, ib, ic, ra, rb, rc, gs):
            pltpu.make_async_copy(tab.at[ia], ra, gs).wait()
            pltpu.make_async_copy(tab.at[ib], rb, gs).wait()
            pltpu.make_async_copy(tab.at[ic], rc, gs).wait()

        def merge(ra, rb):
            def row(r, carry):
                for q in range(H // LANES):
                    s = pl.ds(q * LANES, LANES)
                    ra[r, s] = ra[r, s] + rb[r, s]
                return carry

            lax.fori_loop(0, C, row, 0)

        def fire_w(j, ra, rc, ws):
            base = (cbase + j) * C
            pltpu.async_copy(ra, outh.at[pl.ds(base, C), pl.ds(0, H)], ws)
            pltpu.async_copy(rc, outh.at[pl.ds(base, C), pl.ds(H, H)], ws)

        def wait_w(ra, rc, ws):
            b0 = cbase * C
            pltpu.make_async_copy(ra, outh.at[pl.ds(b0, C), pl.ds(0, H)],
                                  ws).wait()
            pltpu.make_async_copy(rc, outh.at[pl.ds(b0, C), pl.ds(H, H)],
                                  ws).wait()

        load_idx(0, ia0, ib0, ic0)
        fire_g(ia0, ib0, ic0, ra0, rb0, rc0, gs0)

        def step2(j2, _):
            j = j2 * 2

            @pl.when(j + 1 < nj)
            def _():
                @pl.when(j >= 1)
                def _():
                    wait_w(ra1, rc1, ws1)
                load_idx(j + 1, ia1, ib1, ic1)

            wait_g(ia0, ib0, ic0, ra0, rb0, rc0, gs0)

            @pl.when(j + 1 < nj)
            def _():
                fire_g(ia1, ib1, ic1, ra1, rb1, rc1, gs1)

            merge(ra0, rb0)
            fire_w(j, ra0, rc0, ws0)

            @pl.when(j + 1 < nj)
            def _():
                @pl.when(j + 2 < nj)
                def _():
                    wait_w(ra0, rc0, ws0)
                    load_idx(j + 2, ia0, ib0, ic0)

                wait_g(ia1, ib1, ic1, ra1, rb1, rc1, gs1)

                @pl.when(j + 2 < nj)
                def _():
                    fire_g(ia0, ib0, ic0, ra0, rb0, rc0, gs0)

                merge(ra1, rb1)
                fire_w(j + 1, ra1, rc1, ws1)

            return 0

        lax.fori_loop(0, (nch // NW + 2) // 2, step2, 0)
        wait_w(ra0, rc0, ws0)
        wait_w(ra1, rc1, ws1)

    return k(table, idx_a, idx_b, idx_c)


BLK = 3200
CH = BLK // F


def _silu(x):
    return x * (1.0 / (1.0 + jnp.exp(-x)))


def _mm(a, b, precision=None):
    return lax.dot_general(a, b, (((1,), (0,)), ((), ())),
                           preferred_element_type=jnp.float32,
                           precision=precision)


def _mm_t(a, b):
    return lax.dot_general(a, b, (((0,), (0,)), ((), ())),
                           preferred_element_type=jnp.float32)


def _rbf_wide(mu_bb, sc_ref):
    d = jnp.concatenate(
        [mu_bb - sc_ref[0, k:k + 1, :] for k in range(CH)], axis=1)
    return jnp.exp(-INV_STEP * d * d)


def _edge_mlp_body(g_ref, nrm_ref, mu_ref, r_ref, w1_ref,
                   w2_ref, b2_ref, out_ref):
    mu_bb = jnp.broadcast_to(mu_ref[:], (F, F))
    rbf = _rbf_wide(mu_bb, nrm_ref)
    x = g_ref[:, :H] + g_ref[:, H:] + _mm_t(rbf, r_ref[:])
    x = _silu(x)
    x = _silu(_mm(x, w1_ref[:]))
    out_ref[:] = lax.dot_general(
        w2_ref[:], x, (((0,), (1,)), ((), ())),
        preferred_element_type=jnp.float32) + b2_ref[:]


def _edge_mlp(g, nrm2, mu_col, r_pad, w1, w2, b2, de, n):
    grid = n // BLK
    return pl.pallas_call(
        _edge_mlp_body,
        grid=(grid,),
        compiler_params=pltpu.CompilerParams(
            fuse_transposed_lhs_in_matmul=True),
        in_specs=[
            pl.BlockSpec((BLK, 2 * H), lambda i: (i, 0)),
            pl.BlockSpec((1, CH, F), lambda i: (i, 0, 0)),
            pl.BlockSpec((F, 1), lambda i: (0, 0)),
            pl.BlockSpec((F, H), lambda i: (0, 0)),
            pl.BlockSpec((H, H), lambda i: (0, 0)),
            pl.BlockSpec((H, de), lambda i: (0, 0)),
            pl.BlockSpec((de, 1), lambda i: (0, 0)),
        ],
        out_specs=pl.BlockSpec((de, BLK), lambda i: (0, i)),
        out_shape=jax.ShapeDtypeStruct((de, n), jnp.float32),
    )(g, nrm2, mu_col, r_pad, w1, w2, b2)


def _trip_mlp_body(g_ref, nij_ref, nik_ref, cos_ref, sin_ref, mu_ref,
                   rij_ref, rik_ref, wcs_ref, w1_ref, w2_ref,
                   b2_ref, out_ref):
    mu_bb = jnp.broadcast_to(mu_ref[:], (F, F))
    rbf_ij = _rbf_wide(mu_bb, nij_ref)
    rbf_ik = _rbf_wide(mu_bb, nik_ref)
    cs = jnp.concatenate(
        [jnp.concatenate([cos_ref[0, k:k + 1, :] for k in range(CH)],
                         axis=1),
         jnp.concatenate([sin_ref[0, k:k + 1, :] for k in range(CH)],
                         axis=1)], axis=0)
    x = (g_ref[:, :H] + g_ref[:, H:] + _mm_t(rbf_ij, rij_ref[:])
         + _mm_t(rbf_ik, rik_ref[:]) + _mm_t(cs, wcs_ref[:]))
    x = _silu(x)
    x = _silu(_mm(x, w1_ref[:]))
    out_ref[:] = lax.dot_general(
        w2_ref[:], x, (((0,), (1,)), ((), ())),
        preferred_element_type=jnp.float32) + b2_ref[:]


def _trip_mlp(g, nij2, nik2, cos2, sin2, mu_col, rij_pad, rik_pad,
              wcs, w1, w2, b2, dt, n):
    grid = n // BLK
    return pl.pallas_call(
        _trip_mlp_body,
        grid=(grid,),
        compiler_params=pltpu.CompilerParams(
            fuse_transposed_lhs_in_matmul=True),
        in_specs=[
            pl.BlockSpec((BLK, 2 * H), lambda i: (i, 0)),
            pl.BlockSpec((1, CH, F), lambda i: (i, 0, 0)),
            pl.BlockSpec((1, CH, F), lambda i: (i, 0, 0)),
            pl.BlockSpec((1, CH, F), lambda i: (i, 0, 0)),
            pl.BlockSpec((1, CH, F), lambda i: (i, 0, 0)),
            pl.BlockSpec((F, 1), lambda i: (0, 0)),
            pl.BlockSpec((F, H), lambda i: (0, 0)),
            pl.BlockSpec((F, H), lambda i: (0, 0)),
            pl.BlockSpec((2, H), lambda i: (0, 0)),
            pl.BlockSpec((H, H), lambda i: (0, 0)),
            pl.BlockSpec((H, dt), lambda i: (0, 0)),
            pl.BlockSpec((dt, 1), lambda i: (0, 0)),
        ],
        out_specs=pl.BlockSpec((dt, BLK), lambda i: (0, i)),
        out_shape=jax.ShapeDtypeStruct((dt, n), jnp.float32),
    )(g, nij2, nik2, cos2, sin2, mu_col, rij_pad, rik_pad, wcs,
      w1, w2, b2)


def kernel(h, src, dst, edge_norm, trip_src, trip_dst_i, trip_dst_j,
           norm_ij, norm_ik, cos_ijk, sin_ijk, mu,
           We0, We1, We2, be2, Wf0, Wf1, Wf2, bf2):
    de = We2.shape[1]
    dt = Wf2.shape[1]

    z = jnp.zeros((F, H), jnp.float32)
    wstack2 = jnp.concatenate([
        jnp.concatenate([jnp.concatenate([wk, z], axis=1),
                         jnp.concatenate([z, wk], axis=1)], axis=0)
        for wk in (We0[:F], We0[F:2 * F], Wf0[:F], Wf0[F:2 * F],
                   Wf0[2 * F:3 * F])], axis=0)
    r_e = jnp.zeros((F, H), jnp.float32).at[:MU].set(We0[2 * F:])
    r_ij = jnp.zeros((F, H), jnp.float32).at[:MU].set(Wf0[3 * F:3 * F + MU])
    r_ik = jnp.zeros((F, H), jnp.float32).at[:MU].set(
        Wf0[3 * F + MU:3 * F + 2 * MU])
    wcs = Wf0[3 * F + 2 * MU:3 * F + 2 * MU + 2]
    mu_col = jnp.concatenate(
        [mu, jnp.full((F - MU,), MU_PAD, jnp.float32)]).reshape(F, 1)

    table = _project(h.reshape(N // 2, 2 * F), wstack2).reshape(5 * N, H)

    i32 = jnp.int32
    srci = src.astype(i32)
    dsti = (dst + N).astype(i32)
    tsi = (trip_src + 2 * N).astype(i32)
    tii = (trip_dst_i + 3 * N).astype(i32)
    tji = (trip_dst_j + 4 * N).astype(i32)

    eo = (0, E_SPLIT[0])
    to = (0, T_SPLIT[0])
    g_e = [_gather2(table, srci[o:o + n], dsti[o:o + n], n)
           for o, n in zip(eo, E_SPLIT)]
    g_t = [_gather3(table, tsi[o:o + n], tii[o:o + n], tji[o:o + n], n)
           for o, n in zip(to, T_SPLIT)]

    def nshape(a, o, n):
        return a[o:o + n].reshape(n // BLK, CH, F)

    oe = [_edge_mlp(g_e[i], nshape(edge_norm, eo[i], E_SPLIT[i]), mu_col,
                    r_e, We1, We2, be2.reshape(de, 1), de, E_SPLIT[i])
          for i in (0, 1)]
    ot = [_trip_mlp(g_t[i], nshape(norm_ij, to[i], T_SPLIT[i]),
                    nshape(norm_ik, to[i], T_SPLIT[i]),
                    nshape(cos_ijk, to[i], T_SPLIT[i]),
                    nshape(sin_ijk, to[i], T_SPLIT[i]), mu_col,
                    r_ij, r_ik, wcs, Wf1, Wf2, bf2.reshape(dt, 1), dt,
                    T_SPLIT[i])
          for i in (0, 1)]
    edges_weights = jnp.concatenate(oe, axis=1).T
    triplets_weights = jnp.concatenate(ot, axis=1).T
    return (edges_weights, triplets_weights)

# --- scband reference (transcript-rebuilt; emitter-appended) ---
"""Pipeline reference for scband-actions-67783173865693 (READ-ONLY COPY).

The authoritative reference and input builder live on the scoring server;
editing this copy changes nothing except your own understanding.
"""

import jax, jax.numpy as jnp
import numpy as np

N = 10000
E = 160000
T = 160000
F = 128
H = 64
CUTOFF = 10.0
STEP = 0.1
MU = 100  # arange(0, 10, 0.1)
DE = 9  # ops.edges_dim
DT = 9  # ops.triplets_dim


def _glorot(key, fan_in, fan_out):
    std = np.sqrt(2.0 / (fan_in + fan_out))
    return jax.random.normal(key, (fan_in, fan_out), dtype=jnp.float32) * std


def _silu(x):
    return x * jax.nn.sigmoid(x)


def setup_inputs(seed: int = 0) -> dict:
    key = jax.random.key(seed)
    ks = jax.random.split(key, 20)
    h = jax.random.normal(ks[0], (N, F), dtype=jnp.float32)
    src = jax.random.randint(ks[1], (E,), 0, N)
    dst = jax.random.randint(ks[2], (E,), 0, N)
    edge_norm = jax.random.uniform(ks[3], (E,), dtype=jnp.float32) * CUTOFF
    trip_src = jax.random.randint(ks[4], (T,), 0, N)
    trip_dst_i = jax.random.randint(ks[5], (T,), 0, N)
    trip_dst_j = jax.random.randint(ks[6], (T,), 0, N)
    norm_ij = jax.random.uniform(ks[7], (T,), dtype=jnp.float32) * CUTOFF
    norm_ik = jax.random.uniform(ks[8], (T,), dtype=jnp.float32) * CUTOFF
    cos_ijk = jax.random.uniform(ks[9], (T,), dtype=jnp.float32) * 2.0 - 1.0
    sin_ijk = jnp.sqrt(jnp.clip(1.0 - cos_ijk ** 2, 0.0, 1.0))
    mu = jnp.arange(0.0, CUTOFF, STEP, dtype=jnp.float32)  # trainable param
    # EdgeProj MLP: Linear(2F+MU, H, no bias), SiLU, [Linear(H,H, no bias), SiLU] x n_layers(=1), Linear(H, DE, bias)
    We0 = _glorot(ks[10], 2 * F + MU, H)
    We1 = _glorot(ks[11], H, H)
    We2 = _glorot(ks[12], H, DE)
    be2 = jnp.zeros((DE,), dtype=jnp.float32)
    # FaceProj MLP: Linear(3F+2MU+2, H, no bias), SiLU, [Linear(H,H), SiLU], Linear(H, DT, bias)
    Wf0 = _glorot(ks[13], 3 * F + 2 * MU + 2, H)
    Wf1 = _glorot(ks[14], H, H)
    Wf2 = _glorot(ks[15], H, DT)
    bf2 = jnp.zeros((DT,), dtype=jnp.float32)
    return {
        'h': h, 'src': src, 'dst': dst, 'edge_norm': edge_norm,
        'trip_src': trip_src, 'trip_dst_i': trip_dst_i, 'trip_dst_j': trip_dst_j,
        'norm_ij': norm_ij, 'norm_ik': norm_ik, 'cos_ijk': cos_ijk, 'sin_ijk': sin_ijk,
        'mu': mu,
        'We0': We0, 'We1': We1, 'We2': We2, 'be2': be2,
        'Wf0': Wf0, 'Wf1': Wf1, 'Wf2': Wf2, 'bf2': bf2,
    }


def reference(h, src, dst, edge_norm, trip_src, trip_dst_i, trip_dst_j,
              norm_ij, norm_ik, cos_ijk, sin_ijk, mu,
              We0, We1, We2, be2, Wf0, Wf1, Wf2, bf2):
    # ---- EdgeProj forward (ops.edges_dim > 0) ----
    d_ij_emb = jnp.exp(-1.0 / STEP * (mu[None, :] - edge_norm[:, None]) ** 2)
    e_in = jnp.concatenate((jnp.take(h, src, axis=0), jnp.take(h, dst, axis=0), d_ij_emb), axis=-1)
    x = _silu(e_in @ We0)
    x = _silu(x @ We1)
    edges_weights = x @ We2 + be2
    # ---- FaceProj forward (ops.triplets_dim > 0) ----
    t_dij = jnp.exp(-1.0 / STEP * (mu[None, :] - norm_ij[:, None]) ** 2)
    t_dik = jnp.exp(-1.0 / STEP * (mu[None, :] - norm_ik[:, None]) ** 2)
    t_in = jnp.concatenate((jnp.take(h, trip_src, axis=0), jnp.take(h, trip_dst_i, axis=0),
                            jnp.take(h, trip_dst_j, axis=0), t_dij, t_dik,
                            cos_ijk[:, None], sin_ijk[:, None]), axis=1)
    y = _silu(t_in @ Wf0)
    y = _silu(y @ Wf1)
    triplets_weights = y @ Wf2 + bf2
    return (edges_weights, triplets_weights)

if __name__ == "__main__":
    import jax
    _d = setup_inputs()
    print(jax.jit(kernel)(*tuple(_d.values())))

</pallas_src>

<mosaic_0001>
#map = affine_map<(d0, d1) -> (0, 0)>
#map1 = affine_map<(d0, d1) -> (0)>
module attributes {stable_mosaic.version = 14 : i64} {
  func.func @k(%arg0: i32, %arg1: i32, %arg2: memref<50000x64xf32, #tpu.memory_space<hbm>>, %arg3: memref<80000xi32, #tpu.memory_space<hbm>>, %arg4: memref<80000xi32, #tpu.memory_space<hbm>>, %arg5: memref<80000xi32, #tpu.memory_space<hbm>>, %arg6: memref<80000x128xf32, #tpu.memory_space<hbm>>, %arg7: memref<128xi32, #tpu.memory_space<vmem>>, %arg8: memref<128xi32, #tpu.memory_space<vmem>>, %arg9: memref<128xi32, #tpu.memory_space<vmem>>, %arg10: memref<128xi32, #tpu.memory_space<vmem>>, %arg11: memref<128xi32, #tpu.memory_space<vmem>>, %arg12: memref<128xi32, #tpu.memory_space<vmem>>, %arg13: memref<128x64xf32, #tpu.memory_space<vmem>>, %arg14: memref<128x64xf32, #tpu.memory_space<vmem>>, %arg15: memref<128x64xf32, #tpu.memory_space<vmem>>, %arg16: memref<128x64xf32, #tpu.memory_space<vmem>>, %arg17: memref<128x64xf32, #tpu.memory_space<vmem>>, %arg18: memref<128x64xf32, #tpu.memory_space<vmem>>, %arg19: memref<!tpu.dma_semaphore, #tpu.memory_space<semaphore_mem>>, %arg20: memref<!tpu.dma_semaphore, #tpu.memory_space<semaphore_mem>>, %arg21: memref<!tpu.dma_semaphore, #tpu.memory_space<semaphore_mem>>, %arg22: memref<!tpu.dma_semaphore, #tpu.memory_space<semaphore_mem>>) attributes {dimension_semantics = [#tpu.dimension_semantics<core_parallel>, #tpu.dimension_semantics<subcore_parallel>], iteration_bounds = array<i64: 2, 16>, scalar_prefetch = 0 : i64, scratch_operands = 16 : i64, tpu.core_type = #tpu.core_type<sc_vector_subcore>, window_params = [{transform_indices = #map}, {transform_indices = #map1}, {transform_indices = #map1}, {transform_indices = #map1}, {transform_indices = #map}]} {
    %mul3A = arith.constant 2 : i32
    %mul3A_0 = arith.muli %arg1, %mul3A : i32
    %add3A = arith.addi %mul3A_0, %arg0 : i32
    %lt3A = arith.constant 17 : i32
    %lt3A_1 = arith.cmpi slt, %add3A, %lt3A : i32
    %jit3A = arith.constant 20 : i32
    %jit3A_2 = arith.constant 19 : i32
    %select_n3A = arith.select %lt3A_1, %jit3A, %jit3A_2 : i32
    %mul3A_3 = arith.constant 19 : i32
    %mul3A_4 = arith.muli %mul3A_3, %add3A : i32
    %min3A = arith.constant 17 : i32
    %min3A_5 = arith.minsi %add3A, %min3A : i32
    %add3A_6 = arith.addi %mul3A_4, %min3A_5 : i32
    %add3A_7 = arith.constant 0 : i32
    %add3A_8 = arith.addi %add3A_6, %add3A_7 : i32
    %mul3A_9 = arith.constant 128 : i32
    %mul3A_10 = arith.muli %add3A_8, %mul3A_9 : i32
    "tpu.region"() ({
      %run_scoped3A = tpu.sem_alloc : memref<!tpu.dma_semaphore, #tpu.memory_space<semaphore_mem>>
      %dma_start3A_44 = tpu.memref_slice %arg3[%mul3A_10] : memref<80000xi32, #tpu.memory_space<hbm>> -> memref<128xi32, #tpu.memory_space<hbm>>
      %dma_start3A_45 = tpu.memref_slice %arg3[%mul3A_10] : memref<80000xi32, #tpu.memory_space<hbm>> -> memref<128xi32, #tpu.memory_space<hbm>>
      tpu.enqueue_dma source(%dma_start3A_45 : memref<128xi32, #tpu.memory_space<hbm>>) target(%arg7 : memref<128xi32, #tpu.memory_space<vmem>>) target_semaphore(%run_scoped3A : memref<!tpu.dma_semaphore, #tpu.memory_space<semaphore_mem>>)
      %dma_wait3A_46 = tpu.memref_slice %arg3[%mul3A_10] : memref<80000xi32, #tpu.memory_space<hbm>> -> memref<128xi32, #tpu.memory_space<hbm>>
      %dma_wait3A_47 = tpu.memref_slice %arg3[%mul3A_10] : memref<80000xi32, #tpu.memory_space<hbm>> -> memref<128xi32, #tpu.memory_space<hbm>>
      tpu.wait_dma2 semaphore(%run_scoped3A : memref<!tpu.dma_semaphore, #tpu.memory_space<semaphore_mem>>) src(%dma_wait3A_47 : memref<128xi32, #tpu.memory_space<hbm>>) dst(%arg7 : memref<128xi32, #tpu.memory_space<vmem>>)
      tpu.yield
    }) : () -> ()
    "tpu.region"() ({
      %run_scoped3A = tpu.sem_alloc : memref<!tpu.dma_semaphore, #tpu.memory_space<semaphore_mem>>
      %dma_start3A_44 = tpu.memref_slice %arg4[%mul3A_10] : memref<80000xi32, #tpu.memory_space<hbm>> -> memref<128xi32, #tpu.memory_space<hbm>>
      %dma_start3A_45 = tpu.memref_slice %arg4[%mul3A_10] : memref<80000xi32, #tpu.memory_space<hbm>> -> memref<128xi32, #tpu.memory_space<hbm>>
      tpu.enqueue_dma source(%dma_start3A_45 : memref<128xi32, #tpu.memory_space<hbm>>) target(%arg8 : memref<128xi32, #tpu.memory_space<vmem>>) target_semaphore(%run_scoped3A : memref<!tpu.dma_semaphore, #tpu.memory_space<semaphore_mem>>)
      %dma_wait3A_46 = tpu.memref_slice %arg4[%mul3A_10] : memref<80000xi32, #tpu.memory_space<hbm>> -> memref<128xi32, #tpu.memory_space<hbm>>
      %dma_wait3A_47 = tpu.memref_slice %arg4[%mul3A_10] : memref<80000xi32, #tpu.memory_space<hbm>> -> memref<128xi32, #tpu.memory_space<hbm>>
      tpu.wait_dma2 semaphore(%run_scoped3A : memref<!tpu.dma_semaphore, #tpu.memory_space<semaphore_mem>>) src(%dma_wait3A_47 : memref<128xi32, #tpu.memory_space<hbm>>) dst(%arg8 : memref<128xi32, #tpu.memory_space<vmem>>)
      tpu.yield
    }) : () -> ()
    "tpu.region"() ({
      %run_scoped3A = tpu.sem_alloc : memref<!tpu.dma_semaphore, #tpu.memory_space<semaphore_mem>>
      %dma_start3A_44 = tpu.memref_slice %arg5[%mul3A_10] : memref<80000xi32, #tpu.memory_space<hbm>> -> memref<128xi32, #tpu.memory_space<hbm>>
      %dma_start3A_45 = tpu.memref_slice %arg5[%mul3A_10] : memref<80000xi32, #tpu.memory_space<hbm>> -> memref<128xi32, #tpu.memory_space<hbm>>
      tpu.enqueue_dma source(%dma_start3A_45 : memref<128xi32, #tpu.memory_space<hbm>>) target(%arg9 : memref<128xi32, #tpu.memory_space<vmem>>) target_semaphore(%run_scoped3A : memref<!tpu.dma_semaphore, #tpu.memory_space<semaphore_mem>>)
      %dma_wait3A_46 = tpu.memref_slice %arg5[%mul3A_10] : memref<80000xi32, #tpu.memory_space<hbm>> -> memref<128xi32, #tpu.memory_space<hbm>>
      %dma_wait3A_47 = tpu.memref_slice %arg5[%mul3A_10] : memref<80000xi32, #tpu.memory_space<hbm>> -> memref<128xi32, #tpu.memory_space<hbm>>
      tpu.wait_dma2 semaphore(%run_scoped3A : memref<!tpu.dma_semaphore, #tpu.memory_space<semaphore_mem>>) src(%dma_wait3A_47 : memref<128xi32, #tpu.memory_space<hbm>>) dst(%arg9 : memref<128xi32, #tpu.memory_space<vmem>>)
      tpu.yield
    }) : () -> ()
    %dma_start3A = arith.constant 0 : i32
    %dma_start3A_11 = arith.constant 0 : i32
    %dma_start3A_12 = tpu.memref_slice %arg2[%dma_start3A, %dma_start3A_11] : memref<50000x64xf32, #tpu.memory_space<hbm>> -> memref<50000x64xf32, #tpu.memory_space<hbm>>
    tpu.enqueue_indirect_dma source(%dma_start3A_12 : memref<50000x64xf32, #tpu.memory_space<hbm>>) target(%arg13 : memref<128x64xf32, #tpu.memory_space<vmem>>) offsets(%arg7 : memref<128xi32, #tpu.memory_space<vmem>>) semaphore(%arg19 : memref<!tpu.dma_semaphore, #tpu.memory_space<semaphore_mem>>)
    %dma_start3A_13 = arith.constant 0 : i32
    %dma_start3A_14 = arith.constant 0 : i32
    %dma_start3A_15 = tpu.memref_slice %arg2[%dma_start3A_13, %dma_start3A_14] : memref<50000x64xf32, #tpu.memory_space<hbm>> -> memref<50000x64xf32, #tpu.memory_space<hbm>>
    tpu.enqueue_indirect_dma source(%dma_start3A_15 : memref<50000x64xf32, #tpu.memory_space<hbm>>) target(%arg14 : memref<128x64xf32, #tpu.memory_space<vmem>>) offsets(%arg8 : memref<128xi32, #tpu.memory_space<vmem>>) semaphore(%arg19 : memref<!tpu.dma_semaphore, #tpu.memory_space<semaphore_mem>>)
    %dma_start3A_16 = arith.constant 0 : i32
    %dma_start3A_17 = arith.constant 0 : i32
    %dma_start3A_18 = tpu.memref_slice %arg2[%dma_start3A_16, %dma_start3A_17] : memref<50000x64xf32, #tpu.memory_space<hbm>> -> memref<50000x64xf32, #tpu.memory_space<hbm>>
    tpu.enqueue_indirect_dma source(%dma_start3A_18 : memref<50000x64xf32, #tpu.memory_space<hbm>>) target(%arg15 : memref<128x64xf32, #tpu.memory_space<vmem>>) offsets(%arg9 : memref<128xi32, #tpu.memory_space<vmem>>) semaphore(%arg19 : memref<!tpu.dma_semaphore, #tpu.memory_space<semaphore_mem>>)
    %scan3A = arith.constant 0 : i32
    %scan3A_19 = arith.constant 0 : i32
    %scan3A_20 = arith.constant 10 : i32
    %scan3A_21 = arith.addi %scan3A_19, %scan3A_20 : i32
    %scan3A_22 = arith.constant 1 : i32
    %scan3A_23 = scf.for %scan3A_44 = %scan3A_19 to %scan3A_21 step %scan3A_22 iter_args(%scan3A_45 = %scan3A) -> (i32)  : i32 {
      %mul3A_46 = arith.constant 2 : i32
      %mul3A_47 = arith.muli %scan3A_44, %mul3A_46 : i32
      %add3A_48 = arith.constant 1 : i32
      %add3A_49 = arith.addi %mul3A_47, %add3A_48 : i32
      %lt3A_50 = arith.cmpi slt, %add3A_49, %select_n3A : i32
      %convert_element_type3A = arith.extui %lt3A_50 : i1 to i32
      %cond3A = arith.constant 0 : i32
      %cond3A_51 = arith.cmpi ne, %convert_element_type3A, %cond3A : i32
      scf.if %cond3A_51 {
        %ge3A = arith.constant 1 : i32
        %ge3A_91 = arith.cmpi sge, %mul3A_47, %ge3A : i32
        %convert_element_type3A_92 = arith.extui %ge3A_91 : i1 to i32
        %cond3A_93 = arith.constant 0 : i32
        %cond3A_94 = arith.cmpi ne, %convert_element_type3A_92, %cond3A_93 : i32
        scf.if %cond3A_94 {
          %mul3A_100 = arith.constant 128 : i32
          %mul3A_101 = arith.muli %add3A_6, %mul3A_100 : i32
          %dma_wait3A_102 = arith.constant 0 : i32
          %dma_wait3A_103 = tpu.memref_slice %arg6[%mul3A_101, %dma_wait3A_102] : memref<80000x128xf32, #tpu.memory_space<hbm>> -> memref<128x64xf32, #tpu.memory_space<hbm>>
          %dma_wait3A_104 = arith.constant 0 : i32
          %dma_wait3A_105 = tpu.memref_slice %arg6[%mul3A_101, %dma_wait3A_104] : memref<80000x128xf32, #tpu.memory_space<hbm>> -> memref<128x64xf32, #tpu.memory_space<hbm>>
          tpu.wait_dma2 semaphore(%arg22 : memref<!tpu.dma_semaphore, #tpu.memory_space<semaphore_mem>>) src(%arg16 : memref<128x64xf32, #tpu.memory_space<vmem>>) dst(%dma_wait3A_105 : memref<128x64xf32, #tpu.memory_space<hbm>>)
          %dma_wait3A_106 = arith.constant 64 : i32
          %dma_wait3A_107 = tpu.memref_slice %arg6[%mul3A_101, %dma_wait3A_106] : memref<80000x128xf32, #tpu.memory_space<hbm>> -> memref<128x64xf32, #tpu.memory_space<hbm>>
          %dma_wait3A_108 = arith.constant 64 : i32
          %dma_wait3A_109 = tpu.memref_slice %arg6[%mul3A_101, %dma_wait3A_108] : memref<80000x128xf32, #tpu.memory_space<hbm>> -> memref<128x64xf32, #tpu.memory_space<hbm>>
          tpu.wait_dma2 semaphore(%arg22 : memref<!tpu.dma_semaphore, #tpu.memory_space<semaphore_mem>>) src(%arg18 : memref<128x64xf32, #tpu.memory_space<vmem>>) dst(%dma_wait3A_109 : memref<128x64xf32, #tpu.memory_space<hbm>>)
        } else {
        }
        %add3A_95 = arith.constant 1 : i32
        %add3A_96 = arith.addi %mul3A_47, %add3A_95 : i32
        %add3A_97 = arith.addi %add3A_6, %add3A_96 : i32
        %mul3A_98 = arith.constant 128 : i32
        %mul3A_99 = arith.muli %add3A_97, %mul3A_98 : i32
        "tpu.region"() ({
          %run_scoped3A = tpu.sem_alloc : memref<!tpu.dma_semaphore, #tpu.memory_space<semaphore_mem>>
          %dma_start3A_100 = tpu.memref_slice %arg3[%mul3A_99] : memref<80000xi32, #tpu.memory_space<hbm>> -> memref<128xi32, #tpu.memory_space<hbm>>
          %dma_start3A_101 = tpu.memref_slice %arg3[%mul3A_99] : memref<80000xi32, #tpu.memory_space<hbm>> -> memref<128xi32, #tpu.memory_space<hbm>>
          tpu.enqueue_dma source(%dma_start3A_101 : memref<128xi32, #tpu.memory_space<hbm>>) target(%arg10 : memref<128xi32, #tpu.memory_space<vmem>>) target_semaphore(%run_scoped3A : memref<!tpu.dma_semaphore, #tpu.memory_space<semaphore_mem>>)
          %dma_wait3A_102 = tpu.memref_slice %arg3[%mul3A_99] : memref<80000xi32, #tpu.memory_space<hbm>> -> memref<128xi32, #tpu.memory_space<hbm>>
          %dma_wait3A_103 = tpu.memref_slice %arg3[%mul3A_99] : memref<80000xi32, #tpu.memory_space<hbm>> -> memref<128xi32, #tpu.memory_space<hbm>>
          tpu.wait_dma2 semaphore(%run_scoped3A : memref<!tpu.dma_semaphore, #tpu.memory_space<semaphore_mem>>) src(%dma_wait3A_103 : memref<128xi32, #tpu.memory_space<hbm>>) dst(%arg10 : memref<128xi32, #tpu.memory_space<vmem>>)
          tpu.yield
        }) : () -> ()
        "tpu.region"() ({
          %run_scoped3A = tpu.sem_alloc : memref<!tpu.dma_semaphore, #tpu.memory_space<semaphore_mem>>
          %dma_start3A_100 = tpu.memref_slice %arg4[%mul3A_99] : memref<80000xi32, #tpu.memory_space<hbm>> -> memref<128xi32, #tpu.memory_space<hbm>>
          %dma_start3A_101 = tpu.memref_slice %arg4[%mul3A_99] : memref<80000xi32, #tpu.memory_space<hbm>> -> memref<128xi32, #tpu.memory_space<hbm>>
          tpu.enqueue_dma source(%dma_start3A_101 : memref<128xi32, #tpu.memory_space<hbm>>) target(%arg11 : memref<128xi32, #tpu.memory_space<vmem>>) target_semaphore(%run_scoped3A : memref<!tpu.dma_semaphore, #tpu.memory_space<semaphore_mem>>)
          %dma_wait3A_102 = tpu.memref_slice %arg4[%mul3A_99] : memref<80000xi32, #tpu.memory_space<hbm>> -> memref<128xi32, #tpu.memory_space<hbm>>
          %dma_wait3A_103 = tpu.memref_slice %arg4[%mul3A_99] : memref<80000xi32, #tpu.memory_space<hbm>> -> memref<128xi32, #tpu.memory_space<hbm>>
          tpu.wait_dma2 semaphore(%run_scoped3A : memref<!tpu.dma_semaphore, #tpu.memory_space<semaphore_mem>>) src(%dma_wait3A_103 : memref<128xi32, #tpu.memory_space<hbm>>) dst(%arg11 : memref<128xi32, #tpu.memory_space<vmem>>)
          tpu.yield
        }) : () -> ()
        "tpu.region"() ({
          %run_scoped3A = tpu.sem_alloc : memref<!tpu.dma_semaphore, #tpu.memory_space<semaphore_mem>>
          %dma_start3A_100 = tpu.memref_slice %arg5[%mul3A_99] : memref<80000xi32, #tpu.memory_space<hbm>> -> memref<128xi32, #tpu.memory_space<hbm>>
          %dma_start3A_101 = tpu.memref_slice %arg5[%mul3A_99] : memref<80000xi32, #tpu.memory_space<hbm>> -> memref<128xi32, #tpu.memory_space<hbm>>
          tpu.enqueue_dma source(%dma_start3A_101 : memref<128xi32, #tpu.memory_space<hbm>>) target(%arg12 : memref<128xi32, #tpu.memory_space<vmem>>) target_semaphore(%run_scoped3A : memref<!tpu.dma_semaphore, #tpu.memory_space<semaphore_mem>>)
          %dma_wait3A_102 = tpu.memref_slice %arg5[%mul3A_99] : memref<80000xi32, #tpu.memory_space<hbm>> -> memref<128xi32, #tpu.memory_space<hbm>>
          %dma_wait3A_103 = tpu.memref_slice %arg5[%mul3A_99] : memref<80000xi32, #tpu.memory_space<hbm>> -> memref<128xi32, #tpu.memory_space<hbm>>
          tpu.wait_dma2 semaphore(%run_scoped3A : memref<!tpu.dma_semaphore, #tpu.memory_space<semaphore_mem>>) src(%dma_wait3A_103 : memref<128xi32, #tpu.memory_space<hbm>>) dst(%arg12 : memref<128xi32, #tpu.memory_space<vmem>>)
          tpu.yield
        }) : () -> ()
      } else {
      }
      %dma_wait3A_52 = arith.constant 0 : i32
      %dma_wait3A_53 = arith.constant 0 : i32
      %dma_wait3A_54 = tpu.memref_slice %arg2[%dma_wait3A_52, %dma_wait3A_53] : memref<50000x64xf32, #tpu.memory_space<hbm>> -> memref<50000x64xf32, #tpu.memory_space<hbm>>
      tpu.wait_indirect_dma semaphore(%arg19 : memref<!tpu.dma_semaphore, #tpu.memory_space<semaphore_mem>>) src(%dma_wait3A_54 : memref<50000x64xf32, #tpu.memory_space<hbm>>) dst(%arg13 : memref<128x64xf32, #tpu.memory_space<vmem>>)
      %dma_wait3A_55 = arith.constant 0 : i32
      %dma_wait3A_56 = arith.constant 0 : i32
      %dma_wait3A_57 = tpu.memref_slice %arg2[%dma_wait3A_55, %dma_wait3A_56] : memref<50000x64xf32, #tpu.memory_space<hbm>> -> memref<50000x64xf32, #tpu.memory_space<hbm>>
      tpu.wait_indirect_dma semaphore(%arg19 : memref<!tpu.dma_semaphore, #tpu.memory_space<semaphore_mem>>) src(%dma_wait3A_57 : memref<50000x64xf32, #tpu.memory_space<hbm>>) dst(%arg14 : memref<128x64xf32, #tpu.memory_space<vmem>>)
      %dma_wait3A_58 = arith.constant 0 : i32
      %dma_wait3A_59 = arith.constant 0 : i32
      %dma_wait3A_60 = tpu.memref_slice %arg2[%dma_wait3A_58, %dma_wait3A_59] : memref<50000x64xf32, #tpu.memory_space<hbm>> -> memref<50000x64xf32, #tpu.memory_space<hbm>>
      tpu.wait_indirect_dma semaphore(%arg19 : memref<!tpu.dma_semaphore, #tpu.memory_space<semaphore_mem>>) src(%dma_wait3A_60 : memref<50000x64xf32, #tpu.memory_space<hbm>>) dst(%arg15 : memref<128x64xf32, #tpu.memory_space<vmem>>)
      %add3A_61 = arith.constant 1 : i32
      %add3A_62 = arith.addi %mul3A_47, %add3A_61 : i32
      %lt3A_63 = arith.cmpi slt, %add3A_62, %select_n3A : i32
      %convert_element_type3A_64 = arith.extui %lt3A_63 : i1 to i32
      %cond3A_65 = arith.constant 0 : i32
      %cond3A_66 = arith.cmpi ne, %convert_element_type3A_64, %cond3A_65 : i32
      scf.if %cond3A_66 {
        %dma_start3A_91 = arith.constant 0 : i32
        %dma_start3A_92 = arith.constant 0 : i32
        %dma_start3A_93 = tpu.memref_slice %arg2[%dma_start3A_91, %dma_start3A_92] : memref<50000x64xf32, #tpu.memory_space<hbm>> -> memref<50000x64xf32, #tpu.memory_space<hbm>>
        tpu.enqueue_indirect_dma source(%dma_start3A_93 : memref<50000x64xf32, #tpu.memory_space<hbm>>) target(%arg16 : memref<128x64xf32, #tpu.memory_space<vmem>>) offsets(%arg10 : memref<128xi32, #tpu.memory_space<vmem>>) semaphore(%arg20 : memref<!tpu.dma_semaphore, #tpu.memory_space<semaphore_mem>>)
        %dma_start3A_94 = arith.constant 0 : i32
        %dma_start3A_95 = arith.constant 0 : i32
        %dma_start3A_96 = tpu.memref_slice %arg2[%dma_start3A_94, %dma_start3A_95] : memref<50000x64xf32, #tpu.memory_space<hbm>> -> memref<50000x64xf32, #tpu.memory_space<hbm>>
        tpu.enqueue_indirect_dma source(%dma_start3A_96 : memref<50000x64xf32, #tpu.memory_space<hbm>>) target(%arg17 : memref<128x64xf32, #tpu.memory_space<vmem>>) offsets(%arg11 : memref<128xi32, #tpu.memory_space<vmem>>) semaphore(%arg20 : memref<!tpu.dma_semaphore, #tpu.memory_space<semaphore_mem>>)
        %dma_start3A_97 = arith.constant 0 : i32
        %dma_start3A_98 = arith.constant 0 : i32
        %dma_start3A_99 = tpu.memref_slice %arg2[%dma_start3A_97, %dma_start3A_98] : memref<50000x64xf32, #tpu.memory_space<hbm>> -> memref<50000x64xf32, #tpu.memory_space<hbm>>
        tpu.enqueue_indirect_dma source(%dma_start3A_99 : memref<50000x64xf32, #tpu.memory_space<hbm>>) target(%arg18 : memref<128x64xf32, #tpu.memory_space<vmem>>) offsets(%arg12 : memref<128xi32, #tpu.memory_space<vmem>>) semaphore(%arg20 : memref<!tpu.dma_semaphore, #tpu.memory_space<semaphore_mem>>)
      } else {
      }
      %scan3A_67 = arith.constant 0 : i32
      %scan3A_68 = arith.constant 0 : i32
      %scan3A_69 = arith.constant 128 : i32
      %scan3A_70 = arith.addi %scan3A_68, %scan3A_69 : i32
      %scan3A_71 = arith.constant 1 : i32
      scf.for %scan3A_91 = %scan3A_68 to %scan3A_70 step %scan3A_71  : i32 {
        %get3A = arith.index_cast %scan3A_91 : i32 to index
        %get3A_92 = arith.constant 0 : index
        %get3A_93 = tpu.vector_load %arg13[%get3A, %get3A_92] {strides = array<i32>} : memref<128x64xf32, #tpu.memory_space<vmem>>, vector<1x16xf32>,
        %get3A_94 = vector.shape_cast %get3A_93 : vector<1x16xf32> to vector<16xf32>
        %get3A_95 = arith.index_cast %scan3A_91 : i32 to index
        %get3A_96 = arith.constant 0 : index
        %get3A_97 = tpu.vector_load %arg14[%get3A_95, %get3A_96] {strides = array<i32>} : memref<128x64xf32, #tpu.memory_space<vmem>>, vector<1x16xf32>,
        %get3A_98 = vector.shape_cast %get3A_97 : vector<1x16xf32> to vector<16xf32>
        %add3A_99 = arith.addf %get3A_94, %get3A_98 : vector<16xf32>
        %swap3A = arith.index_cast %scan3A_91 : i32 to index
        %swap3A_100 = arith.constant 0 : index
        %swap3A_101 = tpu.vector_load %arg13[%swap3A, %swap3A_100] {strides = array<i32>} : memref<128x64xf32, #tpu.memory_space<vmem>>, vector<1x16xf32>,
        %swap3A_102 = vector.shape_cast %swap3A_101 : vector<1x16xf32> to vector<16xf32>
        %swap3A_103 = vector.shape_cast %add3A_99 : vector<16xf32> to vector<1x16xf32>
        tpu.vector_store %arg13[%swap3A, %swap3A_100], %swap3A_103 {strides = array<i32>} : memref<128x64xf32, #tpu.memory_space<vmem>>, vector<1x16xf32>,
        %get3A_104 = arith.index_cast %scan3A_91 : i32 to index
        %get3A_105 = arith.constant 16 : index
        %get3A_106 = tpu.vector_load %arg13[%get3A_104, %get3A_105] {strides = array<i32>} : memref<128x64xf32, #tpu.memory_space<vmem>>, vector<1x16xf32>,
        %get3A_107 = vector.shape_cast %get3A_106 : vector<1x16xf32> to vector<16xf32>
        %get3A_108 = arith.index_cast %scan3A_91 : i32 to index
        %get3A_109 = arith.constant 16 : index
        %get3A_110 = tpu.vector_load %arg14[%get3A_108, %get3A_109] {strides = array<i32>} : memref<128x64xf32, #tpu.memory_space<vmem>>, vector<1x16xf32>,
        %get3A_111 = vector.shape_cast %get3A_110 : vector<1x16xf32> to vector<16xf32>
        %add3A_112 = arith.addf %get3A_107, %get3A_111 : vector<16xf32>
        %swap3A_113 = arith.index_cast %scan3A_91 : i32 to index
        %swap3A_114 = arith.constant 16 : index
        %swap3A_115 = tpu.vector_load %arg13[%swap3A_113, %swap3A_114] {strides = array<i32>} : memref<128x64xf32, #tpu.memory_space<vmem>>, vector<1x16xf32>,
        %swap3A_116 = vector.shape_cast %swap3A_115 : vector<1x16xf32> to vector<16xf32>
        %swap3A_117 = vector.shape_cast %add3A_112 : vector<16xf32> to vector<1x16xf32>
        tpu.vector_store %arg13[%swap3A_113, %swap3A_114], %swap3A_117 {strides = array<i32>} : memref<128x64xf32, #tpu.memory_space<vmem>>, vector<1x16xf32>,
        %get3A_118 = arith.index_cast %scan3A_91 : i32 to index
        %get3A_119 = arith.constant 32 : index
        %get3A_120 = tpu.vector_load %arg13[%get3A_118, %get3A_119] {strides = array<i32>} : memref<128x64xf32, #tpu.memory_space<vmem>>, vector<1x16xf32>,
        %get3A_121 = vector.shape_cast %get3A_120 : vector<1x16xf32> to vector<16xf32>
        %get3A_122 = arith.index_cast %scan3A_91 : i32 to index
        %get3A_123 = arith.constant 32 : index
        %get3A_124 = tpu.vector_load %arg14[%get3A_122, %get3A_123] {strides = array<i32>} : memref<128x64xf32, #tpu.memory_space<vmem>>, vector<1x16xf32>,
        %get3A_125 = vector.shape_cast %get3A_124 : vector<1x16xf32> to vector<16xf32>
        %add3A_126 = arith.addf %get3A_121, %get3A_125 : vector<16xf32>
        %swap3A_127 = arith.index_cast %scan3A_91 : i32 to index
        %swap3A_128 = arith.constant 32 : index
        %swap3A_129 = tpu.vector_load %arg13[%swap3A_127, %swap3A_128] {strides = array<i32>} : memref<128x64xf32, #tpu.memory_space<vmem>>, vector<1x16xf32>,
        %swap3A_130 = vector.shape_cast %swap3A_129 : vector<1x16xf32> to vector<16xf32>
        %swap3A_131 = vector.shape_cast %add3A_126 : vector<16xf32> to vector<1x16xf32>
        tpu.vector_store %arg13[%swap3A_127, %swap3A_128], %swap3A_131 {strides = array<i32>} : memref<128x64xf32, #tpu.memory_space<vmem>>, vector<1x16xf32>,
        %get3A_132 = arith.index_cast %scan3A_91 : i32 to index
        %get3A_133 = arith.constant 48 : index
        %get3A_134 = tpu.vector_load %arg13[%get3A_132, %get3A_133] {strides = array<i32>} : memref<128x64xf32, #tpu.memory_space<vmem>>, vector<1x16xf32>,
        %get3A_135 = vector.shape_cast %get3A_134 : vector<1x16xf32> to vector<16xf32>
        %get3A_136 = arith.index_cast %scan3A_91 : i32 to index
        %get3A_137 = arith.constant 48 : index
        %get3A_138 = tpu.vector_load %arg14[%get3A_136, %get3A_137] {strides = array<i32>} : memref<128x64xf32, #tpu.memory_space<vmem>>, vector<1x16xf32>,
        %get3A_139 = vector.shape_cast %get3A_138 : vector<1x16xf32> to vector<16xf32>
        %add3A_140 = arith.addf %get3A_135, %get3A_139 : vector<16xf32>
        %swap3A_141 = arith.index_cast %scan3A_91 : i32 to index
        %swap3A_142 = arith.constant 48 : index
        %swap3A_143 = tpu.vector_load %arg13[%swap3A_141, %swap3A_142] {strides = array<i32>} : memref<128x64xf32, #tpu.memory_space<vmem>>, vector<1x16xf32>,
        %swap3A_144 = vector.shape_cast %swap3A_143 : vector<1x16xf32> to vector<16xf32>
        %swap3A_145 = vector.shape_cast %add3A_140 : vector<16xf32> to vector<1x16xf32>
        tpu.vector_store %arg13[%swap3A_141, %swap3A_142], %swap3A_145 {strides = array<i32>} : memref<128x64xf32, #tpu.memory_space<vmem>>, vector<1x16xf32>,
      }
      %scan3A_72 = arith.constant 128 : i32
      %add3A_73 = arith.addi %add3A_6, %mul3A_47 : i32
      %mul3A_74 = arith.constant 128 : i32
      %mul3A_75 = arith.muli %add3A_73, %mul3A_74 : i32
      %dma_start3A_76 = arith.constant 0 : i32
      %dma_start3A_77 = tpu.memref_slice %arg6[%mul3A_75, %dma_start3A_76] : memref<80000x128xf32, #tpu.memory_space<hbm>> -> memref<128x64xf32, #tpu.memory_space<hbm>>
      %dma_start3A_78 = arith.constant 0 : i32
      %dma_start3A_79 = tpu.memref_slice %arg6[%mul3A_75, %dma_start3A_78] : memref<80000x128xf32, #tpu.memory_space<hbm>> -> memref<128x64xf32, #tpu.memory_space<hbm>>
      tpu.enqueue_dma source(%arg13 : memref<128x64xf32, #tpu.memory_space<vmem>>) target(%dma_start3A_79 : memref<128x64xf32, #tpu.memory_space<hbm>>) target_semaphore(%arg21 : memref<!tpu.dma_semaphore, #tpu.memory_space<semaphore_mem>>)
      %dma_start3A_80 = arith.constant 64 : i32
      %dma_start3A_81 = tpu.memref_slice %arg6[%mul3A_75, %dma_start3A_80] : memref<80000x128xf32, #tpu.memory_space<hbm>> -> memref<128x64xf32, #tpu.memory_space<hbm>>
      %dma_start3A_82 = arith.constant 64 : i32
      %dma_start3A_83 = tpu.memref_slice %arg6[%mul3A_75, %dma_start3A_82] : memref<80000x128xf32, #tpu.memory_space<hbm>> -> memref<128x64xf32, #tpu.memory_space<hbm>>
      tpu.enqueue_dma source(%arg15 : memref<128x64xf32, #tpu.memory_space<vmem>>) target(%dma_start3A_83 : memref<128x64xf32, #tpu.memory_space<hbm>>) target_semaphore(%arg21 : memref<!tpu.dma_semaphore, #tpu.memory_space<semaphore_mem>>)
      %add3A_84 = arith.constant 1 : i32
      %add3A_85 = arith.addi %mul3A_47, %add3A_84 : i32
      %lt3A_86 = arith.cmpi slt, %add3A_85, %select_n3A : i32
      %convert_element_type3A_87 = arith.extui %lt3A_86 : i1 to i32
      %cond3A_88 = arith.constant 0 : i32
      %cond3A_89 = arith.cmpi ne, %convert_element_type3A_87, %cond3A_88 : i32
      scf.if %cond3A_89 {
        %add3A_91 = arith.constant 2 : i32
        %add3A_92 = arith.addi %mul3A_47, %add3A_91 : i32
        %lt3A_93 = arith.cmpi slt, %add3A_92, %select_n3A : i32
        %convert_element_type3A_94 = arith.extui %lt3A_93 : i1 to i32
        %cond3A_95 = arith.constant 0 : i32
        %cond3A_96 = arith.cmpi ne, %convert_element_type3A_94, %cond3A_95 : i32
        scf.if %cond3A_96 {
          %mul3A_131 = arith.constant 128 : i32
          %mul3A_132 = arith.muli %add3A_6, %mul3A_131 : i32
          %dma_wait3A_133 = arith.constant 0 : i32
          %dma_wait3A_134 = tpu.memref_slice %arg6[%mul3A_132, %dma_wait3A_133] : memref<80000x128xf32, #tpu.memory_space<hbm>> -> memref<128x64xf32, #tpu.memory_space<hbm>>
          %dma_wait3A_135 = arith.constant 0 : i32
          %dma_wait3A_136 = tpu.memref_slice %arg6[%mul3A_132, %dma_wait3A_135] : memref<80000x128xf32, #tpu.memory_space<hbm>> -> memref<128x64xf32, #tpu.memory_space<hbm>>
          tpu.wait_dma2 semaphore(%arg21 : memref<!tpu.dma_semaphore, #tpu.memory_space<semaphore_mem>>) src(%arg13 : memref<128x64xf32, #tpu.memory_space<vmem>>) dst(%dma_wait3A_136 : memref<128x64xf32, #tpu.memory_space<hbm>>)
          %dma_wait3A_137 = arith.constant 64 : i32
          %dma_wait3A_138 = tpu.memref_slice %arg6[%mul3A_132, %dma_wait3A_137] : memref<80000x128xf32, #tpu.memory_space<hbm>> -> memref<128x64xf32, #tpu.memory_space<hbm>>
          %dma_wait3A_139 = arith.constant 64 : i32
          %dma_wait3A_140 = tpu.memref_slice %arg6[%mul3A_132, %dma_wait3A_139] : memref<80000x128xf32, #tpu.memory_space<hbm>> -> memref<128x64xf32, #tpu.memory_space<hbm>>
          tpu.wait_dma2 semaphore(%arg21 : memref<!tpu.dma_semaphore, #tpu.memory_space<semaphore_mem>>) src(%arg15 : memref<128x64xf32, #tpu.memory_space<vmem>>) dst(%dma_wait3A_140 : memref<128x64xf32, #tpu.memory_space<hbm>>)
          %add3A_141 = arith.constant 2 : i32
          %add3A_142 = arith.addi %mul3A_47, %add3A_141 : i32
          %add3A_143 = arith.addi %add3A_6, %add3A_142 : i32
          %mul3A_144 = arith.constant 128 : i32
          %mul3A_145 = arith.muli %add3A_143, %mul3A_144 : i32
          "tpu.region"() ({
            %run_scoped3A = tpu.sem_alloc : memref<!tpu.dma_semaphore, #tpu.memory_space<semaphore_mem>>
            %dma_start3A_146 = tpu.memref_slice %arg3[%mul3A_145] : memref<80000xi32, #tpu.memory_space<hbm>> -> memref<128xi32, #tpu.memory_space<hbm>>
            %dma_start3A_147 = tpu.memref_slice %arg3[%mul3A_145] : memref<80000xi32, #tpu.memory_space<hbm>> -> memref<128xi32, #tpu.memory_space<hbm>>
            tpu.enqueue_dma source(%dma_start3A_147 : memref<128xi32, #tpu.memory_space<hbm>>) target(%arg7 : memref<128xi32, #tpu.memory_space<vmem>>) target_semaphore(%run_scoped3A : memref<!tpu.dma_semaphore, #tpu.memory_space<semaphore_mem>>)
            %dma_wait3A_148 = tpu.memref_slice %arg3[%mul3A_145] : memref<80000xi32, #tpu.memory_space<hbm>> -> memref<128xi32, #tpu.memory_space<hbm>>
            %dma_wait3A_149 = tpu.memref_slice %arg3[%mul3A_145] : memref<80000xi32, #tpu.memory_space<hbm>> -> memref<128xi32, #tpu.memory_space<hbm>>
            tpu.wait_dma2 semaphore(%run_scoped3A : memref<!tpu.dma_semaphore, #tpu.memory_space<semaphore_mem>>) src(%dma_wait3A_149 : memref<128xi32, #tpu.memory_space<hbm>>) dst(%arg7 : memref<128xi32, #tpu.memory_space<vmem>>)
            tpu.yield
          }) : () -> ()
          "tpu.region"() ({
            %run_scoped3A = tpu.sem_alloc : memref<!tpu.dma_semaphore, #tpu.memory_space<semaphore_mem>>
            %dma_start3A_146 = tpu.memref_slice %arg4[%mul3A_145] : memref<80000xi32, #tpu.memory_space<hbm>> -> memref<128xi32, #tpu.memory_space<hbm>>
            %dma_start3A_147 = tpu.memref_slice %arg4[%mul3A_145] : memref<80000xi32, #tpu.memory_space<hbm>> -> memref<128xi32, #tpu.memory_space<hbm>>
            tpu.enqueue_dma source(%dma_start3A_147 : memref<128xi32, #tpu.memory_space<hbm>>) target(%arg8 : memref<128xi32, #tpu.memory_space<vmem>>) target_semaphore(%run_scoped3A : memref<!tpu.dma_semaphore, #tpu.memory_space<semaphore_mem>>)
            %dma_wait3A_148 = tpu.memref_slice %arg4[%mul3A_145] : memref<80000xi32, #tpu.memory_space<hbm>> -> memref<128xi32, #tpu.memory_space<hbm>>
            %dma_wait3A_149 = tpu.memref_slice %arg4[%mul3A_145] : memref<80000xi32, #tpu.memory_space<hbm>> -> memref<128xi32, #tpu.memory_space<hbm>>
            tpu.wait_dma2 semaphore(%run_scoped3A : memref<!tpu.dma_semaphore, #tpu.memory_space<semaphore_mem>>) src(%dma_wait3A_149 : memref<128xi32, #tpu.memory_space<hbm>>) dst(%arg8 : memref<128xi32, #tpu.memory_space<vmem>>)
            tpu.yield
          }) : () -> ()
          "tpu.region"() ({
            %run_scoped3A = tpu.sem_alloc : memref<!tpu.dma_semaphore, #tpu.memory_space<semaphore_mem>>
            %dma_start3A_146 = tpu.memref_slice %arg5[%mul3A_145] : memref<80000xi32, #tpu.memory_space<hbm>> -> memref<128xi32, #tpu.memory_space<hbm>>
            %dma_start3A_147 = tpu.memref_slice %arg5[%mul3A_145] : memref<80000xi32, #tpu.memory_space<hbm>> -> memref<128xi32, #tpu.memory_space<hbm>>
            tpu.enqueue_dma source(%dma_start3A_147 : memref<128xi32, #tpu.memory_space<hbm>>) target(%arg9 : memref<128xi32, #tpu.memory_space<vmem>>) target_semaphore(%run_scoped3A : memref<!tpu.dma_semaphore, #tpu.memory_space<semaphore_mem>>)
            %dma_wait3A_148 = tpu.memref_slice %arg5[%mul3A_145] : memref<80000xi32, #tpu.memory_space<hbm>> -> memref<128xi32, #tpu.memory_space<hbm>>
            %dma_wait3A_149 = tpu.memref_slice %arg5[%mul3A_145] : memref<80000xi32, #tpu.memory_space<hbm>> -> memref<128xi32, #tpu.memory_space<hbm>>
            tpu.wait_dma2 semaphore(%run_scoped3A : memref<!tpu.dma_semaphore, #tpu.memory_space<semaphore_mem>>) src(%dma_wait3A_149 : memref<128xi32, #tpu.memory_space<hbm>>) dst(%arg9 : memref<128xi32, #tpu.memory_space<vmem>>)
            tpu.yield
          }) : () -> ()
        } else {
        }
        %dma_wait3A_97 = arith.constant 0 : i32
        %dma_wait3A_98 = arith.constant 0 : i32
        %dma_wait3A_99 = tpu.memref_slice %arg2[%dma_wait3A_97, %dma_wait3A_98] : memref<50000x64xf32, #tpu.memory_space<hbm>> -> memref<50000x64xf32, #tpu.memory_space<hbm>>
        tpu.wait_indirect_dma semaphore(%arg20 : memref<!tpu.dma_semaphore, #tpu.memory_space<semaphore_mem>>) src(%dma_wait3A_99 : memref<50000x64xf32, #tpu.memory_space<hbm>>) dst(%arg16 : memref<128x64xf32, #tpu.memory_space<vmem>>)
        %dma_wait3A_100 = arith.constant 0 : i32
        %dma_wait3A_101 = arith.constant 0 : i32
        %dma_wait3A_102 = tpu.memref_slice %arg2[%dma_wait3A_100, %dma_wait3A_101] : memref<50000x64xf32, #tpu.memory_space<hbm>> -> memref<50000x64xf32, #tpu.memory_space<hbm>>
        tpu.wait_indirect_dma semaphore(%arg20 : memref<!tpu.dma_semaphore, #tpu.memory_space<semaphore_mem>>) src(%dma_wait3A_102 : memref<50000x64xf32, #tpu.memory_space<hbm>>) dst(%arg17 : memref<128x64xf32, #tpu.memory_space<vmem>>)
        %dma_wait3A_103 = arith.constant 0 : i32
        %dma_wait3A_104 = arith.constant 0 : i32
        %dma_wait3A_105 = tpu.memref_slice %arg2[%dma_wait3A_103, %dma_wait3A_104] : memref<50000x64xf32, #tpu.memory_space<hbm>> -> memref<50000x64xf32, #tpu.memory_space<hbm>>
        tpu.wait_indirect_dma semaphore(%arg20 : memref<!tpu.dma_semaphore, #tpu.memory_space<semaphore_mem>>) src(%dma_wait3A_105 : memref<50000x64xf32, #tpu.memory_space<hbm>>) dst(%arg18 : memref<128x64xf32, #tpu.memory_space<vmem>>)
        %add3A_106 = arith.constant 2 : i32
        %add3A_107 = arith.addi %mul3A_47, %add3A_106 : i32
        %lt3A_108 = arith.cmpi slt, %add3A_107, %select_n3A : i32
        %convert_element_type3A_109 = arith.extui %lt3A_108 : i1 to i32
        %cond3A_110 = arith.constant 0 : i32
        %cond3A_111 = arith.cmpi ne, %convert_element_type3A_109, %cond3A_110 : i32
        scf.if %cond3A_111 {
          %dma_start3A_131 = arith.constant 0 : i32
          %dma_start3A_132 = arith.constant 0 : i32
          %dma_start3A_133 = tpu.memref_slice %arg2[%dma_start3A_131, %dma_start3A_132] : memref<50000x64xf32, #tpu.memory_space<hbm>> -> memref<50000x64xf32, #tpu.memory_space<hbm>>
          tpu.enqueue_indirect_dma source(%dma_start3A_133 : memref<50000x64xf32, #tpu.memory_space<hbm>>) target(%arg13 : memref<128x64xf32, #tpu.memory_space<vmem>>) offsets(%arg7 : memref<128xi32, #tpu.memory_space<vmem>>) semaphore(%arg19 : memref<!tpu.dma_semaphore, #tpu.memory_space<semaphore_mem>>)
          %dma_start3A_134 = arith.constant 0 : i32
          %dma_start3A_135 = arith.constant 0 : i32
          %dma_start3A_136 = tpu.memref_slice %arg2[%dma_start3A_134, %dma_start3A_135] : memref<50000x64xf32, #tpu.memory_space<hbm>> -> memref<50000x64xf32, #tpu.memory_space<hbm>>
          tpu.enqueue_indirect_dma source(%dma_start3A_136 : memref<50000x64xf32, #tpu.memory_space<hbm>>) target(%arg14 : memref<128x64xf32, #tpu.memory_space<vmem>>) offsets(%arg8 : memref<128xi32, #tpu.memory_space<vmem>>) semaphore(%arg19 : memref<!tpu.dma_semaphore, #tpu.memory_space<semaphore_mem>>)
          %dma_start3A_137 = arith.constant 0 : i32
          %dma_start3A_138 = arith.constant 0 : i32
          %dma_start3A_139 = tpu.memref_slice %arg2[%dma_start3A_137, %dma_start3A_138] : memref<50000x64xf32, #tpu.memory_space<hbm>> -> memref<50000x64xf32, #tpu.memory_space<hbm>>
          tpu.enqueue_indirect_dma source(%dma_start3A_139 : memref<50000x64xf32, #tpu.memory_space<hbm>>) target(%arg15 : memref<128x64xf32, #tpu.memory_space<vmem>>) offsets(%arg9 : memref<128xi32, #tpu.memory_space<vmem>>) semaphore(%arg19 : memref<!tpu.dma_semaphore, #tpu.memory_space<semaphore_mem>>)
        } else {
        }
        %scan3A_112 = arith.constant 0 : i32
        %scan3A_113 = arith.constant 0 : i32
        %scan3A_114 = arith.constant 128 : i32
        %scan3A_115 = arith.addi %scan3A_113, %scan3A_114 : i32
        %scan3A_116 = arith.constant 1 : i32
        scf.for %scan3A_131 = %scan3A_113 to %scan3A_115 step %scan3A_116  : i32 {
          %get3A = arith.index_cast %scan3A_131 : i32 to index
          %get3A_132 = arith.constant 0 : index
          %get3A_133 = tpu.vector_load %arg16[%get3A, %get3A_132] {strides = array<i32>} : memref<128x64xf32, #tpu.memory_space<vmem>>, vector<1x16xf32>,
          %get3A_134 = vector.shape_cast %get3A_133 : vector<1x16xf32> to vector<16xf32>
          %get3A_135 = arith.index_cast %scan3A_131 : i32 to index
          %get3A_136 = arith.constant 0 : index
          %get3A_137 = tpu.vector_load %arg17[%get3A_135, %get3A_136] {strides = array<i32>} : memref<128x64xf32, #tpu.memory_space<vmem>>, vector<1x16xf32>,
          %get3A_138 = vector.shape_cast %get3A_137 : vector<1x16xf32> to vector<16xf32>
          %add3A_139 = arith.addf %get3A_134, %get3A_138 : vector<16xf32>
          %swap3A = arith.index_cast %scan3A_131 : i32 to index
          %swap3A_140 = arith.constant 0 : index
          %swap3A_141 = tpu.vector_load %arg16[%swap3A, %swap3A_140] {strides = array<i32>} : memref<128x64xf32, #tpu.memory_space<vmem>>, vector<1x16xf32>,
          %swap3A_142 = vector.shape_cast %swap3A_141 : vector<1x16xf32> to vector<16xf32>
          %swap3A_143 = vector.shape_cast %add3A_139 : vector<16xf32> to vector<1x16xf32>
          tpu.vector_store %arg16[%swap3A, %swap3A_140], %swap3A_143 {strides = array<i32>} : memref<128x64xf32, #tpu.memory_space<vmem>>, vector<1x16xf32>,
          %get3A_144 = arith.index_cast %scan3A_131 : i32 to index
          %get3A_145 = arith.constant 16 : index
          %get3A_146 = tpu.vector_load %arg16[%get3A_144, %get3A_145] {strides = array<i32>} : memref<128x64xf32, #tpu.memory_space<vmem>>, vector<1x16xf32>,
          %get3A_147 = vector.shape_cast %get3A_146 : vector<1x16xf32> to vector<16xf32>
          %get3A_148 = arith.index_cast %scan3A_131 : i32 to index
          %get3A_149 = arith.constant 16 : index
          %get3A_150 = tpu.vector_load %arg17[%get3A_148, %get3A_149] {strides = array<i32>} : memref<128x64xf32, #tpu.memory_space<vmem>>, vector<1x16xf32>,
          %get3A_151 = vector.shape_cast %get3A_150 : vector<1x16xf32> to vector<16xf32>
          %add3A_152 = arith.addf %get3A_147, %get3A_151 : vector<16xf32>
          %swap3A_153 = arith.index_cast %scan3A_131 : i32 to index
          %swap3A_154 = arith.constant 16 : index
          %swap3A_155 = tpu.vector_load %arg16[%swap3A_153, %swap3A_154] {strides = array<i32>} : memref<128x64xf32, #tpu.memory_space<vmem>>, vector<1x16xf32>,
          %swap3A_156 = vector.shape_cast %swap3A_155 : vector<1x16xf32> to vector<16xf32>
          %swap3A_157 = vector.shape_cast %add3A_152 : vector<16xf32> to vector<1x16xf32>
          tpu.vector_store %arg16[%swap3A_153, %swap3A_154], %swap3A_157 {strides = array<i32>} : memref<128x64xf32, #tpu.memory_space<vmem>>, vector<1x16xf32>,
          %get3A_158 = arith.index_cast %scan3A_131 : i32 to index
          %get3A_159 = arith.constant 32 : index
          %get3A_160 = tpu.vector_load %arg16[%get3A_158, %get3A_159] {strides = array<i32>} : memref<128x64xf32, #tpu.memory_space<vmem>>, vector<1x16xf32>,
          %get3A_161 = vector.shape_cast %get3A_160 : vector<1x16xf32> to vector<16xf32>
          %get3A_162 = arith.index_cast %scan3A_131 : i32 to index
          %get3A_163 = arith.constant 32 : index
          %get3A_164 = tpu.vector_load %arg17[%get3A_162, %get3A_163] {strides = array<i32>} : memref<128x64xf32, #tpu.memory_space<vmem>>, vector<1x16xf32>,
          %get3A_165 = vector.shape_cast %get3A_164 : vector<1x16xf32> to vector<16xf32>
          %add3A_166 = arith.addf %get3A_161, %get3A_165 : vector<16xf32>
          %swap3A_167 = arith.index_cast %scan3A_131 : i32 to index
          %swap3A_168 = arith.constant 32 : index
          %swap3A_169 = tpu.vector_load %arg16[%swap3A_167, %swap3A_168] {strides = array<i32>} : memref<128x64xf32, #tpu.memory_space<vmem>>, vector<1x16xf32>,
          %swap3A_170 = vector.shape_cast %swap3A_169 : vector<1x16xf32> to vector<16xf32>
          %swap3A_171 = vector.shape_cast %add3A_166 : vector<16xf32> to vector<1x16xf32>
          tpu.vector_store %arg16[%swap3A_167, %swap3A_168], %swap3A_171 {strides = array<i32>} : memref<128x64xf32, #tpu.memory_space<vmem>>, vector<1x16xf32>,
          %get3A_172 = arith.index_cast %scan3A_131 : i32 to index
          %get3A_173 = arith.constant 48 : index
          %get3A_174 = tpu.vector_load %arg16[%get3A_172, %get3A_173] {strides = array<i32>} : memref<128x64xf32, #tpu.memory_space<vmem>>, vector<1x16xf32>,
          %get3A_175 = vector.shape_cast %get3A_174 : vector<1x16xf32> to vector<16xf32>
          %get3A_176 = arith.index_cast %scan3A_131 : i32 to index
          %get3A_177 = arith.constant 48 : index
          %get3A_178 = tpu.vector_load %arg17[%get3A_176, %get3A_177] {strides = array<i32>} : memref<128x64xf32, #tpu.memory_space<vmem>>, vector<1x16xf32>,
          %get3A_179 = vector.shape_cast %get3A_178 : vector<1x16xf32> to vector<16xf32>
          %add3A_180 = arith.addf %get3A_175, %get3A_179 : vector<16xf32>
          %swap3A_181 = arith.index_cast %scan3A_131 : i32 to index
          %swap3A_182 = arith.constant 48 : index
          %swap3A_183 = tpu.vector_load %arg16[%swap3A_181, %swap3A_182] {strides = array<i32>} : memref<128x64xf32, #tpu.memory_space<vmem>>, vector<1x16xf32>,
          %swap3A_184 = vector.shape_cast %swap3A_183 : vector<1x16xf32> to vector<16xf32>
          %swap3A_185 = vector.shape_cast %add3A_180 : vector<16xf32> to vector<1x16xf32>
          tpu.vector_store %arg16[%swap3A_181, %swap3A_182], %swap3A_185 {strides = array<i32>} : memref<128x64xf32, #tpu.memory_space<vmem>>, vector<1x16xf32>,
        }
        %scan3A_117 = arith.constant 128 : i32
        %add3A_118 = arith.constant 1 : i32
        %add3A_119 = arith.addi %mul3A_47, %add3A_118 : i32
        %add3A_120 = arith.addi %add3A_6, %add3A_119 : i32
        %mul3A_121 = arith.constant 128 : i32
        %mul3A_122 = arith.muli %add3A_120, %mul3A_121 : i32
        %dma_start3A_123 = arith.constant 0 : i32
        %dma_start3A_124 = tpu.memref_slice %arg6[%mul3A_122, %dma_start3A_123] : memref<80000x128xf32, #tpu.memory_space<hbm>> -> memref<128x64xf32, #tpu.memory_space<hbm>>
        %dma_start3A_125 = arith.constant 0 : i32
        %dma_start3A_126 = tpu.memref_slice %arg6[%mul3A_122, %dma_start3A_125] : memref<80000x128xf32, #tpu.memory_space<hbm>> -> memref<128x64xf32, #tpu.memory_space<hbm>>
        tpu.enqueue_dma source(%arg16 : memref<128x64xf32, #tpu.memory_space<vmem>>) target(%dma_start3A_126 : memref<128x64xf32, #tpu.memory_space<hbm>>) target_semaphore(%arg22 : memref<!tpu.dma_semaphore, #tpu.memory_space<semaphore_mem>>)
        %dma_start3A_127 = arith.constant 64 : i32
        %dma_start3A_128 = tpu.memref_slice %arg6[%mul3A_122, %dma_start3A_127] : memref<80000x128xf32, #tpu.memory_space<hbm>> -> memref<128x64xf32, #tpu.memory_space<hbm>>
        %dma_start3A_129 = arith.constant 64 : i32
        %dma_start3A_130 = tpu.memref_slice %arg6[%mul3A_122, %dma_start3A_129] : memref<80000x128xf32, #tpu.memory_space<hbm>> -> memref<128x64xf32, #tpu.memory_space<hbm>>
        tpu.enqueue_dma source(%arg18 : memref<128x64xf32, #tpu.memory_space<vmem>>) target(%dma_start3A_130 : memref<128x64xf32, #tpu.memory_space<hbm>>) target_semaphore(%arg22 : memref<!tpu.dma_semaphore, #tpu.memory_space<semaphore_mem>>)
      } else {
      }
      %scan3A_90 = arith.constant 0 : i32
      scf.yield %scan3A_90 : i32
    }
    %scan3A_24 = arith.constant 10 : i32
    %mul3A_25 = arith.constant 128 : i32
    %mul3A_26 = arith.muli %add3A_6, %mul3A_25 : i32
    %dma_wait3A = arith.constant 0 : i32
    %dma_wait3A_27 = tpu.memref_slice %arg6[%mul3A_26, %dma_wait3A] : memref<80000x128xf32, #tpu.memory_space<hbm>> -> memref<128x64xf32, #tpu.memory_space<hbm>>
    %dma_wait3A_28 = arith.constant 0 : i32
    %dma_wait3A_29 = tpu.memref_slice %arg6[%mul3A_26, %dma_wait3A_28] : memref<80000x128xf32, #tpu.memory_space<hbm>> -> memref<128x64xf32, #tpu.memory_space<hbm>>
    tpu.wait_dma2 semaphore(%arg21 : memref<!tpu.dma_semaphore, #tpu.memory_space<semaphore_mem>>) src(%arg13 : memref<128x64xf32, #tpu.memory_space<vmem>>) dst(%dma_wait3A_29 : memref<128x64xf32, #tpu.memory_space<hbm>>)
    %dma_wait3A_30 = arith.constant 64 : i32
    %dma_wait3A_31 = tpu.memref_slice %arg6[%mul3A_26, %dma_wait3A_30] : memref<80000x128xf32, #tpu.memory_space<hbm>> -> memref<128x64xf32, #tpu.memory_space<hbm>>
    %dma_wait3A_32 = arith.constant 64 : i32
    %dma_wait3A_33 = tpu.memref_slice %arg6[%mul3A_26, %dma_wait3A_32] : memref<80000x128xf32, #tpu.memory_space<hbm>> -> memref<128x64xf32, #tpu.memory_space<hbm>>
    tpu.wait_dma2 semaphore(%arg21 : memref<!tpu.dma_semaphore, #tpu.memory_space<semaphore_mem>>) src(%arg15 : memref<128x64xf32, #tpu.memory_space<vmem>>) dst(%dma_wait3A_33 : memref<128x64xf32, #tpu.memory_space<hbm>>)
    %mul3A_34 = arith.constant 128 : i32
    %mul3A_35 = arith.muli %add3A_6, %mul3A_34 : i32
    %dma_wait3A_36 = arith.constant 0 : i32
    %dma_wait3A_37 = tpu.memref_slice %arg6[%mul3A_35, %dma_wait3A_36] : memref<80000x128xf32, #tpu.memory_space<hbm>> -> memref<128x64xf32, #tpu.memory_space<hbm>>
    %dma_wait3A_38 = arith.constant 0 : i32
    %dma_wait3A_39 = tpu.memref_slice %arg6[%mul3A_35, %dma_wait3A_38] : memref<80000x128xf32, #tpu.memory_space<hbm>> -> memref<128x64xf32, #tpu.memory_space<hbm>>
    tpu.wait_dma2 semaphore(%arg22 : memref<!tpu.dma_semaphore, #tpu.memory_space<semaphore_mem>>) src(%arg16 : memref<128x64xf32, #tpu.memory_space<vmem>>) dst(%dma_wait3A_39 : memref<128x64xf32, #tpu.memory_space<hbm>>)
    %dma_wait3A_40 = arith.constant 64 : i32
    %dma_wait3A_41 = tpu.memref_slice %arg6[%mul3A_35, %dma_wait3A_40] : memref<80000x128xf32, #tpu.memory_space<hbm>> -> memref<128x64xf32, #tpu.memory_space<hbm>>
    %dma_wait3A_42 = arith.constant 64 : i32
    %dma_wait3A_43 = tpu.memref_slice %arg6[%mul3A_35, %dma_wait3A_42] : memref<80000x128xf32, #tpu.memory_space<hbm>> -> memref<128x64xf32, #tpu.memory_space<hbm>>
    tpu.wait_dma2 semaphore(%arg22 : memref<!tpu.dma_semaphore, #tpu.memory_space<semaphore_mem>>) src(%arg18 : memref<128x64xf32, #tpu.memory_space<vmem>>) dst(%dma_wait3A_43 : memref<128x64xf32, #tpu.memory_space<hbm>>)
    return
  }
}

#map = affine_map<(d0, d1) -> (0, 0)>
#map1 = affine_map<(d0, d1) -> (0)>
module attributes {stable_mosaic.version = 14 : i64} {
  func.func @k(%arg0: i32, %arg1: i32, %arg2: memref<50000x64xf32, #tpu.memory_space<hbm>>, %arg3: memref<80000xi32, #tpu.memory_space<hbm>>, %arg4: memref<80000xi32, #tpu.memory_space<hbm>>, %arg5: memref<80000x128xf32, #tpu.memory_space<hbm>>, %arg6: memref<128xi32, #tpu.memory_space<vmem>>, %arg7: memref<128xi32, #tpu.memory_space<vmem>>, %arg8: memref<128xi32, #tpu.memory_space<vmem>>, %arg9: memref<128xi32, #tpu.memory_space<vmem>>, %arg10: memref<128x64xf32, #tpu.memory_space<vmem>>, %arg11: memref<128x64xf32, #tpu.memory_space<vmem>>, %arg12: memref<128x64xf32, #tpu.memory_space<vmem>>, %arg13: memref<128x64xf32, #tpu.memory_space<vmem>>, %arg14: memref<!tpu.dma_semaphore, #tpu.memory_space<semaphore_mem>>, %arg15: memref<!tpu.dma_semaphore, #tpu.memory_space<semaphore_mem>>, %arg16: memref<!tpu.dma_semaphore, #tpu.memory_space<semaphore_mem>>, %arg17: memref<!tpu.dma_semaphore, #tpu.memory_space<semaphore_mem>>) attributes {dimension_semantics = [#tpu.dimension_semantics<core_parallel>, #tpu.dimension_semantics<subcore_parallel>], iteration_bounds = array<i64: 2, 16>, scalar_prefetch = 0 : i64, scratch_operands = 12 : i64, tpu.core_type = #tpu.core_type<sc_vector_subcore>, window_params = [{transform_indices = #map}, {transform_indices = #map1}, {transform_indices = #map1}, {transform_indices = #map}]} {
    %mul3A = arith.constant 2 : i32
    %mul3A_0 = arith.muli %arg1, %mul3A : i32
    %add3A = arith.addi %mul3A_0, %arg0 : i32
    %lt3A = arith.constant 17 : i32
    %lt3A_1 = arith.cmpi slt, %add3A, %lt3A : i32
    %jit3A = arith.constant 20 : i32
    %jit3A_2 = arith.constant 19 : i32
    %select_n3A = arith.select %lt3A_1, %jit3A, %jit3A_2 : i32
    %mul3A_3 = arith.constant 19 : i32
    %mul3A_4 = arith.muli %mul3A_3, %add3A : i32
    %min3A = arith.constant 17 : i32
    %min3A_5 = arith.minsi %add3A, %min3A : i32
    %add3A_6 = arith.addi %mul3A_4, %min3A_5 : i32
    %add3A_7 = arith.constant 0 : i32
    %add3A_8 = arith.addi %add3A_6, %add3A_7 : i32
    %mul3A_9 = arith.constant 128 : i32
    %mul3A_10 = arith.muli %add3A_8, %mul3A_9 : i32
    "tpu.region"() ({
      %run_scoped3A = tpu.sem_alloc : memref<!tpu.dma_semaphore, #tpu.memory_space<semaphore_mem>>
      %dma_start3A_41 = tpu.memref_slice %arg3[%mul3A_10] : memref<80000xi32, #tpu.memory_space<hbm>> -> memref<128xi32, #tpu.memory_space<hbm>>
      %dma_start3A_42 = tpu.memref_slice %arg3[%mul3A_10] : memref<80000xi32, #tpu.memory_space<hbm>> -> memref<128xi32, #tpu.memory_space<hbm>>
      tpu.enqueue_dma source(%dma_start3A_42 : memref<128xi32, #tpu.memory_space<hbm>>) target(%arg6 : memref<128xi32, #tpu.memory_space<vmem>>) target_semaphore(%run_scoped3A : memref<!tpu.dma_semaphore, #tpu.memory_space<semaphore_mem>>)
      %dma_wait3A_43 = tpu.memref_slice %arg3[%mul3A_10] : memref<80000xi32, #tpu.memory_space<hbm>> -> memref<128xi32, #tpu.memory_space<hbm>>
      %dma_wait3A_44 = tpu.memref_slice %arg3[%mul3A_10] : memref<80000xi32, #tpu.memory_space<hbm>> -> memref<128xi32, #tpu.memory_space<hbm>>
      tpu.wait_dma2 semaphore(%run_scoped3A : memref<!tpu.dma_semaphore, #tpu.memory_space<semaphore_mem>>) src(%dma_wait3A_44 : memref<128xi32, #tpu.memory_space<hbm>>) dst(%arg6 : memref<128xi32, #tpu.memory_space<vmem>>)
      tpu.yield
    }) : () -> ()
    "tpu.region"() ({
      %run_scoped3A = tpu.sem_alloc : memref<!tpu.dma_semaphore, #tpu.memory_space<semaphore_mem>>
      %dma_start3A_41 = tpu.memref_slice %arg4[%mul3A_10] : memref<80000xi32, #tpu.memory_space<hbm>> -> memref<128xi32, #tpu.memory_space<hbm>>
      %dma_start3A_42 = tpu.memref_slice %arg4[%mul3A_10] : memref<80000xi32, #tpu.memory_space<hbm>> -> memref<128xi32, #tpu.memory_space<hbm>>
      tpu.enqueue_dma source(%dma_start3A_42 : memref<128xi32, #tpu.memory_space<hbm>>) target(%arg7 : memref<128xi32, #tpu.memory_space<vmem>>) target_semaphore(%run_scoped3A : memref<!tpu.dma_semaphore, #tpu.memory_space<semaphore_mem>>)
      %dma_wait3A_43 = tpu.memref_slice %arg4[%mul3A_10] : memref<80000xi32, #tpu.memory_space<hbm>> -> memref<128xi32, #tpu.memory_space<hbm>>
      %dma_wait3A_44 = tpu.memref_slice %arg4[%mul3A_10] : memref<80000xi32, #tpu.memory_space<hbm>> -> memref<128xi32, #tpu.memory_space<hbm>>
      tpu.wait_dma2 semaphore(%run_scoped3A : memref<!tpu.dma_semaphore, #tpu.memory_space<semaphore_mem>>) src(%dma_wait3A_44 : memref<128xi32, #tpu.memory_space<hbm>>) dst(%arg7 : memref<128xi32, #tpu.memory_space<vmem>>)
      tpu.yield
    }) : () -> ()
    %dma_start3A = arith.constant 0 : i32
    %dma_start3A_11 = arith.constant 0 : i32
    %dma_start3A_12 = tpu.memref_slice %arg2[%dma_start3A, %dma_start3A_11] : memref<50000x64xf32, #tpu.memory_space<hbm>> -> memref<50000x64xf32, #tpu.memory_space<hbm>>
    tpu.enqueue_indirect_dma source(%dma_start3A_12 : memref<50000x64xf32, #tpu.memory_space<hbm>>) target(%arg10 : memref<128x64xf32, #tpu.memory_space<vmem>>) offsets(%arg6 : memref<128xi32, #tpu.memory_space<vmem>>) semaphore(%arg14 : memref<!tpu.dma_semaphore, #tpu.memory_space<semaphore_mem>>)
    %dma_start3A_13 = arith.constant 0 : i32
    %dma_start3A_14 = arith.constant 0 : i32
    %dma_start3A_15 = tpu.memref_slice %arg2[%dma_start3A_13, %dma_start3A_14] : memref<50000x64xf32, #tpu.memory_space<hbm>> -> memref<50000x64xf32, #tpu.memory_space<hbm>>
    tpu.enqueue_indirect_dma source(%dma_start3A_15 : memref<50000x64xf32, #tpu.memory_space<hbm>>) target(%arg11 : memref<128x64xf32, #tpu.memory_space<vmem>>) offsets(%arg7 : memref<128xi32, #tpu.memory_space<vmem>>) semaphore(%arg14 : memref<!tpu.dma_semaphore, #tpu.memory_space<semaphore_mem>>)
    %scan3A = arith.constant 0 : i32
    %scan3A_16 = arith.constant 0 : i32
    %scan3A_17 = arith.constant 10 : i32
    %scan3A_18 = arith.addi %scan3A_16, %scan3A_17 : i32
    %scan3A_19 = arith.constant 1 : i32
    %scan3A_20 = scf.for %scan3A_41 = %scan3A_16 to %scan3A_18 step %scan3A_19 iter_args(%scan3A_42 = %scan3A) -> (i32)  : i32 {
      %mul3A_43 = arith.constant 2 : i32
      %mul3A_44 = arith.muli %scan3A_41, %mul3A_43 : i32
      %add3A_45 = arith.constant 1 : i32
      %add3A_46 = arith.addi %mul3A_44, %add3A_45 : i32
      %lt3A_47 = arith.cmpi slt, %add3A_46, %select_n3A : i32
      %convert_element_type3A = arith.extui %lt3A_47 : i1 to i32
      %cond3A = arith.constant 0 : i32
      %cond3A_48 = arith.cmpi ne, %convert_element_type3A, %cond3A : i32
      scf.if %cond3A_48 {
        %ge3A = arith.constant 1 : i32
        %ge3A_73 = arith.cmpi sge, %mul3A_44, %ge3A : i32
        %convert_element_type3A_74 = arith.extui %ge3A_73 : i1 to i32
        %cond3A_75 = arith.constant 0 : i32
        %cond3A_76 = arith.cmpi ne, %convert_element_type3A_74, %cond3A_75 : i32
        scf.if %cond3A_76 {
          %mul3A_82 = arith.constant 128 : i32
          %mul3A_83 = arith.muli %add3A_6, %mul3A_82 : i32
          %dma_wait3A_84 = arith.constant 0 : i32
          %dma_wait3A_85 = tpu.memref_slice %arg5[%mul3A_83, %dma_wait3A_84] : memref<80000x128xf32, #tpu.memory_space<hbm>> -> memref<128x64xf32, #tpu.memory_space<hbm>>
          %dma_wait3A_86 = arith.constant 0 : i32
          %dma_wait3A_87 = tpu.memref_slice %arg5[%mul3A_83, %dma_wait3A_86] : memref<80000x128xf32, #tpu.memory_space<hbm>> -> memref<128x64xf32, #tpu.memory_space<hbm>>
          tpu.wait_dma2 semaphore(%arg17 : memref<!tpu.dma_semaphore, #tpu.memory_space<semaphore_mem>>) src(%arg12 : memref<128x64xf32, #tpu.memory_space<vmem>>) dst(%dma_wait3A_87 : memref<128x64xf32, #tpu.memory_space<hbm>>)
          %dma_wait3A_88 = arith.constant 64 : i32
          %dma_wait3A_89 = tpu.memref_slice %arg5[%mul3A_83, %dma_wait3A_88] : memref<80000x128xf32, #tpu.memory_space<hbm>> -> memref<128x64xf32, #tpu.memory_space<hbm>>
          %dma_wait3A_90 = arith.constant 64 : i32
          %dma_wait3A_91 = tpu.memref_slice %arg5[%mul3A_83, %dma_wait3A_90] : memref<80000x128xf32, #tpu.memory_space<hbm>> -> memref<128x64xf32, #tpu.memory_space<hbm>>
          tpu.wait_dma2 semaphore(%arg17 : memref<!tpu.dma_semaphore, #tpu.memory_space<semaphore_mem>>) src(%arg13 : memref<128x64xf32, #tpu.memory_space<vmem>>) dst(%dma_wait3A_91 : memref<128x64xf32, #tpu.memory_space<hbm>>)
        } else {
        }
        %add3A_77 = arith.constant 1 : i32
        %add3A_78 = arith.addi %mul3A_44, %add3A_77 : i32
        %add3A_79 = arith.addi %add3A_6, %add3A_78 : i32
        %mul3A_80 = arith.constant 128 : i32
        %mul3A_81 = arith.muli %add3A_79, %mul3A_80 : i32
        "tpu.region"() ({
          %run_scoped3A = tpu.sem_alloc : memref<!tpu.dma_semaphore, #tpu.memory_space<semaphore_mem>>
          %dma_start3A_82 = tpu.memref_slice %arg3[%mul3A_81] : memref<80000xi32, #tpu.memory_space<hbm>> -> memref<128xi32, #tpu.memory_space<hbm>>
          %dma_start3A_83 = tpu.memref_slice %arg3[%mul3A_81] : memref<80000xi32, #tpu.memory_space<hbm>> -> memref<128xi32, #tpu.memory_space<hbm>>
          tpu.enqueue_dma source(%dma_start3A_83 : memref<128xi32, #tpu.memory_space<hbm>>) target(%arg8 : memref<128xi32, #tpu.memory_space<vmem>>) target_semaphore(%run_scoped3A : memref<!tpu.dma_semaphore, #tpu.memory_space<semaphore_mem>>)
          %dma_wait3A_84 = tpu.memref_slice %arg3[%mul3A_81] : memref<80000xi32, #tpu.memory_space<hbm>> -> memref<128xi32, #tpu.memory_space<hbm>>
          %dma_wait3A_85 = tpu.memref_slice %arg3[%mul3A_81] : memref<80000xi32, #tpu.memory_space<hbm>> -> memref<128xi32, #tpu.memory_space<hbm>>
          tpu.wait_dma2 semaphore(%run_scoped3A : memref<!tpu.dma_semaphore, #tpu.memory_space<semaphore_mem>>) src(%dma_wait3A_85 : memref<128xi32, #tpu.memory_space<hbm>>) dst(%arg8 : memref<128xi32, #tpu.memory_space<vmem>>)
          tpu.yield
        }) : () -> ()
        "tpu.region"() ({
          %run_scoped3A = tpu.sem_alloc : memref<!tpu.dma_semaphore, #tpu.memory_space<semaphore_mem>>
          %dma_start3A_82 = tpu.memref_slice %arg4[%mul3A_81] : memref<80000xi32, #tpu.memory_space<hbm>> -> memref<128xi32, #tpu.memory_space<hbm>>
          %dma_start3A_83 = tpu.memref_slice %arg4[%mul3A_81] : memref<80000xi32, #tpu.memory_space<hbm>> -> memref<128xi32, #tpu.memory_space<hbm>>
          tpu.enqueue_dma source(%dma_start3A_83 : memref<128xi32, #tpu.memory_space<hbm>>) target(%arg9 : memref<128xi32, #tpu.memory_space<vmem>>) target_semaphore(%run_scoped3A : memref<!tpu.dma_semaphore, #tpu.memory_space<semaphore_mem>>)
          %dma_wait3A_84 = tpu.memref_slice %arg4[%mul3A_81] : memref<80000xi32, #tpu.memory_space<hbm>> -> memref<128xi32, #tpu.memory_space<hbm>>
          %dma_wait3A_85 = tpu.memref_slice %arg4[%mul3A_81] : memref<80000xi32, #tpu.memory_space<hbm>> -> memref<128xi32, #tpu.memory_space<hbm>>
          tpu.wait_dma2 semaphore(%run_scoped3A : memref<!tpu.dma_semaphore, #tpu.memory_space<semaphore_mem>>) src(%dma_wait3A_85 : memref<128xi32, #tpu.memory_space<hbm>>) dst(%arg9 : memref<128xi32, #tpu.memory_space<vmem>>)
          tpu.yield
        }) : () -> ()
      } else {
      }
      %dma_wait3A_49 = arith.constant 0 : i32
      %dma_wait3A_50 = arith.constant 0 : i32
      %dma_wait3A_51 = tpu.memref_slice %arg2[%dma_wait3A_49, %dma_wait3A_50] : memref<50000x64xf32, #tpu.memory_space<hbm>> -> memref<50000x64xf32, #tpu.memory_space<hbm>>
      tpu.wait_indirect_dma semaphore(%arg14 : memref<!tpu.dma_semaphore, #tpu.memory_space<semaphore_mem>>) src(%dma_wait3A_51 : memref<50000x64xf32, #tpu.memory_space<hbm>>) dst(%arg10 : memref<128x64xf32, #tpu.memory_space<vmem>>)
      %dma_wait3A_52 = arith.constant 0 : i32
      %dma_wait3A_53 = arith.constant 0 : i32
      %dma_wait3A_54 = tpu.memref_slice %arg2[%dma_wait3A_52, %dma_wait3A_53] : memref<50000x64xf32, #tpu.memory_space<hbm>> -> memref<50000x64xf32, #tpu.memory_space<hbm>>
      tpu.wait_indirect_dma semaphore(%arg14 : memref<!tpu.dma_semaphore, #tpu.memory_space<semaphore_mem>>) src(%dma_wait3A_54 : memref<50000x64xf32, #tpu.memory_space<hbm>>) dst(%arg11 : memref<128x64xf32, #tpu.memory_space<vmem>>)
      %add3A_55 = arith.addi %add3A_6, %mul3A_44 : i32
      %mul3A_56 = arith.constant 128 : i32
      %mul3A_57 = arith.muli %add3A_55, %mul3A_56 : i32
      %dma_start3A_58 = arith.constant 0 : i32
      %dma_start3A_59 = tpu.memref_slice %arg5[%mul3A_57, %dma_start3A_58] : memref<80000x128xf32, #tpu.memory_space<hbm>> -> memref<128x64xf32, #tpu.memory_space<hbm>>
      %dma_start3A_60 = arith.constant 0 : i32
      %dma_start3A_61 = tpu.memref_slice %arg5[%mul3A_57, %dma_start3A_60] : memref<80000x128xf32, #tpu.memory_space<hbm>> -> memref<128x64xf32, #tpu.memory_space<hbm>>
      tpu.enqueue_dma source(%arg10 : memref<128x64xf32, #tpu.memory_space<vmem>>) target(%dma_start3A_61 : memref<128x64xf32, #tpu.memory_space<hbm>>) target_semaphore(%arg16 : memref<!tpu.dma_semaphore, #tpu.memory_space<semaphore_mem>>)
      %dma_start3A_62 = arith.constant 64 : i32
      %dma_start3A_63 = tpu.memref_slice %arg5[%mul3A_57, %dma_start3A_62] : memref<80000x128xf32, #tpu.memory_space<hbm>> -> memref<128x64xf32, #tpu.memory_space<hbm>>
      %dma_start3A_64 = arith.constant 64 : i32
      %dma_start3A_65 = tpu.memref_slice %arg5[%mul3A_57, %dma_start3A_64] : memref<80000x128xf32, #tpu.memory_space<hbm>> -> memref<128x64xf32, #tpu.memory_space<hbm>>
      tpu.enqueue_dma source(%arg11 : memref<128x64xf32, #tpu.memory_space<vmem>>) target(%dma_start3A_65 : memref<128x64xf32, #tpu.memory_space<hbm>>) target_semaphore(%arg16 : memref<!tpu.dma_semaphore, #tpu.memory_space<semaphore_mem>>)
      %add3A_66 = arith.constant 1 : i32
      %add3A_67 = arith.addi %mul3A_44, %add3A_66 : i32
      %lt3A_68 = arith.cmpi slt, %add3A_67, %select_n3A : i32
      %convert_element_type3A_69 = arith.extui %lt3A_68 : i1 to i32
      %cond3A_70 = arith.constant 0 : i32
      %cond3A_71 = arith.cmpi ne, %convert_element_type3A_69, %cond3A_70 : i32
      scf.if %cond3A_71 {
        %dma_start3A_73 = arith.constant 0 : i32
        %dma_start3A_74 = arith.constant 0 : i32
        %dma_start3A_75 = tpu.memref_slice %arg2[%dma_start3A_73, %dma_start3A_74] : memref<50000x64xf32, #tpu.memory_space<hbm>> -> memref<50000x64xf32, #tpu.memory_space<hbm>>
        tpu.enqueue_indirect_dma source(%dma_start3A_75 : memref<50000x64xf32, #tpu.memory_space<hbm>>) target(%arg12 : memref<128x64xf32, #tpu.memory_space<vmem>>) offsets(%arg8 : memref<128xi32, #tpu.memory_space<vmem>>) semaphore(%arg15 : memref<!tpu.dma_semaphore, #tpu.memory_space<semaphore_mem>>)
        %dma_start3A_76 = arith.constant 0 : i32
        %dma_start3A_77 = arith.constant 0 : i32
        %dma_start3A_78 = tpu.memref_slice %arg2[%dma_start3A_76, %dma_start3A_77] : memref<50000x64xf32, #tpu.memory_space<hbm>> -> memref<50000x64xf32, #tpu.memory_space<hbm>>
        tpu.enqueue_indirect_dma source(%dma_start3A_78 : memref<50000x64xf32, #tpu.memory_space<hbm>>) target(%arg13 : memref<128x64xf32, #tpu.memory_space<vmem>>) offsets(%arg9 : memref<128xi32, #tpu.memory_space<vmem>>) semaphore(%arg15 : memref<!tpu.dma_semaphore, #tpu.memory_space<semaphore_mem>>)
        %add3A_79 = arith.constant 2 : i32
        %add3A_80 = arith.addi %mul3A_44, %add3A_79 : i32
        %lt3A_81 = arith.cmpi slt, %add3A_80, %select_n3A : i32
        %convert_element_type3A_82 = arith.extui %lt3A_81 : i1 to i32
        %cond3A_83 = arith.constant 0 : i32
        %cond3A_84 = arith.cmpi ne, %convert_element_type3A_82, %cond3A_83 : i32
        scf.if %cond3A_84 {
          %mul3A_110 = arith.constant 128 : i32
          %mul3A_111 = arith.muli %add3A_6, %mul3A_110 : i32
          %dma_wait3A_112 = arith.constant 0 : i32
          %dma_wait3A_113 = tpu.memref_slice %arg5[%mul3A_111, %dma_wait3A_112] : memref<80000x128xf32, #tpu.memory_space<hbm>> -> memref<128x64xf32, #tpu.memory_space<hbm>>
          %dma_wait3A_114 = arith.constant 0 : i32
          %dma_wait3A_115 = tpu.memref_slice %arg5[%mul3A_111, %dma_wait3A_114] : memref<80000x128xf32, #tpu.memory_space<hbm>> -> memref<128x64xf32, #tpu.memory_space<hbm>>
          tpu.wait_dma2 semaphore(%arg16 : memref<!tpu.dma_semaphore, #tpu.memory_space<semaphore_mem>>) src(%arg10 : memref<128x64xf32, #tpu.memory_space<vmem>>) dst(%dma_wait3A_115 : memref<128x64xf32, #tpu.memory_space<hbm>>)
          %dma_wait3A_116 = arith.constant 64 : i32
          %dma_wait3A_117 = tpu.memref_slice %arg5[%mul3A_111, %dma_wait3A_116] : memref<80000x128xf32, #tpu.memory_space<hbm>> -> memref<128x64xf32, #tpu.memory_space<hbm>>
          %dma_wait3A_118 = arith.constant 64 : i32
          %dma_wait3A_119 = tpu.memref_slice %arg5[%mul3A_111, %dma_wait3A_118] : memref<80000x128xf32, #tpu.memory_space<hbm>> -> memref<128x64xf32, #tpu.memory_space<hbm>>
          tpu.wait_dma2 semaphore(%arg16 : memref<!tpu.dma_semaphore, #tpu.memory_space<semaphore_mem>>) src(%arg11 : memref<128x64xf32, #tpu.memory_space<vmem>>) dst(%dma_wait3A_119 : memref<128x64xf32, #tpu.memory_space<hbm>>)
          %add3A_120 = arith.constant 2 : i32
          %add3A_121 = arith.addi %mul3A_44, %add3A_120 : i32
          %add3A_122 = arith.addi %add3A_6, %add3A_121 : i32
          %mul3A_123 = arith.constant 128 : i32
          %mul3A_124 = arith.muli %add3A_122, %mul3A_123 : i32
          "tpu.region"() ({
            %run_scoped3A = tpu.sem_alloc : memref<!tpu.dma_semaphore, #tpu.memory_space<semaphore_mem>>
            %dma_start3A_125 = tpu.memref_slice %arg3[%mul3A_124] : memref<80000xi32, #tpu.memory_space<hbm>> -> memref<128xi32, #tpu.memory_space<hbm>>
            %dma_start3A_126 = tpu.memref_slice %arg3[%mul3A_124] : memref<80000xi32, #tpu.memory_space<hbm>> -> memref<128xi32, #tpu.memory_space<hbm>>
            tpu.enqueue_dma source(%dma_start3A_126 : memref<128xi32, #tpu.memory_space<hbm>>) target(%arg6 : memref<128xi32, #tpu.memory_space<vmem>>) target_semaphore(%run_scoped3A : memref<!tpu.dma_semaphore, #tpu.memory_space<semaphore_mem>>)
            %dma_wait3A_127 = tpu.memref_slice %arg3[%mul3A_124] : memref<80000xi32, #tpu.memory_space<hbm>> -> memref<128xi32, #tpu.memory_space<hbm>>
            %dma_wait3A_128 = tpu.memref_slice %arg3[%mul3A_124] : memref<80000xi32, #tpu.memory_space<hbm>> -> memref<128xi32, #tpu.memory_space<hbm>>
            tpu.wait_dma2 semaphore(%run_scoped3A : memref<!tpu.dma_semaphore, #tpu.memory_space<semaphore_mem>>) src(%dma_wait3A_128 : memref<128xi32, #tpu.memory_space<hbm>>) dst(%arg6 : memref<128xi32, #tpu.memory_space<vmem>>)
            tpu.yield
          }) : () -> ()
          "tpu.region"() ({
            %run_scoped3A = tpu.sem_alloc : memref<!tpu.dma_semaphore, #tpu.memory_space<semaphore_mem>>
            %dma_start3A_125 = tpu.memref_slice %arg4[%mul3A_124] : memref<80000xi32, #tpu.memory_space<hbm>> -> memref<128xi32, #tpu.memory_space<hbm>>
            %dma_start3A_126 = tpu.memref_slice %arg4[%mul3A_124] : memref<80000xi32, #tpu.memory_space<hbm>> -> memref<128xi32, #tpu.memory_space<hbm>>
            tpu.enqueue_dma source(%dma_start3A_126 : memref<128xi32, #tpu.memory_space<hbm>>) target(%arg7 : memref<128xi32, #tpu.memory_space<vmem>>) target_semaphore(%run_scoped3A : memref<!tpu.dma_semaphore, #tpu.memory_space<semaphore_mem>>)
            %dma_wait3A_127 = tpu.memref_slice %arg4[%mul3A_124] : memref<80000xi32, #tpu.memory_space<hbm>> -> memref<128xi32, #tpu.memory_space<hbm>>
            %dma_wait3A_128 = tpu.memref_slice %arg4[%mul3A_124] : memref<80000xi32, #tpu.memory_space<hbm>> -> memref<128xi32, #tpu.memory_space<hbm>>
            tpu.wait_dma2 semaphore(%run_scoped3A : memref<!tpu.dma_semaphore, #tpu.memory_space<semaphore_mem>>) src(%dma_wait3A_128 : memref<128xi32, #tpu.memory_space<hbm>>) dst(%arg7 : memref<128xi32, #tpu.memory_space<vmem>>)
            tpu.yield
          }) : () -> ()
        } else {
        }
        %dma_wait3A_85 = arith.constant 0 : i32
        %dma_wait3A_86 = arith.constant 0 : i32
        %dma_wait3A_87 = tpu.memref_slice %arg2[%dma_wait3A_85, %dma_wait3A_86] : memref<50000x64xf32, #tpu.memory_space<hbm>> -> memref<50000x64xf32, #tpu.memory_space<hbm>>
        tpu.wait_indirect_dma semaphore(%arg15 : memref<!tpu.dma_semaphore, #tpu.memory_space<semaphore_mem>>) src(%dma_wait3A_87 : memref<50000x64xf32, #tpu.memory_space<hbm>>) dst(%arg12 : memref<128x64xf32, #tpu.memory_space<vmem>>)
        %dma_wait3A_88 = arith.constant 0 : i32
        %dma_wait3A_89 = arith.constant 0 : i32
        %dma_wait3A_90 = tpu.memref_slice %arg2[%dma_wait3A_88, %dma_wait3A_89] : memref<50000x64xf32, #tpu.memory_space<hbm>> -> memref<50000x64xf32, #tpu.memory_space<hbm>>
        tpu.wait_indirect_dma semaphore(%arg15 : memref<!tpu.dma_semaphore, #tpu.memory_space<semaphore_mem>>) src(%dma_wait3A_90 : memref<50000x64xf32, #tpu.memory_space<hbm>>) dst(%arg13 : memref<128x64xf32, #tpu.memory_space<vmem>>)
        %add3A_91 = arith.constant 1 : i32
        %add3A_92 = arith.addi %mul3A_44, %add3A_91 : i32
        %add3A_93 = arith.addi %add3A_6, %add3A_92 : i32
        %mul3A_94 = arith.constant 128 : i32
        %mul3A_95 = arith.muli %add3A_93, %mul3A_94 : i32
        %dma_start3A_96 = arith.constant 0 : i32
        %dma_start3A_97 = tpu.memref_slice %arg5[%mul3A_95, %dma_start3A_96] : memref<80000x128xf32, #tpu.memory_space<hbm>> -> memref<128x64xf32, #tpu.memory_space<hbm>>
        %dma_start3A_98 = arith.constant 0 : i32
        %dma_start3A_99 = tpu.memref_slice %arg5[%mul3A_95, %dma_start3A_98] : memref<80000x128xf32, #tpu.memory_space<hbm>> -> memref<128x64xf32, #tpu.memory_space<hbm>>
        tpu.enqueue_dma source(%arg12 : memref<128x64xf32, #tpu.memory_space<vmem>>) target(%dma_start3A_99 : memref<128x64xf32, #tpu.memory_space<hbm>>) target_semaphore(%arg17 : memref<!tpu.dma_semaphore, #tpu.memory_space<semaphore_mem>>)
        %dma_start3A_100 = arith.constant 64 : i32
        %dma_start3A_101 = tpu.memref_slice %arg5[%mul3A_95, %dma_start3A_100] : memref<80000x128xf32, #tpu.memory_space<hbm>> -> memref<128x64xf32, #tpu.memory_space<hbm>>
        %dma_start3A_102 = arith.constant 64 : i32
        %dma_start3A_103 = tpu.memref_slice %arg5[%mul3A_95, %dma_start3A_102] : memref<80000x128xf32, #tpu.memory_space<hbm>> -> memref<128x64xf32, #tpu.memory_space<hbm>>
        tpu.enqueue_dma source(%arg13 : memref<128x64xf32, #tpu.memory_space<vmem>>) target(%dma_start3A_103 : memref<128x64xf32, #tpu.memory_space<hbm>>) target_semaphore(%arg17 : memref<!tpu.dma_semaphore, #tpu.memory_space<semaphore_mem>>)
        %add3A_104 = arith.constant 2 : i32
        %add3A_105 = arith.addi %mul3A_44, %add3A_104 : i32
        %lt3A_106 = arith.cmpi slt, %add3A_105, %select_n3A : i32
        %convert_element_type3A_107 = arith.extui %lt3A_106 : i1 to i32
        %cond3A_108 = arith.constant 0 : i32
        %cond3A_109 = arith.cmpi ne, %convert_element_type3A_107, %cond3A_108 : i32
        scf.if %cond3A_109 {
          %dma_start3A_110 = arith.constant 0 : i32
          %dma_start3A_111 = arith.constant 0 : i32
          %dma_start3A_112 = tpu.memref_slice %arg2[%dma_start3A_110, %dma_start3A_111] : memref<50000x64xf32, #tpu.memory_space<hbm>> -> memref<50000x64xf32, #tpu.memory_space<hbm>>
          tpu.enqueue_indirect_dma source(%dma_start3A_112 : memref<50000x64xf32, #tpu.memory_space<hbm>>) target(%arg10 : memref<128x64xf32, #tpu.memory_space<vmem>>) offsets(%arg6 : memref<128xi32, #tpu.memory_space<vmem>>) semaphore(%arg14 : memref<!tpu.dma_semaphore, #tpu.memory_space<semaphore_mem>>)
          %dma_start3A_113 = arith.constant 0 : i32
          %dma_start3A_114 = arith.constant 0 : i32
          %dma_start3A_115 = tpu.memref_slice %arg2[%dma_start3A_113, %dma_start3A_114] : memref<50000x64xf32, #tpu.memory_space<hbm>> -> memref<50000x64xf32, #tpu.memory_space<hbm>>
          tpu.enqueue_indirect_dma source(%dma_start3A_115 : memref<50000x64xf32, #tpu.memory_space<hbm>>) target(%arg11 : memref<128x64xf32, #tpu.memory_space<vmem>>) offsets(%arg7 : memref<128xi32, #tpu.memory_space<vmem>>) semaphore(%arg14 : memref<!tpu.dma_semaphore, #tpu.memory_space<semaphore_mem>>)
        } else {
        }
      } else {
      }
      %scan3A_72 = arith.constant 0 : i32
      scf.yield %scan3A_72 : i32
    }
    %scan3A_21 = arith.constant 10 : i32
    %mul3A_22 = arith.constant 128 : i32
    %mul3A_23 = arith.muli %add3A_6, %mul3A_22 : i32
    %dma_wait3A = arith.constant 0 : i32
    %dma_wait3A_24 = tpu.memref_slice %arg5[%mul3A_23, %dma_wait3A] : memref<80000x128xf32, #tpu.memory_space<hbm>> -> memref<128x64xf32, #tpu.memory_space<hbm>>
    %dma_wait3A_25 = arith.constant 0 : i32
    %dma_wait3A_26 = tpu.memref_slice %arg5[%mul3A_23, %dma_wait3A_25] : memref<80000x128xf32, #tpu.memory_space<hbm>> -> memref<128x64xf32, #tpu.memory_space<hbm>>
    tpu.wait_dma2 semaphore(%arg16 : memref<!tpu.dma_semaphore, #tpu.memory_space<semaphore_mem>>) src(%arg10 : memref<128x64xf32, #tpu.memory_space<vmem>>) dst(%dma_wait3A_26 : memref<128x64xf32, #tpu.memory_space<hbm>>)
    %dma_wait3A_27 = arith.constant 64 : i32
    %dma_wait3A_28 = tpu.memref_slice %arg5[%mul3A_23, %dma_wait3A_27] : memref<80000x128xf32, #tpu.memory_space<hbm>> -> memref<128x64xf32, #tpu.memory_space<hbm>>
    %dma_wait3A_29 = arith.constant 64 : i32
    %dma_wait3A_30 = tpu.memref_slice %arg5[%mul3A_23, %dma_wait3A_29] : memref<80000x128xf32, #tpu.memory_space<hbm>> -> memref<128x64xf32, #tpu.memory_space<hbm>>
    tpu.wait_dma2 semaphore(%arg16 : memref<!tpu.dma_semaphore, #tpu.memory_space<semaphore_mem>>) src(%arg11 : memref<128x64xf32, #tpu.memory_space<vmem>>) dst(%dma_wait3A_30 : memref<128x64xf32, #tpu.memory_space<hbm>>)
    %mul3A_31 = arith.constant 128 : i32
    %mul3A_32 = arith.muli %add3A_6, %mul3A_31 : i32
    %dma_wait3A_33 = arith.constant 0 : i32
    %dma_wait3A_34 = tpu.memref_slice %arg5[%mul3A_32, %dma_wait3A_33] : memref<80000x128xf32, #tpu.memory_space<hbm>> -> memref<128x64xf32, #tpu.memory_space<hbm>>
    %dma_wait3A_35 = arith.constant 0 : i32
    %dma_wait3A_36 = tpu.memref_slice %arg5[%mul3A_32, %dma_wait3A_35] : memref<80000x128xf32, #tpu.memory_space<hbm>> -> memref<128x64xf32, #tpu.memory_space<hbm>>
    tpu.wait_dma2 semaphore(%arg17 : memref<!tpu.dma_semaphore, #tpu.memory_space<semaphore_mem>>) src(%arg12 : memref<128x64xf32, #tpu.memory_space<vmem>>) dst(%dma_wait3A_36 : memref<128x64xf32, #tpu.memory_space<hbm>>)
    %dma_wait3A_37 = arith.constant 64 : i32
    %dma_wait3A_38 = tpu.memref_slice %arg5[%mul3A_32, %dma_wait3A_37] : memref<80000x128xf32, #tpu.memory_space<hbm>> -> memref<128x64xf32, #tpu.memory_space<hbm>>
    %dma_wait3A_39 = arith.constant 64 : i32
    %dma_wait3A_40 = tpu.memref_slice %arg5[%mul3A_32, %dma_wait3A_39] : memref<80000x128xf32, #tpu.memory_space<hbm>> -> memref<128x64xf32, #tpu.memory_space<hbm>>
    tpu.wait_dma2 semaphore(%arg17 : memref<!tpu.dma_semaphore, #tpu.memory_space<semaphore_mem>>) src(%arg13 : memref<128x64xf32, #tpu.memory_space<vmem>>) dst(%dma_wait3A_40 : memref<128x64xf32, #tpu.memory_space<hbm>>)
    return
  }
}

#map = affine_map<(d0, d1) -> (0, 0)>
#map1 = affine_map<(d0, d1) -> (0)>
module attributes {stable_mosaic.version = 14 : i64} {
  func.func @k(%arg0: i32, %arg1: i32, %arg2: memref<50000x64xf32, #tpu.memory_space<hbm>>, %arg3: memref<80000xi32, #tpu.memory_space<hbm>>, %arg4: memref<80000xi32, #tpu.memory_space<hbm>>, %arg5: memref<80000x128xf32, #tpu.memory_space<hbm>>, %arg6: memref<128xi32, #tpu.memory_space<vmem>>, %arg7: memref<128xi32, #tpu.memory_space<vmem>>, %arg8: memref<128xi32, #tpu.memory_space<vmem>>, %arg9: memref<128xi32, #tpu.memory_space<vmem>>, %arg10: memref<128x64xf32, #tpu.memory_space<vmem>>, %arg11: memref<128x64xf32, #tpu.memory_space<vmem>>, %arg12: memref<128x64xf32, #tpu.memory_space<vmem>>, %arg13: memref<128x64xf32, #tpu.memory_space<vmem>>, %arg14: memref<!tpu.dma_semaphore, #tpu.memory_space<semaphore_mem>>, %arg15: memref<!tpu.dma_semaphore, #tpu.memory_space<semaphore_mem>>, %arg16: memref<!tpu.dma_semaphore, #tpu.memory_space<semaphore_mem>>, %arg17: memref<!tpu.dma_semaphore, #tpu.memory_space<semaphore_mem>>) attributes {dimension_semantics = [#tpu.dimension_semantics<core_parallel>, #tpu.dimension_semantics<subcore_parallel>], iteration_bounds = array<i64: 2, 16>, scalar_prefetch = 0 : i64, scratch_operands = 12 : i64, tpu.core_type = #tpu.core_type<sc_vector_subcore>, window_params = [{transform_indices = #map}, {transform_indices = #map1}, {transform_indices = #map1}, {transform_indices = #map}]} {
    %mul3A = arith.constant 2 : i32
    %mul3A_0 = arith.muli %arg1, %mul3A : i32
    %add3A = arith.addi %mul3A_0, %arg0 : i32
    %lt3A = arith.constant 17 : i32
    %lt3A_1 = arith.cmpi slt, %add3A, %lt3A : i32
    %jit3A = arith.constant 20 : i32
    %jit3A_2 = arith.constant 19 : i32
    %select_n3A = arith.select %lt3A_1, %jit3A, %jit3A_2 : i32
    %mul3A_3 = arith.constant 19 : i32
    %mul3A_4 = arith.muli %mul3A_3, %add3A : i32
    %min3A = arith.constant 17 : i32
    %min3A_5 = arith.minsi %add3A, %min3A : i32
    %add3A_6 = arith.addi %mul3A_4, %min3A_5 : i32
    %add3A_7 = arith.constant 0 : i32
    %add3A_8 = arith.addi %add3A_6, %add3A_7 : i32
    %mul3A_9 = arith.constant 128 : i32
    %mul3A_10 = arith.muli %add3A_8, %mul3A_9 : i32
    "tpu.region"() ({
      %run_scoped3A = tpu.sem_alloc : memref<!tpu.dma_semaphore, #tpu.memory_space<semaphore_mem>>
      %dma_start3A_41 = tpu.memref_slice %arg3[%mul3A_10] : memref<80000xi32, #tpu.memory_space<hbm>> -> memref<128xi32, #tpu.memory_space<hbm>>
      %dma_start3A_42 = tpu.memref_slice %arg3[%mul3A_10] : memref<80000xi32, #tpu.memory_space<hbm>> -> memref<128xi32, #tpu.memory_space<hbm>>
      tpu.enqueue_dma source(%dma_start3A_42 : memref<128xi32, #tpu.memory_space<hbm>>) target(%arg6 : memref<128xi32, #tpu.memory_space<vmem>>) target_semaphore(%run_scoped3A : memref<!tpu.dma_semaphore, #tpu.memory_space<semaphore_mem>>)
      %dma_wait3A_43 = tpu.memref_slice %arg3[%mul3A_10] : memref<80000xi32, #tpu.memory_space<hbm>> -> memref<128xi32, #tpu.memory_space<hbm>>
      %dma_wait3A_44 = tpu.memref_slice %arg3[%mul3A_10] : memref<80000xi32, #tpu.memory_space<hbm>> -> memref<128xi32, #tpu.memory_space<hbm>>
      tpu.wait_dma2 semaphore(%run_scoped3A : memref<!tpu.dma_semaphore, #tpu.memory_space<semaphore_mem>>) src(%dma_wait3A_44 : memref<128xi32, #tpu.memory_space<hbm>>) dst(%arg6 : memref<128xi32, #tpu.memory_space<vmem>>)
      tpu.yield
    }) : () -> ()
    "tpu.region"() ({
      %run_scoped3A = tpu.sem_alloc : memref<!tpu.dma_semaphore, #tpu.memory_space<semaphore_mem>>
      %dma_start3A_41 = tpu.memref_slice %arg4[%mul3A_10] : memref<80000xi32, #tpu.memory_space<hbm>> -> memref<128xi32, #tpu.memory_space<hbm>>
      %dma_start3A_42 = tpu.memref_slice %arg4[%mul3A_10] : memref<80000xi32, #tpu.memory_space<hbm>> -> memref<128xi32, #tpu.memory_space<hbm>>
      tpu.enqueue_dma source(%dma_start3A_42 : memref<128xi32, #tpu.memory_space<hbm>>) target(%arg7 : memref<128xi32, #tpu.memory_space<vmem>>) target_semaphore(%run_scoped3A : memref<!tpu.dma_semaphore, #tpu.memory_space<semaphore_mem>>)
      %dma_wait3A_43 = tpu.memref_slice %arg4[%mul3A_10] : memref<80000xi32, #tpu.memory_space<hbm>> -> memref<128xi32, #tpu.memory_space<hbm>>
      %dma_wait3A_44 = tpu.memref_slice %arg4[%mul3A_10] : memref<80000xi32, #tpu.memory_space<hbm>> -> memref<128xi32, #tpu.memory_space<hbm>>
      tpu.wait_dma2 semaphore(%run_scoped3A : memref<!tpu.dma_semaphore, #tpu.memory_space<semaphore_mem>>) src(%dma_wait3A_44 : memref<128xi32, #tpu.memory_space<hbm>>) dst(%arg7 : memref<128xi32, #tpu.memory_space<vmem>>)
      tpu.yield
    }) : () -> ()
    %dma_start3A = arith.constant 0 : i32
    %dma_start3A_11 = arith.constant 0 : i32
    %dma_start3A_12 = tpu.memref_slice %arg2[%dma_start3A, %dma_start3A_11] : memref<50000x64xf32, #tpu.memory_space<hbm>> -> memref<50000x64xf32, #tpu.memory_space<hbm>>
    tpu.enqueue_indirect_dma source(%dma_start3A_12 : memref<50000x64xf32, #tpu.memory_space<hbm>>) target(%arg10 : memref<128x64xf32, #tpu.memory_space<vmem>>) offsets(%arg6 : memref<128xi32, #tpu.memory_space<vmem>>) semaphore(%arg14 : memref<!tpu.dma_semaphore, #tpu.memory_space<semaphore_mem>>)
    %dma_start3A_13 = arith.constant 0 : i32
    %dma_start3A_14 = arith.constant 0 : i32
    %dma_start3A_15 = tpu.memref_slice %arg2[%dma_start3A_13, %dma_start3A_14] : memref<50000x64xf32, #tpu.memory_space<hbm>> -> memref<50000x64xf32, #tpu.memory_space<hbm>>
    tpu.enqueue_indirect_dma source(%dma_start3A_15 : memref<50000x64xf32, #tpu.memory_space<hbm>>) target(%arg11 : memref<128x64xf32, #tpu.memory_space<vmem>>) offsets(%arg7 : memref<128xi32, #tpu.memory_space<vmem>>) semaphore(%arg14 : memref<!tpu.dma_semaphore, #tpu.memory_space<semaphore_mem>>)
    %scan3A = arith.constant 0 : i32
    %scan3A_16 = arith.constant 0 : i32
    %scan3A_17 = arith.constant 10 : i32
    %scan3A_18 = arith.addi %scan3A_16, %scan3A_17 : i32
    %scan3A_19 = arith.constant 1 : i32
    %scan3A_20 = scf.for %scan3A_41 = %scan3A_16 to %scan3A_18 step %scan3A_19 iter_args(%scan3A_42 = %scan3A) -> (i32)  : i32 {
      %mul3A_43 = arith.constant 2 : i32
      %mul3A_44 = arith.muli %scan3A_41, %mul3A_43 : i32
      %add3A_45 = arith.constant 1 : i32
      %add3A_46 = arith.addi %mul3A_44, %add3A_45 : i32
      %lt3A_47 = arith.cmpi slt, %add3A_46, %select_n3A : i32
      %convert_element_type3A = arith.extui %lt3A_47 : i1 to i32
      %cond3A = arith.constant 0 : i32
      %cond3A_48 = arith.cmpi ne, %convert_element_type3A, %cond3A : i32
      scf.if %cond3A_48 {
        %ge3A = arith.constant 1 : i32
        %ge3A_73 = arith.cmpi sge, %mul3A_44, %ge3A : i32
        %convert_element_type3A_74 = arith.extui %ge3A_73 : i1 to i32
        %cond3A_75 = arith.constant 0 : i32
        %cond3A_76 = arith.cmpi ne, %convert_element_type3A_74, %cond3A_75 : i32
        scf.if %cond3A_76 {
          %mul3A_82 = arith.constant 128 : i32
          %mul3A_83 = arith.muli %add3A_6, %mul3A_82 : i32
          %dma_wait3A_84 = arith.constant 0 : i32
          %dma_wait3A_85 = tpu.memref_slice %arg5[%mul3A_83, %dma_wait3A_84] : memref<80000x128xf32, #tpu.memory_space<hbm>> -> memref<128x64xf32, #tpu.memory_space<hbm>>
          %dma_wait3A_86 = arith.constant 0 : i32
          %dma_wait3A_87 = tpu.memref_slice %arg5[%mul3A_83, %dma_wait3A_86] : memref<80000x128xf32, #tpu.memory_space<hbm>> -> memref<128x64xf32, #tpu.memory_space<hbm>>
          tpu.wait_dma2 semaphore(%arg17 : memref<!tpu.dma_semaphore, #tpu.memory_space<semaphore_mem>>) src(%arg12 : memref<128x64xf32, #tpu.memory_space<vmem>>) dst(%dma_wait3A_87 : memref<128x64xf32, #tpu.memory_space<hbm>>)
          %dma_wait3A_88 = arith.constant 64 : i32
          %dma_wait3A_89 = tpu.memref_slice %arg5[%mul3A_83, %dma_wait3A_88] : memref<80000x128xf32, #tpu.memory_space<hbm>> -> memref<128x64xf32, #tpu.memory_space<hbm>>
          %dma_wait3A_90 = arith.constant 64 : i32
          %dma_wait3A_91 = tpu.memref_slice %arg5[%mul3A_83, %dma_wait3A_90] : memref<80000x128xf32, #tpu.memory_space<hbm>> -> memref<128x64xf32, #tpu.memory_space<hbm>>
          tpu.wait_dma2 semaphore(%arg17 : memref<!tpu.dma_semaphore, #tpu.memory_space<semaphore_mem>>) src(%arg13 : memref<128x64xf32, #tpu.memory_space<vmem>>) dst(%dma_wait3A_91 : memref<128x64xf32, #tpu.memory_space<hbm>>)
        } else {
        }
        %add3A_77 = arith.constant 1 : i32
        %add3A_78 = arith.addi %mul3A_44, %add3A_77 : i32
        %add3A_79 = arith.addi %add3A_6, %add3A_78 : i32
        %mul3A_80 = arith.constant 128 : i32
        %mul3A_81 = arith.muli %add3A_79, %mul3A_80 : i32
        "tpu.region"() ({
          %run_scoped3A = tpu.sem_alloc : memref<!tpu.dma_semaphore, #tpu.memory_space<semaphore_mem>>
          %dma_start3A_82 = tpu.memref_slice %arg3[%mul3A_81] : memref<80000xi32, #tpu.memory_space<hbm>> -> memref<128xi32, #tpu.memory_space<hbm>>
          %dma_start3A_83 = tpu.memref_slice %arg3[%mul3A_81] : memref<80000xi32, #tpu.memory_space<hbm>> -> memref<128xi32, #tpu.memory_space<hbm>>
          tpu.enqueue_dma source(%dma_start3A_83 : memref<128xi32, #tpu.memory_space<hbm>>) target(%arg8 : memref<128xi32, #tpu.memory_space<vmem>>) target_semaphore(%run_scoped3A : memref<!tpu.dma_semaphore, #tpu.memory_space<semaphore_mem>>)
          %dma_wait3A_84 = tpu.memref_slice %arg3[%mul3A_81] : memref<80000xi32, #tpu.memory_space<hbm>> -> memref<128xi32, #tpu.memory_space<hbm>>
          %dma_wait3A_85 = tpu.memref_slice %arg3[%mul3A_81] : memref<80000xi32, #tpu.memory_space<hbm>> -> memref<128xi32, #tpu.memory_space<hbm>>
          tpu.wait_dma2 semaphore(%run_scoped3A : memref<!tpu.dma_semaphore, #tpu.memory_space<semaphore_mem>>) src(%dma_wait3A_85 : memref<128xi32, #tpu.memory_space<hbm>>) dst(%arg8 : memref<128xi32, #tpu.memory_space<vmem>>)
          tpu.yield
        }) : () -> ()
        "tpu.region"() ({
          %run_scoped3A = tpu.sem_alloc : memref<!tpu.dma_semaphore, #tpu.memory_space<semaphore_mem>>
          %dma_start3A_82 = tpu.memref_slice %arg4[%mul3A_81] : memref<80000xi32, #tpu.memory_space<hbm>> -> memref<128xi32, #tpu.memory_space<hbm>>
          %dma_start3A_83 = tpu.memref_slice %arg4[%mul3A_81] : memref<80000xi32, #tpu.memory_space<hbm>> -> memref<128xi32, #tpu.memory_space<hbm>>
          tpu.enqueue_dma source(%dma_start3A_83 : memref<128xi32, #tpu.memory_space<hbm>>) target(%arg9 : memref<128xi32, #tpu.memory_space<vmem>>) target_semaphore(%run_scoped3A : memref<!tpu.dma_semaphore, #tpu.memory_space<semaphore_mem>>)
          %dma_wait3A_84 = tpu.memref_slice %arg4[%mul3A_81] : memref<80000xi32, #tpu.memory_space<hbm>> -> memref<128xi32, #tpu.memory_space<hbm>>
          %dma_wait3A_85 = tpu.memref_slice %arg4[%mul3A_81] : memref<80000xi32, #tpu.memory_space<hbm>> -> memref<128xi32, #tpu.memory_space<hbm>>
          tpu.wait_dma2 semaphore(%run_scoped3A : memref<!tpu.dma_semaphore, #tpu.memory_space<semaphore_mem>>) src(%dma_wait3A_85 : memref<128xi32, #tpu.memory_space<hbm>>) dst(%arg9 : memref<128xi32, #tpu.memory_space<vmem>>)
          tpu.yield
        }) : () -> ()
      } else {
      }
      %dma_wait3A_49 = arith.constant 0 : i32
      %dma_wait3A_50 = arith.constant 0 : i32
      %dma_wait3A_51 = tpu.memref_slice %arg2[%dma_wait3A_49, %dma_wait3A_50] : memref<50000x64xf32, #tpu.memory_space<hbm>> -> memref<50000x64xf32, #tpu.memory_space<hbm>>
      tpu.wait_indirect_dma semaphore(%arg14 : memref<!tpu.dma_semaphore, #tpu.memory_space<semaphore_mem>>) src(%dma_wait3A_51 : memref<50000x64xf32, #tpu.memory_space<hbm>>) dst(%arg10 : memref<128x64xf32, #tpu.memory_space<vmem>>)
      %dma_wait3A_52 = arith.constant 0 : i32
      %dma_wait3A_53 = arith.constant 0 : i32
      %dma_wait3A_54 = tpu.memref_slice %arg2[%dma_wait3A_52, %dma_wait3A_53] : memref<50000x64xf32, #tpu.memory_space<hbm>> -> memref<50000x64xf32, #tpu.memory_space<hbm>>
      tpu.wait_indirect_dma semaphore(%arg14 : memref<!tpu.dma_semaphore, #tpu.memory_space<semaphore_mem>>) src(%dma_wait3A_54 : memref<50000x64xf32, #tpu.memory_space<hbm>>) dst(%arg11 : memref<128x64xf32, #tpu.memory_space<vmem>>)
      %add3A_55 = arith.addi %add3A_6, %mul3A_44 : i32
      %mul3A_56 = arith.constant 128 : i32
      %mul3A_57 = arith.muli %add3A_55, %mul3A_56 : i32
      %dma_start3A_58 = arith.constant 0 : i32
      %dma_start3A_59 = tpu.memref_slice %arg5[%mul3A_57, %dma_start3A_58] : memref<80000x128xf32, #tpu.memory_space<hbm>> -> memref<128x64xf32, #tpu.memory_space<hbm>>
      %dma_start3A_60 = arith.constant 0 : i32
      %dma_start3A_61 = tpu.memref_slice %arg5[%mul3A_57, %dma_start3A_60] : memref<80000x128xf32, #tpu.memory_space<hbm>> -> memref<128x64xf32, #tpu.memory_space<hbm>>
      tpu.enqueue_dma source(%arg10 : memref<128x64xf32, #tpu.memory_space<vmem>>) target(%dma_start3A_61 : memref<128x64xf32, #tpu.memory_space<hbm>>) target_semaphore(%arg16 : memref<!tpu.dma_semaphore, #tpu.memory_space<semaphore_mem>>)
      %dma_start3A_62 = arith.constant 64 : i32
      %dma_start3A_63 = tpu.memref_slice %arg5[%mul3A_57, %dma_start3A_62] : memref<80000x128xf32, #tpu.memory_space<hbm>> -> memref<128x64xf32, #tpu.memory_space<hbm>>
      %dma_start3A_64 = arith.constant 64 : i32
      %dma_start3A_65 = tpu.memref_slice %arg5[%mul3A_57, %dma_start3A_64] : memref<80000x128xf32, #tpu.memory_space<hbm>> -> memref<128x64xf32, #tpu.memory_space<hbm>>
      tpu.enqueue_dma source(%arg11 : memref<128x64xf32, #tpu.memory_space<vmem>>) target(%dma_start3A_65 : memref<128x64xf32, #tpu.memory_space<hbm>>) target_semaphore(%arg16 : memref<!tpu.dma_semaphore, #tpu.memory_space<semaphore_mem>>)
      %add3A_66 = arith.constant 1 : i32
      %add3A_67 = arith.addi %mul3A_44, %add3A_66 : i32
      %lt3A_68 = arith.cmpi slt, %add3A_67, %select_n3A : i32
      %convert_element_type3A_69 = arith.extui %lt3A_68 : i1 to i32
      %cond3A_70 = arith.constant 0 : i32
      %cond3A_71 = arith.cmpi ne, %convert_element_type3A_69, %cond3A_70 : i32
      scf.if %cond3A_71 {
        %dma_start3A_73 = arith.constant 0 : i32
        %dma_start3A_74 = arith.constant 0 : i32
        %dma_start3A_75 = tpu.memref_slice %arg2[%dma_start3A_73, %dma_start3A_74] : memref<50000x64xf32, #tpu.memory_space<hbm>> -> memref<50000x64xf32, #tpu.memory_space<hbm>>
        tpu.enqueue_indirect_dma source(%dma_start3A_75 : memref<50000x64xf32, #tpu.memory_space<hbm>>) target(%arg12 : memref<128x64xf32, #tpu.memory_space<vmem>>) offsets(%arg8 : memref<128xi32, #tpu.memory_space<vmem>>) semaphore(%arg15 : memref<!tpu.dma_semaphore, #tpu.memory_space<semaphore_mem>>)
        %dma_start3A_76 = arith.constant 0 : i32
        %dma_start3A_77 = arith.constant 0 : i32
        %dma_start3A_78 = tpu.memref_slice %arg2[%dma_start3A_76, %dma_start3A_77] : memref<50000x64xf32, #tpu.memory_space<hbm>> -> memref<50000x64xf32, #tpu.memory_space<hbm>>
        tpu.enqueue_indirect_dma source(%dma_start3A_78 : memref<50000x64xf32, #tpu.memory_space<hbm>>) target(%arg13 : memref<128x64xf32, #tpu.memory_space<vmem>>) offsets(%arg9 : memref<128xi32, #tpu.memory_space<vmem>>) semaphore(%arg15 : memref<!tpu.dma_semaphore, #tpu.memory_space<semaphore_mem>>)
        %add3A_79 = arith.constant 2 : i32
        %add3A_80 = arith.addi %mul3A_44, %add3A_79 : i32
        %lt3A_81 = arith.cmpi slt, %add3A_80, %select_n3A : i32
        %convert_element_type3A_82 = arith.extui %lt3A_81 : i1 to i32
        %cond3A_83 = arith.constant 0 : i32
        %cond3A_84 = arith.cmpi ne, %convert_element_type3A_82, %cond3A_83 : i32
        scf.if %cond3A_84 {
          %mul3A_110 = arith.constant 128 : i32
          %mul3A_111 = arith.muli %add3A_6, %mul3A_110 : i32
          %dma_wait3A_112 = arith.constant 0 : i32
          %dma_wait3A_113 = tpu.memref_slice %arg5[%mul3A_111, %dma_wait3A_112] : memref<80000x128xf32, #tpu.memory_space<hbm>> -> memref<128x64xf32, #tpu.memory_space<hbm>>
          %dma_wait3A_114 = arith.constant 0 : i32
          %dma_wait3A_115 = tpu.memref_slice %arg5[%mul3A_111, %dma_wait3A_114] : memref<80000x128xf32, #tpu.memory_space<hbm>> -> memref<128x64xf32, #tpu.memory_space<hbm>>
          tpu.wait_dma2 semaphore(%arg16 : memref<!tpu.dma_semaphore, #tpu.memory_space<semaphore_mem>>) src(%arg10 : memref<128x64xf32, #tpu.memory_space<vmem>>) dst(%dma_wait3A_115 : memref<128x64xf32, #tpu.memory_space<hbm>>)
          %dma_wait3A_116 = arith.constant 64 : i32
          %dma_wait3A_117 = tpu.memref_slice %arg5[%mul3A_111, %dma_wait3A_116] : memref<80000x128xf32, #tpu.memory_space<hbm>> -> memref<128x64xf32, #tpu.memory_space<hbm>>
          %dma_wait3A_118 = arith.constant 64 : i32
          %dma_wait3A_119 = tpu.memref_slice %arg5[%mul3A_111, %dma_wait3A_118] : memref<80000x128xf32, #tpu.memory_space<hbm>> -> memref<128x64xf32, #tpu.memory_space<hbm>>
          tpu.wait_dma2 semaphore(%arg16 : memref<!tpu.dma_semaphore, #tpu.memory_space<semaphore_mem>>) src(%arg11 : memref<128x64xf32, #tpu.memory_space<vmem>>) dst(%dma_wait3A_119 : memref<128x64xf32, #tpu.memory_space<hbm>>)
          %add3A_120 = arith.constant 2 : i32
          %add3A_121 = arith.addi %mul3A_44, %add3A_120 : i32
          %add3A_122 = arith.addi %add3A_6, %add3A_121 : i32
          %mul3A_123 = arith.constant 128 : i32
          %mul3A_124 = arith.muli %add3A_122, %mul3A_123 : i32
          "tpu.region"() ({
            %run_scoped3A = tpu.sem_alloc : memref<!tpu.dma_semaphore, #tpu.memory_space<semaphore_mem>>
            %dma_start3A_125 = tpu.memref_slice %arg3[%mul3A_124] : memref<80000xi32, #tpu.memory_space<hbm>> -> memref<128xi32, #tpu.memory_space<hbm>>
            %dma_start3A_126 = tpu.memref_slice %arg3[%mul3A_124] : memref<80000xi32, #tpu.memory_space<hbm>> -> memref<128xi32, #tpu.memory_space<hbm>>
            tpu.enqueue_dma source(%dma_start3A_126 : memref<128xi32, #tpu.memory_space<hbm>>) target(%arg6 : memref<128xi32, #tpu.memory_space<vmem>>) target_semaphore(%run_scoped3A : memref<!tpu.dma_semaphore, #tpu.memory_space<semaphore_mem>>)
            %dma_wait3A_127 = tpu.memref_slice %arg3[%mul3A_124] : memref<80000xi32, #tpu.memory_space<hbm>> -> memref<128xi32, #tpu.memory_space<hbm>>
            %dma_wait3A_128 = tpu.memref_slice %arg3[%mul3A_124] : memref<80000xi32, #tpu.memory_space<hbm>> -> memref<128xi32, #tpu.memory_space<hbm>>
            tpu.wait_dma2 semaphore(%run_scoped3A : memref<!tpu.dma_semaphore, #tpu.memory_space<semaphore_mem>>) src(%dma_wait3A_128 : memref<128xi32, #tpu.memory_space<hbm>>) dst(%arg6 : memref<128xi32, #tpu.memory_space<vmem>>)
            tpu.yield
          }) : () -> ()
          "tpu.region"() ({
            %run_scoped3A = tpu.sem_alloc : memref<!tpu.dma_semaphore, #tpu.memory_space<semaphore_mem>>
            %dma_start3A_125 = tpu.memref_slice %arg4[%mul3A_124] : memref<80000xi32, #tpu.memory_space<hbm>> -> memref<128xi32, #tpu.memory_space<hbm>>
            %dma_start3A_126 = tpu.memref_slice %arg4[%mul3A_124] : memref<80000xi32, #tpu.memory_space<hbm>> -> memref<128xi32, #tpu.memory_space<hbm>>
            tpu.enqueue_dma source(%dma_start3A_126 : memref<128xi32, #tpu.memory_space<hbm>>) target(%arg7 : memref<128xi32, #tpu.memory_space<vmem>>) target_semaphore(%run_scoped3A : memref<!tpu.dma_semaphore, #tpu.memory_space<semaphore_mem>>)
            %dma_wait3A_127 = tpu.memref_slice %arg4[%mul3A_124] : memref<80000xi32, #tpu.memory_space<hbm>> -> memref<128xi32, #tpu.memory_space<hbm>>
            %dma_wait3A_128 = tpu.memref_slice %arg4[%mul3A_124] : memref<80000xi32, #tpu.memory_space<hbm>> -> memref<128xi32, #tpu.memory_space<hbm>>
            tpu.wait_dma2 semaphore(%run_scoped3A : memref<!tpu.dma_semaphore, #tpu.memory_space<semaphore_mem>>) src(%dma_wait3A_128 : memref<128xi32, #tpu.memory_space<hbm>>) dst(%arg7 : memref<128xi32, #tpu.memory_space<vmem>>)
            tpu.yield
          }) : () -> ()
        } else {
        }
        %dma_wait3A_85 = arith.constant 0 : i32
        %dma_wait3A_86 = arith.constant 0 : i32
        %dma_wait3A_87 = tpu.memref_slice %arg2[%dma_wait3A_85, %dma_wait3A_86] : memref<50000x64xf32, #tpu.memory_space<hbm>> -> memref<50000x64xf32, #tpu.memory_space<hbm>>
        tpu.wait_indirect_dma semaphore(%arg15 : memref<!tpu.dma_semaphore, #tpu.memory_space<semaphore_mem>>) src(%dma_wait3A_87 : memref<50000x64xf32, #tpu.memory_space<hbm>>) dst(%arg12 : memref<128x64xf32, #tpu.memory_space<vmem>>)
        %dma_wait3A_88 = arith.constant 0 : i32
        %dma_wait3A_89 = arith.constant 0 : i32
        %dma_wait3A_90 = tpu.memref_slice %arg2[%dma_wait3A_88, %dma_wait3A_89] : memref<50000x64xf32, #tpu.memory_space<hbm>> -> memref<50000x64xf32, #tpu.memory_space<hbm>>
        tpu.wait_indirect_dma semaphore(%arg15 : memref<!tpu.dma_semaphore, #tpu.memory_space<semaphore_mem>>) src(%dma_wait3A_90 : memref<50000x64xf32, #tpu.memory_space<hbm>>) dst(%arg13 : memref<128x64xf32, #tpu.memory_space<vmem>>)
        %add3A_91 = arith.constant 1 : i32
        %add3A_92 = arith.addi %mul3A_44, %add3A_91 : i32
        %add3A_93 = arith.addi %add3A_6, %add3A_92 : i32
        %mul3A_94 = arith.constant 128 : i32
        %mul3A_95 = arith.muli %add3A_93, %mul3A_94 : i32
        %dma_start3A_96 = arith.constant 0 : i32
        %dma_start3A_97 = tpu.memref_slice %arg5[%mul3A_95, %dma_start3A_96] : memref<80000x128xf32, #tpu.memory_space<hbm>> -> memref<128x64xf32, #tpu.memory_space<hbm>>
        %dma_start3A_98 = arith.constant 0 : i32
        %dma_start3A_99 = tpu.memref_slice %arg5[%mul3A_95, %dma_start3A_98] : memref<80000x128xf32, #tpu.memory_space<hbm>> -> memref<128x64xf32, #tpu.memory_space<hbm>>
        tpu.enqueue_dma source(%arg12 : memref<128x64xf32, #tpu.memory_space<vmem>>) target(%dma_start3A_99 : memref<128x64xf32, #tpu.memory_space<hbm>>) target_semaphore(%arg17 : memref<!tpu.dma_semaphore, #tpu.memory_space<semaphore_mem>>)
        %dma_start3A_100 = arith.constant 64 : i32
        %dma_start3A_101 = tpu.memref_slice %arg5[%mul3A_95, %dma_start3A_100] : memref<80000x128xf32, #tpu.memory_space<hbm>> -> memref<128x64xf32, #tpu.memory_space<hbm>>
        %dma_start3A_102 = arith.constant 64 : i32
        %dma_start3A_103 = tpu.memref_slice %arg5[%mul3A_95, %dma_start3A_102] : memref<80000x128xf32, #tpu.memory_space<hbm>> -> memref<128x64xf32, #tpu.memory_space<hbm>>
        tpu.enqueue_dma source(%arg13 : memref<128x64xf32, #tpu.memory_space<vmem>>) target(%dma_start3A_103 : memref<128x64xf32, #tpu.memory_space<hbm>>) target_semaphore(%arg17 : memref<!tpu.dma_semaphore, #tpu.memory_space<semaphore_mem>>)
        %add3A_104 = arith.constant 2 : i32
        %add3A_105 = arith.addi %mul3A_44, %add3A_104 : i32
        %lt3A_106 = arith.cmpi slt, %add3A_105, %select_n3A : i32
        %convert_element_type3A_107 = arith.extui %lt3A_106 : i1 to i32
        %cond3A_108 = arith.constant 0 : i32
        %cond3A_109 = arith.cmpi ne, %convert_element_type3A_107, %cond3A_108 : i32
        scf.if %cond3A_109 {
          %dma_start3A_110 = arith.constant 0 : i32
          %dma_start3A_111 = arith.constant 0 : i32
          %dma_start3A_112 = tpu.memref_slice %arg2[%dma_start3A_110, %dma_start3A_111] : memref<50000x64xf32, #tpu.memory_space<hbm>> -> memref<50000x64xf32, #tpu.memory_space<hbm>>
          tpu.enqueue_indirect_dma source(%dma_start3A_112 : memref<50000x64xf32, #tpu.memory_space<hbm>>) target(%arg10 : memref<128x64xf32, #tpu.memory_space<vmem>>) offsets(%arg6 : memref<128xi32, #tpu.memory_space<vmem>>) semaphore(%arg14 : memref<!tpu.dma_semaphore, #tpu.memory_space<semaphore_mem>>)
          %dma_start3A_113 = arith.constant 0 : i32
          %dma_start3A_114 = arith.constant 0 : i32
          %dma_start3A_115 = tpu.memref_slice %arg2[%dma_start3A_113, %dma_start3A_114] : memref<50000x64xf32, #tpu.memory_space<hbm>> -> memref<50000x64xf32, #tpu.memory_space<hbm>>
          tpu.enqueue_indirect_dma source(%dma_start3A_115 : memref<50000x64xf32, #tpu.memory_space<hbm>>) target(%arg11 : memref<128x64xf32, #tpu.memory_space<vmem>>) offsets(%arg7 : memref<128xi32, #tpu.memory_space<vmem>>) semaphore(%arg14 : memref<!tpu.dma_semaphore, #tpu.memory_space<semaphore_mem>>)
        } else {
        }
      } else {
      }
      %scan3A_72 = arith.constant 0 : i32
      scf.yield %scan3A_72 : i32
    }
    %scan3A_21 = arith.constant 10 : i32
    %mul3A_22 = arith.constant 128 : i32
    %mul3A_23 = arith.muli %add3A_6, %mul3A_22 : i32
    %dma_wait3A = arith.constant 0 : i32
    %dma_wait3A_24 = tpu.memref_slice %arg5[%mul3A_23, %dma_wait3A] : memref<80000x128xf32, #tpu.memory_space<hbm>> -> memref<128x64xf32, #tpu.memory_space<hbm>>
    %dma_wait3A_25 = arith.constant 0 : i32
    %dma_wait3A_26 = tpu.memref_slice %arg5[%mul3A_23, %dma_wait3A_25] : memref<80000x128xf32, #tpu.memory_space<hbm>> -> memref<128x64xf32, #tpu.memory_space<hbm>>
    tpu.wait_dma2 semaphore(%arg16 : memref<!tpu.dma_semaphore, #tpu.memory_space<semaphore_mem>>) src(%arg10 : memref<128x64xf32, #tpu.memory_space<vmem>>) dst(%dma_wait3A_26 : memref<128x64xf32, #tpu.memory_space<hbm>>)
    %dma_wait3A_27 = arith.constant 64 : i32
    %dma_wait3A_28 = tpu.memref_slice %arg5[%mul3A_23, %dma_wait3A_27] : memref<80000x128xf32, #tpu.memory_space<hbm>> -> memref<128x64xf32, #tpu.memory_space<hbm>>
    %dma_wait3A_29 = arith.constant 64 : i32
    %dma_wait3A_30 = tpu.memref_slice %arg5[%mul3A_23, %dma_wait3A_29] : memref<80000x128xf32, #tpu.memory_space<hbm>> -> memref<128x64xf32, #tpu.memory_space<hbm>>
    tpu.wait_dma2 semaphore(%arg16 : memref<!tpu.dma_semaphore, #tpu.memory_space<semaphore_mem>>) src(%arg11 : memref<128x64xf32, #tpu.memory_space<vmem>>) dst(%dma_wait3A_30 : memref<128x64xf32, #tpu.memory_space<hbm>>)
    %mul3A_31 = arith.constant 128 : i32
    %mul3A_32 = arith.muli %add3A_6, %mul3A_31 : i32
    %dma_wait3A_33 = arith.constant 0 : i32
    %dma_wait3A_34 = tpu.memref_slice %arg5[%mul3A_32, %dma_wait3A_33] : memref<80000x128xf32, #tpu.memory_space<hbm>> -> memref<128x64xf32, #tpu.memory_space<hbm>>
    %dma_wait3A_35 = arith.constant 0 : i32
    %dma_wait3A_36 = tpu.memref_slice %arg5[%mul3A_32, %dma_wait3A_35] : memref<80000x128xf32, #tpu.memory_space<hbm>> -> memref<128x64xf32, #tpu.memory_space<hbm>>
    tpu.wait_dma2 semaphore(%arg17 : memref<!tpu.dma_semaphore, #tpu.memory_space<semaphore_mem>>) src(%arg12 : memref<128x64xf32, #tpu.memory_space<vmem>>) dst(%dma_wait3A_36 : memref<128x64xf32, #tpu.memory_space<hbm>>)
    %dma_wait3A_37 = arith.constant 64 : i32
    %dma_wait3A_38 = tpu.memref_slice %arg5[%mul3A_32, %dma_wait3A_37] : memref<80000x128xf32, #tpu.memory_space<hbm>> -> memref<128x64xf32, #tpu.memory_space<hbm>>
    %dma_wait3A_39 = arith.constant 64 : i32
    %dma_wait3A_40 = tpu.memref_slice %arg5[%mul3A_32, %dma_wait3A_39] : memref<80000x128xf32, #tpu.memory_space<hbm>> -> memref<128x64xf32, #tpu.memory_space<hbm>>
    tpu.wait_dma2 semaphore(%arg17 : memref<!tpu.dma_semaphore, #tpu.memory_space<semaphore_mem>>) src(%arg13 : memref<128x64xf32, #tpu.memory_space<vmem>>) dst(%dma_wait3A_40 : memref<128x64xf32, #tpu.memory_space<hbm>>)
    return
  }
}

#map = affine_map<(d0, d1) -> (0, 0)>
#map1 = affine_map<(d0, d1) -> (0)>
module attributes {stable_mosaic.version = 14 : i64} {
  func.func @k(%arg0: i32, %arg1: i32, %arg2: memref<50000x64xf32, #tpu.memory_space<hbm>>, %arg3: memref<80000xi32, #tpu.memory_space<hbm>>, %arg4: memref<80000xi32, #tpu.memory_space<hbm>>, %arg5: memref<80000xi32, #tpu.memory_space<hbm>>, %arg6: memref<80000x128xf32, #tpu.memory_space<hbm>>, %arg7: memref<128xi32, #tpu.memory_space<vmem>>, %arg8: memref<128xi32, #tpu.memory_space<vmem>>, %arg9: memref<128xi32, #tpu.memory_space<vmem>>, %arg10: memref<128xi32, #tpu.memory_space<vmem>>, %arg11: memref<128xi32, #tpu.memory_space<vmem>>, %arg12: memref<128xi32, #tpu.memory_space<vmem>>, %arg13: memref<128x64xf32, #tpu.memory_space<vmem>>, %arg14: memref<128x64xf32, #tpu.memory_space<vmem>>, %arg15: memref<128x64xf32, #tpu.memory_space<vmem>>, %arg16: memref<128x64xf32, #tpu.memory_space<vmem>>, %arg17: memref<128x64xf32, #tpu.memory_space<vmem>>, %arg18: memref<128x64xf32, #tpu.memory_space<vmem>>, %arg19: memref<!tpu.dma_semaphore, #tpu.memory_space<semaphore_mem>>, %arg20: memref<!tpu.dma_semaphore, #tpu.memory_space<semaphore_mem>>, %arg21: memref<!tpu.dma_semaphore, #tpu.memory_space<semaphore_mem>>, %arg22: memref<!tpu.dma_semaphore, #tpu.memory_space<semaphore_mem>>) attributes {dimension_semantics = [#tpu.dimension_semantics<core_parallel>, #tpu.dimension_semantics<subcore_parallel>], iteration_bounds = array<i64: 2, 16>, scalar_prefetch = 0 : i64, scratch_operands = 16 : i64, tpu.core_type = #tpu.core_type<sc_vector_subcore>, window_params = [{transform_indices = #map}, {transform_indices = #map1}, {transform_indices = #map1}, {transform_indices = #map1}, {transform_indices = #map}]} {
    %mul3A = arith.constant 2 : i32
    %mul3A_0 = arith.muli %arg1, %mul3A : i32
    %add3A = arith.addi %mul3A_0, %arg0 : i32
    %lt3A = arith.constant 17 : i32
    %lt3A_1 = arith.cmpi slt, %add3A, %lt3A : i32
    %jit3A = arith.constant 20 : i32
    %jit3A_2 = arith.constant 19 : i32
    %select_n3A = arith.select %lt3A_1, %jit3A, %jit3A_2 : i32
    %mul3A_3 = arith.constant 19 : i32
    %mul3A_4 = arith.muli %mul3A_3, %add3A : i32
    %min3A = arith.constant 17 : i32
    %min3A_5 = arith.minsi %add3A, %min3A : i32
    %add3A_6 = arith.addi %mul3A_4, %min3A_5 : i32
    %add3A_7 = arith.constant 0 : i32
    %add3A_8 = arith.addi %add3A_6, %add3A_7 : i32
    %mul3A_9 = arith.constant 128 : i32
    %mul3A_10 = arith.muli %add3A_8, %mul3A_9 : i32
    "tpu.region"() ({
      %run_scoped3A = tpu.sem_alloc : memref<!tpu.dma_semaphore, #tpu.memory_space<semaphore_mem>>
      %dma_start3A_44 = tpu.memref_slice %arg3[%mul3A_10] : memref<80000xi32, #tpu.memory_space<hbm>> -> memref<128xi32, #tpu.memory_space<hbm>>
      %dma_start3A_45 = tpu.memref_slice %arg3[%mul3A_10] : memref<80000xi32, #tpu.memory_space<hbm>> -> memref<128xi32, #tpu.memory_space<hbm>>
      tpu.enqueue_dma source(%dma_start3A_45 : memref<128xi32, #tpu.memory_space<hbm>>) target(%arg7 : memref<128xi32, #tpu.memory_space<vmem>>) target_semaphore(%run_scoped3A : memref<!tpu.dma_semaphore, #tpu.memory_space<semaphore_mem>>)
      %dma_wait3A_46 = tpu.memref_slice %arg3[%mul3A_10] : memref<80000xi32, #tpu.memory_space<hbm>> -> memref<128xi32, #tpu.memory_space<hbm>>
      %dma_wait3A_47 = tpu.memref_slice %arg3[%mul3A_10] : memref<80000xi32, #tpu.memory_space<hbm>> -> memref<128xi32, #tpu.memory_space<hbm>>
      tpu.wait_dma2 semaphore(%run_scoped3A : memref<!tpu.dma_semaphore, #tpu.memory_space<semaphore_mem>>) src(%dma_wait3A_47 : memref<128xi32, #tpu.memory_space<hbm>>) dst(%arg7 : memref<128xi32, #tpu.memory_space<vmem>>)
      tpu.yield
    }) : () -> ()
    "tpu.region"() ({
      %run_scoped3A = tpu.sem_alloc : memref<!tpu.dma_semaphore, #tpu.memory_space<semaphore_mem>>
      %dma_start3A_44 = tpu.memref_slice %arg4[%mul3A_10] : memref<80000xi32, #tpu.memory_space<hbm>> -> memref<128xi32, #tpu.memory_space<hbm>>
      %dma_start3A_45 = tpu.memref_slice %arg4[%mul3A_10] : memref<80000xi32, #tpu.memory_space<hbm>> -> memref<128xi32, #tpu.memory_space<hbm>>
      tpu.enqueue_dma source(%dma_start3A_45 : memref<128xi32, #tpu.memory_space<hbm>>) target(%arg8 : memref<128xi32, #tpu.memory_space<vmem>>) target_semaphore(%run_scoped3A : memref<!tpu.dma_semaphore, #tpu.memory_space<semaphore_mem>>)
      %dma_wait3A_46 = tpu.memref_slice %arg4[%mul3A_10] : memref<80000xi32, #tpu.memory_space<hbm>> -> memref<128xi32, #tpu.memory_space<hbm>>
      %dma_wait3A_47 = tpu.memref_slice %arg4[%mul3A_10] : memref<80000xi32, #tpu.memory_space<hbm>> -> memref<128xi32, #tpu.memory_space<hbm>>
      tpu.wait_dma2 semaphore(%run_scoped3A : memref<!tpu.dma_semaphore, #tpu.memory_space<semaphore_mem>>) src(%dma_wait3A_47 : memref<128xi32, #tpu.memory_space<hbm>>) dst(%arg8 : memref<128xi32, #tpu.memory_space<vmem>>)
      tpu.yield
    }) : () -> ()
    "tpu.region"() ({
      %run_scoped3A = tpu.sem_alloc : memref<!tpu.dma_semaphore, #tpu.memory_space<semaphore_mem>>
      %dma_start3A_44 = tpu.memref_slice %arg5[%mul3A_10] : memref<80000xi32, #tpu.memory_space<hbm>> -> memref<128xi32, #tpu.memory_space<hbm>>
      %dma_start3A_45 = tpu.memref_slice %arg5[%mul3A_10] : memref<80000xi32, #tpu.memory_space<hbm>> -> memref<128xi32, #tpu.memory_space<hbm>>
      tpu.enqueue_dma source(%dma_start3A_45 : memref<128xi32, #tpu.memory_space<hbm>>) target(%arg9 : memref<128xi32, #tpu.memory_space<vmem>>) target_semaphore(%run_scoped3A : memref<!tpu.dma_semaphore, #tpu.memory_space<semaphore_mem>>)
      %dma_wait3A_46 = tpu.memref_slice %arg5[%mul3A_10] : memref<80000xi32, #tpu.memory_space<hbm>> -> memref<128xi32, #tpu.memory_space<hbm>>
      %dma_wait3A_47 = tpu.memref_slice %arg5[%mul3A_10] : memref<80000xi32, #tpu.memory_space<hbm>> -> memref<128xi32, #tpu.memory_space<hbm>>
      tpu.wait_dma2 semaphore(%run_scoped3A : memref<!tpu.dma_semaphore, #tpu.memory_space<semaphore_mem>>) src(%dma_wait3A_47 : memref<128xi32, #tpu.memory_space<hbm>>) dst(%arg9 : memref<128xi32, #tpu.memory_space<vmem>>)
      tpu.yield
    }) : () -> ()
    %dma_start3A = arith.constant 0 : i32
    %dma_start3A_11 = arith.constant 0 : i32
    %dma_start3A_12 = tpu.memref_slice %arg2[%dma_start3A, %dma_start3A_11] : memref<50000x64xf32, #tpu.memory_space<hbm>> -> memref<50000x64xf32, #tpu.memory_space<hbm>>
    tpu.enqueue_indirect_dma source(%dma_start3A_12 : memref<50000x64xf32, #tpu.memory_space<hbm>>) target(%arg13 : memref<128x64xf32, #tpu.memory_space<vmem>>) offsets(%arg7 : memref<128xi32, #tpu.memory_space<vmem>>) semaphore(%arg19 : memref<!tpu.dma_semaphore, #tpu.memory_space<semaphore_mem>>)
    %dma_start3A_13 = arith.constant 0 : i32
    %dma_start3A_14 = arith.constant 0 : i32
    %dma_start3A_15 = tpu.memref_slice %arg2[%dma_start3A_13, %dma_start3A_14] : memref<50000x64xf32, #tpu.memory_space<hbm>> -> memref<50000x64xf32, #tpu.memory_space<hbm>>
    tpu.enqueue_indirect_dma source(%dma_start3A_15 : memref<50000x64xf32, #tpu.memory_space<hbm>>) target(%arg14 : memref<128x64xf32, #tpu.memory_space<vmem>>) offsets(%arg8 : memref<128xi32, #tpu.memory_space<vmem>>) semaphore(%arg19 : memref<!tpu.dma_semaphore, #tpu.memory_space<semaphore_mem>>)
    %dma_start3A_16 = arith.constant 0 : i32
    %dma_start3A_17 = arith.constant 0 : i32
    %dma_start3A_18 = tpu.memref_slice %arg2[%dma_start3A_16, %dma_start3A_17] : memref<50000x64xf32, #tpu.memory_space<hbm>> -> memref<50000x64xf32, #tpu.memory_space<hbm>>
    tpu.enqueue_indirect_dma source(%dma_start3A_18 : memref<50000x64xf32, #tpu.memory_space<hbm>>) target(%arg15 : memref<128x64xf32, #tpu.memory_space<vmem>>) offsets(%arg9 : memref<128xi32, #tpu.memory_space<vmem>>) semaphore(%arg19 : memref<!tpu.dma_semaphore, #tpu.memory_space<semaphore_mem>>)
    %scan3A = arith.constant 0 : i32
    %scan3A_19 = arith.constant 0 : i32
    %scan3A_20 = arith.constant 10 : i32
    %scan3A_21 = arith.addi %scan3A_19, %scan3A_20 : i32
    %scan3A_22 = arith.constant 1 : i32
    %scan3A_23 = scf.for %scan3A_44 = %scan3A_19 to %scan3A_21 step %scan3A_22 iter_args(%scan3A_45 = %scan3A) -> (i32)  : i32 {
      %mul3A_46 = arith.constant 2 : i32
      %mul3A_47 = arith.muli %scan3A_44, %mul3A_46 : i32
      %add3A_48 = arith.constant 1 : i32
      %add3A_49 = arith.addi %mul3A_47, %add3A_48 : i32
      %lt3A_50 = arith.cmpi slt, %add3A_49, %select_n3A : i32
      %convert_element_type3A = arith.extui %lt3A_50 : i1 to i32
      %cond3A = arith.constant 0 : i32
      %cond3A_51 = arith.cmpi ne, %convert_element_type3A, %cond3A : i32
      scf.if %cond3A_51 {
        %ge3A = arith.constant 1 : i32
        %ge3A_91 = arith.cmpi sge, %mul3A_47, %ge3A : i32
        %convert_element_type3A_92 = arith.extui %ge3A_91 : i1 to i32
        %cond3A_93 = arith.constant 0 : i32
        %cond3A_94 = arith.cmpi ne, %convert_element_type3A_92, %cond3A_93 : i32
        scf.if %cond3A_94 {
          %mul3A_100 = arith.constant 128 : i32
          %mul3A_101 = arith.muli %add3A_6, %mul3A_100 : i32
          %dma_wait3A_102 = arith.constant 0 : i32
          %dma_wait3A_103 = tpu.memref_slice %arg6[%mul3A_101, %dma_wait3A_102] : memref<80000x128xf32, #tpu.memory_space<hbm>> -> memref<128x64xf32, #tpu.memory_space<hbm>>
          %dma_wait3A_104 = arith.constant 0 : i32
          %dma_wait3A_105 = tpu.memref_slice %arg6[%mul3A_101, %dma_wait3A_104] : memref<80000x128xf32, #tpu.memory_space<hbm>> -> memref<128x64xf32, #tpu.memory_space<hbm>>
          tpu.wait_dma2 semaphore(%arg22 : memref<!tpu.dma_semaphore, #tpu.memory_space<semaphore_mem>>) src(%arg16 : memref<128x64xf32, #tpu.memory_space<vmem>>) dst(%dma_wait3A_105 : memref<128x64xf32, #tpu.memory_space<hbm>>)
          %dma_wait3A_106 = arith.constant 64 : i32
          %dma_wait3A_107 = tpu.memref_slice %arg6[%mul3A_101, %dma_wait3A_106] : memref<80000x128xf32, #tpu.memory_space<hbm>> -> memref<128x64xf32, #tpu.memory_space<hbm>>
          %dma_wait3A_108 = arith.constant 64 : i32
          %dma_wait3A_109 = tpu.memref_slice %arg6[%mul3A_101, %dma_wait3A_108] : memref<80000x128xf32, #tpu.memory_space<hbm>> -> memref<128x64xf32, #tpu.memory_space<hbm>>
          tpu.wait_dma2 semaphore(%arg22 : memref<!tpu.dma_semaphore, #tpu.memory_space<semaphore_mem>>) src(%arg18 : memref<128x64xf32, #tpu.memory_space<vmem>>) dst(%dma_wait3A_109 : memref<128x64xf32, #tpu.memory_space<hbm>>)
        } else {
        }
        %add3A_95 = arith.constant 1 : i32
        %add3A_96 = arith.addi %mul3A_47, %add3A_95 : i32
        %add3A_97 = arith.addi %add3A_6, %add3A_96 : i32
        %mul3A_98 = arith.constant 128 : i32
        %mul3A_99 = arith.muli %add3A_97, %mul3A_98 : i32
        "tpu.region"() ({
          %run_scoped3A = tpu.sem_alloc : memref<!tpu.dma_semaphore, #tpu.memory_space<semaphore_mem>>
          %dma_start3A_100 = tpu.memref_slice %arg3[%mul3A_99] : memref<80000xi32, #tpu.memory_space<hbm>> -> memref<128xi32, #tpu.memory_space<hbm>>
          %dma_start3A_101 = tpu.memref_slice %arg3[%mul3A_99] : memref<80000xi32, #tpu.memory_space<hbm>> -> memref<128xi32, #tpu.memory_space<hbm>>
          tpu.enqueue_dma source(%dma_start3A_101 : memref<128xi32, #tpu.memory_space<hbm>>) target(%arg10 : memref<128xi32, #tpu.memory_space<vmem>>) target_semaphore(%run_scoped3A : memref<!tpu.dma_semaphore, #tpu.memory_space<semaphore_mem>>)
          %dma_wait3A_102 = tpu.memref_slice %arg3[%mul3A_99] : memref<80000xi32, #tpu.memory_space<hbm>> -> memref<128xi32, #tpu.memory_space<hbm>>
          %dma_wait3A_103 = tpu.memref_slice %arg3[%mul3A_99] : memref<80000xi32, #tpu.memory_space<hbm>> -> memref<128xi32, #tpu.memory_space<hbm>>
          tpu.wait_dma2 semaphore(%run_scoped3A : memref<!tpu.dma_semaphore, #tpu.memory_space<semaphore_mem>>) src(%dma_wait3A_103 : memref<128xi32, #tpu.memory_space<hbm>>) dst(%arg10 : memref<128xi32, #tpu.memory_space<vmem>>)
          tpu.yield
        }) : () -> ()
        "tpu.region"() ({
          %run_scoped3A = tpu.sem_alloc : memref<!tpu.dma_semaphore, #tpu.memory_space<semaphore_mem>>
          %dma_start3A_100 = tpu.memref_slice %arg4[%mul3A_99] : memref<80000xi32, #tpu.memory_space<hbm>> -> memref<128xi32, #tpu.memory_space<hbm>>
          %dma_start3A_101 = tpu.memref_slice %arg4[%mul3A_99] : memref<80000xi32, #tpu.memory_space<hbm>> -> memref<128xi32, #tpu.memory_space<hbm>>
          tpu.enqueue_dma source(%dma_start3A_101 : memref<128xi32, #tpu.memory_space<hbm>>) target(%arg11 : memref<128xi32, #tpu.memory_space<vmem>>) target_semaphore(%run_scoped3A : memref<!tpu.dma_semaphore, #tpu.memory_space<semaphore_mem>>)
          %dma_wait3A_102 = tpu.memref_slice %arg4[%mul3A_99] : memref<80000xi32, #tpu.memory_space<hbm>> -> memref<128xi32, #tpu.memory_space<hbm>>
          %dma_wait3A_103 = tpu.memref_slice %arg4[%mul3A_99] : memref<80000xi32, #tpu.memory_space<hbm>> -> memref<128xi32, #tpu.memory_space<hbm>>
          tpu.wait_dma2 semaphore(%run_scoped3A : memref<!tpu.dma_semaphore, #tpu.memory_space<semaphore_mem>>) src(%dma_wait3A_103 : memref<128xi32, #tpu.memory_space<hbm>>) dst(%arg11 : memref<128xi32, #tpu.memory_space<vmem>>)
          tpu.yield
        }) : () -> ()
        "tpu.region"() ({
          %run_scoped3A = tpu.sem_alloc : memref<!tpu.dma_semaphore, #tpu.memory_space<semaphore_mem>>
          %dma_start3A_100 = tpu.memref_slice %arg5[%mul3A_99] : memref<80000xi32, #tpu.memory_space<hbm>> -> memref<128xi32, #tpu.memory_space<hbm>>
          %dma_start3A_101 = tpu.memref_slice %arg5[%mul3A_99] : memref<80000xi32, #tpu.memory_space<hbm>> -> memref<128xi32, #tpu.memory_space<hbm>>
          tpu.enqueue_dma source(%dma_start3A_101 : memref<128xi32, #tpu.memory_space<hbm>>) target(%arg12 : memref<128xi32, #tpu.memory_space<vmem>>) target_semaphore(%run_scoped3A : memref<!tpu.dma_semaphore, #tpu.memory_space<semaphore_mem>>)
          %dma_wait3A_102 = tpu.memref_slice %arg5[%mul3A_99] : memref<80000xi32, #tpu.memory_space<hbm>> -> memref<128xi32, #tpu.memory_space<hbm>>
          %dma_wait3A_103 = tpu.memref_slice %arg5[%mul3A_99] : memref<80000xi32, #tpu.memory_space<hbm>> -> memref<128xi32, #tpu.memory_space<hbm>>
          tpu.wait_dma2 semaphore(%run_scoped3A : memref<!tpu.dma_semaphore, #tpu.memory_space<semaphore_mem>>) src(%dma_wait3A_103 : memref<128xi32, #tpu.memory_space<hbm>>) dst(%arg12 : memref<128xi32, #tpu.memory_space<vmem>>)
          tpu.yield
        }) : () -> ()
      } else {
      }
      %dma_wait3A_52 = arith.constant 0 : i32
      %dma_wait3A_53 = arith.constant 0 : i32
      %dma_wait3A_54 = tpu.memref_slice %arg2[%dma_wait3A_52, %dma_wait3A_53] : memref<50000x64xf32, #tpu.memory_space<hbm>> -> memref<50000x64xf32, #tpu.memory_space<hbm>>
      tpu.wait_indirect_dma semaphore(%arg19 : memref<!tpu.dma_semaphore, #tpu.memory_space<semaphore_mem>>) src(%dma_wait3A_54 : memref<50000x64xf32, #tpu.memory_space<hbm>>) dst(%arg13 : memref<128x64xf32, #tpu.memory_space<vmem>>)
      %dma_wait3A_55 = arith.constant 0 : i32
      %dma_wait3A_56 = arith.constant 0 : i32
      %dma_wait3A_57 = tpu.memref_slice %arg2[%dma_wait3A_55, %dma_wait3A_56] : memref<50000x64xf32, #tpu.memory_space<hbm>> -> memref<50000x64xf32, #tpu.memory_space<hbm>>
      tpu.wait_indirect_dma semaphore(%arg19 : memref<!tpu.dma_semaphore, #tpu.memory_space<semaphore_mem>>) src(%dma_wait3A_57 : memref<50000x64xf32, #tpu.memory_space<hbm>>) dst(%arg14 : memref<128x64xf32, #tpu.memory_space<vmem>>)
      %dma_wait3A_58 = arith.constant 0 : i32
      %dma_wait3A_59 = arith.constant 0 : i32
      %dma_wait3A_60 = tpu.memref_slice %arg2[%dma_wait3A_58, %dma_wait3A_59] : memref<50000x64xf32, #tpu.memory_space<hbm>> -> memref<50000x64xf32, #tpu.memory_space<hbm>>
      tpu.wait_indirect_dma semaphore(%arg19 : memref<!tpu.dma_semaphore, #tpu.memory_space<semaphore_mem>>) src(%dma_wait3A_60 : memref<50000x64xf32, #tpu.memory_space<hbm>>) dst(%arg15 : memref<128x64xf32, #tpu.memory_space<vmem>>)
      %add3A_61 = arith.constant 1 : i32
      %add3A_62 = arith.addi %mul3A_47, %add3A_61 : i32
      %lt3A_63 = arith.cmpi slt, %add3A_62, %select_n3A : i32
      %convert_element_type3A_64 = arith.extui %lt3A_63 : i1 to i32
      %cond3A_65 = arith.constant 0 : i32
      %cond3A_66 = arith.cmpi ne, %convert_element_type3A_64, %cond3A_65 : i32
      scf.if %cond3A_66 {
        %dma_start3A_91 = arith.constant 0 : i32
        %dma_start3A_92 = arith.constant 0 : i32
        %dma_start3A_93 = tpu.memref_slice %arg2[%dma_start3A_91, %dma_start3A_92] : memref<50000x64xf32, #tpu.memory_space<hbm>> -> memref<50000x64xf32, #tpu.memory_space<hbm>>
        tpu.enqueue_indirect_dma source(%dma_start3A_93 : memref<50000x64xf32, #tpu.memory_space<hbm>>) target(%arg16 : memref<128x64xf32, #tpu.memory_space<vmem>>) offsets(%arg10 : memref<128xi32, #tpu.memory_space<vmem>>) semaphore(%arg20 : memref<!tpu.dma_semaphore, #tpu.memory_space<semaphore_mem>>)
        %dma_start3A_94 = arith.constant 0 : i32
        %dma_start3A_95 = arith.constant 0 : i32
        %dma_start3A_96 = tpu.memref_slice %arg2[%dma_start3A_94, %dma_start3A_95] : memref<50000x64xf32, #tpu.memory_space<hbm>> -> memref<50000x64xf32, #tpu.memory_space<hbm>>
        tpu.enqueue_indirect_dma source(%dma_start3A_96 : memref<50000x64xf32, #tpu.memory_space<hbm>>) target(%arg17 : memref<128x64xf32, #tpu.memory_space<vmem>>) offsets(%arg11 : memref<128xi32, #tpu.memory_space<vmem>>) semaphore(%arg20 : memref<!tpu.dma_semaphore, #tpu.memory_space<semaphore_mem>>)
        %dma_start3A_97 = arith.constant 0 : i32
        %dma_start3A_98 = arith.constant 0 : i32
        %dma_start3A_99 = tpu.memref_slice %arg2[%dma_start3A_97, %dma_start3A_98] : memref<50000x64xf32, #tpu.memory_space<hbm>> -> memref<50000x64xf32, #tpu.memory_space<hbm>>
        tpu.enqueue_indirect_dma source(%dma_start3A_99 : memref<50000x64xf32, #tpu.memory_space<hbm>>) target(%arg18 : memref<128x64xf32, #tpu.memory_space<vmem>>) offsets(%arg12 : memref<128xi32, #tpu.memory_space<vmem>>) semaphore(%arg20 : memref<!tpu.dma_semaphore, #tpu.memory_space<semaphore_mem>>)
      } else {
      }
      %scan3A_67 = arith.constant 0 : i32
      %scan3A_68 = arith.constant 0 : i32
      %scan3A_69 = arith.constant 128 : i32
      %scan3A_70 = arith.addi %scan3A_68, %scan3A_69 : i32
      %scan3A_71 = arith.constant 1 : i32
      scf.for %scan3A_91 = %scan3A_68 to %scan3A_70 step %scan3A_71  : i32 {
        %get3A = arith.index_cast %scan3A_91 : i32 to index
        %get3A_92 = arith.constant 0 : index
        %get3A_93 = tpu.vector_load %arg13[%get3A, %get3A_92] {strides = array<i32>} : memref<128x64xf32, #tpu.memory_space<vmem>>, vector<1x16xf32>,
        %get3A_94 = vector.shape_cast %get3A_93 : vector<1x16xf32> to vector<16xf32>
        %get3A_95 = arith.index_cast %scan3A_91 : i32 to index
        %get3A_96 = arith.constant 0 : index
        %get3A_97 = tpu.vector_load %arg14[%get3A_95, %get3A_96] {strides = array<i32>} : memref<128x64xf32, #tpu.memory_space<vmem>>, vector<1x16xf32>,
        %get3A_98 = vector.shape_cast %get3A_97 : vector<1x16xf32> to vector<16xf32>
        %add3A_99 = arith.addf %get3A_94, %get3A_98 : vector<16xf32>
        %swap3A = arith.index_cast %scan3A_91 : i32 to index
        %swap3A_100 = arith.constant 0 : index
        %swap3A_101 = tpu.vector_load %arg13[%swap3A, %swap3A_100] {strides = array<i32>} : memref<128x64xf32, #tpu.memory_space<vmem>>, vector<1x16xf32>,
        %swap3A_102 = vector.shape_cast %swap3A_101 : vector<1x16xf32> to vector<16xf32>
        %swap3A_103 = vector.shape_cast %add3A_99 : vector<16xf32> to vector<1x16xf32>
        tpu.vector_store %arg13[%swap3A, %swap3A_100], %swap3A_103 {strides = array<i32>} : memref<128x64xf32, #tpu.memory_space<vmem>>, vector<1x16xf32>,
        %get3A_104 = arith.index_cast %scan3A_91 : i32 to index
        %get3A_105 = arith.constant 16 : index
        %get3A_106 = tpu.vector_load %arg13[%get3A_104, %get3A_105] {strides = array<i32>} : memref<128x64xf32, #tpu.memory_space<vmem>>, vector<1x16xf32>,
        %get3A_107 = vector.shape_cast %get3A_106 : vector<1x16xf32> to vector<16xf32>
        %get3A_108 = arith.index_cast %scan3A_91 : i32 to index
        %get3A_109 = arith.constant 16 : index
        %get3A_110 = tpu.vector_load %arg14[%get3A_108, %get3A_109] {strides = array<i32>} : memref<128x64xf32, #tpu.memory_space<vmem>>, vector<1x16xf32>,
        %get3A_111 = vector.shape_cast %get3A_110 : vector<1x16xf32> to vector<16xf32>
        %add3A_112 = arith.addf %get3A_107, %get3A_111 : vector<16xf32>
        %swap3A_113 = arith.index_cast %scan3A_91 : i32 to index
        %swap3A_114 = arith.constant 16 : index
        %swap3A_115 = tpu.vector_load %arg13[%swap3A_113, %swap3A_114] {strides = array<i32>} : memref<128x64xf32, #tpu.memory_space<vmem>>, vector<1x16xf32>,
        %swap3A_116 = vector.shape_cast %swap3A_115 : vector<1x16xf32> to vector<16xf32>
        %swap3A_117 = vector.shape_cast %add3A_112 : vector<16xf32> to vector<1x16xf32>
        tpu.vector_store %arg13[%swap3A_113, %swap3A_114], %swap3A_117 {strides = array<i32>} : memref<128x64xf32, #tpu.memory_space<vmem>>, vector<1x16xf32>,
        %get3A_118 = arith.index_cast %scan3A_91 : i32 to index
        %get3A_119 = arith.constant 32 : index
        %get3A_120 = tpu.vector_load %arg13[%get3A_118, %get3A_119] {strides = array<i32>} : memref<128x64xf32, #tpu.memory_space<vmem>>, vector<1x16xf32>,
        %get3A_121 = vector.shape_cast %get3A_120 : vector<1x16xf32> to vector<16xf32>
        %get3A_122 = arith.index_cast %scan3A_91 : i32 to index
        %get3A_123 = arith.constant 32 : index
        %get3A_124 = tpu.vector_load %arg14[%get3A_122, %get3A_123] {strides = array<i32>} : memref<128x64xf32, #tpu.memory_space<vmem>>, vector<1x16xf32>,
        %get3A_125 = vector.shape_cast %get3A_124 : vector<1x16xf32> to vector<16xf32>
        %add3A_126 = arith.addf %get3A_121, %get3A_125 : vector<16xf32>
        %swap3A_127 = arith.index_cast %scan3A_91 : i32 to index
        %swap3A_128 = arith.constant 32 : index
        %swap3A_129 = tpu.vector_load %arg13[%swap3A_127, %swap3A_128] {strides = array<i32>} : memref<128x64xf32, #tpu.memory_space<vmem>>, vector<1x16xf32>,
        %swap3A_130 = vector.shape_cast %swap3A_129 : vector<1x16xf32> to vector<16xf32>
        %swap3A_131 = vector.shape_cast %add3A_126 : vector<16xf32> to vector<1x16xf32>
        tpu.vector_store %arg13[%swap3A_127, %swap3A_128], %swap3A_131 {strides = array<i32>} : memref<128x64xf32, #tpu.memory_space<vmem>>, vector<1x16xf32>,
        %get3A_132 = arith.index_cast %scan3A_91 : i32 to index
        %get3A_133 = arith.constant 48 : index
        %get3A_134 = tpu.vector_load %arg13[%get3A_132, %get3A_133] {strides = array<i32>} : memref<128x64xf32, #tpu.memory_space<vmem>>, vector<1x16xf32>,
        %get3A_135 = vector.shape_cast %get3A_134 : vector<1x16xf32> to vector<16xf32>
        %get3A_136 = arith.index_cast %scan3A_91 : i32 to index
        %get3A_137 = arith.constant 48 : index
        %get3A_138 = tpu.vector_load %arg14[%get3A_136, %get3A_137] {strides = array<i32>} : memref<128x64xf32, #tpu.memory_space<vmem>>, vector<1x16xf32>,
        %get3A_139 = vector.shape_cast %get3A_138 : vector<1x16xf32> to vector<16xf32>
        %add3A_140 = arith.addf %get3A_135, %get3A_139 : vector<16xf32>
        %swap3A_141 = arith.index_cast %scan3A_91 : i32 to index
        %swap3A_142 = arith.constant 48 : index
        %swap3A_143 = tpu.vector_load %arg13[%swap3A_141, %swap3A_142] {strides = array<i32>} : memref<128x64xf32, #tpu.memory_space<vmem>>, vector<1x16xf32>,
        %swap3A_144 = vector.shape_cast %swap3A_143 : vector<1x16xf32> to vector<16xf32>
        %swap3A_145 = vector.shape_cast %add3A_140 : vector<16xf32> to vector<1x16xf32>
        tpu.vector_store %arg13[%swap3A_141, %swap3A_142], %swap3A_145 {strides = array<i32>} : memref<128x64xf32, #tpu.memory_space<vmem>>, vector<1x16xf32>,
      }
      %scan3A_72 = arith.constant 128 : i32
      %add3A_73 = arith.addi %add3A_6, %mul3A_47 : i32
      %mul3A_74 = arith.constant 128 : i32
      %mul3A_75 = arith.muli %add3A_73, %mul3A_74 : i32
      %dma_start3A_76 = arith.constant 0 : i32
      %dma_start3A_77 = tpu.memref_slice %arg6[%mul3A_75, %dma_start3A_76] : memref<80000x128xf32, #tpu.memory_space<hbm>> -> memref<128x64xf32, #tpu.memory_space<hbm>>
      %dma_start3A_78 = arith.constant 0 : i32
      %dma_start3A_79 = tpu.memref_slice %arg6[%mul3A_75, %dma_start3A_78] : memref<80000x128xf32, #tpu.memory_space<hbm>> -> memref<128x64xf32, #tpu.memory_space<hbm>>
      tpu.enqueue_dma source(%arg13 : memref<128x64xf32, #tpu.memory_space<vmem>>) target(%dma_start3A_79 : memref<128x64xf32, #tpu.memory_space<hbm>>) target_semaphore(%arg21 : memref<!tpu.dma_semaphore, #tpu.memory_space<semaphore_mem>>)
      %dma_start3A_80 = arith.constant 64 : i32
      %dma_start3A_81 = tpu.memref_slice %arg6[%mul3A_75, %dma_start3A_80] : memref<80000x128xf32, #tpu.memory_space<hbm>> -> memref<128x64xf32, #tpu.memory_space<hbm>>
      %dma_start3A_82 = arith.constant 64 : i32
      %dma_start3A_83 = tpu.memref_slice %arg6[%mul3A_75, %dma_start3A_82] : memref<80000x128xf32, #tpu.memory_space<hbm>> -> memref<128x64xf32, #tpu.memory_space<hbm>>
      tpu.enqueue_dma source(%arg15 : memref<128x64xf32, #tpu.memory_space<vmem>>) target(%dma_start3A_83 : memref<128x64xf32, #tpu.memory_space<hbm>>) target_semaphore(%arg21 : memref<!tpu.dma_semaphore, #tpu.memory_space<semaphore_mem>>)
      %add3A_84 = arith.constant 1 : i32
      %add3A_85 = arith.addi %mul3A_47, %add3A_84 : i32
      %lt3A_86 = arith.cmpi slt, %add3A_85, %select_n3A : i32
      %convert_element_type3A_87 = arith.extui %lt3A_86 : i1 to i32
      %cond3A_88 = arith.constant 0 : i32
      %cond3A_89 = arith.cmpi ne, %convert_element_type3A_87, %cond3A_88 : i32
      scf.if %cond3A_89 {
        %add3A_91 = arith.constant 2 : i32
        %add3A_92 = arith.addi %mul3A_47, %add3A_91 : i32
        %lt3A_93 = arith.cmpi slt, %add3A_92, %select_n3A : i32
        %convert_element_type3A_94 = arith.extui %lt3A_93 : i1 to i32
        %cond3A_95 = arith.constant 0 : i32
        %cond3A_96 = arith.cmpi ne, %convert_element_type3A_94, %cond3A_95 : i32
        scf.if %cond3A_96 {
          %mul3A_131 = arith.constant 128 : i32
          %mul3A_132 = arith.muli %add3A_6, %mul3A_131 : i32
          %dma_wait3A_133 = arith.constant 0 : i32
          %dma_wait3A_134 = tpu.memref_slice %arg6[%mul3A_132, %dma_wait3A_133] : memref<80000x128xf32, #tpu.memory_space<hbm>> -> memref<128x64xf32, #tpu.memory_space<hbm>>
          %dma_wait3A_135 = arith.constant 0 : i32
          %dma_wait3A_136 = tpu.memref_slice %arg6[%mul3A_132, %dma_wait3A_135] : memref<80000x128xf32, #tpu.memory_space<hbm>> -> memref<128x64xf32, #tpu.memory_space<hbm>>
          tpu.wait_dma2 semaphore(%arg21 : memref<!tpu.dma_semaphore, #tpu.memory_space<semaphore_mem>>) src(%arg13 : memref<128x64xf32, #tpu.memory_space<vmem>>) dst(%dma_wait3A_136 : memref<128x64xf32, #tpu.memory_space<hbm>>)
          %dma_wait3A_137 = arith.constant 64 : i32
          %dma_wait3A_138 = tpu.memref_slice %arg6[%mul3A_132, %dma_wait3A_137] : memref<80000x128xf32, #tpu.memory_space<hbm>> -> memref<128x64xf32, #tpu.memory_space<hbm>>
          %dma_wait3A_139 = arith.constant 64 : i32
          %dma_wait3A_140 = tpu.memref_slice %arg6[%mul3A_132, %dma_wait3A_139] : memref<80000x128xf32, #tpu.memory_space<hbm>> -> memref<128x64xf32, #tpu.memory_space<hbm>>
          tpu.wait_dma2 semaphore(%arg21 : memref<!tpu.dma_semaphore, #tpu.memory_space<semaphore_mem>>) src(%arg15 : memref<128x64xf32, #tpu.memory_space<vmem>>) dst(%dma_wait3A_140 : memref<128x64xf32, #tpu.memory_space<hbm>>)
          %add3A_141 = arith.constant 2 : i32
          %add3A_142 = arith.addi %mul3A_47, %add3A_141 : i32
          %add3A_143 = arith.addi %add3A_6, %add3A_142 : i32
          %mul3A_144 = arith.constant 128 : i32
          %mul3A_145 = arith.muli %add3A_143, %mul3A_144 : i32
          "tpu.region"() ({
            %run_scoped3A = tpu.sem_alloc : memref<!tpu.dma_semaphore, #tpu.memory_space<semaphore_mem>>
            %dma_start3A_146 = tpu.memref_slice %arg3[%mul3A_145] : memref<80000xi32, #tpu.memory_space<hbm>> -> memref<128xi32, #tpu.memory_space<hbm>>
            %dma_start3A_147 = tpu.memref_slice %arg3[%mul3A_145] : memref<80000xi32, #tpu.memory_space<hbm>> -> memref<128xi32, #tpu.memory_space<hbm>>
            tpu.enqueue_dma source(%dma_start3A_147 : memref<128xi32, #tpu.memory_space<hbm>>) target(%arg7 : memref<128xi32, #tpu.memory_space<vmem>>) target_semaphore(%run_scoped3A : memref<!tpu.dma_semaphore, #tpu.memory_space<semaphore_mem>>)
            %dma_wait3A_148 = tpu.memref_slice %arg3[%mul3A_145] : memref<80000xi32, #tpu.memory_space<hbm>> -> memref<128xi32, #tpu.memory_space<hbm>>
            %dma_wait3A_149 = tpu.memref_slice %arg3[%mul3A_145] : memref<80000xi32, #tpu.memory_space<hbm>> -> memref<128xi32, #tpu.memory_space<hbm>>
            tpu.wait_dma2 semaphore(%run_scoped3A : memref<!tpu.dma_semaphore, #tpu.memory_space<semaphore_mem>>) src(%dma_wait3A_149 : memref<128xi32, #tpu.memory_space<hbm>>) dst(%arg7 : memref<128xi32, #tpu.memory_space<vmem>>)
            tpu.yield
          }) : () -> ()
          "tpu.region"() ({
            %run_scoped3A = tpu.sem_alloc : memref<!tpu.dma_semaphore, #tpu.memory_space<semaphore_mem>>
            %dma_start3A_146 = tpu.memref_slice %arg4[%mul3A_145] : memref<80000xi32, #tpu.memory_space<hbm>> -> memref<128xi32, #tpu.memory_space<hbm>>
            %dma_start3A_147 = tpu.memref_slice %arg4[%mul3A_145] : memref<80000xi32, #tpu.memory_space<hbm>> -> memref<128xi32, #tpu.memory_space<hbm>>
            tpu.enqueue_dma source(%dma_start3A_147 : memref<128xi32, #tpu.memory_space<hbm>>) target(%arg8 : memref<128xi32, #tpu.memory_space<vmem>>) target_semaphore(%run_scoped3A : memref<!tpu.dma_semaphore, #tpu.memory_space<semaphore_mem>>)
            %dma_wait3A_148 = tpu.memref_slice %arg4[%mul3A_145] : memref<80000xi32, #tpu.memory_space<hbm>> -> memref<128xi32, #tpu.memory_space<hbm>>
            %dma_wait3A_149 = tpu.memref_slice %arg4[%mul3A_145] : memref<80000xi32, #tpu.memory_space<hbm>> -> memref<128xi32, #tpu.memory_space<hbm>>
            tpu.wait_dma2 semaphore(%run_scoped3A : memref<!tpu.dma_semaphore, #tpu.memory_space<semaphore_mem>>) src(%dma_wait3A_149 : memref<128xi32, #tpu.memory_space<hbm>>) dst(%arg8 : memref<128xi32, #tpu.memory_space<vmem>>)
            tpu.yield
          }) : () -> ()
          "tpu.region"() ({
            %run_scoped3A = tpu.sem_alloc : memref<!tpu.dma_semaphore, #tpu.memory_space<semaphore_mem>>
            %dma_start3A_146 = tpu.memref_slice %arg5[%mul3A_145] : memref<80000xi32, #tpu.memory_space<hbm>> -> memref<128xi32, #tpu.memory_space<hbm>>
            %dma_start3A_147 = tpu.memref_slice %arg5[%mul3A_145] : memref<80000xi32, #tpu.memory_space<hbm>> -> memref<128xi32, #tpu.memory_space<hbm>>
            tpu.enqueue_dma source(%dma_start3A_147 : memref<128xi32, #tpu.memory_space<hbm>>) target(%arg9 : memref<128xi32, #tpu.memory_space<vmem>>) target_semaphore(%run_scoped3A : memref<!tpu.dma_semaphore, #tpu.memory_space<semaphore_mem>>)
            %dma_wait3A_148 = tpu.memref_slice %arg5[%mul3A_145] : memref<80000xi32, #tpu.memory_space<hbm>> -> memref<128xi32, #tpu.memory_space<hbm>>
            %dma_wait3A_149 = tpu.memref_slice %arg5[%mul3A_145] : memref<80000xi32, #tpu.memory_space<hbm>> -> memref<128xi32, #tpu.memory_space<hbm>>
            tpu.wait_dma2 semaphore(%run_scoped3A : memref<!tpu.dma_semaphore, #tpu.memory_space<semaphore_mem>>) src(%dma_wait3A_149 : memref<128xi32, #tpu.memory_space<hbm>>) dst(%arg9 : memref<128xi32, #tpu.memory_space<vmem>>)
            tpu.yield
          }) : () -> ()
        } else {
        }
        %dma_wait3A_97 = arith.constant 0 : i32
        %dma_wait3A_98 = arith.constant 0 : i32
        %dma_wait3A_99 = tpu.memref_slice %arg2[%dma_wait3A_97, %dma_wait3A_98] : memref<50000x64xf32, #tpu.memory_space<hbm>> -> memref<50000x64xf32, #tpu.memory_space<hbm>>
        tpu.wait_indirect_dma semaphore(%arg20 : memref<!tpu.dma_semaphore, #tpu.memory_space<semaphore_mem>>) src(%dma_wait3A_99 : memref<50000x64xf32, #tpu.memory_space<hbm>>) dst(%arg16 : memref<128x64xf32, #tpu.memory_space<vmem>>)
        %dma_wait3A_100 = arith.constant 0 : i32
        %dma_wait3A_101 = arith.constant 0 : i32
        %dma_wait3A_102 = tpu.memref_slice %arg2[%dma_wait3A_100, %dma_wait3A_101] : memref<50000x64xf32, #tpu.memory_space<hbm>> -> memref<50000x64xf32, #tpu.memory_space<hbm>>
        tpu.wait_indirect_dma semaphore(%arg20 : memref<!tpu.dma_semaphore, #tpu.memory_space<semaphore_mem>>) src(%dma_wait3A_102 : memref<50000x64xf32, #tpu.memory_space<hbm>>) dst(%arg17 : memref<128x64xf32, #tpu.memory_space<vmem>>)
        %dma_wait3A_103 = arith.constant 0 : i32
        %dma_wait3A_104 = arith.constant 0 : i32
        %dma_wait3A_105 = tpu.memref_slice %arg2[%dma_wait3A_103, %dma_wait3A_104] : memref<50000x64xf32, #tpu.memory_space<hbm>> -> memref<50000x64xf32, #tpu.memory_space<hbm>>
        tpu.wait_indirect_dma semaphore(%arg20 : memref<!tpu.dma_semaphore, #tpu.memory_space<semaphore_mem>>) src(%dma_wait3A_105 : memref<50000x64xf32, #tpu.memory_space<hbm>>) dst(%arg18 : memref<128x64xf32, #tpu.memory_space<vmem>>)
        %add3A_106 = arith.constant 2 : i32
        %add3A_107 = arith.addi %mul3A_47, %add3A_106 : i32
        %lt3A_108 = arith.cmpi slt, %add3A_107, %select_n3A : i32
        %convert_element_type3A_109 = arith.extui %lt3A_108 : i1 to i32
        %cond3A_110 = arith.constant 0 : i32
        %cond3A_111 = arith.cmpi ne, %convert_element_type3A_109, %cond3A_110 : i32
        scf.if %cond3A_111 {
          %dma_start3A_131 = arith.constant 0 : i32
          %dma_start3A_132 = arith.constant 0 : i32
          %dma_start3A_133 = tpu.memref_slice %arg2[%dma_start3A_131, %dma_start3A_132] : memref<50000x64xf32, #tpu.memory_space<hbm>> -> memref<50000x64xf32, #tpu.memory_space<hbm>>
          tpu.enqueue_indirect_dma source(%dma_start3A_133 : memref<50000x64xf32, #tpu.memory_space<hbm>>) target(%arg13 : memref<128x64xf32, #tpu.memory_space<vmem>>) offsets(%arg7 : memref<128xi32, #tpu.memory_space<vmem>>) semaphore(%arg19 : memref<!tpu.dma_semaphore, #tpu.memory_space<semaphore_mem>>)
          %dma_start3A_134 = arith.constant 0 : i32
          %dma_start3A_135 = arith.constant 0 : i32
          %dma_start3A_136 = tpu.memref_slice %arg2[%dma_start3A_134, %dma_start3A_135] : memref<50000x64xf32, #tpu.memory_space<hbm>> -> memref<50000x64xf32, #tpu.memory_space<hbm>>
          tpu.enqueue_indirect_dma source(%dma_start3A_136 : memref<50000x64xf32, #tpu.memory_space<hbm>>) target(%arg14 : memref<128x64xf32, #tpu.memory_space<vmem>>) offsets(%arg8 : memref<128xi32, #tpu.memory_space<vmem>>) semaphore(%arg19 : memref<!tpu.dma_semaphore, #tpu.memory_space<semaphore_mem>>)
          %dma_start3A_137 = arith.constant 0 : i32
          %dma_start3A_138 = arith.constant 0 : i32
          %dma_start3A_139 = tpu.memref_slice %arg2[%dma_start3A_137, %dma_start3A_138] : memref<50000x64xf32, #tpu.memory_space<hbm>> -> memref<50000x64xf32, #tpu.memory_space<hbm>>
          tpu.enqueue_indirect_dma source(%dma_start3A_139 : memref<50000x64xf32, #tpu.memory_space<hbm>>) target(%arg15 : memref<128x64xf32, #tpu.memory_space<vmem>>) offsets(%arg9 : memref<128xi32, #tpu.memory_space<vmem>>) semaphore(%arg19 : memref<!tpu.dma_semaphore, #tpu.memory_space<semaphore_mem>>)
        } else {
        }
        %scan3A_112 = arith.constant 0 : i32
        %scan3A_113 = arith.constant 0 : i32
        %scan3A_114 = arith.constant 128 : i32
        %scan3A_115 = arith.addi %scan3A_113, %scan3A_114 : i32
        %scan3A_116 = arith.constant 1 : i32
        scf.for %scan3A_131 = %scan3A_113 to %scan3A_115 step %scan3A_116  : i32 {
          %get3A = arith.index_cast %scan3A_131 : i32 to index
          %get3A_132 = arith.constant 0 : index
          %get3A_133 = tpu.vector_load %arg16[%get3A, %get3A_132] {strides = array<i32>} : memref<128x64xf32, #tpu.memory_space<vmem>>, vector<1x16xf32>,
          %get3A_134 = vector.shape_cast %get3A_133 : vector<1x16xf32> to vector<16xf32>
          %get3A_135 = arith.index_cast %scan3A_131 : i32 to index
          %get3A_136 = arith.constant 0 : index
          %get3A_137 = tpu.vector_load %arg17[%get3A_135, %get3A_136] {strides = array<i32>} : memref<128x64xf32, #tpu.memory_space<vmem>>, vector<1x16xf32>,
          %get3A_138 = vector.shape_cast %get3A_137 : vector<1x16xf32> to vector<16xf32>
          %add3A_139 = arith.addf %get3A_134, %get3A_138 : vector<16xf32>
          %swap3A = arith.index_cast %scan3A_131 : i32 to index
          %swap3A_140 = arith.constant 0 : index
          %swap3A_141 = tpu.vector_load %arg16[%swap3A, %swap3A_140] {strides = array<i32>} : memref<128x64xf32, #tpu.memory_space<vmem>>, vector<1x16xf32>,
          %swap3A_142 = vector.shape_cast %swap3A_141 : vector<1x16xf32> to vector<16xf32>
          %swap3A_143 = vector.shape_cast %add3A_139 : vector<16xf32> to vector<1x16xf32>
          tpu.vector_store %arg16[%swap3A, %swap3A_140], %swap3A_143 {strides = array<i32>} : memref<128x64xf32, #tpu.memory_space<vmem>>, vector<1x16xf32>,
          %get3A_144 = arith.index_cast %scan3A_131 : i32 to index
          %get3A_145 = arith.constant 16 : index
          %get3A_146 = tpu.vector_load %arg16[%get3A_144, %get3A_145] {strides = array<i32>} : memref<128x64xf32, #tpu.memory_space<vmem>>, vector<1x16xf32>,
          %get3A_147 = vector.shape_cast %get3A_146 : vector<1x16xf32> to vector<16xf32>
          %get3A_148 = arith.index_cast %scan3A_131 : i32 to index
          %get3A_149 = arith.constant 16 : index
          %get3A_150 = tpu.vector_load %arg17[%get3A_148, %get3A_149] {strides = array<i32>} : memref<128x64xf32, #tpu.memory_space<vmem>>, vector<1x16xf32>,
          %get3A_151 = vector.shape_cast %get3A_150 : vector<1x16xf32> to vector<16xf32>
          %add3A_152 = arith.addf %get3A_147, %get3A_151 : vector<16xf32>
          %swap3A_153 = arith.index_cast %scan3A_131 : i32 to index
          %swap3A_154 = arith.constant 16 : index
          %swap3A_155 = tpu.vector_load %arg16[%swap3A_153, %swap3A_154] {strides = array<i32>} : memref<128x64xf32, #tpu.memory_space<vmem>>, vector<1x16xf32>,
          %swap3A_156 = vector.shape_cast %swap3A_155 : vector<1x16xf32> to vector<16xf32>
          %swap3A_157 = vector.shape_cast %add3A_152 : vector<16xf32> to vector<1x16xf32>
          tpu.vector_store %arg16[%swap3A_153, %swap3A_154], %swap3A_157 {strides = array<i32>} : memref<128x64xf32, #tpu.memory_space<vmem>>, vector<1x16xf32>,
          %get3A_158 = arith.index_cast %scan3A_131 : i32 to index
          %get3A_159 = arith.constant 32 : index
          %get3A_160 = tpu.vector_load %arg16[%get3A_158, %get3A_159] {strides = array<i32>} : memref<128x64xf32, #tpu.memory_space<vmem>>, vector<1x16xf32>,
          %get3A_161 = vector.shape_cast %get3A_160 : vector<1x16xf32> to vector<16xf32>
          %get3A_162 = arith.index_cast %scan3A_131 : i32 to index
          %get3A_163 = arith.constant 32 : index
          %get3A_164 = tpu.vector_load %arg17[%get3A_162, %get3A_163] {strides = array<i32>} : memref<128x64xf32, #tpu.memory_space<vmem>>, vector<1x16xf32>,
          %get3A_165 = vector.shape_cast %get3A_164 : vector<1x16xf32> to vector<16xf32>
          %add3A_166 = arith.addf %get3A_161, %get3A_165 : vector<16xf32>
          %swap3A_167 = arith.index_cast %scan3A_131 : i32 to index
          %swap3A_168 = arith.constant 32 : index
          %swap3A_169 = tpu.vector_load %arg16[%swap3A_167, %swap3A_168] {strides = array<i32>} : memref<128x64xf32, #tpu.memory_space<vmem>>, vector<1x16xf32>,
          %swap3A_170 = vector.shape_cast %swap3A_169 : vector<1x16xf32> to vector<16xf32>
          %swap3A_171 = vector.shape_cast %add3A_166 : vector<16xf32> to vector<1x16xf32>
          tpu.vector_store %arg16[%swap3A_167, %swap3A_168], %swap3A_171 {strides = array<i32>} : memref<128x64xf32, #tpu.memory_space<vmem>>, vector<1x16xf32>,
          %get3A_172 = arith.index_cast %scan3A_131 : i32 to index
          %get3A_173 = arith.constant 48 : index
          %get3A_174 = tpu.vector_load %arg16[%get3A_172, %get3A_173] {strides = array<i32>} : memref<128x64xf32, #tpu.memory_space<vmem>>, vector<1x16xf32>,
          %get3A_175 = vector.shape_cast %get3A_174 : vector<1x16xf32> to vector<16xf32>
          %get3A_176 = arith.index_cast %scan3A_131 : i32 to index
          %get3A_177 = arith.constant 48 : index
          %get3A_178 = tpu.vector_load %arg17[%get3A_176, %get3A_177] {strides = array<i32>} : memref<128x64xf32, #tpu.memory_space<vmem>>, vector<1x16xf32>,
          %get3A_179 = vector.shape_cast %get3A_178 : vector<1x16xf32> to vector<16xf32>
          %add3A_180 = arith.addf %get3A_175, %get3A_179 : vector<16xf32>
          %swap3A_181 = arith.index_cast %scan3A_131 : i32 to index
          %swap3A_182 = arith.constant 48 : index
          %swap3A_183 = tpu.vector_load %arg16[%swap3A_181, %swap3A_182] {strides = array<i32>} : memref<128x64xf32, #tpu.memory_space<vmem>>, vector<1x16xf32>,
          %swap3A_184 = vector.shape_cast %swap3A_183 : vector<1x16xf32> to vector<16xf32>
          %swap3A_185 = vector.shape_cast %add3A_180 : vector<16xf32> to vector<1x16xf32>
          tpu.vector_store %arg16[%swap3A_181, %swap3A_182], %swap3A_185 {strides = array<i32>} : memref<128x64xf32, #tpu.memory_space<vmem>>, vector<1x16xf32>,
        }
        %scan3A_117 = arith.constant 128 : i32
        %add3A_118 = arith.constant 1 : i32
        %add3A_119 = arith.addi %mul3A_47, %add3A_118 : i32
        %add3A_120 = arith.addi %add3A_6, %add3A_119 : i32
        %mul3A_121 = arith.constant 128 : i32
        %mul3A_122 = arith.muli %add3A_120, %mul3A_121 : i32
        %dma_start3A_123 = arith.constant 0 : i32
        %dma_start3A_124 = tpu.memref_slice %arg6[%mul3A_122, %dma_start3A_123] : memref<80000x128xf32, #tpu.memory_space<hbm>> -> memref<128x64xf32, #tpu.memory_space<hbm>>
        %dma_start3A_125 = arith.constant 0 : i32
        %dma_start3A_126 = tpu.memref_slice %arg6[%mul3A_122, %dma_start3A_125] : memref<80000x128xf32, #tpu.memory_space<hbm>> -> memref<128x64xf32, #tpu.memory_space<hbm>>
        tpu.enqueue_dma source(%arg16 : memref<128x64xf32, #tpu.memory_space<vmem>>) target(%dma_start3A_126 : memref<128x64xf32, #tpu.memory_space<hbm>>) target_semaphore(%arg22 : memref<!tpu.dma_semaphore, #tpu.memory_space<semaphore_mem>>)
        %dma_start3A_127 = arith.constant 64 : i32
        %dma_start3A_128 = tpu.memref_slice %arg6[%mul3A_122, %dma_start3A_127] : memref<80000x128xf32, #tpu.memory_space<hbm>> -> memref<128x64xf32, #tpu.memory_space<hbm>>
        %dma_start3A_129 = arith.constant 64 : i32
        %dma_start3A_130 = tpu.memref_slice %arg6[%mul3A_122, %dma_start3A_129] : memref<80000x128xf32, #tpu.memory_space<hbm>> -> memref<128x64xf32, #tpu.memory_space<hbm>>
        tpu.enqueue_dma source(%arg18 : memref<128x64xf32, #tpu.memory_space<vmem>>) target(%dma_start3A_130 : memref<128x64xf32, #tpu.memory_space<hbm>>) target_semaphore(%arg22 : memref<!tpu.dma_semaphore, #tpu.memory_space<semaphore_mem>>)
      } else {
      }
      %scan3A_90 = arith.constant 0 : i32
      scf.yield %scan3A_90 : i32
    }
    %scan3A_24 = arith.constant 10 : i32
    %mul3A_25 = arith.constant 128 : i32
    %mul3A_26 = arith.muli %add3A_6, %mul3A_25 : i32
    %dma_wait3A = arith.constant 0 : i32
    %dma_wait3A_27 = tpu.memref_slice %arg6[%mul3A_26, %dma_wait3A] : memref<80000x128xf32, #tpu.memory_space<hbm>> -> memref<128x64xf32, #tpu.memory_space<hbm>>
    %dma_wait3A_28 = arith.constant 0 : i32
    %dma_wait3A_29 = tpu.memref_slice %arg6[%mul3A_26, %dma_wait3A_28] : memref<80000x128xf32, #tpu.memory_space<hbm>> -> memref<128x64xf32, #tpu.memory_space<hbm>>
    tpu.wait_dma2 semaphore(%arg21 : memref<!tpu.dma_semaphore, #tpu.memory_space<semaphore_mem>>) src(%arg13 : memref<128x64xf32, #tpu.memory_space<vmem>>) dst(%dma_wait3A_29 : memref<128x64xf32, #tpu.memory_space<hbm>>)
    %dma_wait3A_30 = arith.constant 64 : i32
    %dma_wait3A_31 = tpu.memref_slice %arg6[%mul3A_26, %dma_wait3A_30] : memref<80000x128xf32, #tpu.memory_space<hbm>> -> memref<128x64xf32, #tpu.memory_space<hbm>>
    %dma_wait3A_32 = arith.constant 64 : i32
    %dma_wait3A_33 = tpu.memref_slice %arg6[%mul3A_26, %dma_wait3A_32] : memref<80000x128xf32, #tpu.memory_space<hbm>> -> memref<128x64xf32, #tpu.memory_space<hbm>>
    tpu.wait_dma2 semaphore(%arg21 : memref<!tpu.dma_semaphore, #tpu.memory_space<semaphore_mem>>) src(%arg15 : memref<128x64xf32, #tpu.memory_space<vmem>>) dst(%dma_wait3A_33 : memref<128x64xf32, #tpu.memory_space<hbm>>)
    %mul3A_34 = arith.constant 128 : i32
    %mul3A_35 = arith.muli %add3A_6, %mul3A_34 : i32
    %dma_wait3A_36 = arith.constant 0 : i32
    %dma_wait3A_37 = tpu.memref_slice %arg6[%mul3A_35, %dma_wait3A_36] : memref<80000x128xf32, #tpu.memory_space<hbm>> -> memref<128x64xf32, #tpu.memory_space<hbm>>
    %dma_wait3A_38 = arith.constant 0 : i32
    %dma_wait3A_39 = tpu.memref_slice %arg6[%mul3A_35, %dma_wait3A_38] : memref<80000x128xf32, #tpu.memory_space<hbm>> -> memref<128x64xf32, #tpu.memory_space<hbm>>
    tpu.wait_dma2 semaphore(%arg22 : memref<!tpu.dma_semaphore, #tpu.memory_space<semaphore_mem>>) src(%arg16 : memref<128x64xf32, #tpu.memory_space<vmem>>) dst(%dma_wait3A_39 : memref<128x64xf32, #tpu.memory_space<hbm>>)
    %dma_wait3A_40 = arith.constant 64 : i32
    %dma_wait3A_41 = tpu.memref_slice %arg6[%mul3A_35, %dma_wait3A_40] : memref<80000x128xf32, #tpu.memory_space<hbm>> -> memref<128x64xf32, #tpu.memory_space<hbm>>
    %dma_wait3A_42 = arith.constant 64 : i32
    %dma_wait3A_43 = tpu.memref_slice %arg6[%mul3A_35, %dma_wait3A_42] : memref<80000x128xf32, #tpu.memory_space<hbm>> -> memref<128x64xf32, #tpu.memory_space<hbm>>
    tpu.wait_dma2 semaphore(%arg22 : memref<!tpu.dma_semaphore, #tpu.memory_space<semaphore_mem>>) src(%arg18 : memref<128x64xf32, #tpu.memory_space<vmem>>) dst(%dma_wait3A_43 : memref<128x64xf32, #tpu.memory_space<hbm>>)
    return
  }
}

module attributes {stable_mosaic.version = 14 : i64} {
  func.func @_proj_body(%arg0: i32, %arg1: memref<5000x256xf32, #tpu.memory_space<vmem>>, %arg2: memref<256x128xf32, #tpu.memory_space<vmem>>, %arg3: memref<5000x128xf32, #tpu.memory_space<vmem>>) attributes {dimension_semantics = [#tpu.dimension_semantics<arbitrary>], iteration_bounds = array<i64: 5>, scalar_prefetch = 0 : i64, scratch_operands = 0 : i64, tpu.core_type = #tpu.core_type<tc>, window_params = [{pipeline_mode = #tpu.pipeline_mode<synchronous>, transform_indices = @transform_0, window_bounds = array<i64: 5000, 256>}, {transform_indices = @transform_1, window_bounds = array<i64: 256, 128>}, {transform_indices = @transform_2, window_bounds = array<i64: 5000, 128>}]} {
    %get3A = arith.constant 0 : index
    %get3A_0 = arith.constant 0 : index
    %get3A_1 = vector.load %arg1[%get3A, %get3A_0] : memref<5000x256xf32, #tpu.memory_space<vmem>>, vector<5000x256xf32>
    %get3A_2 = arith.constant 0 : index
    %get3A_3 = arith.constant 0 : index
    %get3A_4 = vector.load %arg2[%get3A_2, %get3A_3] : memref<256x128xf32, #tpu.memory_space<vmem>>, vector<256x128xf32>
    %dot_general3A = arith.constant dense<0.000000e+00> : vector<5000x128xf32>
    %dot_general3A_5 = tpu.matmul %get3A_1, %get3A_4, %dot_general3A {dimension_numbers = #tpu.dot_dimension_numbers<[1], [0], [0], [1], [0, 0, 1, 1], [], []>, transpose_lhs_hint = false} : vector<5000x256xf32>, vector<256x128xf32>, vector<5000x128xf32> -> vector<5000x128xf32>
    %swap3A = arith.constant 0 : index
    %swap3A_6 = arith.constant 0 : index
    %swap3A_7 = vector.load %arg3[%swap3A, %swap3A_6] : memref<5000x128xf32, #tpu.memory_space<vmem>>, vector<5000x128xf32>
    tpu.vector_store %arg3[%swap3A, %swap3A_6], %dot_general3A_5 {strides = array<i32>} : memref<5000x128xf32, #tpu.memory_space<vmem>>, vector<5000x128xf32>,
    return
  }
  func.func @transform_0(%arg0: i32) -> (i32, i32) {
    %c0_i32 = arith.constant 0 : i32
    %c0_i32_0 = arith.constant 0 : i32
    %c0_i32_1 = arith.constant 0 : i32
    return %c0_i32, %c0_i32_0 : i32, i32
  }
  func.func @transform_1(%arg0: i32) -> (i32, i32) {
    %c0_i32 = arith.constant 0 : i32
    %c0_i32_0 = arith.constant 0 : i32
    return %arg0, %c0_i32 : i32, i32
  }
  func.func @transform_2(%arg0: i32) -> (i32, i32) {
    %c0_i32 = arith.constant 0 : i32
    %c0_i32_0 = arith.constant 0 : i32
    return %arg0, %c0_i32 : i32, i32
  }
}

module attributes {stable_mosaic.version = 14 : i64} {
  func.func @_edge_mlp_body(%arg0: i32, %arg1: memref<3200x128xf32, #tpu.memory_space<vmem>>, %arg2: memref<1x25x128xf32, #tpu.memory_space<vmem>>, %arg3: memref<128x1xf32, #tpu.memory_space<vmem>>, %arg4: memref<128x64xf32, #tpu.memory_space<vmem>>, %arg5: memref<64x64xf32, #tpu.memory_space<vmem>>, %arg6: memref<64x9xf32, #tpu.memory_space<vmem>>, %arg7: memref<9x1xf32, #tpu.memory_space<vmem>>, %arg8: memref<9x3200xf32, #tpu.memory_space<vmem>>) attributes {dimension_semantics = [#tpu.dimension_semantics<arbitrary>], iteration_bounds = array<i64: 25>, scalar_prefetch = 0 : i64, scratch_operands = 0 : i64, tpu.core_type = #tpu.core_type<tc>, window_params = [{transform_indices = @transform_0, window_bounds = array<i64: 3200, 128>}, {transform_indices = @transform_1, window_bounds = array<i64: 1, 25, 128>}, {pipeline_mode = #tpu.pipeline_mode<synchronous>, transform_indices = @transform_2, window_bounds = array<i64: 128, 1>}, {pipeline_mode = #tpu.pipeline_mode<synchronous>, transform_indices = @transform_3, window_bounds = array<i64: 128, 64>}, {pipeline_mode = #tpu.pipeline_mode<synchronous>, transform_indices = @transform_4, window_bounds = array<i64: 64, 64>}, {pipeline_mode = #tpu.pipeline_mode<synchronous>, transform_indices = @transform_5, window_bounds = array<i64: 64, 9>}, {pipeline_mode = #tpu.pipeline_mode<synchronous>, transform_indices = @transform_6, window_bounds = array<i64: 9, 1>}, {transform_indices = @transform_7, window_bounds = array<i64: 9, 3200>}]} {
    %get3A = arith.constant 0 : index
    %get3A_0 = arith.constant 0 : index
    %get3A_1 = vector.load %arg3[%get3A, %get3A_0] : memref<128x1xf32, #tpu.memory_space<vmem>>, vector<128x1xf32>
    %broadcast_in_dim3A = vector.shape_cast %get3A_1 : vector<128x1xf32> to vector<128x1xf32>
    %broadcast_in_dim3A_2 = vector.broadcast %broadcast_in_dim3A : vector<128x1xf32> to vector<128x128xf32>
    %get3A_3 = arith.constant 0 : index
    %get3A_4 = arith.constant 0 : index
    %get3A_5 = arith.constant 0 : index
    %get3A_6 = vector.load %arg2[%get3A_3, %get3A_4, %get3A_5] : memref<1x25x128xf32, #tpu.memory_space<vmem>>, vector<1x1x128xf32>
    %get3A_7 = vector.shape_cast %get3A_6 : vector<1x1x128xf32> to vector<1x128xf32>
    %sub3A = vector.broadcast %get3A_7 : vector<1x128xf32> to vector<128x128xf32>
    %sub3A_8 = arith.subf %broadcast_in_dim3A_2, %sub3A : vector<128x128xf32>
    %get3A_9 = arith.constant 0 : index
    %get3A_10 = arith.constant 1 : index
    %get3A_11 = arith.constant 0 : index
    %get3A_12 = vector.load %arg2[%get3A_9, %get3A_10, %get3A_11] : memref<1x25x128xf32, #tpu.memory_space<vmem>>, vector<1x1x128xf32>
    %get3A_13 = vector.shape_cast %get3A_12 : vector<1x1x128xf32> to vector<1x128xf32>
    %sub3A_14 = vector.broadcast %get3A_13 : vector<1x128xf32> to vector<128x128xf32>
    %sub3A_15 = arith.subf %broadcast_in_dim3A_2, %sub3A_14 : vector<128x128xf32>
    %get3A_16 = arith.constant 0 : index
    %get3A_17 = arith.constant 2 : index
    %get3A_18 = arith.constant 0 : index
    %get3A_19 = vector.load %arg2[%get3A_16, %get3A_17, %get3A_18] : memref<1x25x128xf32, #tpu.memory_space<vmem>>, vector<1x1x128xf32>
    %get3A_20 = vector.shape_cast %get3A_19 : vector<1x1x128xf32> to vector<1x128xf32>
    %sub3A_21 = vector.broadcast %get3A_20 : vector<1x128xf32> to vector<128x128xf32>
    %sub3A_22 = arith.subf %broadcast_in_dim3A_2, %sub3A_21 : vector<128x128xf32>
    %get3A_23 = arith.constant 0 : index
    %get3A_24 = arith.constant 3 : index
    %get3A_25 = arith.constant 0 : index
    %get3A_26 = vector.load %arg2[%get3A_23, %get3A_24, %get3A_25] : memref<1x25x128xf32, #tpu.memory_space<vmem>>, vector<1x1x128xf32>
    %get3A_27 = vector.shape_cast %get3A_26 : vector<1x1x128xf32> to vector<1x128xf32>
    %sub3A_28 = vector.broadcast %get3A_27 : vector<1x128xf32> to vector<128x128xf32>
    %sub3A_29 = arith.subf %broadcast_in_dim3A_2, %sub3A_28 : vector<128x128xf32>
    %get3A_30 = arith.constant 0 : index
    %get3A_31 = arith.constant 4 : index
    %get3A_32 = arith.constant 0 : index
    %get3A_33 = vector.load %arg2[%get3A_30, %get3A_31, %get3A_32] : memref<1x25x128xf32, #tpu.memory_space<vmem>>, vector<1x1x128xf32>
    %get3A_34 = vector.shape_cast %get3A_33 : vector<1x1x128xf32> to vector<1x128xf32>
    %sub3A_35 = vector.broadcast %get3A_34 : vector<1x128xf32> to vector<128x128xf32>
    %sub3A_36 = arith.subf %broadcast_in_dim3A_2, %sub3A_35 : vector<128x128xf32>
    %get3A_37 = arith.constant 0 : index
    %get3A_38 = arith.constant 5 : index
    %get3A_39 = arith.constant 0 : index
    %get3A_40 = vector.load %arg2[%get3A_37, %get3A_38, %get3A_39] : memref<1x25x128xf32, #tpu.memory_space<vmem>>, vector<1x1x128xf32>
    %get3A_41 = vector.shape_cast %get3A_40 : vector<1x1x128xf32> to vector<1x128xf32>
    %sub3A_42 = vector.broadcast %get3A_41 : vector<1x128xf32> to vector<128x128xf32>
    %sub3A_43 = arith.subf %broadcast_in_dim3A_2, %sub3A_42 : vector<128x128xf32>
    %get3A_44 = arith.constant 0 : index
    %get3A_45 = arith.constant 6 : index
    %get3A_46 = arith.constant 0 : index
    %get3A_47 = vector.load %arg2[%get3A_44, %get3A_45, %get3A_46] : memref<1x25x128xf32, #tpu.memory_space<vmem>>, vector<1x1x128xf32>
    %get3A_48 = vector.shape_cast %get3A_47 : vector<1x1x128xf32> to vector<1x128xf32>
    %sub3A_49 = vector.broadcast %get3A_48 : vector<1x128xf32> to vector<128x128xf32>
    %sub3A_50 = arith.subf %broadcast_in_dim3A_2, %sub3A_49 : vector<128x128xf32>
    %get3A_51 = arith.constant 0 : index
    %get3A_52 = arith.constant 7 : index
    %get3A_53 = arith.constant 0 : index
    %get3A_54 = vector.load %arg2[%get3A_51, %get3A_52, %get3A_53] : memref<1x25x128xf32, #tpu.memory_space<vmem>>, vector<1x1x128xf32>
    %get3A_55 = vector.shape_cast %get3A_54 : vector<1x1x128xf32> to vector<1x128xf32>
    %sub3A_56 = vector.broadcast %get3A_55 : vector<1x128xf32> to vector<128x128xf32>
    %sub3A_57 = arith.subf %broadcast_in_dim3A_2, %sub3A_56 : vector<128x128xf32>
    %get3A_58 = arith.constant 0 : index
    %get3A_59 = arith.constant 8 : index
    %get3A_60 = arith.constant 0 : index
    %get3A_61 = vector.load %arg2[%get3A_58, %get3A_59, %get3A_60] : memref<1x25x128xf32, #tpu.memory_space<vmem>>, vector<1x1x128xf32>
    %get3A_62 = vector.shape_cast %get3A_61 : vector<1x1x128xf32> to vector<1x128xf32>
    %sub3A_63 = vector.broadcast %get3A_62 : vector<1x128xf32> to vector<128x128xf32>
    %sub3A_64 = arith.subf %broadcast_in_dim3A_2, %sub3A_63 : vector<128x128xf32>
    %get3A_65 = arith.constant 0 : index
    %get3A_66 = arith.constant 9 : index
    %get3A_67 = arith.constant 0 : index
    %get3A_68 = vector.load %arg2[%get3A_65, %get3A_66, %get3A_67] : memref<1x25x128xf32, #tpu.memory_space<vmem>>, vector<1x1x128xf32>
    %get3A_69 = vector.shape_cast %get3A_68 : vector<1x1x128xf32> to vector<1x128xf32>
    %sub3A_70 = vector.broadcast %get3A_69 : vector<1x128xf32> to vector<128x128xf32>
    %sub3A_71 = arith.subf %broadcast_in_dim3A_2, %sub3A_70 : vector<128x128xf32>
    %get3A_72 = arith.constant 0 : index
    %get3A_73 = arith.constant 10 : index
    %get3A_74 = arith.constant 0 : index
    %get3A_75 = vector.load %arg2[%get3A_72, %get3A_73, %get3A_74] : memref<1x25x128xf32, #tpu.memory_space<vmem>>, vector<1x1x128xf32>
    %get3A_76 = vector.shape_cast %get3A_75 : vector<1x1x128xf32> to vector<1x128xf32>
    %sub3A_77 = vector.broadcast %get3A_76 : vector<1x128xf32> to vector<128x128xf32>
    %sub3A_78 = arith.subf %broadcast_in_dim3A_2, %sub3A_77 : vector<128x128xf32>
    %get3A_79 = arith.constant 0 : index
    %get3A_80 = arith.constant 11 : index
    %get3A_81 = arith.constant 0 : index
    %get3A_82 = vector.load %arg2[%get3A_79, %get3A_80, %get3A_81] : memref<1x25x128xf32, #tpu.memory_space<vmem>>, vector<1x1x128xf32>
    %get3A_83 = vector.shape_cast %get3A_82 : vector<1x1x128xf32> to vector<1x128xf32>
    %sub3A_84 = vector.broadcast %get3A_83 : vector<1x128xf32> to vector<128x128xf32>
    %sub3A_85 = arith.subf %broadcast_in_dim3A_2, %sub3A_84 : vector<128x128xf32>
    %get3A_86 = arith.constant 0 : index
    %get3A_87 = arith.constant 12 : index
    %get3A_88 = arith.constant 0 : index
    %get3A_89 = vector.load %arg2[%get3A_86, %get3A_87, %get3A_88] : memref<1x25x128xf32, #tpu.memory_space<vmem>>, vector<1x1x128xf32>
    %get3A_90 = vector.shape_cast %get3A_89 : vector<1x1x128xf32> to vector<1x128xf32>
    %sub3A_91 = vector.broadcast %get3A_90 : vector<1x128xf32> to vector<128x128xf32>
    %sub3A_92 = arith.subf %broadcast_in_dim3A_2, %sub3A_91 : vector<128x128xf32>
    %get3A_93 = arith.constant 0 : index
    %get3A_94 = arith.constant 13 : index
    %get3A_95 = arith.constant 0 : index
    %get3A_96 = vector.load %arg2[%get3A_93, %get3A_94, %get3A_95] : memref<1x25x128xf32, #tpu.memory_space<vmem>>, vector<1x1x128xf32>
    %get3A_97 = vector.shape_cast %get3A_96 : vector<1x1x128xf32> to vector<1x128xf32>
    %sub3A_98 = vector.broadcast %get3A_97 : vector<1x128xf32> to vector<128x128xf32>
    %sub3A_99 = arith.subf %broadcast_in_dim3A_2, %sub3A_98 : vector<128x128xf32>
    %get3A_100 = arith.constant 0 : index
    %get3A_101 = arith.constant 14 : index
    %get3A_102 = arith.constant 0 : index
    %get3A_103 = vector.load %arg2[%get3A_100, %get3A_101, %get3A_102] : memref<1x25x128xf32, #tpu.memory_space<vmem>>, vector<1x1x128xf32>
    %get3A_104 = vector.shape_cast %get3A_103 : vector<1x1x128xf32> to vector<1x128xf32>
    %sub3A_105 = vector.broadcast %get3A_104 : vector<1x128xf32> to vector<128x128xf32>
    %sub3A_106 = arith.subf %broadcast_in_dim3A_2, %sub3A_105 : vector<128x128xf32>
    %get3A_107 = arith.constant 0 : index
    %get3A_108 = arith.constant 15 : index
    %get3A_109 = arith.constant 0 : index
    %get3A_110 = vector.load %arg2[%get3A_107, %get3A_108, %get3A_109] : memref<1x25x128xf32, #tpu.memory_space<vmem>>, vector<1x1x128xf32>
    %get3A_111 = vector.shape_cast %get3A_110 : vector<1x1x128xf32> to vector<1x128xf32>
    %sub3A_112 = vector.broadcast %get3A_111 : vector<1x128xf32> to vector<128x128xf32>
    %sub3A_113 = arith.subf %broadcast_in_dim3A_2, %sub3A_112 : vector<128x128xf32>
    %get3A_114 = arith.constant 0 : index
    %get3A_115 = arith.constant 16 : index
    %get3A_116 = arith.constant 0 : index
    %get3A_117 = vector.load %arg2[%get3A_114, %get3A_115, %get3A_116] : memref<1x25x128xf32, #tpu.memory_space<vmem>>, vector<1x1x128xf32>
    %get3A_118 = vector.shape_cast %get3A_117 : vector<1x1x128xf32> to vector<1x128xf32>
    %sub3A_119 = vector.broadcast %get3A_118 : vector<1x128xf32> to vector<128x128xf32>
    %sub3A_120 = arith.subf %broadcast_in_dim3A_2, %sub3A_119 : vector<128x128xf32>
    %get3A_121 = arith.constant 0 : index
    %get3A_122 = arith.constant 17 : index
    %get3A_123 = arith.constant 0 : index
    %get3A_124 = vector.load %arg2[%get3A_121, %get3A_122, %get3A_123] : memref<1x25x128xf32, #tpu.memory_space<vmem>>, vector<1x1x128xf32>
    %get3A_125 = vector.shape_cast %get3A_124 : vector<1x1x128xf32> to vector<1x128xf32>
    %sub3A_126 = vector.broadcast %get3A_125 : vector<1x128xf32> to vector<128x128xf32>
    %sub3A_127 = arith.subf %broadcast_in_dim3A_2, %sub3A_126 : vector<128x128xf32>
    %get3A_128 = arith.constant 0 : index
    %get3A_129 = arith.constant 18 : index
    %get3A_130 = arith.constant 0 : index
    %get3A_131 = vector.load %arg2[%get3A_128, %get3A_129, %get3A_130] : memref<1x25x128xf32, #tpu.memory_space<vmem>>, vector<1x1x128xf32>
    %get3A_132 = vector.shape_cast %get3A_131 : vector<1x1x128xf32> to vector<1x128xf32>
    %sub3A_133 = vector.broadcast %get3A_132 : vector<1x128xf32> to vector<128x128xf32>
    %sub3A_134 = arith.subf %broadcast_in_dim3A_2, %sub3A_133 : vector<128x128xf32>
    %get3A_135 = arith.constant 0 : index
    %get3A_136 = arith.constant 19 : index
    %get3A_137 = arith.constant 0 : index
    %get3A_138 = vector.load %arg2[%get3A_135, %get3A_136, %get3A_137] : memref<1x25x128xf32, #tpu.memory_space<vmem>>, vector<1x1x128xf32>
    %get3A_139 = vector.shape_cast %get3A_138 : vector<1x1x128xf32> to vector<1x128xf32>
    %sub3A_140 = vector.broadcast %get3A_139 : vector<1x128xf32> to vector<128x128xf32>
    %sub3A_141 = arith.subf %broadcast_in_dim3A_2, %sub3A_140 : vector<128x128xf32>
    %get3A_142 = arith.constant 0 : index
    %get3A_143 = arith.constant 20 : index
    %get3A_144 = arith.constant 0 : index
    %get3A_145 = vector.load %arg2[%get3A_142, %get3A_143, %get3A_144] : memref<1x25x128xf32, #tpu.memory_space<vmem>>, vector<1x1x128xf32>
    %get3A_146 = vector.shape_cast %get3A_145 : vector<1x1x128xf32> to vector<1x128xf32>
    %sub3A_147 = vector.broadcast %get3A_146 : vector<1x128xf32> to vector<128x128xf32>
    %sub3A_148 = arith.subf %broadcast_in_dim3A_2, %sub3A_147 : vector<128x128xf32>
    %get3A_149 = arith.constant 0 : index
    %get3A_150 = arith.constant 21 : index
    %get3A_151 = arith.constant 0 : index
    %get3A_152 = vector.load %arg2[%get3A_149, %get3A_150, %get3A_151] : memref<1x25x128xf32, #tpu.memory_space<vmem>>, vector<1x1x128xf32>
    %get3A_153 = vector.shape_cast %get3A_152 : vector<1x1x128xf32> to vector<1x128xf32>
    %sub3A_154 = vector.broadcast %get3A_153 : vector<1x128xf32> to vector<128x128xf32>
    %sub3A_155 = arith.subf %broadcast_in_dim3A_2, %sub3A_154 : vector<128x128xf32>
    %get3A_156 = arith.constant 0 : index
    %get3A_157 = arith.constant 22 : index
    %get3A_158 = arith.constant 0 : index
    %get3A_159 = vector.load %arg2[%get3A_156, %get3A_157, %get3A_158] : memref<1x25x128xf32, #tpu.memory_space<vmem>>, vector<1x1x128xf32>
    %get3A_160 = vector.shape_cast %get3A_159 : vector<1x1x128xf32> to vector<1x128xf32>
    %sub3A_161 = vector.broadcast %get3A_160 : vector<1x128xf32> to vector<128x128xf32>
    %sub3A_162 = arith.subf %broadcast_in_dim3A_2, %sub3A_161 : vector<128x128xf32>
    %get3A_163 = arith.constant 0 : index
    %get3A_164 = arith.constant 23 : index
    %get3A_165 = arith.constant 0 : index
    %get3A_166 = vector.load %arg2[%get3A_163, %get3A_164, %get3A_165] : memref<1x25x128xf32, #tpu.memory_space<vmem>>, vector<1x1x128xf32>
    %get3A_167 = vector.shape_cast %get3A_166 : vector<1x1x128xf32> to vector<1x128xf32>
    %sub3A_168 = vector.broadcast %get3A_167 : vector<1x128xf32> to vector<128x128xf32>
    %sub3A_169 = arith.subf %broadcast_in_dim3A_2, %sub3A_168 : vector<128x128xf32>
    %get3A_170 = arith.constant 0 : index
    %get3A_171 = arith.constant 24 : index
    %get3A_172 = arith.constant 0 : index
    %get3A_173 = vector.load %arg2[%get3A_170, %get3A_171, %get3A_172] : memref<1x25x128xf32, #tpu.memory_space<vmem>>, vector<1x1x128xf32>
    %get3A_174 = vector.shape_cast %get3A_173 : vector<1x1x128xf32> to vector<1x128xf32>
    %sub3A_175 = vector.broadcast %get3A_174 : vector<1x128xf32> to vector<128x128xf32>
    %sub3A_176 = arith.subf %broadcast_in_dim3A_2, %sub3A_175 : vector<128x128xf32>
    %concatenate3A = tpu.concatenate %sub3A_8, %sub3A_15, %sub3A_22, %sub3A_29, %sub3A_36, %sub3A_43, %sub3A_50, %sub3A_57, %sub3A_64, %sub3A_71, %sub3A_78, %sub3A_85, %sub3A_92, %sub3A_99, %sub3A_106, %sub3A_113, %sub3A_120, %sub3A_127, %sub3A_134, %sub3A_141, %sub3A_148, %sub3A_155, %sub3A_162, %sub3A_169, %sub3A_176 in 1 : vector<128x128xf32>, vector<128x128xf32>, vector<128x128xf32>, vector<128x128xf32>, vector<128x128xf32>, vector<128x128xf32>, vector<128x128xf32>, vector<128x128xf32>, vector<128x128xf32>, vector<128x128xf32>, vector<128x128xf32>, vector<128x128xf32>, vector<128x128xf32>, vector<128x128xf32>, vector<128x128xf32>, vector<128x128xf32>, vector<128x128xf32>, vector<128x128xf32>, vector<128x128xf32>, vector<128x128xf32>, vector<128x128xf32>, vector<128x128xf32>, vector<128x128xf32>, vector<128x128xf32>, vector<128x128xf32> -> vector<128x3200xf32>
    %mul3A = arith.constant -1.000000e+01 : f32
    %mul3A_177 = vector.broadcast %mul3A : f32 to vector<128x3200xf32>
    %mul3A_178 = arith.mulf %mul3A_177, %concatenate3A : vector<128x3200xf32>
    %mul3A_179 = arith.mulf %mul3A_178, %concatenate3A : vector<128x3200xf32>
    %exp3A = math.exp %mul3A_179 : vector<128x3200xf32>
    %get3A_180 = arith.constant 0 : index
    %get3A_181 = arith.constant 0 : index
    %get3A_182 = vector.load %arg1[%get3A_180, %get3A_181] : memref<3200x128xf32, #tpu.memory_space<vmem>>, vector<3200x64xf32>
    %get3A_183 = arith.constant 0 : index
    %get3A_184 = arith.constant 64 : index
    %get3A_185 = vector.load %arg1[%get3A_183, %get3A_184] : memref<3200x128xf32, #tpu.memory_space<vmem>>, vector<3200x64xf32>
    %add3A = arith.addf %get3A_182, %get3A_185 : vector<3200x64xf32>
    %get3A_186 = arith.constant 0 : index
    %get3A_187 = arith.constant 0 : index
    %get3A_188 = vector.load %arg4[%get3A_186, %get3A_187] : memref<128x64xf32, #tpu.memory_space<vmem>>, vector<128x64xf32>
    %dot_general3A = arith.constant dense<0.000000e+00> : vector<3200x64xf32>
    %dot_general3A_189 = tpu.matmul %exp3A, %get3A_188, %dot_general3A {dimension_numbers = #tpu.dot_dimension_numbers<[0], [0], [1], [1], [0, 1, 1, 1], [], []>, transpose_lhs_hint = true} : vector<128x3200xf32>, vector<128x64xf32>, vector<3200x64xf32> -> vector<3200x64xf32>
    %add3A_190 = arith.addf %add3A, %dot_general3A_189 : vector<3200x64xf32>
    %logistic3A = arith.negf %add3A_190 : vector<3200x64xf32>
    %logistic3A_191 = math.exp %logistic3A : vector<3200x64xf32>
    %logistic3A_192 = arith.constant 1.000000e+00 : f32
    %logistic3A_193 = vector.broadcast %logistic3A_192 : f32 to vector<3200x64xf32>
    %logistic3A_194 = arith.addf %logistic3A_193, %logistic3A_191 : vector<3200x64xf32>
    %logistic3A_195 = arith.divf %logistic3A_193, %logistic3A_194 : vector<3200x64xf32>
    %mul3A_196 = arith.mulf %add3A_190, %logistic3A_195 : vector<3200x64xf32>
    %get3A_197 = arith.constant 0 : index
    %get3A_198 = arith.constant 0 : index
    %get3A_199 = vector.load %arg5[%get3A_197, %get3A_198] : memref<64x64xf32, #tpu.memory_space<vmem>>, vector<64x64xf32>
    %dot_general3A_200 = arith.constant dense<0.000000e+00> : vector<3200x64xf32>
    %dot_general3A_201 = tpu.matmul %mul3A_196, %get3A_199, %dot_general3A_200 {dimension_numbers = #tpu.dot_dimension_numbers<[1], [0], [0], [1], [0, 0, 1, 1], [], []>, transpose_lhs_hint = false} : vector<3200x64xf32>, vector<64x64xf32>, vector<3200x64xf32> -> vector<3200x64xf32>
    %logistic3A_202 = arith.negf %dot_general3A_201 : vector<3200x64xf32>
    %logistic3A_203 = math.exp %logistic3A_202 : vector<3200x64xf32>
    %logistic3A_204 = arith.constant 1.000000e+00 : f32
    %logistic3A_205 = vector.broadcast %logistic3A_204 : f32 to vector<3200x64xf32>
    %logistic3A_206 = arith.addf %logistic3A_205, %logistic3A_203 : vector<3200x64xf32>
    %logistic3A_207 = arith.divf %logistic3A_205, %logistic3A_206 : vector<3200x64xf32>
    %mul3A_208 = arith.mulf %dot_general3A_201, %logistic3A_207 : vector<3200x64xf32>
    %get3A_209 = arith.constant 0 : index
    %get3A_210 = arith.constant 0 : index
    %get3A_211 = vector.load %arg6[%get3A_209, %get3A_210] : memref<64x9xf32, #tpu.memory_space<vmem>>, vector<64x9xf32>
    %dot_general3A_212 = arith.constant dense<0.000000e+00> : vector<9x3200xf32>
    %dot_general3A_213 = tpu.matmul %get3A_211, %mul3A_208, %dot_general3A_212 {dimension_numbers = #tpu.dot_dimension_numbers<[0], [1], [1], [0], [0, 1, 1, 0], [], []>, transpose_lhs_hint = true} : vector<64x9xf32>, vector<3200x64xf32>, vector<9x3200xf32> -> vector<9x3200xf32>
    %get3A_214 = arith.constant 0 : index
    %get3A_215 = arith.constant 0 : index
    %get3A_216 = vector.load %arg7[%get3A_214, %get3A_215] : memref<9x1xf32, #tpu.memory_space<vmem>>, vector<9x1xf32>
    %add3A_217 = vector.broadcast %get3A_216 : vector<9x1xf32> to vector<9x3200xf32>
    %add3A_218 = arith.addf %dot_general3A_213, %add3A_217 : vector<9x3200xf32>
    %swap3A = arith.constant 0 : index
    %swap3A_219 = arith.constant 0 : index
    %swap3A_220 = vector.load %arg8[%swap3A, %swap3A_219] : memref<9x3200xf32, #tpu.memory_space<vmem>>, vector<9x3200xf32>
    tpu.vector_store %arg8[%swap3A, %swap3A_219], %add3A_218 {strides = array<i32>} : memref<9x3200xf32, #tpu.memory_space<vmem>>, vector<9x3200xf32>,
    return
  }
  func.func @transform_0(%arg0: i32) -> (i32, i32) {
    %c0_i32 = arith.constant 0 : i32
    %c0_i32_0 = arith.constant 0 : i32
    return %arg0, %c0_i32 : i32, i32
  }
  func.func @transform_1(%arg0: i32) -> (i32, i32, i32) {
    %c0_i32 = arith.constant 0 : i32
    %c0_i32_0 = arith.constant 0 : i32
    %c0_i32_1 = arith.constant 0 : i32
    return %arg0, %c0_i32, %c0_i32_0 : i32, i32, i32
  }
  func.func @transform_2(%arg0: i32) -> (i32, i32) {
    %c0_i32 = arith.constant 0 : i32
    %c0_i32_0 = arith.constant 0 : i32
    %c0_i32_1 = arith.constant 0 : i32
    return %c0_i32, %c0_i32_0 : i32, i32
  }
  func.func @transform_3(%arg0: i32) -> (i32, i32) {
    %c0_i32 = arith.constant 0 : i32
    %c0_i32_0 = arith.constant 0 : i32
    %c0_i32_1 = arith.constant 0 : i32
    return %c0_i32, %c0_i32_0 : i32, i32
  }
  func.func @transform_4(%arg0: i32) -> (i32, i32) {
    %c0_i32 = arith.constant 0 : i32
    %c0_i32_0 = arith.constant 0 : i32
    %c0_i32_1 = arith.constant 0 : i32
    return %c0_i32, %c0_i32_0 : i32, i32
  }
  func.func @transform_5(%arg0: i32) -> (i32, i32) {
    %c0_i32 = arith.constant 0 : i32
    %c0_i32_0 = arith.constant 0 : i32
    %c0_i32_1 = arith.constant 0 : i32
    return %c0_i32, %c0_i32_0 : i32, i32
  }
  func.func @transform_6(%arg0: i32) -> (i32, i32) {
    %c0_i32 = arith.constant 0 : i32
    %c0_i32_0 = arith.constant 0 : i32
    %c0_i32_1 = arith.constant 0 : i32
    return %c0_i32, %c0_i32_0 : i32, i32
  }
  func.func @transform_7(%arg0: i32) -> (i32, i32) {
    %c0_i32 = arith.constant 0 : i32
    %c0_i32_0 = arith.constant 0 : i32
    return %c0_i32, %arg0 : i32, i32
  }
}

module attributes {stable_mosaic.version = 14 : i64} {
  func.func @_trip_mlp_body(%arg0: i32, %arg1: memref<3200x128xf32, #tpu.memory_space<vmem>>, %arg2: memref<1x25x128xf32, #tpu.memory_space<vmem>>, %arg3: memref<1x25x128xf32, #tpu.memory_space<vmem>>, %arg4: memref<1x25x128xf32, #tpu.memory_space<vmem>>, %arg5: memref<1x25x128xf32, #tpu.memory_space<vmem>>, %arg6: memref<128x1xf32, #tpu.memory_space<vmem>>, %arg7: memref<128x64xf32, #tpu.memory_space<vmem>>, %arg8: memref<128x64xf32, #tpu.memory_space<vmem>>, %arg9: memref<2x64xf32, #tpu.memory_space<vmem>>, %arg10: memref<64x64xf32, #tpu.memory_space<vmem>>, %arg11: memref<64x9xf32, #tpu.memory_space<vmem>>, %arg12: memref<9x1xf32, #tpu.memory_space<vmem>>, %arg13: memref<9x3200xf32, #tpu.memory_space<vmem>>) attributes {dimension_semantics = [#tpu.dimension_semantics<arbitrary>], iteration_bounds = array<i64: 25>, scalar_prefetch = 0 : i64, scratch_operands = 0 : i64, tpu.core_type = #tpu.core_type<tc>, window_params = [{transform_indices = @transform_0, window_bounds = array<i64: 3200, 128>}, {transform_indices = @transform_1, window_bounds = array<i64: 1, 25, 128>}, {transform_indices = @transform_2, window_bounds = array<i64: 1, 25, 128>}, {transform_indices = @transform_3, window_bounds = array<i64: 1, 25, 128>}, {transform_indices = @transform_4, window_bounds = array<i64: 1, 25, 128>}, {pipeline_mode = #tpu.pipeline_mode<synchronous>, transform_indices = @transform_5, window_bounds = array<i64: 128, 1>}, {pipeline_mode = #tpu.pipeline_mode<synchronous>, transform_indices = @transform_6, window_bounds = array<i64: 128, 64>}, {pipeline_mode = #tpu.pipeline_mode<synchronous>, transform_indices = @transform_7, window_bounds = array<i64: 128, 64>}, {pipeline_mode = #tpu.pipeline_mode<synchronous>, transform_indices = @transform_8, window_bounds = array<i64: 2, 64>}, {pipeline_mode = #tpu.pipeline_mode<synchronous>, transform_indices = @transform_9, window_bounds = array<i64: 64, 64>}, {pipeline_mode = #tpu.pipeline_mode<synchronous>, transform_indices = @transform_10, window_bounds = array<i64: 64, 9>}, {pipeline_mode = #tpu.pipeline_mode<synchronous>, transform_indices = @transform_11, window_bounds = array<i64: 9, 1>}, {transform_indices = @transform_12, window_bounds = array<i64: 9, 3200>}]} {
    %get3A = arith.constant 0 : index
    %get3A_0 = arith.constant 0 : index
    %get3A_1 = vector.load %arg6[%get3A, %get3A_0] : memref<128x1xf32, #tpu.memory_space<vmem>>, vector<128x1xf32>
    %broadcast_in_dim3A = vector.shape_cast %get3A_1 : vector<128x1xf32> to vector<128x1xf32>
    %broadcast_in_dim3A_2 = vector.broadcast %broadcast_in_dim3A : vector<128x1xf32> to vector<128x128xf32>
    %get3A_3 = arith.constant 0 : index
    %get3A_4 = arith.constant 0 : index
    %get3A_5 = arith.constant 0 : index
    %get3A_6 = vector.load %arg2[%get3A_3, %get3A_4, %get3A_5] : memref<1x25x128xf32, #tpu.memory_space<vmem>>, vector<1x1x128xf32>
    %get3A_7 = vector.shape_cast %get3A_6 : vector<1x1x128xf32> to vector<1x128xf32>
    %sub3A = vector.broadcast %get3A_7 : vector<1x128xf32> to vector<128x128xf32>
    %sub3A_8 = arith.subf %broadcast_in_dim3A_2, %sub3A : vector<128x128xf32>
    %get3A_9 = arith.constant 0 : index
    %get3A_10 = arith.constant 1 : index
    %get3A_11 = arith.constant 0 : index
    %get3A_12 = vector.load %arg2[%get3A_9, %get3A_10, %get3A_11] : memref<1x25x128xf32, #tpu.memory_space<vmem>>, vector<1x1x128xf32>
    %get3A_13 = vector.shape_cast %get3A_12 : vector<1x1x128xf32> to vector<1x128xf32>
    %sub3A_14 = vector.broadcast %get3A_13 : vector<1x128xf32> to vector<128x128xf32>
    %sub3A_15 = arith.subf %broadcast_in_dim3A_2, %sub3A_14 : vector<128x128xf32>
    %get3A_16 = arith.constant 0 : index
    %get3A_17 = arith.constant 2 : index
    %get3A_18 = arith.constant 0 : index
    %get3A_19 = vector.load %arg2[%get3A_16, %get3A_17, %get3A_18] : memref<1x25x128xf32, #tpu.memory_space<vmem>>, vector<1x1x128xf32>
    %get3A_20 = vector.shape_cast %get3A_19 : vector<1x1x128xf32> to vector<1x128xf32>
    %sub3A_21 = vector.broadcast %get3A_20 : vector<1x128xf32> to vector<128x128xf32>
    %sub3A_22 = arith.subf %broadcast_in_dim3A_2, %sub3A_21 : vector<128x128xf32>
    %get3A_23 = arith.constant 0 : index
    %get3A_24 = arith.constant 3 : index
    %get3A_25 = arith.constant 0 : index
    %get3A_26 = vector.load %arg2[%get3A_23, %get3A_24, %get3A_25] : memref<1x25x128xf32, #tpu.memory_space<vmem>>, vector<1x1x128xf32>
    %get3A_27 = vector.shape_cast %get3A_26 : vector<1x1x128xf32> to vector<1x128xf32>
    %sub3A_28 = vector.broadcast %get3A_27 : vector<1x128xf32> to vector<128x128xf32>
    %sub3A_29 = arith.subf %broadcast_in_dim3A_2, %sub3A_28 : vector<128x128xf32>
    %get3A_30 = arith.constant 0 : index
    %get3A_31 = arith.constant 4 : index
    %get3A_32 = arith.constant 0 : index
    %get3A_33 = vector.load %arg2[%get3A_30, %get3A_31, %get3A_32] : memref<1x25x128xf32, #tpu.memory_space<vmem>>, vector<1x1x128xf32>
    %get3A_34 = vector.shape_cast %get3A_33 : vector<1x1x128xf32> to vector<1x128xf32>
    %sub3A_35 = vector.broadcast %get3A_34 : vector<1x128xf32> to vector<128x128xf32>
    %sub3A_36 = arith.subf %broadcast_in_dim3A_2, %sub3A_35 : vector<128x128xf32>
    %get3A_37 = arith.constant 0 : index
    %get3A_38 = arith.constant 5 : index
    %get3A_39 = arith.constant 0 : index
    %get3A_40 = vector.load %arg2[%get3A_37, %get3A_38, %get3A_39] : memref<1x25x128xf32, #tpu.memory_space<vmem>>, vector<1x1x128xf32>
    %get3A_41 = vector.shape_cast %get3A_40 : vector<1x1x128xf32> to vector<1x128xf32>
    %sub3A_42 = vector.broadcast %get3A_41 : vector<1x128xf32> to vector<128x128xf32>
    %sub3A_43 = arith.subf %broadcast_in_dim3A_2, %sub3A_42 : vector<128x128xf32>
    %get3A_44 = arith.constant 0 : index
    %get3A_45 = arith.constant 6 : index
    %get3A_46 = arith.constant 0 : index
    %get3A_47 = vector.load %arg2[%get3A_44, %get3A_45, %get3A_46] : memref<1x25x128xf32, #tpu.memory_space<vmem>>, vector<1x1x128xf32>
    %get3A_48 = vector.shape_cast %get3A_47 : vector<1x1x128xf32> to vector<1x128xf32>
    %sub3A_49 = vector.broadcast %get3A_48 : vector<1x128xf32> to vector<128x128xf32>
    %sub3A_50 = arith.subf %broadcast_in_dim3A_2, %sub3A_49 : vector<128x128xf32>
    %get3A_51 = arith.constant 0 : index
    %get3A_52 = arith.constant 7 : index
    %get3A_53 = arith.constant 0 : index
    %get3A_54 = vector.load %arg2[%get3A_51, %get3A_52, %get3A_53] : memref<1x25x128xf32, #tpu.memory_space<vmem>>, vector<1x1x128xf32>
    %get3A_55 = vector.shape_cast %get3A_54 : vector<1x1x128xf32> to vector<1x128xf32>
    %sub3A_56 = vector.broadcast %get3A_55 : vector<1x128xf32> to vector<128x128xf32>
    %sub3A_57 = arith.subf %broadcast_in_dim3A_2, %sub3A_56 : vector<128x128xf32>
    %get3A_58 = arith.constant 0 : index
    %get3A_59 = arith.constant 8 : index
    %get3A_60 = arith.constant 0 : index
    %get3A_61 = vector.load %arg2[%get3A_58, %get3A_59, %get3A_60] : memref<1x25x128xf32, #tpu.memory_space<vmem>>, vector<1x1x128xf32>
    %get3A_62 = vector.shape_cast %get3A_61 : vector<1x1x128xf32> to vector<1x128xf32>
    %sub3A_63 = vector.broadcast %get3A_62 : vector<1x128xf32> to vector<128x128xf32>
    %sub3A_64 = arith.subf %broadcast_in_dim3A_2, %sub3A_63 : vector<128x128xf32>
    %get3A_65 = arith.constant 0 : index
    %get3A_66 = arith.constant 9 : index
    %get3A_67 = arith.constant 0 : index
    %get3A_68 = vector.load %arg2[%get3A_65, %get3A_66, %get3A_67] : memref<1x25x128xf32, #tpu.memory_space<vmem>>, vector<1x1x128xf32>
    %get3A_69 = vector.shape_cast %get3A_68 : vector<1x1x128xf32> to vector<1x128xf32>
    %sub3A_70 = vector.broadcast %get3A_69 : vector<1x128xf32> to vector<128x128xf32>
    %sub3A_71 = arith.subf %broadcast_in_dim3A_2, %sub3A_70 : vector<128x128xf32>
    %get3A_72 = arith.constant 0 : index
    %get3A_73 = arith.constant 10 : index
    %get3A_74 = arith.constant 0 : index
    %get3A_75 = vector.load %arg2[%get3A_72, %get3A_73, %get3A_74] : memref<1x25x128xf32, #tpu.memory_space<vmem>>, vector<1x1x128xf32>
    %get3A_76 = vector.shape_cast %get3A_75 : vector<1x1x128xf32> to vector<1x128xf32>
    %sub3A_77 = vector.broadcast %get3A_76 : vector<1x128xf32> to vector<128x128xf32>
    %sub3A_78 = arith.subf %broadcast_in_dim3A_2, %sub3A_77 : vector<128x128xf32>
    %get3A_79 = arith.constant 0 : index
    %get3A_80 = arith.constant 11 : index
    %get3A_81 = arith.constant 0 : index
    %get3A_82 = vector.load %arg2[%get3A_79, %get3A_80, %get3A_81] : memref<1x25x128xf32, #tpu.memory_space<vmem>>, vector<1x1x128xf32>
    %get3A_83 = vector.shape_cast %get3A_82 : vector<1x1x128xf32> to vector<1x128xf32>
    %sub3A_84 = vector.broadcast %get3A_83 : vector<1x128xf32> to vector<128x128xf32>
    %sub3A_85 = arith.subf %broadcast_in_dim3A_2, %sub3A_84 : vector<128x128xf32>
    %get3A_86 = arith.constant 0 : index
    %get3A_87 = arith.constant 12 : index
    %get3A_88 = arith.constant 0 : index
    %get3A_89 = vector.load %arg2[%get3A_86, %get3A_87, %get3A_88] : memref<1x25x128xf32, #tpu.memory_space<vmem>>, vector<1x1x128xf32>
    %get3A_90 = vector.shape_cast %get3A_89 : vector<1x1x128xf32> to vector<1x128xf32>
    %sub3A_91 = vector.broadcast %get3A_90 : vector<1x128xf32> to vector<128x128xf32>
    %sub3A_92 = arith.subf %broadcast_in_dim3A_2, %sub3A_91 : vector<128x128xf32>
    %get3A_93 = arith.constant 0 : index
    %get3A_94 = arith.constant 13 : index
    %get3A_95 = arith.constant 0 : index
    %get3A_96 = vector.load %arg2[%get3A_93, %get3A_94, %get3A_95] : memref<1x25x128xf32, #tpu.memory_space<vmem>>, vector<1x1x128xf32>
    %get3A_97 = vector.shape_cast %get3A_96 : vector<1x1x128xf32> to vector<1x128xf32>
    %sub3A_98 = vector.broadcast %get3A_97 : vector<1x128xf32> to vector<128x128xf32>
    %sub3A_99 = arith.subf %broadcast_in_dim3A_2, %sub3A_98 : vector<128x128xf32>
    %get3A_100 = arith.constant 0 : index
    %get3A_101 = arith.constant 14 : index
    %get3A_102 = arith.constant 0 : index
    %get3A_103 = vector.load %arg2[%get3A_100, %get3A_101, %get3A_102] : memref<1x25x128xf32, #tpu.memory_space<vmem>>, vector<1x1x128xf32>
    %get3A_104 = vector.shape_cast %get3A_103 : vector<1x1x128xf32> to vector<1x128xf32>
    %sub3A_105 = vector.broadcast %get3A_104 : vector<1x128xf32> to vector<128x128xf32>
    %sub3A_106 = arith.subf %broadcast_in_dim3A_2, %sub3A_105 : vector<128x128xf32>
    %get3A_107 = arith.constant 0 : index
    %get3A_108 = arith.constant 15 : index
    %get3A_109 = arith.constant 0 : index
    %get3A_110 = vector.load %arg2[%get3A_107, %get3A_108, %get3A_109] : memref<1x25x128xf32, #tpu.memory_space<vmem>>, vector<1x1x128xf32>
    %get3A_111 = vector.shape_cast %get3A_110 : vector<1x1x128xf32> to vector<1x128xf32>
    %sub3A_112 = vector.broadcast %get3A_111 : vector<1x128xf32> to vector<128x128xf32>
    %sub3A_113 = arith.subf %broadcast_in_dim3A_2, %sub3A_112 : vector<128x128xf32>
    %get3A_114 = arith.constant 0 : index
    %get3A_115 = arith.constant 16 : index
    %get3A_116 = arith.constant 0 : index
    %get3A_117 = vector.load %arg2[%get3A_114, %get3A_115, %get3A_116] : memref<1x25x128xf32, #tpu.memory_space<vmem>>, vector<1x1x128xf32>
    %get3A_118 = vector.shape_cast %get3A_117 : vector<1x1x128xf32> to vector<1x128xf32>
    %sub3A_119 = vector.broadcast %get3A_118 : vector<1x128xf32> to vector<128x128xf32>
    %sub3A_120 = arith.subf %broadcast_in_dim3A_2, %sub3A_119 : vector<128x128xf32>
    %get3A_121 = arith.constant 0 : index
    %get3A_122 = arith.constant 17 : index
    %get3A_123 = arith.constant 0 : index
    %get3A_124 = vector.load %arg2[%get3A_121, %get3A_122, %get3A_123] : memref<1x25x128xf32, #tpu.memory_space<vmem>>, vector<1x1x128xf32>
    %get3A_125 = vector.shape_cast %get3A_124 : vector<1x1x128xf32> to vector<1x128xf32>
    %sub3A_126 = vector.broadcast %get3A_125 : vector<1x128xf32> to vector<128x128xf32>
    %sub3A_127 = arith.subf %broadcast_in_dim3A_2, %sub3A_126 : vector<128x128xf32>
    %get3A_128 = arith.constant 0 : index
    %get3A_129 = arith.constant 18 : index
    %get3A_130 = arith.constant 0 : index
    %get3A_131 = vector.load %arg2[%get3A_128, %get3A_129, %get3A_130] : memref<1x25x128xf32, #tpu.memory_space<vmem>>, vector<1x1x128xf32>
    %get3A_132 = vector.shape_cast %get3A_131 : vector<1x1x128xf32> to vector<1x128xf32>
    %sub3A_133 = vector.broadcast %get3A_132 : vector<1x128xf32> to vector<128x128xf32>
    %sub3A_134 = arith.subf %broadcast_in_dim3A_2, %sub3A_133 : vector<128x128xf32>
    %get3A_135 = arith.constant 0 : index
    %get3A_136 = arith.constant 19 : index
    %get3A_137 = arith.constant 0 : index
    %get3A_138 = vector.load %arg2[%get3A_135, %get3A_136, %get3A_137] : memref<1x25x128xf32, #tpu.memory_space<vmem>>, vector<1x1x128xf32>
    %get3A_139 = vector.shape_cast %get3A_138 : vector<1x1x128xf32> to vector<1x128xf32>
    %sub3A_140 = vector.broadcast %get3A_139 : vector<1x128xf32> to vector<128x128xf32>
    %sub3A_141 = arith.subf %broadcast_in_dim3A_2, %sub3A_140 : vector<128x128xf32>
    %get3A_142 = arith.constant 0 : index
    %get3A_143 = arith.constant 20 : index
    %get3A_144 = arith.constant 0 : index
    %get3A_145 = vector.load %arg2[%get3A_142, %get3A_143, %get3A_144] : memref<1x25x128xf32, #tpu.memory_space<vmem>>, vector<1x1x128xf32>
    %get3A_146 = vector.shape_cast %get3A_145 : vector<1x1x128xf32> to vector<1x128xf32>
    %sub3A_147 = vector.broadcast %get3A_146 : vector<1x128xf32> to vector<128x128xf32>
    %sub3A_148 = arith.subf %broadcast_in_dim3A_2, %sub3A_147 : vector<128x128xf32>
    %get3A_149 = arith.constant 0 : index
    %get3A_150 = arith.constant 21 : index
    %get3A_151 = arith.constant 0 : index
    %get3A_152 = vector.load %arg2[%get3A_149, %get3A_150, %get3A_151] : memref<1x25x128xf32, #tpu.memory_space<vmem>>, vector<1x1x128xf32>
    %get3A_153 = vector.shape_cast %get3A_152 : vector<1x1x128xf32> to vector<1x128xf32>
    %sub3A_154 = vector.broadcast %get3A_153 : vector<1x128xf32> to vector<128x128xf32>
    %sub3A_155 = arith.subf %broadcast_in_dim3A_2, %sub3A_154 : vector<128x128xf32>
    %get3A_156 = arith.constant 0 : index
    %get3A_157 = arith.constant 22 : index
    %get3A_158 = arith.constant 0 : index
    %get3A_159 = vector.load %arg2[%get3A_156, %get3A_157, %get3A_158] : memref<1x25x128xf32, #tpu.memory_space<vmem>>, vector<1x1x128xf32>
    %get3A_160 = vector.shape_cast %get3A_159 : vector<1x1x128xf32> to vector<1x128xf32>
    %sub3A_161 = vector.broadcast %get3A_160 : vector<1x128xf32> to vector<128x128xf32>
    %sub3A_162 = arith.subf %broadcast_in_dim3A_2, %sub3A_161 : vector<128x128xf32>
    %get3A_163 = arith.constant 0 : index
    %get3A_164 = arith.constant 23 : index
    %get3A_165 = arith.constant 0 : index
    %get3A_166 = vector.load %arg2[%get3A_163, %get3A_164, %get3A_165] : memref<1x25x128xf32, #tpu.memory_space<vmem>>, vector<1x1x128xf32>
    %get3A_167 = vector.shape_cast %get3A_166 : vector<1x1x128xf32> to vector<1x128xf32>
    %sub3A_168 = vector.broadcast %get3A_167 : vector<1x128xf32> to vector<128x128xf32>
    %sub3A_169 = arith.subf %broadcast_in_dim3A_2, %sub3A_168 : vector<128x128xf32>
    %get3A_170 = arith.constant 0 : index
    %get3A_171 = arith.constant 24 : index
    %get3A_172 = arith.constant 0 : index
    %get3A_173 = vector.load %arg2[%get3A_170, %get3A_171, %get3A_172] : memref<1x25x128xf32, #tpu.memory_space<vmem>>, vector<1x1x128xf32>
    %get3A_174 = vector.shape_cast %get3A_173 : vector<1x1x128xf32> to vector<1x128xf32>
    %sub3A_175 = vector.broadcast %get3A_174 : vector<1x128xf32> to vector<128x128xf32>
    %sub3A_176 = arith.subf %broadcast_in_dim3A_2, %sub3A_175 : vector<128x128xf32>
    %concatenate3A = tpu.concatenate %sub3A_8, %sub3A_15, %sub3A_22, %sub3A_29, %sub3A_36, %sub3A_43, %sub3A_50, %sub3A_57, %sub3A_64, %sub3A_71, %sub3A_78, %sub3A_85, %sub3A_92, %sub3A_99, %sub3A_106, %sub3A_113, %sub3A_120, %sub3A_127, %sub3A_134, %sub3A_141, %sub3A_148, %sub3A_155, %sub3A_162, %sub3A_169, %sub3A_176 in 1 : vector<128x128xf32>, vector<128x128xf32>, vector<128x128xf32>, vector<128x128xf32>, vector<128x128xf32>, vector<128x128xf32>, vector<128x128xf32>, vector<128x128xf32>, vector<128x128xf32>, vector<128x128xf32>, vector<128x128xf32>, vector<128x128xf32>, vector<128x128xf32>, vector<128x128xf32>, vector<128x128xf32>, vector<128x128xf32>, vector<128x128xf32>, vector<128x128xf32>, vector<128x128xf32>, vector<128x128xf32>, vector<128x128xf32>, vector<128x128xf32>, vector<128x128xf32>, vector<128x128xf32>, vector<128x128xf32> -> vector<128x3200xf32>
    %mul3A = arith.constant -1.000000e+01 : f32
    %mul3A_177 = vector.broadcast %mul3A : f32 to vector<128x3200xf32>
    %mul3A_178 = arith.mulf %mul3A_177, %concatenate3A : vector<128x3200xf32>
    %mul3A_179 = arith.mulf %mul3A_178, %concatenate3A : vector<128x3200xf32>
    %exp3A = math.exp %mul3A_179 : vector<128x3200xf32>
    %get3A_180 = arith.constant 0 : index
    %get3A_181 = arith.constant 0 : index
    %get3A_182 = arith.constant 0 : index
    %get3A_183 = vector.load %arg3[%get3A_180, %get3A_181, %get3A_182] : memref<1x25x128xf32, #tpu.memory_space<vmem>>, vector<1x1x128xf32>
    %get3A_184 = vector.shape_cast %get3A_183 : vector<1x1x128xf32> to vector<1x128xf32>
    %sub3A_185 = vector.broadcast %get3A_184 : vector<1x128xf32> to vector<128x128xf32>
    %sub3A_186 = arith.subf %broadcast_in_dim3A_2, %sub3A_185 : vector<128x128xf32>
    %get3A_187 = arith.constant 0 : index
    %get3A_188 = arith.constant 1 : index
    %get3A_189 = arith.constant 0 : index
    %get3A_190 = vector.load %arg3[%get3A_187, %get3A_188, %get3A_189] : memref<1x25x128xf32, #tpu.memory_space<vmem>>, vector<1x1x128xf32>
    %get3A_191 = vector.shape_cast %get3A_190 : vector<1x1x128xf32> to vector<1x128xf32>
    %sub3A_192 = vector.broadcast %get3A_191 : vector<1x128xf32> to vector<128x128xf32>
    %sub3A_193 = arith.subf %broadcast_in_dim3A_2, %sub3A_192 : vector<128x128xf32>
    %get3A_194 = arith.constant 0 : index
    %get3A_195 = arith.constant 2 : index
    %get3A_196 = arith.constant 0 : index
    %get3A_197 = vector.load %arg3[%get3A_194, %get3A_195, %get3A_196] : memref<1x25x128xf32, #tpu.memory_space<vmem>>, vector<1x1x128xf32>
    %get3A_198 = vector.shape_cast %get3A_197 : vector<1x1x128xf32> to vector<1x128xf32>
    %sub3A_199 = vector.broadcast %get3A_198 : vector<1x128xf32> to vector<128x128xf32>
    %sub3A_200 = arith.subf %broadcast_in_dim3A_2, %sub3A_199 : vector<128x128xf32>
    %get3A_201 = arith.constant 0 : index
    %get3A_202 = arith.constant 3 : index
    %get3A_203 = arith.constant 0 : index
    %get3A_204 = vector.load %arg3[%get3A_201, %get3A_202, %get3A_203] : memref<1x25x128xf32, #tpu.memory_space<vmem>>, vector<1x1x128xf32>
    %get3A_205 = vector.shape_cast %get3A_204 : vector<1x1x128xf32> to vector<1x128xf32>
    %sub3A_206 = vector.broadcast %get3A_205 : vector<1x128xf32> to vector<128x128xf32>
    %sub3A_207 = arith.subf %broadcast_in_dim3A_2, %sub3A_206 : vector<128x128xf32>
    %get3A_208 = arith.constant 0 : index
    %get3A_209 = arith.constant 4 : index
    %get3A_210 = arith.constant 0 : index
    %get3A_211 = vector.load %arg3[%get3A_208, %get3A_209, %get3A_210] : memref<1x25x128xf32, #tpu.memory_space<vmem>>, vector<1x1x128xf32>
    %get3A_212 = vector.shape_cast %get3A_211 : vector<1x1x128xf32> to vector<1x128xf32>
    %sub3A_213 = vector.broadcast %get3A_212 : vector<1x128xf32> to vector<128x128xf32>
    %sub3A_214 = arith.subf %broadcast_in_dim3A_2, %sub3A_213 : vector<128x128xf32>
    %get3A_215 = arith.constant 0 : index
    %get3A_216 = arith.constant 5 : index
    %get3A_217 = arith.constant 0 : index
    %get3A_218 = vector.load %arg3[%get3A_215, %get3A_216, %get3A_217] : memref<1x25x128xf32, #tpu.memory_space<vmem>>, vector<1x1x128xf32>
    %get3A_219 = vector.shape_cast %get3A_218 : vector<1x1x128xf32> to vector<1x128xf32>
    %sub3A_220 = vector.broadcast %get3A_219 : vector<1x128xf32> to vector<128x128xf32>
    %sub3A_221 = arith.subf %broadcast_in_dim3A_2, %sub3A_220 : vector<128x128xf32>
    %get3A_222 = arith.constant 0 : index
    %get3A_223 = arith.constant 6 : index
    %get3A_224 = arith.constant 0 : index
    %get3A_225 = vector.load %arg3[%get3A_222, %get3A_223, %get3A_224] : memref<1x25x128xf32, #tpu.memory_space<vmem>>, vector<1x1x128xf32>
    %get3A_226 = vector.shape_cast %get3A_225 : vector<1x1x128xf32> to vector<1x128xf32>
    %sub3A_227 = vector.broadcast %get3A_226 : vector<1x128xf32> to vector<128x128xf32>
    %sub3A_228 = arith.subf %broadcast_in_dim3A_2, %sub3A_227 : vector<128x128xf32>
    %get3A_229 = arith.constant 0 : index
    %get3A_230 = arith.constant 7 : index
    %get3A_231 = arith.constant 0 : index
    %get3A_232 = vector.load %arg3[%get3A_229, %get3A_230, %get3A_231] : memref<1x25x128xf32, #tpu.memory_space<vmem>>, vector<1x1x128xf32>
    %get3A_233 = vector.shape_cast %get3A_232 : vector<1x1x128xf32> to vector<1x128xf32>
    %sub3A_234 = vector.broadcast %get3A_233 : vector<1x128xf32> to vector<128x128xf32>
    %sub3A_235 = arith.subf %broadcast_in_dim3A_2, %sub3A_234 : vector<128x128xf32>
    %get3A_236 = arith.constant 0 : index
    %get3A_237 = arith.constant 8 : index
    %get3A_238 = arith.constant 0 : index
    %get3A_239 = vector.load %arg3[%get3A_236, %get3A_237, %get3A_238] : memref<1x25x128xf32, #tpu.memory_space<vmem>>, vector<1x1x128xf32>
    %get3A_240 = vector.shape_cast %get3A_239 : vector<1x1x128xf32> to vector<1x128xf32>
    %sub3A_241 = vector.broadcast %get3A_240 : vector<1x128xf32> to vector<128x128xf32>
    %sub3A_242 = arith.subf %broadcast_in_dim3A_2, %sub3A_241 : vector<128x128xf32>
    %get3A_243 = arith.constant 0 : index
    %get3A_244 = arith.constant 9 : index
    %get3A_245 = arith.constant 0 : index
    %get3A_246 = vector.load %arg3[%get3A_243, %get3A_244, %get3A_245] : memref<1x25x128xf32, #tpu.memory_space<vmem>>, vector<1x1x128xf32>
    %get3A_247 = vector.shape_cast %get3A_246 : vector<1x1x128xf32> to vector<1x128xf32>
    %sub3A_248 = vector.broadcast %get3A_247 : vector<1x128xf32> to vector<128x128xf32>
    %sub3A_249 = arith.subf %broadcast_in_dim3A_2, %sub3A_248 : vector<128x128xf32>
    %get3A_250 = arith.constant 0 : index
    %get3A_251 = arith.constant 10 : index
    %get3A_252 = arith.constant 0 : index
    %get3A_253 = vector.load %arg3[%get3A_250, %get3A_251, %get3A_252] : memref<1x25x128xf32, #tpu.memory_space<vmem>>, vector<1x1x128xf32>
    %get3A_254 = vector.shape_cast %get3A_253 : vector<1x1x128xf32> to vector<1x128xf32>
    %sub3A_255 = vector.broadcast %get3A_254 : vector<1x128xf32> to vector<128x128xf32>
    %sub3A_256 = arith.subf %broadcast_in_dim3A_2, %sub3A_255 : vector<128x128xf32>
    %get3A_257 = arith.constant 0 : index
    %get3A_258 = arith.constant 11 : index
    %get3A_259 = arith.constant 0 : index
    %get3A_260 = vector.load %arg3[%get3A_257, %get3A_258, %get3A_259] : memref<1x25x128xf32, #tpu.memory_space<vmem>>, vector<1x1x128xf32>
    %get3A_261 = vector.shape_cast %get3A_260 : vector<1x1x128xf32> to vector<1x128xf32>
    %sub3A_262 = vector.broadcast %get3A_261 : vector<1x128xf32> to vector<128x128xf32>
    %sub3A_263 = arith.subf %broadcast_in_dim3A_2, %sub3A_262 : vector<128x128xf32>
    %get3A_264 = arith.constant 0 : index
    %get3A_265 = arith.constant 12 : index
    %get3A_266 = arith.constant 0 : index
    %get3A_267 = vector.load %arg3[%get3A_264, %get3A_265, %get3A_266] : memref<1x25x128xf32, #tpu.memory_space<vmem>>, vector<1x1x128xf32>
    %get3A_268 = vector.shape_cast %get3A_267 : vector<1x1x128xf32> to vector<1x128xf32>
    %sub3A_269 = vector.broadcast %get3A_268 : vector<1x128xf32> to vector<128x128xf32>
    %sub3A_270 = arith.subf %broadcast_in_dim3A_2, %sub3A_269 : vector<128x128xf32>
    %get3A_271 = arith.constant 0 : index
    %get3A_272 = arith.constant 13 : index
    %get3A_273 = arith.constant 0 : index
    %get3A_274 = vector.load %arg3[%get3A_271, %get3A_272, %get3A_273] : memref<1x25x128xf32, #tpu.memory_space<vmem>>, vector<1x1x128xf32>
    %get3A_275 = vector.shape_cast %get3A_274 : vector<1x1x128xf32> to vector<1x128xf32>
    %sub3A_276 = vector.broadcast %get3A_275 : vector<1x128xf32> to vector<128x128xf32>
    %sub3A_277 = arith.subf %broadcast_in_dim3A_2, %sub3A_276 : vector<128x128xf32>
    %get3A_278 = arith.constant 0 : index
    %get3A_279 = arith.constant 14 : index
    %get3A_280 = arith.constant 0 : index
    %get3A_281 = vector.load %arg3[%get3A_278, %get3A_279, %get3A_280] : memref<1x25x128xf32, #tpu.memory_space<vmem>>, vector<1x1x128xf32>
    %get3A_282 = vector.shape_cast %get3A_281 : vector<1x1x128xf32> to vector<1x128xf32>
    %sub3A_283 = vector.broadcast %get3A_282 : vector<1x128xf32> to vector<128x128xf32>
    %sub3A_284 = arith.subf %broadcast_in_dim3A_2, %sub3A_283 : vector<128x128xf32>
    %get3A_285 = arith.constant 0 : index
    %get3A_286 = arith.constant 15 : index
    %get3A_287 = arith.constant 0 : index
    %get3A_288 = vector.load %arg3[%get3A_285, %get3A_286, %get3A_287] : memref<1x25x128xf32, #tpu.memory_space<vmem>>, vector<1x1x128xf32>
    %get3A_289 = vector.shape_cast %get3A_288 : vector<1x1x128xf32> to vector<1x128xf32>
    %sub3A_290 = vector.broadcast %get3A_289 : vector<1x128xf32> to vector<128x128xf32>
    %sub3A_291 = arith.subf %broadcast_in_dim3A_2, %sub3A_290 : vector<128x128xf32>
    %get3A_292 = arith.constant 0 : index
    %get3A_293 = arith.constant 16 : index
    %get3A_294 = arith.constant 0 : index
    %get3A_295 = vector.load %arg3[%get3A_292, %get3A_293, %get3A_294] : memref<1x25x128xf32, #tpu.memory_space<vmem>>, vector<1x1x128xf32>
    %get3A_296 = vector.shape_cast %get3A_295 : vector<1x1x128xf32> to vector<1x128xf32>
    %sub3A_297 = vector.broadcast %get3A_296 : vector<1x128xf32> to vector<128x128xf32>
    %sub3A_298 = arith.subf %broadcast_in_dim3A_2, %sub3A_297 : vector<128x128xf32>
    %get3A_299 = arith.constant 0 : index
    %get3A_300 = arith.constant 17 : index
    %get3A_301 = arith.constant 0 : index
    %get3A_302 = vector.load %arg3[%get3A_299, %get3A_300, %get3A_301] : memref<1x25x128xf32, #tpu.memory_space<vmem>>, vector<1x1x128xf32>
    %get3A_303 = vector.shape_cast %get3A_302 : vector<1x1x128xf32> to vector<1x128xf32>
    %sub3A_304 = vector.broadcast %get3A_303 : vector<1x128xf32> to vector<128x128xf32>
    %sub3A_305 = arith.subf %broadcast_in_dim3A_2, %sub3A_304 : vector<128x128xf32>
    %get3A_306 = arith.constant 0 : index
    %get3A_307 = arith.constant 18 : index
    %get3A_308 = arith.constant 0 : index
    %get3A_309 = vector.load %arg3[%get3A_306, %get3A_307, %get3A_308] : memref<1x25x128xf32, #tpu.memory_space<vmem>>, vector<1x1x128xf32>
    %get3A_310 = vector.shape_cast %get3A_309 : vector<1x1x128xf32> to vector<1x128xf32>
    %sub3A_311 = vector.broadcast %get3A_310 : vector<1x128xf32> to vector<128x128xf32>
    %sub3A_312 = arith.subf %broadcast_in_dim3A_2, %sub3A_311 : vector<128x128xf32>
    %get3A_313 = arith.constant 0 : index
    %get3A_314 = arith.constant 19 : index
    %get3A_315 = arith.constant 0 : index
    %get3A_316 = vector.load %arg3[%get3A_313, %get3A_314, %get3A_315] : memref<1x25x128xf32, #tpu.memory_space<vmem>>, vector<1x1x128xf32>
    %get3A_317 = vector.shape_cast %get3A_316 : vector<1x1x128xf32> to vector<1x128xf32>
    %sub3A_318 = vector.broadcast %get3A_317 : vector<1x128xf32> to vector<128x128xf32>
    %sub3A_319 = arith.subf %broadcast_in_dim3A_2, %sub3A_318 : vector<128x128xf32>
    %get3A_320 = arith.constant 0 : index
    %get3A_321 = arith.constant 20 : index
    %get3A_322 = arith.constant 0 : index
    %get3A_323 = vector.load %arg3[%get3A_320, %get3A_321, %get3A_322] : memref<1x25x128xf32, #tpu.memory_space<vmem>>, vector<1x1x128xf32>
    %get3A_324 = vector.shape_cast %get3A_323 : vector<1x1x128xf32> to vector<1x128xf32>
    %sub3A_325 = vector.broadcast %get3A_324 : vector<1x128xf32> to vector<128x128xf32>
    %sub3A_326 = arith.subf %broadcast_in_dim3A_2, %sub3A_325 : vector<128x128xf32>
    %get3A_327 = arith.constant 0 : index
    %get3A_328 = arith.constant 21 : index
    %get3A_329 = arith.constant 0 : index
    %get3A_330 = vector.load %arg3[%get3A_327, %get3A_328, %get3A_329] : memref<1x25x128xf32, #tpu.memory_space<vmem>>, vector<1x1x128xf32>
    %get3A_331 = vector.shape_cast %get3A_330 : vector<1x1x128xf32> to vector<1x128xf32>
    %sub3A_332 = vector.broadcast %get3A_331 : vector<1x128xf32> to vector<128x128xf32>
    %sub3A_333 = arith.subf %broadcast_in_dim3A_2, %sub3A_332 : vector<128x128xf32>
    %get3A_334 = arith.constant 0 : index
    %get3A_335 = arith.constant 22 : index
    %get3A_336 = arith.constant 0 : index
    %get3A_337 = vector.load %arg3[%get3A_334, %get3A_335, %get3A_336] : memref<1x25x128xf32, #tpu.memory_space<vmem>>, vector<1x1x128xf32>
    %get3A_338 = vector.shape_cast %get3A_337 : vector<1x1x128xf32> to vector<1x128xf32>
    %sub3A_339 = vector.broadcast %get3A_338 : vector<1x128xf32> to vector<128x128xf32>
    %sub3A_340 = arith.subf %broadcast_in_dim3A_2, %sub3A_339 : vector<128x128xf32>
    %get3A_341 = arith.constant 0 : index
    %get3A_342 = arith.constant 23 : index
    %get3A_343 = arith.constant 0 : index
    %get3A_344 = vector.load %arg3[%get3A_341, %get3A_342, %get3A_343] : memref<1x25x128xf32, #tpu.memory_space<vmem>>, vector<1x1x128xf32>
    %get3A_345 = vector.shape_cast %get3A_344 : vector<1x1x128xf32> to vector<1x128xf32>
    %sub3A_346 = vector.broadcast %get3A_345 : vector<1x128xf32> to vector<128x128xf32>
    %sub3A_347 = arith.subf %broadcast_in_dim3A_2, %sub3A_346 : vector<128x128xf32>
    %get3A_348 = arith.constant 0 : index
    %get3A_349 = arith.constant 24 : index
    %get3A_350 = arith.constant 0 : index
    %get3A_351 = vector.load %arg3[%get3A_348, %get3A_349, %get3A_350] : memref<1x25x128xf32, #tpu.memory_space<vmem>>, vector<1x1x128xf32>
    %get3A_352 = vector.shape_cast %get3A_351 : vector<1x1x128xf32> to vector<1x128xf32>
    %sub3A_353 = vector.broadcast %get3A_352 : vector<1x128xf32> to vector<128x128xf32>
    %sub3A_354 = arith.subf %broadcast_in_dim3A_2, %sub3A_353 : vector<128x128xf32>
    %concatenate3A_355 = tpu.concatenate %sub3A_186, %sub3A_193, %sub3A_200, %sub3A_207, %sub3A_214, %sub3A_221, %sub3A_228, %sub3A_235, %sub3A_242, %sub3A_249, %sub3A_256, %sub3A_263, %sub3A_270, %sub3A_277, %sub3A_284, %sub3A_291, %sub3A_298, %sub3A_305, %sub3A_312, %sub3A_319, %sub3A_326, %sub3A_333, %sub3A_340, %sub3A_347, %sub3A_354 in 1 : vector<128x128xf32>, vector<128x128xf32>, vector<128x128xf32>, vector<128x128xf32>, vector<128x128xf32>, vector<128x128xf32>, vector<128x128xf32>, vector<128x128xf32>, vector<128x128xf32>, vector<128x128xf32>, vector<128x128xf32>, vector<128x128xf32>, vector<128x128xf32>, vector<128x128xf32>, vector<128x128xf32>, vector<128x128xf32>, vector<128x128xf32>, vector<128x128xf32>, vector<128x128xf32>, vector<128x128xf32>, vector<128x128xf32>, vector<128x128xf32>, vector<128x128xf32>, vector<128x128xf32>, vector<128x128xf32> -> vector<128x3200xf32>
    %mul3A_356 = arith.constant -1.000000e+01 : f32
    %mul3A_357 = vector.broadcast %mul3A_356 : f32 to vector<128x3200xf32>
    %mul3A_358 = arith.mulf %mul3A_357, %concatenate3A_355 : vector<128x3200xf32>
    %mul3A_359 = arith.mulf %mul3A_358, %concatenate3A_355 : vector<128x3200xf32>
    %exp3A_360 = math.exp %mul3A_359 : vector<128x3200xf32>
    %get3A_361 = arith.constant 0 : index
    %get3A_362 = arith.constant 0 : index
    %get3A_363 = arith.constant 0 : index
    %get3A_364 = vector.load %arg4[%get3A_361, %get3A_362, %get3A_363] : memref<1x25x128xf32, #tpu.memory_space<vmem>>, vector<1x1x128xf32>
    %get3A_365 = vector.shape_cast %get3A_364 : vector<1x1x128xf32> to vector<1x128xf32>
    %get3A_366 = arith.constant 0 : index
    %get3A_367 = arith.constant 1 : index
    %get3A_368 = arith.constant 0 : index
    %get3A_369 = vector.load %arg4[%get3A_366, %get3A_367, %get3A_368] : memref<1x25x128xf32, #tpu.memory_space<vmem>>, vector<1x1x128xf32>
    %get3A_370 = vector.shape_cast %get3A_369 : vector<1x1x128xf32> to vector<1x128xf32>
    %get3A_371 = arith.constant 0 : index
    %get3A_372 = arith.constant 2 : index
    %get3A_373 = arith.constant 0 : index
    %get3A_374 = vector.load %arg4[%get3A_371, %get3A_372, %get3A_373] : memref<1x25x128xf32, #tpu.memory_space<vmem>>, vector<1x1x128xf32>
    %get3A_375 = vector.shape_cast %get3A_374 : vector<1x1x128xf32> to vector<1x128xf32>
    %get3A_376 = arith.constant 0 : index
    %get3A_377 = arith.constant 3 : index
    %get3A_378 = arith.constant 0 : index
    %get3A_379 = vector.load %arg4[%get3A_376, %get3A_377, %get3A_378] : memref<1x25x128xf32, #tpu.memory_space<vmem>>, vector<1x1x128xf32>
    %get3A_380 = vector.shape_cast %get3A_379 : vector<1x1x128xf32> to vector<1x128xf32>
    %get3A_381 = arith.constant 0 : index
    %get3A_382 = arith.constant 4 : index
    %get3A_383 = arith.constant 0 : index
    %get3A_384 = vector.load %arg4[%get3A_381, %get3A_382, %get3A_383] : memref<1x25x128xf32, #tpu.memory_space<vmem>>, vector<1x1x128xf32>
    %get3A_385 = vector.shape_cast %get3A_384 : vector<1x1x128xf32> to vector<1x128xf32>
    %get3A_386 = arith.constant 0 : index
    %get3A_387 = arith.constant 5 : index
    %get3A_388 = arith.constant 0 : index
    %get3A_389 = vector.load %arg4[%get3A_386, %get3A_387, %get3A_388] : memref<1x25x128xf32, #tpu.memory_space<vmem>>, vector<1x1x128xf32>
    %get3A_390 = vector.shape_cast %get3A_389 : vector<1x1x128xf32> to vector<1x128xf32>
    %get3A_391 = arith.constant 0 : index
    %get3A_392 = arith.constant 6 : index
    %get3A_393 = arith.constant 0 : index
    %get3A_394 = vector.load %arg4[%get3A_391, %get3A_392, %get3A_393] : memref<1x25x128xf32, #tpu.memory_space<vmem>>, vector<1x1x128xf32>
    %get3A_395 = vector.shape_cast %get3A_394 : vector<1x1x128xf32> to vector<1x128xf32>
    %get3A_396 = arith.constant 0 : index
    %get3A_397 = arith.constant 7 : index
    %get3A_398 = arith.constant 0 : index
    %get3A_399 = vector.load %arg4[%get3A_396, %get3A_397, %get3A_398] : memref<1x25x128xf32, #tpu.memory_space<vmem>>, vector<1x1x128xf32>
    %get3A_400 = vector.shape_cast %get3A_399 : vector<1x1x128xf32> to vector<1x128xf32>
    %get3A_401 = arith.constant 0 : index
    %get3A_402 = arith.constant 8 : index
    %get3A_403 = arith.constant 0 : index
    %get3A_404 = vector.load %arg4[%get3A_401, %get3A_402, %get3A_403] : memref<1x25x128xf32, #tpu.memory_space<vmem>>, vector<1x1x128xf32>
    %get3A_405 = vector.shape_cast %get3A_404 : vector<1x1x128xf32> to vector<1x128xf32>
    %get3A_406 = arith.constant 0 : index
    %get3A_407 = arith.constant 9 : index
    %get3A_408 = arith.constant 0 : index
    %get3A_409 = vector.load %arg4[%get3A_406, %get3A_407, %get3A_408] : memref<1x25x128xf32, #tpu.memory_space<vmem>>, vector<1x1x128xf32>
    %get3A_410 = vector.shape_cast %get3A_409 : vector<1x1x128xf32> to vector<1x128xf32>
    %get3A_411 = arith.constant 0 : index
    %get3A_412 = arith.constant 10 : index
    %get3A_413 = arith.constant 0 : index
    %get3A_414 = vector.load %arg4[%get3A_411, %get3A_412, %get3A_413] : memref<1x25x128xf32, #tpu.memory_space<vmem>>, vector<1x1x128xf32>
    %get3A_415 = vector.shape_cast %get3A_414 : vector<1x1x128xf32> to vector<1x128xf32>
    %get3A_416 = arith.constant 0 : index
    %get3A_417 = arith.constant 11 : index
    %get3A_418 = arith.constant 0 : index
    %get3A_419 = vector.load %arg4[%get3A_416, %get3A_417, %get3A_418] : memref<1x25x128xf32, #tpu.memory_space<vmem>>, vector<1x1x128xf32>
    %get3A_420 = vector.shape_cast %get3A_419 : vector<1x1x128xf32> to vector<1x128xf32>
    %get3A_421 = arith.constant 0 : index
    %get3A_422 = arith.constant 12 : index
    %get3A_423 = arith.constant 0 : index
    %get3A_424 = vector.load %arg4[%get3A_421, %get3A_422, %get3A_423] : memref<1x25x128xf32, #tpu.memory_space<vmem>>, vector<1x1x128xf32>
    %get3A_425 = vector.shape_cast %get3A_424 : vector<1x1x128xf32> to vector<1x128xf32>
    %get3A_426 = arith.constant 0 : index
    %get3A_427 = arith.constant 13 : index
    %get3A_428 = arith.constant 0 : index
    %get3A_429 = vector.load %arg4[%get3A_426, %get3A_427, %get3A_428] : memref<1x25x128xf32, #tpu.memory_space<vmem>>, vector<1x1x128xf32>
    %get3A_430 = vector.shape_cast %get3A_429 : vector<1x1x128xf32> to vector<1x128xf32>
    %get3A_431 = arith.constant 0 : index
    %get3A_432 = arith.constant 14 : index
    %get3A_433 = arith.constant 0 : index
    %get3A_434 = vector.load %arg4[%get3A_431, %get3A_432, %get3A_433] : memref<1x25x128xf32, #tpu.memory_space<vmem>>, vector<1x1x128xf32>
    %get3A_435 = vector.shape_cast %get3A_434 : vector<1x1x128xf32> to vector<1x128xf32>
    %get3A_436 = arith.constant 0 : index
    %get3A_437 = arith.constant 15 : index
    %get3A_438 = arith.constant 0 : index
    %get3A_439 = vector.load %arg4[%get3A_436, %get3A_437, %get3A_438] : memref<1x25x128xf32, #tpu.memory_space<vmem>>, vector<1x1x128xf32>
    %get3A_440 = vector.shape_cast %get3A_439 : vector<1x1x128xf32> to vector<1x128xf32>
    %get3A_441 = arith.constant 0 : index
    %get3A_442 = arith.constant 16 : index
    %get3A_443 = arith.constant 0 : index
    %get3A_444 = vector.load %arg4[%get3A_441, %get3A_442, %get3A_443] : memref<1x25x128xf32, #tpu.memory_space<vmem>>, vector<1x1x128xf32>
    %get3A_445 = vector.shape_cast %get3A_444 : vector<1x1x128xf32> to vector<1x128xf32>
    %get3A_446 = arith.constant 0 : index
    %get3A_447 = arith.constant 17 : index
    %get3A_448 = arith.constant 0 : index
    %get3A_449 = vector.load %arg4[%get3A_446, %get3A_447, %get3A_448] : memref<1x25x128xf32, #tpu.memory_space<vmem>>, vector<1x1x128xf32>
    %get3A_450 = vector.shape_cast %get3A_449 : vector<1x1x128xf32> to vector<1x128xf32>
    %get3A_451 = arith.constant 0 : index
    %get3A_452 = arith.constant 18 : index
    %get3A_453 = arith.constant 0 : index
    %get3A_454 = vector.load %arg4[%get3A_451, %get3A_452, %get3A_453] : memref<1x25x128xf32, #tpu.memory_space<vmem>>, vector<1x1x128xf32>
    %get3A_455 = vector.shape_cast %get3A_454 : vector<1x1x128xf32> to vector<1x128xf32>
    %get3A_456 = arith.constant 0 : index
    %get3A_457 = arith.constant 19 : index
    %get3A_458 = arith.constant 0 : index
    %get3A_459 = vector.load %arg4[%get3A_456, %get3A_457, %get3A_458] : memref<1x25x128xf32, #tpu.memory_space<vmem>>, vector<1x1x128xf32>
    %get3A_460 = vector.shape_cast %get3A_459 : vector<1x1x128xf32> to vector<1x128xf32>
    %get3A_461 = arith.constant 0 : index
    %get3A_462 = arith.constant 20 : index
    %get3A_463 = arith.constant 0 : index
    %get3A_464 = vector.load %arg4[%get3A_461, %get3A_462, %get3A_463] : memref<1x25x128xf32, #tpu.memory_space<vmem>>, vector<1x1x128xf32>
    %get3A_465 = vector.shape_cast %get3A_464 : vector<1x1x128xf32> to vector<1x128xf32>
    %get3A_466 = arith.constant 0 : index
    %get3A_467 = arith.constant 21 : index
    %get3A_468 = arith.constant 0 : index
    %get3A_469 = vector.load %arg4[%get3A_466, %get3A_467, %get3A_468] : memref<1x25x128xf32, #tpu.memory_space<vmem>>, vector<1x1x128xf32>
    %get3A_470 = vector.shape_cast %get3A_469 : vector<1x1x128xf32> to vector<1x128xf32>
    %get3A_471 = arith.constant 0 : index
    %get3A_472 = arith.constant 22 : index
    %get3A_473 = arith.constant 0 : index
    %get3A_474 = vector.load %arg4[%get3A_471, %get3A_472, %get3A_473] : memref<1x25x128xf32, #tpu.memory_space<vmem>>, vector<1x1x128xf32>
    %get3A_475 = vector.shape_cast %get3A_474 : vector<1x1x128xf32> to vector<1x128xf32>
    %get3A_476 = arith.constant 0 : index
    %get3A_477 = arith.constant 23 : index
    %get3A_478 = arith.constant 0 : index
    %get3A_479 = vector.load %arg4[%get3A_476, %get3A_477, %get3A_478] : memref<1x25x128xf32, #tpu.memory_space<vmem>>, vector<1x1x128xf32>
    %get3A_480 = vector.shape_cast %get3A_479 : vector<1x1x128xf32> to vector<1x128xf32>
    %get3A_481 = arith.constant 0 : index
    %get3A_482 = arith.constant 24 : index
    %get3A_483 = arith.constant 0 : index
    %get3A_484 = vector.load %arg4[%get3A_481, %get3A_482, %get3A_483] : memref<1x25x128xf32, #tpu.memory_space<vmem>>, vector<1x1x128xf32>
    %get3A_485 = vector.shape_cast %get3A_484 : vector<1x1x128xf32> to vector<1x128xf32>
    %concatenate3A_486 = tpu.concatenate %get3A_365, %get3A_370, %get3A_375, %get3A_380, %get3A_385, %get3A_390, %get3A_395, %get3A_400, %get3A_405, %get3A_410, %get3A_415, %get3A_420, %get3A_425, %get3A_430, %get3A_435, %get3A_440, %get3A_445, %get3A_450, %get3A_455, %get3A_460, %get3A_465, %get3A_470, %get3A_475, %get3A_480, %get3A_485 in 1 : vector<1x128xf32>, vector<1x128xf32>, vector<1x128xf32>, vector<1x128xf32>, vector<1x128xf32>, vector<1x128xf32>, vector<1x128xf32>, vector<1x128xf32>, vector<1x128xf32>, vector<1x128xf32>, vector<1x128xf32>, vector<1x128xf32>, vector<1x128xf32>, vector<1x128xf32>, vector<1x128xf32>, vector<1x128xf32>, vector<1x128xf32>, vector<1x128xf32>, vector<1x128xf32>, vector<1x128xf32>, vector<1x128xf32>, vector<1x128xf32>, vector<1x128xf32>, vector<1x128xf32>, vector<1x128xf32> -> vector<1x3200xf32>
    %get3A_487 = arith.constant 0 : index
    %get3A_488 = arith.constant 0 : index
    %get3A_489 = arith.constant 0 : index
    %get3A_490 = vector.load %arg5[%get3A_487, %get3A_488, %get3A_489] : memref<1x25x128xf32, #tpu.memory_space<vmem>>, vector<1x1x128xf32>
    %get3A_491 = vector.shape_cast %get3A_490 : vector<1x1x128xf32> to vector<1x128xf32>
    %get3A_492 = arith.constant 0 : index
    %get3A_493 = arith.constant 1 : index
    %get3A_494 = arith.constant 0 : index
    %get3A_495 = vector.load %arg5[%get3A_492, %get3A_493, %get3A_494] : memref<1x25x128xf32, #tpu.memory_space<vmem>>, vector<1x1x128xf32>
    %get3A_496 = vector.shape_cast %get3A_495 : vector<1x1x128xf32> to vector<1x128xf32>
    %get3A_497 = arith.constant 0 : index
    %get3A_498 = arith.constant 2 : index
    %get3A_499 = arith.constant 0 : index
    %get3A_500 = vector.load %arg5[%get3A_497, %get3A_498, %get3A_499] : memref<1x25x128xf32, #tpu.memory_space<vmem>>, vector<1x1x128xf32>
    %get3A_501 = vector.shape_cast %get3A_500 : vector<1x1x128xf32> to vector<1x128xf32>
    %get3A_502 = arith.constant 0 : index
    %get3A_503 = arith.constant 3 : index
    %get3A_504 = arith.constant 0 : index
    %get3A_505 = vector.load %arg5[%get3A_502, %get3A_503, %get3A_504] : memref<1x25x128xf32, #tpu.memory_space<vmem>>, vector<1x1x128xf32>
    %get3A_506 = vector.shape_cast %get3A_505 : vector<1x1x128xf32> to vector<1x128xf32>
    %get3A_507 = arith.constant 0 : index
    %get3A_508 = arith.constant 4 : index
    %get3A_509 = arith.constant 0 : index
    %get3A_510 = vector.load %arg5[%get3A_507, %get3A_508, %get3A_509] : memref<1x25x128xf32, #tpu.memory_space<vmem>>, vector<1x1x128xf32>
    %get3A_511 = vector.shape_cast %get3A_510 : vector<1x1x128xf32> to vector<1x128xf32>
    %get3A_512 = arith.constant 0 : index
    %get3A_513 = arith.constant 5 : index
    %get3A_514 = arith.constant 0 : index
    %get3A_515 = vector.load %arg5[%get3A_512, %get3A_513, %get3A_514] : memref<1x25x128xf32, #tpu.memory_space<vmem>>, vector<1x1x128xf32>
    %get3A_516 = vector.shape_cast %get3A_515 : vector<1x1x128xf32> to vector<1x128xf32>
    %get3A_517 = arith.constant 0 : index
    %get3A_518 = arith.constant 6 : index
    %get3A_519 = arith.constant 0 : index
    %get3A_520 = vector.load %arg5[%get3A_517, %get3A_518, %get3A_519] : memref<1x25x128xf32, #tpu.memory_space<vmem>>, vector<1x1x128xf32>
    %get3A_521 = vector.shape_cast %get3A_520 : vector<1x1x128xf32> to vector<1x128xf32>
    %get3A_522 = arith.constant 0 : index
    %get3A_523 = arith.constant 7 : index
    %get3A_524 = arith.constant 0 : index
    %get3A_525 = vector.load %arg5[%get3A_522, %get3A_523, %get3A_524] : memref<1x25x128xf32, #tpu.memory_space<vmem>>, vector<1x1x128xf32>
    %get3A_526 = vector.shape_cast %get3A_525 : vector<1x1x128xf32> to vector<1x128xf32>
    %get3A_527 = arith.constant 0 : index
    %get3A_528 = arith.constant 8 : index
    %get3A_529 = arith.constant 0 : index
    %get3A_530 = vector.load %arg5[%get3A_527, %get3A_528, %get3A_529] : memref<1x25x128xf32, #tpu.memory_space<vmem>>, vector<1x1x128xf32>
    %get3A_531 = vector.shape_cast %get3A_530 : vector<1x1x128xf32> to vector<1x128xf32>
    %get3A_532 = arith.constant 0 : index
    %get3A_533 = arith.constant 9 : index
    %get3A_534 = arith.constant 0 : index
    %get3A_535 = vector.load %arg5[%get3A_532, %get3A_533, %get3A_534] : memref<1x25x128xf32, #tpu.memory_space<vmem>>, vector<1x1x128xf32>
    %get3A_536 = vector.shape_cast %get3A_535 : vector<1x1x128xf32> to vector<1x128xf32>
    %get3A_537 = arith.constant 0 : index
    %get3A_538 = arith.constant 10 : index
    %get3A_539 = arith.constant 0 : index
    %get3A_540 = vector.load %arg5[%get3A_537, %get3A_538, %get3A_539] : memref<1x25x128xf32, #tpu.memory_space<vmem>>, vector<1x1x128xf32>
    %get3A_541 = vector.shape_cast %get3A_540 : vector<1x1x128xf32> to vector<1x128xf32>
    %get3A_542 = arith.constant 0 : index
    %get3A_543 = arith.constant 11 : index
    %get3A_544 = arith.constant 0 : index
    %get3A_545 = vector.load %arg5[%get3A_542, %get3A_543, %get3A_544] : memref<1x25x128xf32, #tpu.memory_space<vmem>>, vector<1x1x128xf32>
    %get3A_546 = vector.shape_cast %get3A_545 : vector<1x1x128xf32> to vector<1x128xf32>
    %get3A_547 = arith.constant 0 : index
    %get3A_548 = arith.constant 12 : index
    %get3A_549 = arith.constant 0 : index
    %get3A_550 = vector.load %arg5[%get3A_547, %get3A_548, %get3A_549] : memref<1x25x128xf32, #tpu.memory_space<vmem>>, vector<1x1x128xf32>
    %get3A_551 = vector.shape_cast %get3A_550 : vector<1x1x128xf32> to vector<1x128xf32>
    %get3A_552 = arith.constant 0 : index
    %get3A_553 = arith.constant 13 : index
    %get3A_554 = arith.constant 0 : index
    %get3A_555 = vector.load %arg5[%get3A_552, %get3A_553, %get3A_554] : memref<1x25x128xf32, #tpu.memory_space<vmem>>, vector<1x1x128xf32>
    %get3A_556 = vector.shape_cast %get3A_555 : vector<1x1x128xf32> to vector<1x128xf32>
    %get3A_557 = arith.constant 0 : index
    %get3A_558 = arith.constant 14 : index
    %get3A_559 = arith.constant 0 : index
    %get3A_560 = vector.load %arg5[%get3A_557, %get3A_558, %get3A_559] : memref<1x25x128xf32, #tpu.memory_space<vmem>>, vector<1x1x128xf32>
    %get3A_561 = vector.shape_cast %get3A_560 : vector<1x1x128xf32> to vector<1x128xf32>
    %get3A_562 = arith.constant 0 : index
    %get3A_563 = arith.constant 15 : index
    %get3A_564 = arith.constant 0 : index
    %get3A_565 = vector.load %arg5[%get3A_562, %get3A_563, %get3A_564] : memref<1x25x128xf32, #tpu.memory_space<vmem>>, vector<1x1x128xf32>
    %get3A_566 = vector.shape_cast %get3A_565 : vector<1x1x128xf32> to vector<1x128xf32>
    %get3A_567 = arith.constant 0 : index
    %get3A_568 = arith.constant 16 : index
    %get3A_569 = arith.constant 0 : index
    %get3A_570 = vector.load %arg5[%get3A_567, %get3A_568, %get3A_569] : memref<1x25x128xf32, #tpu.memory_space<vmem>>, vector<1x1x128xf32>
    %get3A_571 = vector.shape_cast %get3A_570 : vector<1x1x128xf32> to vector<1x128xf32>
    %get3A_572 = arith.constant 0 : index
    %get3A_573 = arith.constant 17 : index
    %get3A_574 = arith.constant 0 : index
    %get3A_575 = vector.load %arg5[%get3A_572, %get3A_573, %get3A_574] : memref<1x25x128xf32, #tpu.memory_space<vmem>>, vector<1x1x128xf32>
    %get3A_576 = vector.shape_cast %get3A_575 : vector<1x1x128xf32> to vector<1x128xf32>
    %get3A_577 = arith.constant 0 : index
    %get3A_578 = arith.constant 18 : index
    %get3A_579 = arith.constant 0 : index
    %get3A_580 = vector.load %arg5[%get3A_577, %get3A_578, %get3A_579] : memref<1x25x128xf32, #tpu.memory_space<vmem>>, vector<1x1x128xf32>
    %get3A_581 = vector.shape_cast %get3A_580 : vector<1x1x128xf32> to vector<1x128xf32>
    %get3A_582 = arith.constant 0 : index
    %get3A_583 = arith.constant 19 : index
    %get3A_584 = arith.constant 0 : index
    %get3A_585 = vector.load %arg5[%get3A_582, %get3A_583, %get3A_584] : memref<1x25x128xf32, #tpu.memory_space<vmem>>, vector<1x1x128xf32>
    %get3A_586 = vector.shape_cast %get3A_585 : vector<1x1x128xf32> to vector<1x128xf32>
    %get3A_587 = arith.constant 0 : index
    %get3A_588 = arith.constant 20 : index
    %get3A_589 = arith.constant 0 : index
    %get3A_590 = vector.load %arg5[%get3A_587, %get3A_588, %get3A_589] : memref<1x25x128xf32, #tpu.memory_space<vmem>>, vector<1x1x128xf32>
    %get3A_591 = vector.shape_cast %get3A_590 : vector<1x1x128xf32> to vector<1x128xf32>
    %get3A_592 = arith.constant 0 : index
    %get3A_593 = arith.constant 21 : index
    %get3A_594 = arith.constant 0 : index
    %get3A_595 = vector.load %arg5[%get3A_592, %get3A_593, %get3A_594] : memref<1x25x128xf32, #tpu.memory_space<vmem>>, vector<1x1x128xf32>
    %get3A_596 = vector.shape_cast %get3A_595 : vector<1x1x128xf32> to vector<1x128xf32>
    %get3A_597 = arith.constant 0 : index
    %get3A_598 = arith.constant 22 : index
    %get3A_599 = arith.constant 0 : index
    %get3A_600 = vector.load %arg5[%get3A_597, %get3A_598, %get3A_599] : memref<1x25x128xf32, #tpu.memory_space<vmem>>, vector<1x1x128xf32>
    %get3A_601 = vector.shape_cast %get3A_600 : vector<1x1x128xf32> to vector<1x128xf32>
    %get3A_602 = arith.constant 0 : index
    %get3A_603 = arith.constant 23 : index
    %get3A_604 = arith.constant 0 : index
    %get3A_605 = vector.load %arg5[%get3A_602, %get3A_603, %get3A_604] : memref<1x25x128xf32, #tpu.memory_space<vmem>>, vector<1x1x128xf32>
    %get3A_606 = vector.shape_cast %get3A_605 : vector<1x1x128xf32> to vector<1x128xf32>
    %get3A_607 = arith.constant 0 : index
    %get3A_608 = arith.constant 24 : index
    %get3A_609 = arith.constant 0 : index
    %get3A_610 = vector.load %arg5[%get3A_607, %get3A_608, %get3A_609] : memref<1x25x128xf32, #tpu.memory_space<vmem>>, vector<1x1x128xf32>
    %get3A_611 = vector.shape_cast %get3A_610 : vector<1x1x128xf32> to vector<1x128xf32>
    %concatenate3A_612 = tpu.concatenate %get3A_491, %get3A_496, %get3A_501, %get3A_506, %get3A_511, %get3A_516, %get3A_521, %get3A_526, %get3A_531, %get3A_536, %get3A_541, %get3A_546, %get3A_551, %get3A_556, %get3A_561, %get3A_566, %get3A_571, %get3A_576, %get3A_581, %get3A_586, %get3A_591, %get3A_596, %get3A_601, %get3A_606, %get3A_611 in 1 : vector<1x128xf32>, vector<1x128xf32>, vector<1x128xf32>, vector<1x128xf32>, vector<1x128xf32>, vector<1x128xf32>, vector<1x128xf32>, vector<1x128xf32>, vector<1x128xf32>, vector<1x128xf32>, vector<1x128xf32>, vector<1x128xf32>, vector<1x128xf32>, vector<1x128xf32>, vector<1x128xf32>, vector<1x128xf32>, vector<1x128xf32>, vector<1x128xf32>, vector<1x128xf32>, vector<1x128xf32>, vector<1x128xf32>, vector<1x128xf32>, vector<1x128xf32>, vector<1x128xf32>, vector<1x128xf32> -> vector<1x3200xf32>
    %concatenate3A_613 = tpu.concatenate %concatenate3A_486, %concatenate3A_612 in 0 : vector<1x3200xf32>, vector<1x3200xf32> -> vector<2x3200xf32>
    %get3A_614 = arith.constant 0 : index
    %get3A_615 = arith.constant 0 : index
    %get3A_616 = vector.load %arg1[%get3A_614, %get3A_615] : memref<3200x128xf32, #tpu.memory_space<vmem>>, vector<3200x64xf32>
    %get3A_617 = arith.constant 0 : index
    %get3A_618 = arith.constant 64 : index
    %get3A_619 = vector.load %arg1[%get3A_617, %get3A_618] : memref<3200x128xf32, #tpu.memory_space<vmem>>, vector<3200x64xf32>
    %add3A = arith.addf %get3A_616, %get3A_619 : vector<3200x64xf32>
    %get3A_620 = arith.constant 0 : index
    %get3A_621 = arith.constant 0 : index
    %get3A_622 = vector.load %arg7[%get3A_620, %get3A_621] : memref<128x64xf32, #tpu.memory_space<vmem>>, vector<128x64xf32>
    %dot_general3A = arith.constant dense<0.000000e+00> : vector<3200x64xf32>
    %dot_general3A_623 = tpu.matmul %exp3A, %get3A_622, %dot_general3A {dimension_numbers = #tpu.dot_dimension_numbers<[0], [0], [1], [1], [0, 1, 1, 1], [], []>, transpose_lhs_hint = true} : vector<128x3200xf32>, vector<128x64xf32>, vector<3200x64xf32> -> vector<3200x64xf32>
    %add3A_624 = arith.addf %add3A, %dot_general3A_623 : vector<3200x64xf32>
    %get3A_625 = arith.constant 0 : index
    %get3A_626 = arith.constant 0 : index
    %get3A_627 = vector.load %arg8[%get3A_625, %get3A_626] : memref<128x64xf32, #tpu.memory_space<vmem>>, vector<128x64xf32>
    %dot_general3A_628 = arith.constant dense<0.000000e+00> : vector<3200x64xf32>
    %dot_general3A_629 = tpu.matmul %exp3A_360, %get3A_627, %dot_general3A_628 {dimension_numbers = #tpu.dot_dimension_numbers<[0], [0], [1], [1], [0, 1, 1, 1], [], []>, transpose_lhs_hint = true} : vector<128x3200xf32>, vector<128x64xf32>, vector<3200x64xf32> -> vector<3200x64xf32>
    %add3A_630 = arith.addf %add3A_624, %dot_general3A_629 : vector<3200x64xf32>
    %get3A_631 = arith.constant 0 : index
    %get3A_632 = arith.constant 0 : index
    %get3A_633 = vector.load %arg9[%get3A_631, %get3A_632] : memref<2x64xf32, #tpu.memory_space<vmem>>, vector<2x64xf32>
    %dot_general3A_634 = arith.constant dense<0.000000e+00> : vector<3200x64xf32>
    %dot_general3A_635 = tpu.matmul %concatenate3A_613, %get3A_633, %dot_general3A_634 {dimension_numbers = #tpu.dot_dimension_numbers<[0], [0], [1], [1], [0, 1, 1, 1], [], []>, transpose_lhs_hint = true} : vector<2x3200xf32>, vector<2x64xf32>, vector<3200x64xf32> -> vector<3200x64xf32>
    %add3A_636 = arith.addf %add3A_630, %dot_general3A_635 : vector<3200x64xf32>
    %logistic3A = arith.negf %add3A_636 : vector<3200x64xf32>
    %logistic3A_637 = math.exp %logistic3A : vector<3200x64xf32>
    %logistic3A_638 = arith.constant 1.000000e+00 : f32
    %logistic3A_639 = vector.broadcast %logistic3A_638 : f32 to vector<3200x64xf32>
    %logistic3A_640 = arith.addf %logistic3A_639, %logistic3A_637 : vector<3200x64xf32>
    %logistic3A_641 = arith.divf %logistic3A_639, %logistic3A_640 : vector<3200x64xf32>
    %mul3A_642 = arith.mulf %add3A_636, %logistic3A_641 : vector<3200x64xf32>
    %get3A_643 = arith.constant 0 : index
    %get3A_644 = arith.constant 0 : index
    %get3A_645 = vector.load %arg10[%get3A_643, %get3A_644] : memref<64x64xf32, #tpu.memory_space<vmem>>, vector<64x64xf32>
    %dot_general3A_646 = arith.constant dense<0.000000e+00> : vector<3200x64xf32>
    %dot_general3A_647 = tpu.matmul %mul3A_642, %get3A_645, %dot_general3A_646 {dimension_numbers = #tpu.dot_dimension_numbers<[1], [0], [0], [1], [0, 0, 1, 1], [], []>, transpose_lhs_hint = false} : vector<3200x64xf32>, vector<64x64xf32>, vector<3200x64xf32> -> vector<3200x64xf32>
    %logistic3A_648 = arith.negf %dot_general3A_647 : vector<3200x64xf32>
    %logistic3A_649 = math.exp %logistic3A_648 : vector<3200x64xf32>
    %logistic3A_650 = arith.constant 1.000000e+00 : f32
    %logistic3A_651 = vector.broadcast %logistic3A_650 : f32 to vector<3200x64xf32>
    %logistic3A_652 = arith.addf %logistic3A_651, %logistic3A_649 : vector<3200x64xf32>
    %logistic3A_653 = arith.divf %logistic3A_651, %logistic3A_652 : vector<3200x64xf32>
    %mul3A_654 = arith.mulf %dot_general3A_647, %logistic3A_653 : vector<3200x64xf32>
    %get3A_655 = arith.constant 0 : index
    %get3A_656 = arith.constant 0 : index
    %get3A_657 = vector.load %arg11[%get3A_655, %get3A_656] : memref<64x9xf32, #tpu.memory_space<vmem>>, vector<64x9xf32>
    %dot_general3A_658 = arith.constant dense<0.000000e+00> : vector<9x3200xf32>
    %dot_general3A_659 = tpu.matmul %get3A_657, %mul3A_654, %dot_general3A_658 {dimension_numbers = #tpu.dot_dimension_numbers<[0], [1], [1], [0], [0, 1, 1, 0], [], []>, transpose_lhs_hint = true} : vector<64x9xf32>, vector<3200x64xf32>, vector<9x3200xf32> -> vector<9x3200xf32>
    %get3A_660 = arith.constant 0 : index
    %get3A_661 = arith.constant 0 : index
    %get3A_662 = vector.load %arg12[%get3A_660, %get3A_661] : memref<9x1xf32, #tpu.memory_space<vmem>>, vector<9x1xf32>
    %add3A_663 = vector.broadcast %get3A_662 : vector<9x1xf32> to vector<9x3200xf32>
    %add3A_664 = arith.addf %dot_general3A_659, %add3A_663 : vector<9x3200xf32>
    %swap3A = arith.constant 0 : index
    %swap3A_665 = arith.constant 0 : index
    %swap3A_666 = vector.load %arg13[%swap3A, %swap3A_665] : memref<9x3200xf32, #tpu.memory_space<vmem>>, vector<9x3200xf32>
    tpu.vector_store %arg13[%swap3A, %swap3A_665], %add3A_664 {strides = array<i32>} : memref<9x3200xf32, #tpu.memory_space<vmem>>, vector<9x3200xf32>,
    return
  }
  func.func @transform_0(%arg0: i32) -> (i32, i32) {
    %c0_i32 = arith.constant 0 : i32
    %c0_i32_0 = arith.constant 0 : i32
    return %arg0, %c0_i32 : i32, i32
  }
  func.func @transform_1(%arg0: i32) -> (i32, i32, i32) {
    %c0_i32 = arith.constant 0 : i32
    %c0_i32_0 = arith.constant 0 : i32
    %c0_i32_1 = arith.constant 0 : i32
    return %arg0, %c0_i32, %c0_i32_0 : i32, i32, i32
  }
  func.func @transform_2(%arg0: i32) -> (i32, i32, i32) {
    %c0_i32 = arith.constant 0 : i32
    %c0_i32_0 = arith.constant 0 : i32
    %c0_i32_1 = arith.constant 0 : i32
    return %arg0, %c0_i32, %c0_i32_0 : i32, i32, i32
  }
  func.func @transform_3(%arg0: i32) -> (i32, i32, i32) {
    %c0_i32 = arith.constant 0 : i32
    %c0_i32_0 = arith.constant 0 : i32
    %c0_i32_1 = arith.constant 0 : i32
    return %arg0, %c0_i32, %c0_i32_0 : i32, i32, i32
  }
  func.func @transform_4(%arg0: i32) -> (i32, i32, i32) {
    %c0_i32 = arith.constant 0 : i32
    %c0_i32_0 = arith.constant 0 : i32
    %c0_i32_1 = arith.constant 0 : i32
    return %arg0, %c0_i32, %c0_i32_0 : i32, i32, i32
  }
  func.func @transform_5(%arg0: i32) -> (i32, i32) {
    %c0_i32 = arith.constant 0 : i32
    %c0_i32_0 = arith.constant 0 : i32
    %c0_i32_1 = arith.constant 0 : i32
    return %c0_i32, %c0_i32_0 : i32, i32
  }
  func.func @transform_6(%arg0: i32) -> (i32, i32) {
    %c0_i32 = arith.constant 0 : i32
    %c0_i32_0 = arith.constant 0 : i32
    %c0_i32_1 = arith.constant 0 : i32
    return %c0_i32, %c0_i32_0 : i32, i32
  }
  func.func @transform_7(%arg0: i32) -> (i32, i32) {
    %c0_i32 = arith.constant 0 : i32
    %c0_i32_0 = arith.constant 0 : i32
    %c0_i32_1 = arith.constant 0 : i32
    return %c0_i32, %c0_i32_0 : i32, i32
  }
  func.func @transform_8(%arg0: i32) -> (i32, i32) {
    %c0_i32 = arith.constant 0 : i32
    %c0_i32_0 = arith.constant 0 : i32
    %c0_i32_1 = arith.constant 0 : i32
    return %c0_i32, %c0_i32_0 : i32, i32
  }
  func.func @transform_9(%arg0: i32) -> (i32, i32) {
    %c0_i32 = arith.constant 0 : i32
    %c0_i32_0 = arith.constant 0 : i32
    %c0_i32_1 = arith.constant 0 : i32
    return %c0_i32, %c0_i32_0 : i32, i32
  }
  func.func @transform_10(%arg0: i32) -> (i32, i32) {
    %c0_i32 = arith.constant 0 : i32
    %c0_i32_0 = arith.constant 0 : i32
    %c0_i32_1 = arith.constant 0 : i32
    return %c0_i32, %c0_i32_0 : i32, i32
  }
  func.func @transform_11(%arg0: i32) -> (i32, i32) {
    %c0_i32 = arith.constant 0 : i32
    %c0_i32_0 = arith.constant 0 : i32
    %c0_i32_1 = arith.constant 0 : i32
    return %c0_i32, %c0_i32_0 : i32, i32
  }
  func.func @transform_12(%arg0: i32) -> (i32, i32) {
    %c0_i32 = arith.constant 0 : i32
    %c0_i32_0 = arith.constant 0 : i32
    return %c0_i32, %arg0 : i32, i32
  }
}

</mosaic_0001>

<sc_bundles>
// kernel: kernel.11.cloned.1.call-start
scs
__scs_entry_jumppad:
0x0: {  	(pc) =	sbr.rel $0x88, $3  }
0x1: {  	(tag) =	ssettag $0x0;
	lr =	simm.s32 $0x1  }
0x2: {  	[smem:$0x3F8D] =	sst lr;
	_ =	strace $0xD0000000  }
0x3: {  	_ = 	snop  }
0x4: {  	_ = 	snop  }
0x5: {  	_ = 	snop  }
0x6: {  	_ = 	snop  }
0x7: {  	_ = 	snop  }
__scs_overlays_trampoline_lowered:
0x8: {  	[smem:$0x3F9C] =	sst s0  }
0x9: {  	[smem:$0x3F9D] =	sst s1  }
0xa: {  	[smem:$0x3F9E] =	sst s2  }
0xb: {  	[smem:$0x3F9F] =	sst s3  }
0xc: {  	[smem:$0x3FA0] =	sst s4  }
0xd: {  	[smem:$0x3FA1] =	sst s5  }
0xe: {  	[smem:$0x3FA2] =	sst s6  }
0xf: {  	[smem:$0x3FA3] =	sst s7  }
0x10: {  	[smem:$0x3FA4] =	sst s8  }
0x11: {  	[smem:$0x3FA5] =	sst s9;
	s0 =	simm.s32 @!p0 $0x0  }
0x12: {  	s1 =	sld [smem:$0x3F8B];
	s0 =	simm.s32 @p0 $0x1  }
0x13: {  	[smem:$0x3FA6] =	sst s0;
	s0 =	simm.s32 @!p1 $0x0  }
0x14: {  	s2 =	sld [smem:$0x3F8A];
	s0 =	simm.s32 @p1 $0x1  }
0x15: {  	[smem:$0x3FA7] =	sst s0;
	s0 =	simm.s32 @!p2 $0x0  }
0x16: {  	s3 =	sld [smem:$0x3FDB];
	s0 =	simm.s32 @p2 $0x1  }
0x17: {  	s4 =	simm.s32 $0x1BF5;
	[smem:$0x3FA9] =	sst s0  }
0x18: {  	s0 =	sld [smem:$0x3F8C];
	_ =	swait.ge [sflag:s4], $0x0  }
0x19: {  	s7 =	sld [smem:$0x3F8D]  }
0x1a: {  	s8 =	sadd.s32 $0xFFFFE003, lr  }
0x1b: {  	s9 =	sadd.s32 $0xFFFFFEF7, lr;
	s5 =	simm.s32 $0xFFFFFFFF;
	p2 =	slt.u32 s8, $0xFFFFF086  }
0x1c: {  	p1 =	slt.u32 s9, $0xF7A;
	s5 =	simm.s32 @!p2 $0x0  }
0x1d: {  	s5 =	simm.s32 @p1 $0x1;
	p0 =	seq.s32 s7, s2  }
0x1e: {  	s7 =	smul.u32 @!p0 $0xF7A, s2;
	p2 =	seq.s32 @!p0 s5, $0x0  }
0x1f: {  	s9 =	smul.u32 $0xF7A, s1;
	s8 =	simm.s32 @!p0 $0x1BF5;
	p2 =	por !p2, p0  }
0x20: {  	[sflag:s8] =	ssyncset.s32 @!p0 $0xFFFFF086;
	s6 =	sadd.s32 @!p0 s3, s7;
	s7 =	simm.s32 @!p0 $0x108  }
0x21: {  	s3 =	sadd.s32 s3, s9;
	s6 =	sadd.s32 @!p0 $0x88, s6;
	s7 =	simm.s32 @p2 $0x1082  }
0x22: {  	[simem:s7], [sflag:s8] =	dma.local @!p0 [hbm:s6], $0xF7A  }
0x23: {  	s9 =	sor.u32 $0xD0000000, s2;
	s6 =	simm.s32 $0x108;
	_ =	swait.ge @!p0 [sflag:s8], $0x0  }
0x24: {  	s3 =	sadd.s32 $0x88, s3;
	s6 =	simm.s32 @!p1 $0x1082;
	[sflag:s4] =	ssyncset.s32 $0xFFFFF086  }
0x25: {  	[simem:s6], [sflag:s4] =	dma.local [hbm:s3], $0xF7A  }
0x26: {  	[smem:$0x3F8D] =	sst s1;
	(tag) =	ssettag s2;
	_ =	strace s9  }
0x27: {  	s1 =	sld [smem:$0x3F9D]  }
0x28: {  	s2 =	sld [smem:$0x3F9E]  }
0x29: {  	s4 =	sld [smem:$0x3FA0]  }
0x2a: {  	p0 =	seq.s32 s5, $0x0;
	s5 =	sld [smem:$0x3FA1]  }
0x2b: {  	s6 =	sld [smem:$0x3FA2]  }
0x2c: {  	s7 =	sld [smem:$0x3FA3]  }
0x2d: {  	s3 =	simm.s32 $0x108;
	s8 =	sld [smem:$0x3FA4]  }
0x2e: {  	s3 =	simm.s32 @!p0 $0x1082;
	s9 =	sld [smem:$0x3FA5]  }
0x2f: {  	lr =	sadd.s32 s0, s3;
	s0 =	sld [smem:$0x3F9C]  }
0x30: {  	s3 =	sld [smem:$0x3F9F]  }
0x31: {  	[smem:$0x3FA8] =	sst s10  }
0x32: {  	s10 =	sld [smem:$0x3FA6];
	_ =	sdelay $0x3  }
0x33: {  	p0 =	seq.s32 s10, $0x1;
	s10 =	sld [smem:$0x3FA8];
	_ =	sdelay $0x3  }
0x34: {  	[smem:$0x3FA8] =	sst s10  }
0x35: {  	s10 =	sld [smem:$0x3FA7];
	_ =	sdelay $0x3  }
0x36: {  	p1 =	seq.s32 s10, $0x1;
	s10 =	sld [smem:$0x3FA8];
	_ =	sdelay $0x3  }
0x37: {  	[smem:$0x3FA8] =	sst s10  }
0x38: {  	s10 =	sld [smem:$0x3FA9]  }
0x39: {  	_ = 	snop;
	(pc) =	sbr.ind lr, $3  }
0x3a: {  	_ = 	snop  }
0x3b: {  	_ = 	snop  }
0x3c: {  	p2 =	seq.s32 s10, $0x1;
	s10 =	sld [smem:$0x3FA8]  }
0x3d: {  	_ =	shalt  }
0x3e: {  	_ =	shalt  }
0x3f: {  	_ =	shalt  }
0x40: {  	_ =	shalt  }
0x41: {  	_ =	shalt  }
0x42: {  	_ =	shalt  }
0x43: {  	_ =	shalt  }
0x44: {  	_ =	shalt  }
0x45: {  	_ =	shalt  }
0x46: {  	_ =	shalt  }
0x47: {  	_ =	shalt  }
0x48: {  	_ =	shalt  }
0x49: {  	_ =	shalt  }
0x4a: {  	_ =	shalt  }
0x4b: {  	_ =	shalt  }
0x4c: {  	_ =	shalt  }
0x4d: {  	_ =	shalt  }
0x4e: {  	_ =	shalt  }
0x4f: {  	_ =	shalt  }
0x50: {  	_ =	shalt  }
0x51: {  	_ =	shalt  }
0x52: {  	_ =	shalt  }
0x53: {  	_ =	shalt  }
0x54: {  	_ =	shalt  }
0x55: {  	_ =	shalt  }
0x56: {  	_ =	shalt  }
0x57: {  	_ =	shalt  }
0x58: {  	_ =	shalt  }
0x59: {  	_ =	shalt  }
0x5a: {  	_ =	shalt  }
0x5b: {  	_ =	shalt  }
0x5c: {  	_ =	shalt  }
0x5d: {  	_ =	shalt  }
0x5e: {  	_ =	shalt  }
0x5f: {  	_ =	shalt  }
0x60: {  	_ =	shalt  }
0x61: {  	_ =	shalt  }
0x62: {  	_ =	shalt  }
0x63: {  	_ =	shalt  }
0x64: {  	_ =	shalt  }
0x65: {  	_ =	shalt  }
0x66: {  	_ =	shalt  }
0x67: {  	_ =	shalt  }
0x68: {  	_ =	shalt  }
0x69: {  	_ =	shalt  }
0x6a: {  	_ =	shalt  }
0x6b: {  	_ =	shalt  }
0x6c: {  	_ =	shalt  }
0x6d: {  	_ =	shalt  }
0x6e: {  	_ =	shalt  }
0x6f: {  	_ =	shalt  }
0x70: {  	_ =	shalt  }
0x71: {  	_ =	shalt  }
0x72: {  	_ =	shalt  }
0x73: {  	_ =	shalt  }
0x74: {  	_ =	shalt  }
0x75: {  	_ =	shalt  }
0x76: {  	_ =	shalt  }
0x77: {  	_ =	shalt  }
0x78: {  	_ =	shalt  }
0x79: {  	_ =	shalt  }
0x7a: {  	_ =	shalt  }
0x7b: {  	_ =	shalt  }
0x7c: {  	_ =	shalt  }
0x7d: {  	_ =	shalt  }
0x7e: {  	_ =	shalt  }
0x7f: {  	_ =	shalt  }
0x80: {  	_ =	shalt  }
0x81: {  	_ =	shalt  }
0x82: {  	_ =	shalt  }
0x83: {  	_ =	shalt  }
0x84: {  	_ =	shalt  }
0x85: {  	_ =	shalt  }
0x86: {  	_ =	shalt  }
0x87: {  	_ =	shalt  }
.Lfunc_end0:
.L_simem_size_0:
called_computation_lowered:
.L_overlay_start_0:
0x88: {  	s2 =	sld [smem:$0x3FD9]  }
0x89: {  	s3 =	sld [smem:$0x3FFE];
	_ =	sdelay $0x1  }
0x8a: {  	s1 =	srdreg.scid  }
0x8b: {  	s0 =	sand.u32 $0x1, s1  }
0x8c: {  	s15 =	sshll.u32 s0, $0xA;
	s2 =	sadd.s32 s3, s2  }
0x8d: {  	s2 =	sadd.s32 s2, s15  }
0x8e: {  	[smem:$0x3FB4] =	sst s2  }
0x8f: {  	_ = 	snop  }
0x90: {  	s2 =	sld [smem:$0x3FD0];
	_ =	sdelay $0x2  }
0x91: {  	s16 =	simm.s32 $0xD;
	s4 =	simm.s32 $0x10  }
0x92: {  	[smem:s4], [sflag:s16] =	dma.local [hbm:s2], $0x1  }
0x93: {  	_ =	swait.eq [sflag:s16], $0x1  }
0x94: {  	[sflag:s16] =	ssyncset.done $0x0  }
0x95: {  	[sflag:s16] =	ssyncadd.s32 $0xFFFFFFFF  }
0x96: {  	s17 =	sld [smem:$0x11];
	(tm) =	ssettm $0x1  }
0x97: {  	s18 =	sld [smem:$0x3FFB];
	_ =	sdelay $0x3  }
0x98: {  	_ =	strace s18  }
0x99: {  	s2 =	sld [smem:$0x3FFC];
	_ =	sdelay $0x3  }
0x9a: {  	_ =	strace s2  }
0x9b: {  	s2 =	sld [smem:$0x3FFD];
	_ =	sdelay $0x3  }
0x9c: {  	_ =	strace s2  }
0x9d: {  	_ =	strace $0x8FFFFFFF  }
0x9e: {  	s19 =	sld [smem:$0x3FDB];
	_ =	sdelay $0x1  }
0x9f: {  	s20 =	simm.s32 $_scs_section_size  }
0xa0: {  	s5 =	simm.s32 $_size__tile_overlayer_lowered;
	s6 =	simm.s32 $_tile_overlayer_lowered  }
0xa1: {  	s7 =	simm.s32 $0x1BFF;
	s21 =	sshll.u32 s6, $0x1;
	s4 =	sadd.s32 s20, s19  }
0xa2: {  	s22 =	simm.s32 $0x0;
	s5 =	sshll.u32 s5, $0x1;
	s6 =	sadd.s32 s21, s4  }
0xa3: {  	[timem:s22], [sflag:s7] =	dma.local [hbm:s6], s5  }
0xa4: {  	_ =	swait.ge [sflag:s7], s5  }
0xa5: {  	s5 =	ssub.s32 $0x0, s5;
	[sflag:s7] =	ssyncset.done $0x0  }
0xa6: {  	[sflag:s7] =	ssyncadd.s32 s5;
	_ =	sdelay $0x1  }
0xa7: {  	s23 =	simm.s32 $0x1B8B  }
0xa8: {  	_ =	swait.ge [sflag:s23], $0x1  }
0xa9: {  	[sflag:s23] =	ssyncset.done $0x0  }
0xaa: {  	[sflag:s23] =	ssyncadd.s32 $0xFFFFFFFF  }
0xab: {  	s5 =	sld [smem:$0x0]  }
0xac: {  	s6 =	sand.u32 $0xFFFFFFFE, s1  }
0xad: {  	p0 =	sne.s32 s1, s6  }
0xae: {  	s6 =	sshll.u32 @p0 s6, $0xE  }
0xaf: {  	s6 =	sadd.s32 @p0 $0x11B8D, s6;
	s7 =	sshll.u32 @p0 s5, $0x11  }
0xb0: {  	s6 =	sor.u32 @p0 s7, s6  }
0xb1: {  	[sflag:s6] =	ssyncadd.remote.s32 @p0 $0x1;
	_ =	sdelay $0x1  }
0xb2: {  	s6 =	simm.s32 @p0 $0x1B8D  }
0xb3: {  	_ =	swait.eq @p0 [sflag:s6], $0x1  }
0xb4: {  	[sflag:s6] =	ssyncadd.s32 @p0 $0xFFFFFFFF  }
0xb5: {  	s7 =	sshll.u32 @!p0 s1, $0xE  }
0xb6: {  	s7 =	sor.u32 @!p0 $0x4000, s7;
	s6 =	simm.s32 @!p0 $0x1B8D  }
0xb7: {  	s5 =	sshll.u32 @!p0 s5, $0x11;
	s7 =	sadd.s32 @!p0 $0x11B8D, s7;
	_ =	swait.eq @!p0 [sflag:s6], $0x1  }
0xb8: {  	s5 =	sor.u32 @!p0 s5, s7;
	[sflag:s6] =	ssyncadd.s32 @!p0 $0xFFFFFFFF  }
0xb9: {  	s25 =	simm.s32 $0x1B8E;
	s24 =	sld [smem:$0x3FFE];
	[sflag:s5] =	ssyncadd.remote.s32 @!p0 $0x1  }
0xba: {  	s26 =	simm.s32 $execute0_lowered;
	[smem:$0x3FD2] =	sst s25  }
0xbb: {  	s6 =	sshll.u32 s26, $0x1;
	_ =	strace $0x80000049;
	[dreg:$0x1] =	wrdreg $0xFFFFFFFF  }
0xbc: {  	s28 =	simm.s32 $_size_execute0_lowered;
	s4 =	sadd.s32 s4, s6;
	[dreg:$0x0] =	wrdreg $0x0  }
0xbd: {  	s6 =	sshll.u32 s28, $0x1;
	[dreg:$0x2] =	wrdreg s4  }
0xbe: {  	[dreg:$0x3] =	wrdreg s6  }
0xbf: {  	[dreg:$0x4] =	wrdreg $0xC0  }
0xc0: {  	_ =	task [dreg:s22], $0x5FFFF  }
0xc1: {  	[dreg:$0x1] =	wrdreg $0xFFFFFFFF  }
0xc2: {  	[dreg:$0x0] =	wrdreg $0x60  }
0xc3: {  	[dreg:$0x2] =	wrdreg s24  }
0xc4: {  	[dreg:$0x3] =	wrdreg s17  }
0xc5: {  	[dreg:$0x4] =	wrdreg $0x9  }
0xc6: {  	_ =	task.clear_ibuf [dreg:s22], $0x5FFFF;
	_ =	strace $0x90000049  }
0xc7: {  	s29 =	simm.s32 $0x9;
	_ =	strace $0x8000004B  }
0xc8: {  	_ =	swait.ge [sflag:s29], $0x1  }
0xc9: {  	[sflag:s29] =	ssyncadd.s32 $0xFFFFFFFF  }
0xca: {  	_ =	strace $0x9000004B  }
0xcb: {  	_ =	sfence  }
0xcc: {  	s30 =	sld [smem:$0x0];
	_ =	sdelay $0x2  }
0xcd: {  	s31 =	sshll.u32 s1, $0xD;
	s1 =	sshrl.u32 s1, $0x2  }
0xce: {  	s4 =	sand.u32 $0x4000, s31;
	s1 =	sadd.s32 s1, s30  }
0xcf: {  	s0 =	sor.u32 s4, s0;
	s1 =	sshll.u32 s1, $0x11  }
0xd0: {  	s0 =	sor.u32 s1, s0  }
0xd1: {  	s0 =	sadd.s32 $0x8F2B, s0  }
0xd2: {  	[sflag:s0] =	ssyncadd.remote.s32 $0x1  }
0xd3: {  	_ =	sfence.sel $0xFFFF  }
0xd4: {  	[dreg:$0x0] =	wrdreg $0xFFFFFFFF;
	(pc) =	sbr.abs _section_cstart, $3  }
0xd5: {  	[dreg:$0x1] =	wrdreg $0xFFFFFFFF  }
0xd6: {  	_ =	task.clear_ibuf [dreg:s22], $0x2FFFF;
	_ =	strace $0x9FFFFFFF  }
0xd7: {  	(tm) =	ssettm $0x7FFFFFFF  }
tec
execute0_lowered:
.L_overlay_start_1:
0x0: {  	(tag) =	ssettag $0x1  }
0x1: {  	s0 =	rddreg [dreg:$0x0]  }
0x2: {  	s1 =	rddreg [dreg:$0x1];
	s2 =	simm.s32 $0x0  }
0x3: {  	s3 =	srdreg.scid;
	s10 =	stileid.u32;
	s13 =	simm.s32 $0x5  }
0x4: {  	s14 =	simm.s32 $0x80;
	s15 =	simm.s32 $0x200;
	s16 =	simm.s32 $0x2200  }
0x5: {  	s17 =	simm.s32 $0x1;
	s18 =	simm.s32 $0x40;
	s19 =	simm.s32 $0x3  }
0x6: {  	s20 =	simm.s32 $0x4;
	s21 =	simm.s32 $0x0;
	[smem:$0x7FF] =	sst s2  }
0x7: {  	s4 =	sadd.s32 $0xAE00, s0;
	s3 =	sand.u32 $0x1, s3;
	s6 =	smul.u32 $0x13000, s10  }
0x8: {  	s8 =	sshll.u32 s10, $0x1;
	s5 =	sadd.s32 $0x8600, s0;
	s10 =	smul.u32 $0x26, s10  }
0x9: {  	_ =	strace $0x8000004A;
	s7 =	ssub.s32 $0x2, s3;
	s11 =	smul.u32 $0x13, s3  }
0xa: {  	s8 =	sor.u32 s3, s8;
	s3 =	smul.u32 $0x9800, s3;
	s9 =	sshrl.u32 s7, $0x1  }
0xb: {  	s0 =	sadd.s32 s6, s0;
	s28 =	smul.u32 $0x13, s8;
	p0 =	slt.u32 s8, $0x11  }
0xc: {  	s8 =	smin.u32 s8, $0x11;
	s6 =	simm.s32 $0x14;
	s7 =	ssub.s32 s7, s9  }
0xd: {  	s6 =	simm.s32 @!p0 $0x13;
	s29 =	sadd.s32 s11, s10;
	s0 =	sadd.s32 s3, s0  }
0xe: {  	s30 =	sshll.u32 s8, $0xB;
	s9 =	sadd.s32 s8, s28;
	s8 =	sadd.s32 s8, s29  }
0xf: {  	s7 =	smax.u32 s7, $0x1;
	s0 =	sadd.s32 s30, s0;
	s9 =	sshll.u32 s9, $0x4  }
0x10: {  	[dreg:$0x5] =	wrdreg s7;
	s31 =	sshll.u32 s8, $0x4;
	s12 =	sadd.s32 s1, s9  }
0x11: {  	s10 =	sadd.s32 $0x1A5200, s0;
	s9 =	sadd.s32 s5, s9;
	[dreg:$0x3] =	wrdreg s12  }
0x12: {  	s11 =	sadd.s32 $0x10, s31;
	[dreg:$0x4] =	wrdreg s9;
	s12 =	sadd.s32 $0x20, s31  }
.LBB2_1:
0x13: {  	s0 =	rddreg [dreg:$0x3]  }
0x14: {  	[tilespmem:s2], [sflag:$0x5] =	stream.linear.gather [hbm4b:s0+s2], $0x80, $0x38;
	[tilespmem:$0x8200] =	vst v63  }
0x15: {  	_ =	swait.ge [sflag:s13], $0x80  }
0x16: {  	[sflag:s13] =	ssyncset.done $0x0  }
0x17: {  	s26 =	rddreg [dreg:$0x4];
	[sflag:s13] =	ssyncadd.s32 $0xFFFFFF80  }
0x18: {  	[tilespmem:s14], [sflag:$0x5] =	stream.linear.gather [hbm4b:s26+s2], $0x80, $0x38;
	[tilespmem:$0x8200] =	vst v63  }
0x19: {  	p2 =	sle.u32 s6, $0x1;
	_ =	swait.ge [sflag:s13], $0x80  }
0x1a: {  	p0 =	por @!p2 $0x1, $0x1;
	[sflag:s13] =	ssyncset.done $0x0  }
0x1b: {  	p1 =	por p0, p2;
	[sflag:s13] =	ssyncadd.s32 $0xFFFFFF80  }
0x1c: {  	[tilespmem:s15], [sflag:$0x1] =	stream.indirect.gather [hbm4b:s4+s14], $0x40, s2, s14, $0xb8;
	[tilespmem:$0x8200] =	vst v63  }
0x1d: {  	s0 =	simm.s32 @!p1 $0x4  }
0x1e: {  	[tilespmem:s16], [sflag:$0x1] =	stream.indirect.gather [hbm4b:s4+s14], $0x40, s14, s14, $0xb8;
	[tilespmem:$0x8200] =	vst v63  }
0x1f: {  	_ =	swait.ge @!p1 [sflag:s0], $0x2000  }
0x20: {  	[sflag:s0] =	ssyncset.done @!p1 $0x0  }
0x21: {  	[sflag:s0] =	ssyncadd.s32 @!p1 $0xFFFFE000  }
0x22: {  	p0 =	por p2, p2;
	_ =	swait.ge @!p1 [sflag:s0], $0x2000  }
0x23: {  	s3 =	simm.s32 @!p0 $0x100;
	s7 =	simm.s32 @!p0 $0x5;
	[sflag:s0] =	ssyncset.done @!p1 $0x0  }
0x24: {  	s8 =	sadd.s32 @!p0 s11, s1;
	s22 =	simm.s32 @!p0 $0x0;
	[sflag:s0] =	ssyncadd.s32 @!p1 $0xFFFFE000  }
0x25: {  	[tilespmem:s3], [sflag:$0x5] =	stream.linear.gather @!p0 [hbm4b:s8+s22], $0x80, $0x38;
	[tilespmem:$0x8200] =	vst v63  }
0x26: {  	_ =	swait.ge @!p0 [sflag:s7], $0x80  }
0x27: {  	[sflag:s7] =	ssyncset.done @!p0 $0x0  }
0x28: {  	s0 =	sadd.s32 @!p0 s11, s5;
	s8 =	simm.s32 @!p0 $0x180;
	[sflag:s7] =	ssyncadd.s32 @!p0 $0xFFFFFF80  }
0x29: {  	[tilespmem:s8], [sflag:$0x5] =	stream.linear.gather @!p0 [hbm4b:s0+s22], $0x80, $0x38;
	[tilespmem:$0x8200] =	vst v63  }
0x2a: {  	_ =	swait.ge @!p0 [sflag:s7], $0x80  }
0x2b: {  	[sflag:s7] =	ssyncset.done @!p0 $0x0  }
0x2c: {  	[sflag:s7] =	ssyncadd.s32 @!p0 $0xFFFFFF80  }
0x2d: {  	_ =	swait.ge [sflag:s17], $0x2000  }
0x2e: {  	[sflag:s17] =	ssyncset.done $0x0  }
0x2f: {  	[sflag:s17] =	ssyncadd.s32 $0xFFFFE000  }
0x30: {  	_ =	swait.ge [sflag:s17], $0x2000  }
0x31: {  	[sflag:s17] =	ssyncset.done $0x0  }
0x32: {  	s29 =	sadd.s32 $0x0, s10;
	[sflag:s17] =	ssyncadd.s32 $0xFFFFE000  }
0x33: {  	[hbm4b:s29+s18] =	stream.strided.scatter [tilespmem:s15], [sflag:$0x3], $0x2000, s14, s18, $0x38;
	[tilespmem:$0x8200] =	vst v63  }
0x34: {  	p1 =	sle.u32 @!p0 s6, $0x2;
	s0 =	sadd.s32 $0x8, s29  }
0x35: {  	[hbm4b:s0+s18] =	stream.strided.scatter [tilespmem:s16], [sflag:$0x3], $0x2000, s14, s18, $0x38;
	[tilespmem:$0x8200] =	vst v63  }
0x36: {  	s30 =	simm.s32 @!p0 $0x80;
	p1 =	por p1, p0;
	s7 =	simm.s32 @!p0 $0x4200  }
0x37: {  	[tilespmem:s7], [sflag:$0x2] =	stream.indirect.gather @!p0 [hbm4b:s4+s30], $0x40, s3, s30, $0xb8;
	[tilespmem:$0x8200] =	vst v63  }
0x38: {  	s31 =	simm.s32 @!p0 $0x6200;
	s3 =	simm.s32 @!p1 $0x3  }
0x39: {  	[tilespmem:s31], [sflag:$0x2] =	stream.indirect.gather @!p0 [hbm4b:s4+s30], $0x40, s8, s30, $0xb8;
	[tilespmem:$0x8200] =	vst v63  }
0x3a: {  	_ =	swait.ge @!p1 [sflag:s3], $0x2000  }
0x3b: {  	[sflag:s3] =	ssyncset.done @!p1 $0x0  }
0x3c: {  	[sflag:s3] =	ssyncadd.s32 @!p1 $0xFFFFE000  }
0x3d: {  	_ =	swait.ge @!p1 [sflag:s3], $0x2000  }
0x3e: {  	s22 =	sadd.s32 @!p1 s12, s1;
	[sflag:s3] =	ssyncset.done @!p1 $0x0  }
0x3f: {  	s0 =	simm.s32 @!p1 $0x0;
	s8 =	simm.s32 @!p1 $0x5;
	[sflag:s3] =	ssyncadd.s32 @!p1 $0xFFFFE000  }
0x40: {  	[tilespmem:s0], [sflag:$0x5] =	stream.linear.gather @!p1 [hbm4b:s22+s0], $0x80, $0x38;
	[tilespmem:$0x8200] =	vst v63  }
0x41: {  	_ =	swait.ge @!p1 [sflag:s8], $0x80  }
0x42: {  	[sflag:s8] =	ssyncset.done @!p1 $0x0  }
0x43: {  	s3 =	simm.s32 @!p1 $0x80;
	s22 =	sadd.s32 @!p1 s12, s5;
	[sflag:s8] =	ssyncadd.s32 @!p1 $0xFFFFFF80  }
0x44: {  	[tilespmem:s3], [sflag:$0x5] =	stream.linear.gather @!p1 [hbm4b:s22+s0], $0x80, $0x38;
	[tilespmem:$0x8200] =	vst v63  }
0x45: {  	_ =	swait.ge @!p1 [sflag:s8], $0x80  }
0x46: {  	[sflag:s8] =	ssyncset.done @!p1 $0x0  }
0x47: {  	[sflag:s8] =	ssyncadd.s32 @!p1 $0xFFFFFF80;
	s8 =	simm.s32 @!p0 $0x2  }
0x48: {  	_ =	swait.ge @!p0 [sflag:s8], $0x2000  }
0x49: {  	[sflag:s8] =	ssyncset.done @!p0 $0x0  }
0x4a: {  	s25 =	sadd.s32 $0x20, s11;
	[sflag:s8] =	ssyncadd.s32 @!p0 $0xFFFFE000  }
0x4b: {  	p3 =	sle.u32 s6, $0x3;
	s23 =	sadd.s32 @!p2 $0x0, s10;
	_ =	swait.ge @!p0 [sflag:s8], $0x2000  }
0x4c: {  	s24 =	sadd.s32 @!p2 $0x800, s23;
	s28 =	sadd.s32 @!p2 $0x808, s23;
	[sflag:s8] =	ssyncset.done @!p0 $0x0  }
0x4d: {  	s23 =	sadd.s32 $0x20, s12;
	[sflag:s8] =	ssyncadd.s32 @!p0 $0xFFFFE000;
	s8 =	simm.s32 @!p0 $0x40  }
0x4e: {  	[hbm4b:s24+s8] =	stream.strided.scatter @!p0 [tilespmem:s7], [sflag:$0x4], $0x2000, s30, s8, $0x38;
	[tilespmem:$0x8200] =	vst v63  }
0x4f: {  	s26 =	simm.s32 $0x2000;
	s22 =	simm.s32 $0x1000;
	s24 =	simm.s32 $0x4  }
.LBB2_2:
0x50: {  	p2 =	seq.s32 @!p3 s22, $0x0  }
0x51: {  	s9 =	sadd.s32 @!p3 s22, s10;
	s7 =	smov.u32 s26;
	s26 =	sadd.s32 $0x1000, s26  }
0x52: {  	[hbm4b:s28+s8] =	stream.strided.scatter @!p0 [tilespmem:s31], [sflag:$0x4], $0x2000, s30, s8, $0x38;
	[tilespmem:$0x8200] =	vst v63  }
0x53: {  	p4 =	por p2, p3;
	s29 =	sadd.s32 @!p3 $0x800, s9;
	s8 =	simm.s32 @!p1 $0x200  }
0x54: {  	[tilespmem:s8], [sflag:$0x1] =	stream.indirect.gather @!p1 [hbm4b:s4+s3], $0x40, s0, s3, $0xb8;
	[tilespmem:$0x8200] =	vst v63  }
0x55: {  	s28 =	sadd.s32 @!p3 $0x808, s9;
	s0 =	simm.s32 @!p4 $0x4;
	s8 =	simm.s32 @!p1 $0x2200  }
0x56: {  	[tilespmem:s8], [sflag:$0x1] =	stream.indirect.gather @!p1 [hbm4b:s4+s3], $0x40, s3, s3, $0xb8;
	[tilespmem:$0x8200] =	vst v63  }
0x57: {  	p2 =	sne.s32 s26, $0xA000;
	p0 =	por p3, p3;
	_ =	swait.ge @!p4 [sflag:s0], $0x2000  }
0x58: {  	[sflag:s0] =	ssyncset.done @!p4 $0x0  }
0x59: {  	[sflag:s0] =	ssyncadd.s32 @!p4 $0xFFFFE000  }
0x5a: {  	s3 =	simm.s32 @!p0 $0x100;
	s8 =	simm.s32 @!p0 $0x5;
	_ =	swait.ge @!p4 [sflag:s0], $0x2000  }
0x5b: {  	s9 =	sadd.s32 @!p0 s25, s1;
	s30 =	simm.s32 @!p0 $0x0;
	[sflag:s0] =	ssyncset.done @!p4 $0x0  }
0x5c: {  	[sflag:s0] =	ssyncadd.s32 @!p4 $0xFFFFE000  }
0x5d: {  	[tilespmem:s3], [sflag:$0x5] =	stream.linear.gather @!p0 [hbm4b:s9+s30], $0x80, $0x38;
	[tilespmem:$0x8200] =	vst v63  }
0x5e: {  	_ =	swait.ge @!p0 [sflag:s8], $0x80  }
0x5f: {  	s0 =	sadd.s32 @!p0 s25, s5;
	s9 =	simm.s32 @!p0 $0x180;
	[sflag:s8] =	ssyncset.done @!p0 $0x0  }
0x60: {  	[sflag:s8] =	ssyncadd.s32 @!p0 $0xFFFFFF80  }
0x61: {  	[tilespmem:s9], [sflag:$0x5] =	stream.linear.gather @!p0 [hbm4b:s0+s30], $0x80, $0x38;
	[tilespmem:$0x8200] =	vst v63  }
0x62: {  	_ =	swait.ge @!p0 [sflag:s8], $0x80  }
0x63: {  	[sflag:s8] =	ssyncset.done @!p0 $0x0  }
0x64: {  	[sflag:s8] =	ssyncadd.s32 @!p0 $0xFFFFFF80  }
0x65: {  	_ =	swait.ge [sflag:s17], $0x2000  }
0x66: {  	[sflag:s17] =	ssyncset.done $0x0  }
0x67: {  	[sflag:s17] =	ssyncadd.s32 $0xFFFFE000  }
0x68: {  	_ =	swait.ge [sflag:s17], $0x2000  }
0x69: {  	[sflag:s17] =	ssyncset.done $0x0  }
0x6a: {  	s0 =	sadd.s32 s22, s10;
	s22 =	smov.u32 s7;
	[sflag:s17] =	ssyncadd.s32 $0xFFFFE000  }
0x6b: {  	[hbm4b:s0+s18] =	stream.strided.scatter [tilespmem:s15], [sflag:$0x3], $0x2000, s14, s18, $0x38;
	[tilespmem:$0x8200] =	vst v63  }
0x6c: {  	s0 =	sadd.s32 $0x8, s0  }
0x6d: {  	[hbm4b:s0+s18] =	stream.strided.scatter [tilespmem:s16], [sflag:$0x3], $0x2000, s14, s18, $0x38;
	[tilespmem:$0x8200] =	vst v63  }
0x6e: {  	p1 =	sge.u32 @!p0 s24, s6;
	s30 =	simm.s32 @!p0 $0x80;
	s7 =	simm.s32 @!p0 $0x4200  }
0x6f: {  	[tilespmem:s7], [sflag:$0x2] =	stream.indirect.gather @!p0 [hbm4b:s4+s30], $0x40, s3, s30, $0xb8;
	[tilespmem:$0x8200] =	vst v63  }
0x70: {  	s31 =	simm.s32 @!p0 $0x6200;
	p1 =	por p1, p0  }
0x71: {  	[tilespmem:s31], [sflag:$0x2] =	stream.indirect.gather @!p0 [hbm4b:s4+s30], $0x40, s9, s30, $0xb8;
	[tilespmem:$0x8200] =	vst v63  }
0x72: {  	s3 =	simm.s32 @!p1 $0x3  }
0x73: {  	_ =	swait.ge @!p1 [sflag:s3], $0x2000  }
0x74: {  	[sflag:s3] =	ssyncset.done @!p1 $0x0  }
0x75: {  	[sflag:s3] =	ssyncadd.s32 @!p1 $0xFFFFE000  }
0x76: {  	s8 =	simm.s32 @!p1 $0x5;
	_ =	swait.ge @!p1 [sflag:s3], $0x2000  }
0x77: {  	s0 =	simm.s32 @!p1 $0x0;
	s9 =	sadd.s32 @!p1 s23, s1;
	[sflag:s3] =	ssyncset.done @!p1 $0x0  }
0x78: {  	[sflag:s3] =	ssyncadd.s32 @!p1 $0xFFFFE000  }
0x79: {  	[tilespmem:s0], [sflag:$0x5] =	stream.linear.gather @!p1 [hbm4b:s9+s0], $0x80, $0x38;
	[tilespmem:$0x8200] =	vst v63  }
0x7a: {  	_ =	swait.ge @!p1 [sflag:s8], $0x80  }
0x7b: {  	s3 =	simm.s32 @!p1 $0x80;
	s9 =	sadd.s32 @!p1 s23, s5;
	[sflag:s8] =	ssyncset.done @!p1 $0x0  }
0x7c: {  	[sflag:s8] =	ssyncadd.s32 @!p1 $0xFFFFFF80  }
0x7d: {  	[tilespmem:s3], [sflag:$0x5] =	stream.linear.gather @!p1 [hbm4b:s9+s0], $0x80, $0x38;
	[tilespmem:$0x8200] =	vst v63  }
0x7e: {  	_ =	swait.ge @!p1 [sflag:s8], $0x80  }
0x7f: {  	[sflag:s8] =	ssyncset.done @!p1 $0x0  }
0x80: {  	[sflag:s8] =	ssyncadd.s32 @!p1 $0xFFFFFF80;
	s8 =	simm.s32 @!p0 $0x2  }
0x81: {  	_ =	swait.ge @!p0 [sflag:s8], $0x2000  }
0x82: {  	[sflag:s8] =	ssyncset.done @!p0 $0x0  }
.Ltmp0:
0x83: {  	[sflag:s8] =	ssyncadd.s32 @!p0 $0xFFFFE000;
	(pc) =	sbr.rel @p2 .LBB2_2-.Ltmp0, $4  }
0x84: {  	s24 =	sadd.s32 $0x2, s24;
	s23 =	sadd.s32 $0x20, s23;
	_ =	swait.ge @!p0 [sflag:s8], $0x2000  }
0x85: {  	s25 =	sadd.s32 $0x20, s25;
	s9 =	sadd.s32 $0xFFFFFFFF, s24;
	[sflag:s8] =	ssyncset.done @!p0 $0x0  }
0x86: {  	p3 =	sge.u32 s9, s6;
	[sflag:s8] =	ssyncadd.s32 @!p0 $0xFFFFE000;
	s8 =	simm.s32 @!p0 $0x40  }
0x87: {  	[hbm4b:s29+s8] =	stream.strided.scatter @!p0 [tilespmem:s7], [sflag:$0x4], $0x2000, s30, s8, $0x38;
	[tilespmem:$0x8200] =	vst v63  }
0x88: {  	p2 =	seq.s32 @!p3 s22, $0x0  }
0x89: {  	[hbm4b:s28+s8] =	stream.strided.scatter @!p0 [tilespmem:s31], [sflag:$0x4], $0x2000, s30, s8, $0x38;
	[tilespmem:$0x8200] =	vst v63  }
0x8a: {  	s7 =	simm.s32 @!p1 $0x200;
	p2 =	por p2, p3  }
0x8b: {  	[tilespmem:s7], [sflag:$0x1] =	stream.indirect.gather @!p1 [hbm4b:s4+s3], $0x40, s0, s3, $0xb8;
	[tilespmem:$0x8200] =	vst v63  }
0x8c: {  	s0 =	simm.s32 @!p2 $0x4;
	s7 =	simm.s32 @!p1 $0x2200  }
0x8d: {  	[tilespmem:s7], [sflag:$0x1] =	stream.indirect.gather @!p1 [hbm4b:s4+s3], $0x40, s3, s3, $0xb8;
	[tilespmem:$0x8200] =	vst v63  }
0x8e: {  	_ =	swait.ge @!p2 [sflag:s0], $0x2000  }
0x8f: {  	[sflag:s0] =	ssyncset.done @!p2 $0x0  }
0x90: {  	[sflag:s0] =	ssyncadd.s32 @!p2 $0xFFFFE000  }
0x91: {  	p0 =	por p3, p3;
	_ =	swait.ge @!p2 [sflag:s0], $0x2000  }
0x92: {  	s8 =	sadd.s32 @!p0 s25, s1;
	s9 =	simm.s32 @!p0 $0x0;
	[sflag:s0] =	ssyncset.done @!p2 $0x0  }
0x93: {  	s3 =	simm.s32 @!p0 $0x100;
	s7 =	simm.s32 @!p0 $0x5;
	[sflag:s0] =	ssyncadd.s32 @!p2 $0xFFFFE000  }
0x94: {  	[tilespmem:s3], [sflag:$0x5] =	stream.linear.gather @!p0 [hbm4b:s8+s9], $0x80, $0x38;
	[tilespmem:$0x8200] =	vst v63  }
0x95: {  	_ =	swait.ge @!p0 [sflag:s7], $0x80  }
0x96: {  	[sflag:s7] =	ssyncset.done @!p0 $0x0  }
0x97: {  	s0 =	sadd.s32 @!p0 s25, s5;
	s8 =	simm.s32 @!p0 $0x180;
	[sflag:s7] =	ssyncadd.s32 @!p0 $0xFFFFFF80  }
0x98: {  	[tilespmem:s8], [sflag:$0x5] =	stream.linear.gather @!p0 [hbm4b:s0+s9], $0x80, $0x38;
	[tilespmem:$0x8200] =	vst v63  }
0x99: {  	_ =	swait.ge @!p0 [sflag:s7], $0x80  }
0x9a: {  	[sflag:s7] =	ssyncset.done @!p0 $0x0  }
0x9b: {  	[sflag:s7] =	ssyncadd.s32 @!p0 $0xFFFFFF80  }
0x9c: {  	_ =	swait.ge [sflag:s17], $0x2000  }
0x9d: {  	[sflag:s17] =	ssyncset.done $0x0  }
0x9e: {  	[sflag:s17] =	ssyncadd.s32 $0xFFFFE000  }
0x9f: {  	_ =	swait.ge [sflag:s17], $0x2000  }
0xa0: {  	[sflag:s17] =	ssyncset.done $0x0  }
0xa1: {  	s30 =	sadd.s32 s22, s10;
	[sflag:s17] =	ssyncadd.s32 $0xFFFFE000  }
0xa2: {  	[hbm4b:s30+s18] =	stream.strided.scatter [tilespmem:s15], [sflag:$0x3], $0x2000, s14, s18, $0x38;
	[tilespmem:$0x8200] =	vst v63  }
0xa3: {  	s0 =	sadd.s32 $0x8, s30  }
0xa4: {  	[hbm4b:s0+s18] =	stream.strided.scatter [tilespmem:s16], [sflag:$0x3], $0x2000, s14, s18, $0x38;
	[tilespmem:$0x8200] =	vst v63  }
0xa5: {  	p1 =	sge.u32 @!p0 s24, s6;
	s7 =	simm.s32 @!p0 $0x4200;
	s0 =	simm.s32 @!p0 $0x80  }
0xa6: {  	[tilespmem:s7], [sflag:$0x2] =	stream.indirect.gather @!p0 [hbm4b:s4+s0], $0x40, s3, s0, $0xb8;
	[tilespmem:$0x8200] =	vst v63  }
0xa7: {  	p1 =	por p1, p0;
	s3 =	simm.s32 @!p0 $0x6200  }
0xa8: {  	[tilespmem:s3], [sflag:$0x2] =	stream.indirect.gather @!p0 [hbm4b:s4+s0], $0x40, s8, s0, $0xb8;
	[tilespmem:$0x8200] =	vst v63  }
0xa9: {  	s8 =	simm.s32 @!p1 $0x3  }
0xaa: {  	_ =	swait.ge @!p1 [sflag:s8], $0x2000  }
0xab: {  	[sflag:s8] =	ssyncset.done @!p1 $0x0  }
0xac: {  	[sflag:s8] =	ssyncadd.s32 @!p1 $0xFFFFE000  }
0xad: {  	_ =	swait.ge @!p1 [sflag:s8], $0x2000  }
0xae: {  	s24 =	sadd.s32 @!p1 s23, s1;
	[sflag:s8] =	ssyncset.done @!p1 $0x0  }
0xaf: {  	s25 =	simm.s32 @!p1 $0x0;
	s9 =	simm.s32 @!p1 $0x5;
	[sflag:s8] =	ssyncadd.s32 @!p1 $0xFFFFE000  }
0xb0: {  	[tilespmem:s25], [sflag:$0x5] =	stream.linear.gather @!p1 [hbm4b:s24+s25], $0x80, $0x38;
	[tilespmem:$0x8200] =	vst v63  }
0xb1: {  	_ =	swait.ge @!p1 [sflag:s9], $0x80  }
0xb2: {  	[sflag:s9] =	ssyncset.done @!p1 $0x0  }
0xb3: {  	s8 =	sadd.s32 @!p1 s23, s5;
	s23 =	simm.s32 @!p1 $0x80;
	[sflag:s9] =	ssyncadd.s32 @!p1 $0xFFFFFF80  }
0xb4: {  	[tilespmem:s23], [sflag:$0x5] =	stream.linear.gather @!p1 [hbm4b:s8+s25], $0x80, $0x38;
	[tilespmem:$0x8200] =	vst v63  }
0xb5: {  	_ =	swait.ge @!p1 [sflag:s9], $0x80  }
0xb6: {  	[sflag:s9] =	ssyncset.done @!p1 $0x0  }
0xb7: {  	s8 =	simm.s32 @!p0 $0x2;
	[sflag:s9] =	ssyncadd.s32 @!p1 $0xFFFFFF80  }
0xb8: {  	_ =	swait.ge @!p0 [sflag:s8], $0x2000  }
0xb9: {  	[sflag:s8] =	ssyncset.done @!p0 $0x0  }
0xba: {  	[sflag:s8] =	ssyncadd.s32 @!p0 $0xFFFFE000  }
0xbb: {  	_ =	swait.ge @!p0 [sflag:s8], $0x2000  }
0xbc: {  	s9 =	sadd.s32 @!p3 s22, s10;
	[sflag:s8] =	ssyncset.done @!p0 $0x0  }
0xbd: {  	s22 =	sadd.s32 @!p3 $0x800, s9;
	[sflag:s8] =	ssyncadd.s32 @!p0 $0xFFFFE000;
	s8 =	simm.s32 @!p0 $0x40  }
0xbe: {  	[hbm4b:s22+s8] =	stream.strided.scatter @!p0 [tilespmem:s7], [sflag:$0x4], $0x2000, s0, s8, $0x38;
	[tilespmem:$0x8200] =	vst v63  }
0xbf: {  	s7 =	sadd.s32 @!p3 $0x808, s9  }
0xc0: {  	[hbm4b:s7+s8] =	stream.strided.scatter @!p0 [tilespmem:s3], [sflag:$0x4], $0x2000, s0, s8, $0x38;
	[tilespmem:$0x8200] =	vst v63  }
0xc1: {  	s0 =	simm.s32 @!p1 $0x200  }
0xc2: {  	[tilespmem:s0], [sflag:$0x1] =	stream.indirect.gather @!p1 [hbm4b:s4+s23], $0x40, s25, s23, $0xb8;
	[tilespmem:$0x8200] =	vst v63  }
0xc3: {  	s0 =	simm.s32 @!p1 $0x2200  }
0xc4: {  	[tilespmem:s0], [sflag:$0x1] =	stream.indirect.gather @!p1 [hbm4b:s4+s23], $0x40, s23, s23, $0xb8;
	[tilespmem:$0x8200] =	vst v63  }
0xc5: {  	_ =	swait.ge [sflag:s19], $0x2000  }
0xc6: {  	[sflag:s19] =	ssyncset.done $0x0  }
0xc7: {  	[sflag:s19] =	ssyncadd.s32 $0xFFFFE000  }
0xc8: {  	_ =	swait.ge [sflag:s19], $0x2000  }
0xc9: {  	[sflag:s19] =	ssyncset.done $0x0  }
0xca: {  	[sflag:s19] =	ssyncadd.s32 $0xFFFFE000  }
0xcb: {  	_ =	swait.ge [sflag:s20], $0x2000  }
0xcc: {  	[sflag:s20] =	ssyncset.done $0x0  }
0xcd: {  	[sflag:s20] =	ssyncadd.s32 $0xFFFFE000  }
0xce: {  	_ =	swait.ge [sflag:s20], $0x2000  }
0xcf: {  	s21 =	sadd.s32 $0x1, s21;
	s31 =	rddreg [dreg:$0x5]  }
0xd0: {  	p0 =	sne.s32 s21, s31  }
.Ltmp1:
0xd1: {  	_ = 	snop;
	(pc) =	sbr.rel @p0 .LBB2_1-.Ltmp1, $3  }
0xd2: {  	_ =	sdelay $0x1  }
0xd3: {  	[sflag:s20] =	ssyncset.done $0x0  }
0xd4: {  	[sflag:s20] =	ssyncadd.s32 $0xFFFFE000  }
0xd5: {  	_ =	sfence.sel $0x180000  }
0xd6: {  	[bflag:$0x0] =	sbarrier.arrive $0xFFFF  }
0xd7: {  	_ =	strace $0x9000004A  }
0xd8: {  	s0 =	stileid.u32;
	[bflag:$0x2] =	sbarrier.arrive $0xFFFF  }
0xd9: {  	p0 =	sne.s32 s0, $0x0;
	s0 =	rddreg [dreg:$0x2]  }
0xda: {  	s0 =	sadd.s32 @!p0 $0x100000, s0  }
0xdb: {  	[sflag:s0] =	ssyncadd.tile.s32 @!p0 $0x1;
	_ =	shalt  }
.Lfunc_end2:
_tile_overlayer_lowered:
.L_overlay_start_2:
0xdc: {  	(tag) =	ssettag $0x2  }
0xdd: {  	s0 =	rddreg [dreg:$0x0];
	s2 =	stileid.u32  }
0xde: {  	s1 =	rddreg [dreg:$0x1];
	p0 =	sne.s32 s2, $0x0  }
0xdf: {  	s3 =	rddreg [dreg:$0x2];
	[bflag:$0x3] =	sbarrier.arrive $0xFFFF;
	s2 =	simm.s32 @!p0 $0x1C05  }
0xe0: {  	[timem:s3], [sflag:s2] =	dma.local @!p0 [hbm:s0], s1  }
0xe1: {  	s0 =	simm.s32 @!p0 $0x5  }
0xe2: {  	_ =	swait.ge @!p0 [sflag:s0], s1  }
0xe3: {  	s1 =	ssub.s32 @!p0 $0x0, s1;
	[sflag:s0] =	ssyncset.done @!p0 $0x0  }
0xe4: {  	[sflag:s0] =	ssyncadd.s32 @!p0 s1  }
0xe5: {  	[bflag:$0x3] =	sbarrier.arrive $0xFFFF  }
0xe6: {  	_ =	shalt  }

// kernel: kernel.14.cloned.1.call-start
scs
__scs_entry_jumppad:
0x0: {  	(pc) =	sbr.rel $0x88, $3  }
0x1: {  	(tag) =	ssettag $0x0;
	lr =	simm.s32 $0x1  }
0x2: {  	[smem:$0x3F8D] =	sst lr;
	_ =	strace $0xD0000000  }
0x3: {  	_ = 	snop  }
0x4: {  	_ = 	snop  }
0x5: {  	_ = 	snop  }
0x6: {  	_ = 	snop  }
0x7: {  	_ = 	snop  }
__scs_overlays_trampoline_lowered:
0x8: {  	[smem:$0x3F9C] =	sst s0  }
0x9: {  	[smem:$0x3F9D] =	sst s1  }
0xa: {  	[smem:$0x3F9E] =	sst s2  }
0xb: {  	[smem:$0x3F9F] =	sst s3  }
0xc: {  	[smem:$0x3FA0] =	sst s4  }
0xd: {  	[smem:$0x3FA1] =	sst s5  }
0xe: {  	[smem:$0x3FA2] =	sst s6  }
0xf: {  	[smem:$0x3FA3] =	sst s7  }
0x10: {  	[smem:$0x3FA4] =	sst s8  }
0x11: {  	[smem:$0x3FA5] =	sst s9;
	s0 =	simm.s32 @!p0 $0x0  }
0x12: {  	s1 =	sld [smem:$0x3F8B];
	s0 =	simm.s32 @p0 $0x1  }
0x13: {  	[smem:$0x3FA6] =	sst s0;
	s0 =	simm.s32 @!p1 $0x0  }
0x14: {  	s2 =	sld [smem:$0x3F8A];
	s0 =	simm.s32 @p1 $0x1  }
0x15: {  	[smem:$0x3FA7] =	sst s0;
	s0 =	simm.s32 @!p2 $0x0  }
0x16: {  	s3 =	sld [smem:$0x3FDB];
	s0 =	simm.s32 @p2 $0x1  }
0x17: {  	s4 =	simm.s32 $0x1BF5;
	[smem:$0x3FA9] =	sst s0  }
0x18: {  	s0 =	sld [smem:$0x3F8C];
	_ =	swait.ge [sflag:s4], $0x0  }
0x19: {  	s7 =	sld [smem:$0x3F8D]  }
0x1a: {  	s8 =	sadd.s32 $0xFFFFE003, lr  }
0x1b: {  	s9 =	sadd.s32 $0xFFFFFEF7, lr;
	s5 =	simm.s32 $0xFFFFFFFF;
	p2 =	slt.u32 s8, $0xFFFFF086  }
0x1c: {  	p1 =	slt.u32 s9, $0xF7A;
	s5 =	simm.s32 @!p2 $0x0  }
0x1d: {  	s5 =	simm.s32 @p1 $0x1;
	p0 =	seq.s32 s7, s2  }
0x1e: {  	s7 =	smul.u32 @!p0 $0xF7A, s2;
	p2 =	seq.s32 @!p0 s5, $0x0  }
0x1f: {  	s9 =	smul.u32 $0xF7A, s1;
	s8 =	simm.s32 @!p0 $0x1BF5;
	p2 =	por !p2, p0  }
0x20: {  	[sflag:s8] =	ssyncset.s32 @!p0 $0xFFFFF086;
	s6 =	sadd.s32 @!p0 s3, s7;
	s7 =	simm.s32 @!p0 $0x108  }
0x21: {  	s3 =	sadd.s32 s3, s9;
	s6 =	sadd.s32 @!p0 $0x88, s6;
	s7 =	simm.s32 @p2 $0x1082  }
0x22: {  	[simem:s7], [sflag:s8] =	dma.local @!p0 [hbm:s6], $0xF7A  }
0x23: {  	s9 =	sor.u32 $0xD0000000, s2;
	s6 =	simm.s32 $0x108;
	_ =	swait.ge @!p0 [sflag:s8], $0x0  }
0x24: {  	s3 =	sadd.s32 $0x88, s3;
	s6 =	simm.s32 @!p1 $0x1082;
	[sflag:s4] =	ssyncset.s32 $0xFFFFF086  }
0x25: {  	[simem:s6], [sflag:s4] =	dma.local [hbm:s3], $0xF7A  }
0x26: {  	[smem:$0x3F8D] =	sst s1;
	(tag) =	ssettag s2;
	_ =	strace s9  }
0x27: {  	s1 =	sld [smem:$0x3F9D]  }
0x28: {  	s2 =	sld [smem:$0x3F9E]  }
0x29: {  	s4 =	sld [smem:$0x3FA0]  }
0x2a: {  	p0 =	seq.s32 s5, $0x0;
	s5 =	sld [smem:$0x3FA1]  }
0x2b: {  	s6 =	sld [smem:$0x3FA2]  }
0x2c: {  	s7 =	sld [smem:$0x3FA3]  }
0x2d: {  	s3 =	simm.s32 $0x108;
	s8 =	sld [smem:$0x3FA4]  }
0x2e: {  	s3 =	simm.s32 @!p0 $0x1082;
	s9 =	sld [smem:$0x3FA5]  }
0x2f: {  	lr =	sadd.s32 s0, s3;
	s0 =	sld [smem:$0x3F9C]  }
0x30: {  	s3 =	sld [smem:$0x3F9F]  }
0x31: {  	[smem:$0x3FA8] =	sst s10  }
0x32: {  	s10 =	sld [smem:$0x3FA6];
	_ =	sdelay $0x3  }
0x33: {  	p0 =	seq.s32 s10, $0x1;
	s10 =	sld [smem:$0x3FA8];
	_ =	sdelay $0x3  }
0x34: {  	[smem:$0x3FA8] =	sst s10  }
0x35: {  	s10 =	sld [smem:$0x3FA7];
	_ =	sdelay $0x3  }
0x36: {  	p1 =	seq.s32 s10, $0x1;
	s10 =	sld [smem:$0x3FA8];
	_ =	sdelay $0x3  }
0x37: {  	[smem:$0x3FA8] =	sst s10  }
0x38: {  	s10 =	sld [smem:$0x3FA9]  }
0x39: {  	_ = 	snop;
	(pc) =	sbr.ind lr, $3  }
0x3a: {  	_ = 	snop  }
0x3b: {  	_ = 	snop  }
0x3c: {  	p2 =	seq.s32 s10, $0x1;
	s10 =	sld [smem:$0x3FA8]  }
0x3d: {  	_ =	shalt  }
0x3e: {  	_ =	shalt  }
0x3f: {  	_ =	shalt  }
0x40: {  	_ =	shalt  }
0x41: {  	_ =	shalt  }
0x42: {  	_ =	shalt  }
0x43: {  	_ =	shalt  }
0x44: {  	_ =	shalt  }
0x45: {  	_ =	shalt  }
0x46: {  	_ =	shalt  }
0x47: {  	_ =	shalt  }
0x48: {  	_ =	shalt  }
0x49: {  	_ =	shalt  }
0x4a: {  	_ =	shalt  }
0x4b: {  	_ =	shalt  }
0x4c: {  	_ =	shalt  }
0x4d: {  	_ =	shalt  }
0x4e: {  	_ =	shalt  }
0x4f: {  	_ =	shalt  }
0x50: {  	_ =	shalt  }
0x51: {  	_ =	shalt  }
0x52: {  	_ =	shalt  }
0x53: {  	_ =	shalt  }
0x54: {  	_ =	shalt  }
0x55: {  	_ =	shalt  }
0x56: {  	_ =	shalt  }
0x57: {  	_ =	shalt  }
0x58: {  	_ =	shalt  }
0x59: {  	_ =	shalt  }
0x5a: {  	_ =	shalt  }
0x5b: {  	_ =	shalt  }
0x5c: {  	_ =	shalt  }
0x5d: {  	_ =	shalt  }
0x5e: {  	_ =	shalt  }
0x5f: {  	_ =	shalt  }
0x60: {  	_ =	shalt  }
0x61: {  	_ =	shalt  }
0x62: {  	_ =	shalt  }
0x63: {  	_ =	shalt  }
0x64: {  	_ =	shalt  }
0x65: {  	_ =	shalt  }
0x66: {  	_ =	shalt  }
0x67: {  	_ =	shalt  }
0x68: {  	_ =	shalt  }
0x69: {  	_ =	shalt  }
0x6a: {  	_ =	shalt  }
0x6b: {  	_ =	shalt  }
0x6c: {  	_ =	shalt  }
0x6d: {  	_ =	shalt  }
0x6e: {  	_ =	shalt  }
0x6f: {  	_ =	shalt  }
0x70: {  	_ =	shalt  }
0x71: {  	_ =	shalt  }
0x72: {  	_ =	shalt  }
0x73: {  	_ =	shalt  }
0x74: {  	_ =	shalt  }
0x75: {  	_ =	shalt  }
0x76: {  	_ =	shalt  }
0x77: {  	_ =	shalt  }
0x78: {  	_ =	shalt  }
0x79: {  	_ =	shalt  }
0x7a: {  	_ =	shalt  }
0x7b: {  	_ =	shalt  }
0x7c: {  	_ =	shalt  }
0x7d: {  	_ =	shalt  }
0x7e: {  	_ =	shalt  }
0x7f: {  	_ =	shalt  }
0x80: {  	_ =	shalt  }
0x81: {  	_ =	shalt  }
0x82: {  	_ =	shalt  }
0x83: {  	_ =	shalt  }
0x84: {  	_ =	shalt  }
0x85: {  	_ =	shalt  }
0x86: {  	_ =	shalt  }
0x87: {  	_ =	shalt  }
.Lfunc_end0:
.L_simem_size_0:
called_computation.1_lowered:
.L_overlay_start_0:
0x88: {  	s2 =	sld [smem:$0x3FD9]  }
0x89: {  	s3 =	sld [smem:$0x3FFE];
	_ =	sdelay $0x1  }
0x8a: {  	s1 =	srdreg.scid  }
0x8b: {  	s0 =	sand.u32 $0x1, s1  }
0x8c: {  	s14 =	sshll.u32 s0, $0xA;
	s2 =	sadd.s32 s3, s2  }
0x8d: {  	s2 =	sadd.s32 s2, s14  }
0x8e: {  	[smem:$0x3FB4] =	sst s2  }
0x8f: {  	_ = 	snop  }
0x90: {  	s2 =	sld [smem:$0x3FD0];
	_ =	sdelay $0x2  }
0x91: {  	s15 =	simm.s32 $0xD;
	s4 =	simm.s32 $0x10  }
0x92: {  	[smem:s4], [sflag:s15] =	dma.local [hbm:s2], $0x1  }
0x93: {  	_ =	swait.eq [sflag:s15], $0x1  }
0x94: {  	[sflag:s15] =	ssyncset.done $0x0  }
0x95: {  	[sflag:s15] =	ssyncadd.s32 $0xFFFFFFFF  }
0x96: {  	s16 =	sld [smem:$0x10];
	(tm) =	ssettm $0x1  }
0x97: {  	s17 =	sld [smem:$0x3FFB];
	_ =	sdelay $0x3  }
0x98: {  	_ =	strace s17  }
0x99: {  	s3 =	sld [smem:$0x3FFC];
	_ =	sdelay $0x3  }
0x9a: {  	_ =	strace s3  }
0x9b: {  	s3 =	sld [smem:$0x3FFD];
	_ =	sdelay $0x3  }
0x9c: {  	_ =	strace s3  }
0x9d: {  	_ =	strace $0x8FFFFFFF  }
0x9e: {  	s18 =	sld [smem:$0x3FDB];
	_ =	sdelay $0x1  }
0x9f: {  	s19 =	simm.s32 $_scs_section_size  }
0xa0: {  	s5 =	simm.s32 $_size__tile_overlayer_lowered;
	s6 =	simm.s32 $_tile_overlayer_lowered  }
0xa1: {  	s22 =	simm.s32 $0x1BFF;
	s21 =	sshll.u32 s6, $0x1;
	s3 =	sadd.s32 s19, s18  }
0xa2: {  	s7 =	simm.s32 $0x0;
	s20 =	sshll.u32 s5, $0x1;
	s5 =	sadd.s32 s21, s3  }
0xa3: {  	[timem:s7], [sflag:s22] =	dma.local [hbm:s5], s20  }
0xa4: {  	_ =	swait.ge [sflag:s22], s20  }
0xa5: {  	s4 =	ssub.s32 $0x0, s20;
	[sflag:s22] =	ssyncset.done $0x0  }
0xa6: {  	[sflag:s22] =	ssyncadd.s32 s4;
	_ =	sdelay $0x1  }
0xa7: {  	s23 =	simm.s32 $0x1B8B  }
0xa8: {  	_ =	swait.ge [sflag:s23], $0x1  }
0xa9: {  	[sflag:s23] =	ssyncset.done $0x0  }
0xaa: {  	s25 =	simm.s32 $0x1B8E;
	s24 =	sld [smem:$0x3FFE];
	[sflag:s23] =	ssyncadd.s32 $0xFFFFFFFF  }
0xab: {  	s26 =	simm.s32 $execute0_lowered;
	[smem:$0x3FD2] =	sst s25  }
0xac: {  	s5 =	sshll.u32 s26, $0x1;
	_ =	strace $0x80000046;
	[dreg:$0x1] =	wrdreg $0xFFFFFFFF  }
0xad: {  	s28 =	simm.s32 $_size_execute0_lowered;
	s3 =	sadd.s32 s3, s5;
	[dreg:$0x0] =	wrdreg $0x0  }
0xae: {  	s5 =	sshll.u32 s28, $0x1;
	[dreg:$0x2] =	wrdreg s3  }
0xaf: {  	[dreg:$0x3] =	wrdreg s5  }
0xb0: {  	[dreg:$0x4] =	wrdreg $0xC0  }
0xb1: {  	_ =	task [dreg:s7], $0x5FFFF  }
0xb2: {  	[dreg:$0x1] =	wrdreg $0xFFFFFFFF  }
0xb3: {  	[dreg:$0x0] =	wrdreg $0x60  }
0xb4: {  	[dreg:$0x2] =	wrdreg s24  }
0xb5: {  	[dreg:$0x3] =	wrdreg s16  }
0xb6: {  	[dreg:$0x4] =	wrdreg $0xA  }
0xb7: {  	_ =	task.clear_ibuf [dreg:s7], $0x5FFFF;
	_ =	strace $0x90000046  }
0xb8: {  	s29 =	simm.s32 $0xA;
	_ =	strace $0x80000048  }
0xb9: {  	_ =	swait.ge [sflag:s29], $0x1  }
0xba: {  	[sflag:s29] =	ssyncadd.s32 $0xFFFFFFFF  }
0xbb: {  	_ =	strace $0x90000048  }
0xbc: {  	_ =	sfence  }
0xbd: {  	s30 =	sld [smem:$0x0];
	_ =	sdelay $0x2  }
0xbe: {  	s31 =	sshll.u32 s1, $0xD;
	s1 =	sshrl.u32 s1, $0x2  }
0xbf: {  	s3 =	sand.u32 $0x4000, s31;
	s1 =	sadd.s32 s1, s30  }
0xc0: {  	s0 =	sor.u32 s3, s0;
	s1 =	sshll.u32 s1, $0x11  }
0xc1: {  	s0 =	sor.u32 s1, s0  }
0xc2: {  	s0 =	sadd.s32 $0x8F2B, s0  }
0xc3: {  	[sflag:s0] =	ssyncadd.remote.s32 $0x1  }
0xc4: {  	_ =	sfence.sel $0xFFFF  }
0xc5: {  	[dreg:$0x0] =	wrdreg $0xFFFFFFFF;
	(pc) =	sbr.abs _section_cstart, $3  }
0xc6: {  	[dreg:$0x1] =	wrdreg $0xFFFFFFFF  }
0xc7: {  	_ =	task.clear_ibuf [dreg:s7], $0x2FFFF;
	_ =	strace $0x9FFFFFFF  }
0xc8: {  	(tm) =	ssettm $0x7FFFFFFF  }
0xc9: {  	_ =	shalt  }
tec
execute0_lowered:
.L_overlay_start_1:
0x0: {  	(tag) =	ssettag $0x1  }
0x1: {  	s0 =	rddreg [dreg:$0x0]  }
0x2: {  	s1 =	rddreg [dreg:$0x1];
	s2 =	simm.s32 $0x0  }
0x3: {  	s3 =	srdreg.scid;
	s10 =	stileid.u32;
	s13 =	simm.s32 $0x5  }
0x4: {  	s14 =	simm.s32 $0x80;
	s15 =	simm.s32 $0x200;
	s16 =	simm.s32 $0x2200  }
0x5: {  	s17 =	simm.s32 $0x1;
	s18 =	simm.s32 $0x40;
	s19 =	simm.s32 $0x3  }
0x6: {  	s20 =	simm.s32 $0x4;
	s21 =	simm.s32 $0x0;
	[smem:$0x7FF] =	sst s2  }
0x7: {  	s4 =	sadd.s32 $0xAE00, s0;
	s3 =	sand.u32 $0x1, s3;
	s6 =	smul.u32 $0x13000, s10  }
0x8: {  	s8 =	sshll.u32 s10, $0x1;
	s5 =	sadd.s32 $0x5E00, s0;
	s10 =	smul.u32 $0x26, s10  }
0x9: {  	_ =	strace $0x80000047;
	s7 =	ssub.s32 $0x2, s3;
	s11 =	smul.u32 $0x13, s3  }
0xa: {  	s8 =	sor.u32 s3, s8;
	s3 =	smul.u32 $0x9800, s3;
	s9 =	sshrl.u32 s7, $0x1  }
0xb: {  	s0 =	sadd.s32 s6, s0;
	s28 =	smul.u32 $0x13, s8;
	p0 =	slt.u32 s8, $0x11  }
0xc: {  	s8 =	smin.u32 s8, $0x11;
	s6 =	simm.s32 $0x14;
	s7 =	ssub.s32 s7, s9  }
0xd: {  	s6 =	simm.s32 @!p0 $0x13;
	s29 =	sadd.s32 s11, s10;
	s0 =	sadd.s32 s3, s0  }
0xe: {  	s30 =	sshll.u32 s8, $0xB;
	s9 =	sadd.s32 s8, s28;
	s8 =	sadd.s32 s8, s29  }
0xf: {  	s7 =	smax.u32 s7, $0x1;
	s0 =	sadd.s32 s30, s0;
	s9 =	sshll.u32 s9, $0x4  }
0x10: {  	[dreg:$0x5] =	wrdreg s7;
	s31 =	sshll.u32 s8, $0x4;
	s12 =	sadd.s32 s1, s9  }
0x11: {  	s10 =	sadd.s32 $0x6CA00, s0;
	s9 =	sadd.s32 s5, s9;
	[dreg:$0x3] =	wrdreg s12  }
0x12: {  	s11 =	sadd.s32 $0x10, s31;
	[dreg:$0x4] =	wrdreg s9;
	s12 =	sadd.s32 $0x20, s31  }
.LBB2_1:
0x13: {  	s0 =	rddreg [dreg:$0x3]  }
0x14: {  	[tilespmem:s2], [sflag:$0x5] =	stream.linear.gather [hbm4b:s0+s2], $0x80, $0x38;
	[tilespmem:$0x8200] =	vst v63  }
0x15: {  	_ =	swait.ge [sflag:s13], $0x80  }
0x16: {  	[sflag:s13] =	ssyncset.done $0x0  }
0x17: {  	s26 =	rddreg [dreg:$0x4];
	[sflag:s13] =	ssyncadd.s32 $0xFFFFFF80  }
0x18: {  	[tilespmem:s14], [sflag:$0x5] =	stream.linear.gather [hbm4b:s26+s2], $0x80, $0x38;
	[tilespmem:$0x8200] =	vst v63  }
0x19: {  	p2 =	sle.u32 s6, $0x1;
	_ =	swait.ge [sflag:s13], $0x80  }
0x1a: {  	p0 =	por @!p2 $0x1, $0x1;
	[sflag:s13] =	ssyncset.done $0x0  }
0x1b: {  	p1 =	por p0, p2;
	[sflag:s13] =	ssyncadd.s32 $0xFFFFFF80  }
0x1c: {  	[tilespmem:s15], [sflag:$0x1] =	stream.indirect.gather [hbm4b:s4+s14], $0x40, s2, s14, $0xb8;
	[tilespmem:$0x8200] =	vst v63  }
0x1d: {  	s0 =	simm.s32 @!p1 $0x4  }
0x1e: {  	[tilespmem:s16], [sflag:$0x1] =	stream.indirect.gather [hbm4b:s4+s14], $0x40, s14, s14, $0xb8;
	[tilespmem:$0x8200] =	vst v63  }
0x1f: {  	_ =	swait.ge @!p1 [sflag:s0], $0x2000  }
0x20: {  	[sflag:s0] =	ssyncset.done @!p1 $0x0  }
0x21: {  	[sflag:s0] =	ssyncadd.s32 @!p1 $0xFFFFE000  }
0x22: {  	p0 =	por p2, p2;
	_ =	swait.ge @!p1 [sflag:s0], $0x2000  }
0x23: {  	s3 =	simm.s32 @!p0 $0x100;
	s7 =	simm.s32 @!p0 $0x5;
	[sflag:s0] =	ssyncset.done @!p1 $0x0  }
0x24: {  	s8 =	sadd.s32 @!p0 s11, s1;
	s22 =	simm.s32 @!p0 $0x0;
	[sflag:s0] =	ssyncadd.s32 @!p1 $0xFFFFE000  }
0x25: {  	[tilespmem:s3], [sflag:$0x5] =	stream.linear.gather @!p0 [hbm4b:s8+s22], $0x80, $0x38;
	[tilespmem:$0x8200] =	vst v63  }
0x26: {  	_ =	swait.ge @!p0 [sflag:s7], $0x80  }
0x27: {  	[sflag:s7] =	ssyncset.done @!p0 $0x0  }
0x28: {  	s0 =	sadd.s32 @!p0 s11, s5;
	s8 =	simm.s32 @!p0 $0x180;
	[sflag:s7] =	ssyncadd.s32 @!p0 $0xFFFFFF80  }
0x29: {  	[tilespmem:s8], [sflag:$0x5] =	stream.linear.gather @!p0 [hbm4b:s0+s22], $0x80, $0x38;
	[tilespmem:$0x8200] =	vst v63  }
0x2a: {  	_ =	swait.ge @!p0 [sflag:s7], $0x80  }
0x2b: {  	[sflag:s7] =	ssyncset.done @!p0 $0x0  }
0x2c: {  	[sflag:s7] =	ssyncadd.s32 @!p0 $0xFFFFFF80  }
0x2d: {  	_ =	swait.ge [sflag:s17], $0x2000  }
0x2e: {  	[sflag:s17] =	ssyncset.done $0x0  }
0x2f: {  	[sflag:s17] =	ssyncadd.s32 $0xFFFFE000  }
0x30: {  	_ =	swait.ge [sflag:s17], $0x2000  }
0x31: {  	[sflag:s17] =	ssyncset.done $0x0  }
0x32: {  	s29 =	sadd.s32 $0x0, s10;
	[sflag:s17] =	ssyncadd.s32 $0xFFFFE000  }
0x33: {  	[hbm4b:s29+s18] =	stream.strided.scatter [tilespmem:s15], [sflag:$0x3], $0x2000, s14, s18, $0x38;
	[tilespmem:$0x8200] =	vst v63  }
0x34: {  	p1 =	sle.u32 @!p0 s6, $0x2;
	s0 =	sadd.s32 $0x8, s29  }
0x35: {  	[hbm4b:s0+s18] =	stream.strided.scatter [tilespmem:s16], [sflag:$0x3], $0x2000, s14, s18, $0x38;
	[tilespmem:$0x8200] =	vst v63  }
0x36: {  	s30 =	simm.s32 @!p0 $0x80;
	p1 =	por p1, p0;
	s7 =	simm.s32 @!p0 $0x4200  }
0x37: {  	[tilespmem:s7], [sflag:$0x2] =	stream.indirect.gather @!p0 [hbm4b:s4+s30], $0x40, s3, s30, $0xb8;
	[tilespmem:$0x8200] =	vst v63  }
0x38: {  	s31 =	simm.s32 @!p0 $0x6200;
	s3 =	simm.s32 @!p1 $0x3  }
0x39: {  	[tilespmem:s31], [sflag:$0x2] =	stream.indirect.gather @!p0 [hbm4b:s4+s30], $0x40, s8, s30, $0xb8;
	[tilespmem:$0x8200] =	vst v63  }
0x3a: {  	_ =	swait.ge @!p1 [sflag:s3], $0x2000  }
0x3b: {  	[sflag:s3] =	ssyncset.done @!p1 $0x0  }
0x3c: {  	[sflag:s3] =	ssyncadd.s32 @!p1 $0xFFFFE000  }
0x3d: {  	_ =	swait.ge @!p1 [sflag:s3], $0x2000  }
0x3e: {  	s22 =	sadd.s32 @!p1 s12, s1;
	[sflag:s3] =	ssyncset.done @!p1 $0x0  }
0x3f: {  	s0 =	simm.s32 @!p1 $0x0;
	s8 =	simm.s32 @!p1 $0x5;
	[sflag:s3] =	ssyncadd.s32 @!p1 $0xFFFFE000  }
0x40: {  	[tilespmem:s0], [sflag:$0x5] =	stream.linear.gather @!p1 [hbm4b:s22+s0], $0x80, $0x38;
	[tilespmem:$0x8200] =	vst v63  }
0x41: {  	_ =	swait.ge @!p1 [sflag:s8], $0x80  }
0x42: {  	[sflag:s8] =	ssyncset.done @!p1 $0x0  }
0x43: {  	s3 =	simm.s32 @!p1 $0x80;
	s22 =	sadd.s32 @!p1 s12, s5;
	[sflag:s8] =	ssyncadd.s32 @!p1 $0xFFFFFF80  }
0x44: {  	[tilespmem:s3], [sflag:$0x5] =	stream.linear.gather @!p1 [hbm4b:s22+s0], $0x80, $0x38;
	[tilespmem:$0x8200] =	vst v63  }
0x45: {  	_ =	swait.ge @!p1 [sflag:s8], $0x80  }
0x46: {  	[sflag:s8] =	ssyncset.done @!p1 $0x0  }
0x47: {  	[sflag:s8] =	ssyncadd.s32 @!p1 $0xFFFFFF80;
	s8 =	simm.s32 @!p0 $0x2  }
0x48: {  	_ =	swait.ge @!p0 [sflag:s8], $0x2000  }
0x49: {  	[sflag:s8] =	ssyncset.done @!p0 $0x0  }
0x4a: {  	s25 =	sadd.s32 $0x20, s11;
	[sflag:s8] =	ssyncadd.s32 @!p0 $0xFFFFE000  }
0x4b: {  	p3 =	sle.u32 s6, $0x3;
	s23 =	sadd.s32 @!p2 $0x0, s10;
	_ =	swait.ge @!p0 [sflag:s8], $0x2000  }
0x4c: {  	s24 =	sadd.s32 @!p2 $0x800, s23;
	s28 =	sadd.s32 @!p2 $0x808, s23;
	[sflag:s8] =	ssyncset.done @!p0 $0x0  }
0x4d: {  	s23 =	sadd.s32 $0x20, s12;
	[sflag:s8] =	ssyncadd.s32 @!p0 $0xFFFFE000;
	s8 =	simm.s32 @!p0 $0x40  }
0x4e: {  	[hbm4b:s24+s8] =	stream.strided.scatter @!p0 [tilespmem:s7], [sflag:$0x4], $0x2000, s30, s8, $0x38;
	[tilespmem:$0x8200] =	vst v63  }
0x4f: {  	s26 =	simm.s32 $0x2000;
	s22 =	simm.s32 $0x1000;
	s24 =	simm.s32 $0x4  }
.LBB2_2:
0x50: {  	p2 =	seq.s32 @!p3 s22, $0x0  }
0x51: {  	s9 =	sadd.s32 @!p3 s22, s10;
	s7 =	smov.u32 s26;
	s26 =	sadd.s32 $0x1000, s26  }
0x52: {  	[hbm4b:s28+s8] =	stream.strided.scatter @!p0 [tilespmem:s31], [sflag:$0x4], $0x2000, s30, s8, $0x38;
	[tilespmem:$0x8200] =	vst v63  }
0x53: {  	p4 =	por p2, p3;
	s29 =	sadd.s32 @!p3 $0x800, s9;
	s8 =	simm.s32 @!p1 $0x200  }
0x54: {  	[tilespmem:s8], [sflag:$0x1] =	stream.indirect.gather @!p1 [hbm4b:s4+s3], $0x40, s0, s3, $0xb8;
	[tilespmem:$0x8200] =	vst v63  }
0x55: {  	s28 =	sadd.s32 @!p3 $0x808, s9;
	s0 =	simm.s32 @!p4 $0x4;
	s8 =	simm.s32 @!p1 $0x2200  }
0x56: {  	[tilespmem:s8], [sflag:$0x1] =	stream.indirect.gather @!p1 [hbm4b:s4+s3], $0x40, s3, s3, $0xb8;
	[tilespmem:$0x8200] =	vst v63  }
0x57: {  	p2 =	sne.s32 s26, $0xA000;
	p0 =	por p3, p3;
	_ =	swait.ge @!p4 [sflag:s0], $0x2000  }
0x58: {  	[sflag:s0] =	ssyncset.done @!p4 $0x0  }
0x59: {  	[sflag:s0] =	ssyncadd.s32 @!p4 $0xFFFFE000  }
0x5a: {  	s3 =	simm.s32 @!p0 $0x100;
	s8 =	simm.s32 @!p0 $0x5;
	_ =	swait.ge @!p4 [sflag:s0], $0x2000  }
0x5b: {  	s9 =	sadd.s32 @!p0 s25, s1;
	s30 =	simm.s32 @!p0 $0x0;
	[sflag:s0] =	ssyncset.done @!p4 $0x0  }
0x5c: {  	[sflag:s0] =	ssyncadd.s32 @!p4 $0xFFFFE000  }
0x5d: {  	[tilespmem:s3], [sflag:$0x5] =	stream.linear.gather @!p0 [hbm4b:s9+s30], $0x80, $0x38;
	[tilespmem:$0x8200] =	vst v63  }
0x5e: {  	_ =	swait.ge @!p0 [sflag:s8], $0x80  }
0x5f: {  	s0 =	sadd.s32 @!p0 s25, s5;
	s9 =	simm.s32 @!p0 $0x180;
	[sflag:s8] =	ssyncset.done @!p0 $0x0  }
0x60: {  	[sflag:s8] =	ssyncadd.s32 @!p0 $0xFFFFFF80  }
0x61: {  	[tilespmem:s9], [sflag:$0x5] =	stream.linear.gather @!p0 [hbm4b:s0+s30], $0x80, $0x38;
	[tilespmem:$0x8200] =	vst v63  }
0x62: {  	_ =	swait.ge @!p0 [sflag:s8], $0x80  }
0x63: {  	[sflag:s8] =	ssyncset.done @!p0 $0x0  }
0x64: {  	[sflag:s8] =	ssyncadd.s32 @!p0 $0xFFFFFF80  }
0x65: {  	_ =	swait.ge [sflag:s17], $0x2000  }
0x66: {  	[sflag:s17] =	ssyncset.done $0x0  }
0x67: {  	[sflag:s17] =	ssyncadd.s32 $0xFFFFE000  }
0x68: {  	_ =	swait.ge [sflag:s17], $0x2000  }
0x69: {  	[sflag:s17] =	ssyncset.done $0x0  }
0x6a: {  	s0 =	sadd.s32 s22, s10;
	s22 =	smov.u32 s7;
	[sflag:s17] =	ssyncadd.s32 $0xFFFFE000  }
0x6b: {  	[hbm4b:s0+s18] =	stream.strided.scatter [tilespmem:s15], [sflag:$0x3], $0x2000, s14, s18, $0x38;
	[tilespmem:$0x8200] =	vst v63  }
0x6c: {  	s0 =	sadd.s32 $0x8, s0  }
0x6d: {  	[hbm4b:s0+s18] =	stream.strided.scatter [tilespmem:s16], [sflag:$0x3], $0x2000, s14, s18, $0x38;
	[tilespmem:$0x8200] =	vst v63  }
0x6e: {  	p1 =	sge.u32 @!p0 s24, s6;
	s30 =	simm.s32 @!p0 $0x80;
	s7 =	simm.s32 @!p0 $0x4200  }
0x6f: {  	[tilespmem:s7], [sflag:$0x2] =	stream.indirect.gather @!p0 [hbm4b:s4+s30], $0x40, s3, s30, $0xb8;
	[tilespmem:$0x8200] =	vst v63  }
0x70: {  	s31 =	simm.s32 @!p0 $0x6200;
	p1 =	por p1, p0  }
0x71: {  	[tilespmem:s31], [sflag:$0x2] =	stream.indirect.gather @!p0 [hbm4b:s4+s30], $0x40, s9, s30, $0xb8;
	[tilespmem:$0x8200] =	vst v63  }
0x72: {  	s3 =	simm.s32 @!p1 $0x3  }
0x73: {  	_ =	swait.ge @!p1 [sflag:s3], $0x2000  }
0x74: {  	[sflag:s3] =	ssyncset.done @!p1 $0x0  }
0x75: {  	[sflag:s3] =	ssyncadd.s32 @!p1 $0xFFFFE000  }
0x76: {  	s8 =	simm.s32 @!p1 $0x5;
	_ =	swait.ge @!p1 [sflag:s3], $0x2000  }
0x77: {  	s0 =	simm.s32 @!p1 $0x0;
	s9 =	sadd.s32 @!p1 s23, s1;
	[sflag:s3] =	ssyncset.done @!p1 $0x0  }
0x78: {  	[sflag:s3] =	ssyncadd.s32 @!p1 $0xFFFFE000  }
0x79: {  	[tilespmem:s0], [sflag:$0x5] =	stream.linear.gather @!p1 [hbm4b:s9+s0], $0x80, $0x38;
	[tilespmem:$0x8200] =	vst v63  }
0x7a: {  	_ =	swait.ge @!p1 [sflag:s8], $0x80  }
0x7b: {  	s3 =	simm.s32 @!p1 $0x80;
	s9 =	sadd.s32 @!p1 s23, s5;
	[sflag:s8] =	ssyncset.done @!p1 $0x0  }
0x7c: {  	[sflag:s8] =	ssyncadd.s32 @!p1 $0xFFFFFF80  }
0x7d: {  	[tilespmem:s3], [sflag:$0x5] =	stream.linear.gather @!p1 [hbm4b:s9+s0], $0x80, $0x38;
	[tilespmem:$0x8200] =	vst v63  }
0x7e: {  	_ =	swait.ge @!p1 [sflag:s8], $0x80  }
0x7f: {  	[sflag:s8] =	ssyncset.done @!p1 $0x0  }
0x80: {  	[sflag:s8] =	ssyncadd.s32 @!p1 $0xFFFFFF80;
	s8 =	simm.s32 @!p0 $0x2  }
0x81: {  	_ =	swait.ge @!p0 [sflag:s8], $0x2000  }
0x82: {  	[sflag:s8] =	ssyncset.done @!p0 $0x0  }
.Ltmp0:
0x83: {  	[sflag:s8] =	ssyncadd.s32 @!p0 $0xFFFFE000;
	(pc) =	sbr.rel @p2 .LBB2_2-.Ltmp0, $4  }
0x84: {  	s24 =	sadd.s32 $0x2, s24;
	s23 =	sadd.s32 $0x20, s23;
	_ =	swait.ge @!p0 [sflag:s8], $0x2000  }
0x85: {  	s25 =	sadd.s32 $0x20, s25;
	s9 =	sadd.s32 $0xFFFFFFFF, s24;
	[sflag:s8] =	ssyncset.done @!p0 $0x0  }
0x86: {  	p3 =	sge.u32 s9, s6;
	[sflag:s8] =	ssyncadd.s32 @!p0 $0xFFFFE000;
	s8 =	simm.s32 @!p0 $0x40  }
0x87: {  	[hbm4b:s29+s8] =	stream.strided.scatter @!p0 [tilespmem:s7], [sflag:$0x4], $0x2000, s30, s8, $0x38;
	[tilespmem:$0x8200] =	vst v63  }
0x88: {  	p2 =	seq.s32 @!p3 s22, $0x0  }
0x89: {  	[hbm4b:s28+s8] =	stream.strided.scatter @!p0 [tilespmem:s31], [sflag:$0x4], $0x2000, s30, s8, $0x38;
	[tilespmem:$0x8200] =	vst v63  }
0x8a: {  	s7 =	simm.s32 @!p1 $0x200;
	p2 =	por p2, p3  }
0x8b: {  	[tilespmem:s7], [sflag:$0x1] =	stream.indirect.gather @!p1 [hbm4b:s4+s3], $0x40, s0, s3, $0xb8;
	[tilespmem:$0x8200] =	vst v63  }
0x8c: {  	s0 =	simm.s32 @!p2 $0x4;
	s7 =	simm.s32 @!p1 $0x2200  }
0x8d: {  	[tilespmem:s7], [sflag:$0x1] =	stream.indirect.gather @!p1 [hbm4b:s4+s3], $0x40, s3, s3, $0xb8;
	[tilespmem:$0x8200] =	vst v63  }
0x8e: {  	_ =	swait.ge @!p2 [sflag:s0], $0x2000  }
0x8f: {  	[sflag:s0] =	ssyncset.done @!p2 $0x0  }
0x90: {  	[sflag:s0] =	ssyncadd.s32 @!p2 $0xFFFFE000  }
0x91: {  	p0 =	por p3, p3;
	_ =	swait.ge @!p2 [sflag:s0], $0x2000  }
0x92: {  	s8 =	sadd.s32 @!p0 s25, s1;
	s9 =	simm.s32 @!p0 $0x0;
	[sflag:s0] =	ssyncset.done @!p2 $0x0  }
0x93: {  	s3 =	simm.s32 @!p0 $0x100;
	s7 =	simm.s32 @!p0 $0x5;
	[sflag:s0] =	ssyncadd.s32 @!p2 $0xFFFFE000  }
0x94: {  	[tilespmem:s3], [sflag:$0x5] =	stream.linear.gather @!p0 [hbm4b:s8+s9], $0x80, $0x38;
	[tilespmem:$0x8200] =	vst v63  }
0x95: {  	_ =	swait.ge @!p0 [sflag:s7], $0x80  }
0x96: {  	[sflag:s7] =	ssyncset.done @!p0 $0x0  }
0x97: {  	s0 =	sadd.s32 @!p0 s25, s5;
	s8 =	simm.s32 @!p0 $0x180;
	[sflag:s7] =	ssyncadd.s32 @!p0 $0xFFFFFF80  }
0x98: {  	[tilespmem:s8], [sflag:$0x5] =	stream.linear.gather @!p0 [hbm4b:s0+s9], $0x80, $0x38;
	[tilespmem:$0x8200] =	vst v63  }
0x99: {  	_ =	swait.ge @!p0 [sflag:s7], $0x80  }
0x9a: {  	[sflag:s7] =	ssyncset.done @!p0 $0x0  }
0x9b: {  	[sflag:s7] =	ssyncadd.s32 @!p0 $0xFFFFFF80  }
0x9c: {  	_ =	swait.ge [sflag:s17], $0x2000  }
0x9d: {  	[sflag:s17] =	ssyncset.done $0x0  }
0x9e: {  	[sflag:s17] =	ssyncadd.s32 $0xFFFFE000  }
0x9f: {  	_ =	swait.ge [sflag:s17], $0x2000  }
0xa0: {  	[sflag:s17] =	ssyncset.done $0x0  }
0xa1: {  	s30 =	sadd.s32 s22, s10;
	[sflag:s17] =	ssyncadd.s32 $0xFFFFE000  }
0xa2: {  	[hbm4b:s30+s18] =	stream.strided.scatter [tilespmem:s15], [sflag:$0x3], $0x2000, s14, s18, $0x38;
	[tilespmem:$0x8200] =	vst v63  }
0xa3: {  	s0 =	sadd.s32 $0x8, s30  }
0xa4: {  	[hbm4b:s0+s18] =	stream.strided.scatter [tilespmem:s16], [sflag:$0x3], $0x2000, s14, s18, $0x38;
	[tilespmem:$0x8200] =	vst v63  }
0xa5: {  	p1 =	sge.u32 @!p0 s24, s6;
	s7 =	simm.s32 @!p0 $0x4200;
	s0 =	simm.s32 @!p0 $0x80  }
0xa6: {  	[tilespmem:s7], [sflag:$0x2] =	stream.indirect.gather @!p0 [hbm4b:s4+s0], $0x40, s3, s0, $0xb8;
	[tilespmem:$0x8200] =	vst v63  }
0xa7: {  	p1 =	por p1, p0;
	s3 =	simm.s32 @!p0 $0x6200  }
0xa8: {  	[tilespmem:s3], [sflag:$0x2] =	stream.indirect.gather @!p0 [hbm4b:s4+s0], $0x40, s8, s0, $0xb8;
	[tilespmem:$0x8200] =	vst v63  }
0xa9: {  	s8 =	simm.s32 @!p1 $0x3  }
0xaa: {  	_ =	swait.ge @!p1 [sflag:s8], $0x2000  }
0xab: {  	[sflag:s8] =	ssyncset.done @!p1 $0x0  }
0xac: {  	[sflag:s8] =	ssyncadd.s32 @!p1 $0xFFFFE000  }
0xad: {  	_ =	swait.ge @!p1 [sflag:s8], $0x2000  }
0xae: {  	s24 =	sadd.s32 @!p1 s23, s1;
	[sflag:s8] =	ssyncset.done @!p1 $0x0  }
0xaf: {  	s25 =	simm.s32 @!p1 $0x0;
	s9 =	simm.s32 @!p1 $0x5;
	[sflag:s8] =	ssyncadd.s32 @!p1 $0xFFFFE000  }
0xb0: {  	[tilespmem:s25], [sflag:$0x5] =	stream.linear.gather @!p1 [hbm4b:s24+s25], $0x80, $0x38;
	[tilespmem:$0x8200] =	vst v63  }
0xb1: {  	_ =	swait.ge @!p1 [sflag:s9], $0x80  }
0xb2: {  	[sflag:s9] =	ssyncset.done @!p1 $0x0  }
0xb3: {  	s8 =	sadd.s32 @!p1 s23, s5;
	s23 =	simm.s32 @!p1 $0x80;
	[sflag:s9] =	ssyncadd.s32 @!p1 $0xFFFFFF80  }
0xb4: {  	[tilespmem:s23], [sflag:$0x5] =	stream.linear.gather @!p1 [hbm4b:s8+s25], $0x80, $0x38;
	[tilespmem:$0x8200] =	vst v63  }
0xb5: {  	_ =	swait.ge @!p1 [sflag:s9], $0x80  }
0xb6: {  	[sflag:s9] =	ssyncset.done @!p1 $0x0  }
0xb7: {  	s8 =	simm.s32 @!p0 $0x2;
	[sflag:s9] =	ssyncadd.s32 @!p1 $0xFFFFFF80  }
0xb8: {  	_ =	swait.ge @!p0 [sflag:s8], $0x2000  }
0xb9: {  	[sflag:s8] =	ssyncset.done @!p0 $0x0  }
0xba: {  	[sflag:s8] =	ssyncadd.s32 @!p0 $0xFFFFE000  }
0xbb: {  	_ =	swait.ge @!p0 [sflag:s8], $0x2000  }
0xbc: {  	s9 =	sadd.s32 @!p3 s22, s10;
	[sflag:s8] =	ssyncset.done @!p0 $0x0  }
0xbd: {  	s22 =	sadd.s32 @!p3 $0x800, s9;
	[sflag:s8] =	ssyncadd.s32 @!p0 $0xFFFFE000;
	s8 =	simm.s32 @!p0 $0x40  }
0xbe: {  	[hbm4b:s22+s8] =	stream.strided.scatter @!p0 [tilespmem:s7], [sflag:$0x4], $0x2000, s0, s8, $0x38;
	[tilespmem:$0x8200] =	vst v63  }
0xbf: {  	s7 =	sadd.s32 @!p3 $0x808, s9  }
0xc0: {  	[hbm4b:s7+s8] =	stream.strided.scatter @!p0 [tilespmem:s3], [sflag:$0x4], $0x2000, s0, s8, $0x38;
	[tilespmem:$0x8200] =	vst v63  }
0xc1: {  	s0 =	simm.s32 @!p1 $0x200  }
0xc2: {  	[tilespmem:s0], [sflag:$0x1] =	stream.indirect.gather @!p1 [hbm4b:s4+s23], $0x40, s25, s23, $0xb8;
	[tilespmem:$0x8200] =	vst v63  }
0xc3: {  	s0 =	simm.s32 @!p1 $0x2200  }
0xc4: {  	[tilespmem:s0], [sflag:$0x1] =	stream.indirect.gather @!p1 [hbm4b:s4+s23], $0x40, s23, s23, $0xb8;
	[tilespmem:$0x8200] =	vst v63  }
0xc5: {  	_ =	swait.ge [sflag:s19], $0x2000  }
0xc6: {  	[sflag:s19] =	ssyncset.done $0x0  }
0xc7: {  	[sflag:s19] =	ssyncadd.s32 $0xFFFFE000  }
0xc8: {  	_ =	swait.ge [sflag:s19], $0x2000  }
0xc9: {  	[sflag:s19] =	ssyncset.done $0x0  }
0xca: {  	[sflag:s19] =	ssyncadd.s32 $0xFFFFE000  }
0xcb: {  	_ =	swait.ge [sflag:s20], $0x2000  }
0xcc: {  	[sflag:s20] =	ssyncset.done $0x0  }
0xcd: {  	[sflag:s20] =	ssyncadd.s32 $0xFFFFE000  }
0xce: {  	_ =	swait.ge [sflag:s20], $0x2000  }
0xcf: {  	s21 =	sadd.s32 $0x1, s21;
	s31 =	rddreg [dreg:$0x5]  }
0xd0: {  	p0 =	sne.s32 s21, s31  }
.Ltmp1:
0xd1: {  	_ = 	snop;
	(pc) =	sbr.rel @p0 .LBB2_1-.Ltmp1, $3  }
0xd2: {  	_ =	sdelay $0x1  }
0xd3: {  	[sflag:s20] =	ssyncset.done $0x0  }
0xd4: {  	[sflag:s20] =	ssyncadd.s32 $0xFFFFE000  }
0xd5: {  	_ =	sfence.sel $0x180000  }
0xd6: {  	[bflag:$0x0] =	sbarrier.arrive $0xFFFF  }
0xd7: {  	_ =	strace $0x90000047  }
0xd8: {  	s0 =	stileid.u32;
	[bflag:$0x2] =	sbarrier.arrive $0xFFFF  }
0xd9: {  	p0 =	sne.s32 s0, $0x0;
	s0 =	rddreg [dreg:$0x2]  }
0xda: {  	s0 =	sadd.s32 @!p0 $0x100000, s0  }
0xdb: {  	[sflag:s0] =	ssyncadd.tile.s32 @!p0 $0x1;
	_ =	shalt  }
.Lfunc_end2:
_tile_overlayer_lowered:
.L_overlay_start_2:
0xdc: {  	(tag) =	ssettag $0x2  }
0xdd: {  	s0 =	rddreg [dreg:$0x0];
	s2 =	stileid.u32  }
0xde: {  	s1 =	rddreg [dreg:$0x1];
	p0 =	sne.s32 s2, $0x0  }
0xdf: {  	s3 =	rddreg [dreg:$0x2];
	[bflag:$0x3] =	sbarrier.arrive $0xFFFF;
	s2 =	simm.s32 @!p0 $0x1C05  }
0xe0: {  	[timem:s3], [sflag:s2] =	dma.local @!p0 [hbm:s0], s1  }
0xe1: {  	s0 =	simm.s32 @!p0 $0x5  }
0xe2: {  	_ =	swait.ge @!p0 [sflag:s0], s1  }
0xe3: {  	s1 =	ssub.s32 @!p0 $0x0, s1;
	[sflag:s0] =	ssyncset.done @!p0 $0x0  }
0xe4: {  	[sflag:s0] =	ssyncadd.s32 @!p0 s1  }
0xe5: {  	[bflag:$0x3] =	sbarrier.arrive $0xFFFF  }
0xe6: {  	_ =	shalt  }

// kernel: kernel.17.cloned.1.call-start
scs
__scs_entry_jumppad:
0x0: {  	(pc) =	sbr.rel $0x88, $3  }
0x1: {  	(tag) =	ssettag $0x0;
	lr =	simm.s32 $0x1  }
0x2: {  	[smem:$0x3F8D] =	sst lr;
	_ =	strace $0xD0000000  }
0x3: {  	_ = 	snop  }
0x4: {  	_ = 	snop  }
0x5: {  	_ = 	snop  }
0x6: {  	_ = 	snop  }
0x7: {  	_ = 	snop  }
__scs_overlays_trampoline_lowered:
0x8: {  	[smem:$0x3F9C] =	sst s0  }
0x9: {  	[smem:$0x3F9D] =	sst s1  }
0xa: {  	[smem:$0x3F9E] =	sst s2  }
0xb: {  	[smem:$0x3F9F] =	sst s3  }
0xc: {  	[smem:$0x3FA0] =	sst s4  }
0xd: {  	[smem:$0x3FA1] =	sst s5  }
0xe: {  	[smem:$0x3FA2] =	sst s6  }
0xf: {  	[smem:$0x3FA3] =	sst s7  }
0x10: {  	[smem:$0x3FA4] =	sst s8  }
0x11: {  	[smem:$0x3FA5] =	sst s9;
	s0 =	simm.s32 @!p0 $0x0  }
0x12: {  	s1 =	sld [smem:$0x3F8B];
	s0 =	simm.s32 @p0 $0x1  }
0x13: {  	[smem:$0x3FA6] =	sst s0;
	s0 =	simm.s32 @!p1 $0x0  }
0x14: {  	s2 =	sld [smem:$0x3F8A];
	s0 =	simm.s32 @p1 $0x1  }
0x15: {  	[smem:$0x3FA7] =	sst s0;
	s0 =	simm.s32 @!p2 $0x0  }
0x16: {  	s3 =	sld [smem:$0x3FDB];
	s0 =	simm.s32 @p2 $0x1  }
0x17: {  	s4 =	simm.s32 $0x1BF5;
	[smem:$0x3FA9] =	sst s0  }
0x18: {  	s0 =	sld [smem:$0x3F8C];
	_ =	swait.ge [sflag:s4], $0x0  }
0x19: {  	s7 =	sld [smem:$0x3F8D]  }
0x1a: {  	s8 =	sadd.s32 $0xFFFFE003, lr  }
0x1b: {  	s9 =	sadd.s32 $0xFFFFFEF7, lr;
	s5 =	simm.s32 $0xFFFFFFFF;
	p2 =	slt.u32 s8, $0xFFFFF086  }
0x1c: {  	p1 =	slt.u32 s9, $0xF7A;
	s5 =	simm.s32 @!p2 $0x0  }
0x1d: {  	s5 =	simm.s32 @p1 $0x1;
	p0 =	seq.s32 s7, s2  }
0x1e: {  	s7 =	smul.u32 @!p0 $0xF7A, s2;
	p2 =	seq.s32 @!p0 s5, $0x0  }
0x1f: {  	s9 =	smul.u32 $0xF7A, s1;
	s8 =	simm.s32 @!p0 $0x1BF5;
	p2 =	por !p2, p0  }
0x20: {  	[sflag:s8] =	ssyncset.s32 @!p0 $0xFFFFF086;
	s6 =	sadd.s32 @!p0 s3, s7;
	s7 =	simm.s32 @!p0 $0x108  }
0x21: {  	s3 =	sadd.s32 s3, s9;
	s6 =	sadd.s32 @!p0 $0x88, s6;
	s7 =	simm.s32 @p2 $0x1082  }
0x22: {  	[simem:s7], [sflag:s8] =	dma.local @!p0 [hbm:s6], $0xF7A  }
0x23: {  	s9 =	sor.u32 $0xD0000000, s2;
	s6 =	simm.s32 $0x108;
	_ =	swait.ge @!p0 [sflag:s8], $0x0  }
0x24: {  	s3 =	sadd.s32 $0x88, s3;
	s6 =	simm.s32 @!p1 $0x1082;
	[sflag:s4] =	ssyncset.s32 $0xFFFFF086  }
0x25: {  	[simem:s6], [sflag:s4] =	dma.local [hbm:s3], $0xF7A  }
0x26: {  	[smem:$0x3F8D] =	sst s1;
	(tag) =	ssettag s2;
	_ =	strace s9  }
0x27: {  	s1 =	sld [smem:$0x3F9D]  }
0x28: {  	s2 =	sld [smem:$0x3F9E]  }
0x29: {  	s4 =	sld [smem:$0x3FA0]  }
0x2a: {  	p0 =	seq.s32 s5, $0x0;
	s5 =	sld [smem:$0x3FA1]  }
0x2b: {  	s6 =	sld [smem:$0x3FA2]  }
0x2c: {  	s7 =	sld [smem:$0x3FA3]  }
0x2d: {  	s3 =	simm.s32 $0x108;
	s8 =	sld [smem:$0x3FA4]  }
0x2e: {  	s3 =	simm.s32 @!p0 $0x1082;
	s9 =	sld [smem:$0x3FA5]  }
0x2f: {  	lr =	sadd.s32 s0, s3;
	s0 =	sld [smem:$0x3F9C]  }
0x30: {  	s3 =	sld [smem:$0x3F9F]  }
0x31: {  	[smem:$0x3FA8] =	sst s10  }
0x32: {  	s10 =	sld [smem:$0x3FA6];
	_ =	sdelay $0x3  }
0x33: {  	p0 =	seq.s32 s10, $0x1;
	s10 =	sld [smem:$0x3FA8];
	_ =	sdelay $0x3  }
0x34: {  	[smem:$0x3FA8] =	sst s10  }
0x35: {  	s10 =	sld [smem:$0x3FA7];
	_ =	sdelay $0x3  }
0x36: {  	p1 =	seq.s32 s10, $0x1;
	s10 =	sld [smem:$0x3FA8];
	_ =	sdelay $0x3  }
0x37: {  	[smem:$0x3FA8] =	sst s10  }
0x38: {  	s10 =	sld [smem:$0x3FA9]  }
0x39: {  	_ = 	snop;
	(pc) =	sbr.ind lr, $3  }
0x3a: {  	_ = 	snop  }
0x3b: {  	_ = 	snop  }
0x3c: {  	p2 =	seq.s32 s10, $0x1;
	s10 =	sld [smem:$0x3FA8]  }
0x3d: {  	_ =	shalt  }
0x3e: {  	_ =	shalt  }
0x3f: {  	_ =	shalt  }
0x40: {  	_ =	shalt  }
0x41: {  	_ =	shalt  }
0x42: {  	_ =	shalt  }
0x43: {  	_ =	shalt  }
0x44: {  	_ =	shalt  }
0x45: {  	_ =	shalt  }
0x46: {  	_ =	shalt  }
0x47: {  	_ =	shalt  }
0x48: {  	_ =	shalt  }
0x49: {  	_ =	shalt  }
0x4a: {  	_ =	shalt  }
0x4b: {  	_ =	shalt  }
0x4c: {  	_ =	shalt  }
0x4d: {  	_ =	shalt  }
0x4e: {  	_ =	shalt  }
0x4f: {  	_ =	shalt  }
0x50: {  	_ =	shalt  }
0x51: {  	_ =	shalt  }
0x52: {  	_ =	shalt  }
0x53: {  	_ =	shalt  }
0x54: {  	_ =	shalt  }
0x55: {  	_ =	shalt  }
0x56: {  	_ =	shalt  }
0x57: {  	_ =	shalt  }
0x58: {  	_ =	shalt  }
0x59: {  	_ =	shalt  }
0x5a: {  	_ =	shalt  }
0x5b: {  	_ =	shalt  }
0x5c: {  	_ =	shalt  }
0x5d: {  	_ =	shalt  }
0x5e: {  	_ =	shalt  }
0x5f: {  	_ =	shalt  }
0x60: {  	_ =	shalt  }
0x61: {  	_ =	shalt  }
0x62: {  	_ =	shalt  }
0x63: {  	_ =	shalt  }
0x64: {  	_ =	shalt  }
0x65: {  	_ =	shalt  }
0x66: {  	_ =	shalt  }
0x67: {  	_ =	shalt  }
0x68: {  	_ =	shalt  }
0x69: {  	_ =	shalt  }
0x6a: {  	_ =	shalt  }
0x6b: {  	_ =	shalt  }
0x6c: {  	_ =	shalt  }
0x6d: {  	_ =	shalt  }
0x6e: {  	_ =	shalt  }
0x6f: {  	_ =	shalt  }
0x70: {  	_ =	shalt  }
0x71: {  	_ =	shalt  }
0x72: {  	_ =	shalt  }
0x73: {  	_ =	shalt  }
0x74: {  	_ =	shalt  }
0x75: {  	_ =	shalt  }
0x76: {  	_ =	shalt  }
0x77: {  	_ =	shalt  }
0x78: {  	_ =	shalt  }
0x79: {  	_ =	shalt  }
0x7a: {  	_ =	shalt  }
0x7b: {  	_ =	shalt  }
0x7c: {  	_ =	shalt  }
0x7d: {  	_ =	shalt  }
0x7e: {  	_ =	shalt  }
0x7f: {  	_ =	shalt  }
0x80: {  	_ =	shalt  }
0x81: {  	_ =	shalt  }
0x82: {  	_ =	shalt  }
0x83: {  	_ =	shalt  }
0x84: {  	_ =	shalt  }
0x85: {  	_ =	shalt  }
0x86: {  	_ =	shalt  }
0x87: {  	_ =	shalt  }
.Lfunc_end0:
.L_simem_size_0:
called_computation.2_lowered:
.L_overlay_start_0:
0x88: {  	s2 =	sld [smem:$0x3FD9]  }
0x89: {  	s3 =	sld [smem:$0x3FFE];
	_ =	sdelay $0x1  }
0x8a: {  	s1 =	srdreg.scid  }
0x8b: {  	s0 =	sand.u32 $0x1, s1  }
0x8c: {  	s17 =	sshll.u32 s0, $0xA;
	s2 =	sadd.s32 s3, s2  }
0x8d: {  	s2 =	sadd.s32 s2, s17  }
0x8e: {  	[smem:$0x3FB4] =	sst s2  }
0x8f: {  	_ = 	snop  }
0x90: {  	(tm) =	ssettm $0x1  }
0x91: {  	s18 =	sld [smem:$0x3FFB];
	_ =	sdelay $0x3  }
0x92: {  	_ =	strace s18  }
0x93: {  	s2 =	sld [smem:$0x3FFC];
	_ =	sdelay $0x3  }
0x94: {  	_ =	strace s2  }
0x95: {  	s2 =	sld [smem:$0x3FFD];
	_ =	sdelay $0x3  }
0x96: {  	_ =	strace s2  }
0x97: {  	_ =	strace $0x8FFFFFFF  }
0x98: {  	s19 =	sld [smem:$0x3FDB];
	_ =	sdelay $0x1  }
0x99: {  	s20 =	simm.s32 $_scs_section_size  }
0x9a: {  	s4 =	simm.s32 $_size__tile_overlayer_lowered;
	s5 =	simm.s32 $_tile_overlayer_lowered  }
0x9b: {  	s6 =	simm.s32 $0x1BFF;
	s21 =	sshll.u32 s5, $0x1;
	s3 =	sadd.s32 s20, s19  }
0x9c: {  	s22 =	simm.s32 $0x0;
	s4 =	sshll.u32 s4, $0x1;
	s5 =	sadd.s32 s21, s3  }
0x9d: {  	[timem:s22], [sflag:s6] =	dma.local [hbm:s5], s4  }
0x9e: {  	_ =	swait.ge [sflag:s6], s4  }
0x9f: {  	s4 =	ssub.s32 $0x0, s4;
	[sflag:s6] =	ssyncset.done $0x0  }
0xa0: {  	[sflag:s6] =	ssyncadd.s32 s4;
	_ =	sdelay $0x1  }
0xa1: {  	s23 =	simm.s32 $0x1B8B  }
0xa2: {  	_ =	swait.ge [sflag:s23], $0x1  }
0xa3: {  	[sflag:s23] =	ssyncset.done $0x0  }
0xa4: {  	[sflag:s23] =	ssyncadd.s32 $0xFFFFFFFF  }
0xa5: {  	s4 =	sld [smem:$0x0]  }
0xa6: {  	s5 =	sand.u32 $0xFFFFFFFE, s1  }
0xa7: {  	p0 =	sne.s32 s1, s5  }
0xa8: {  	s5 =	sshll.u32 @p0 s5, $0xE  }
0xa9: {  	s5 =	sadd.s32 @p0 $0x11B8D, s5;
	s6 =	sshll.u32 @p0 s4, $0x11  }
0xaa: {  	s5 =	sor.u32 @p0 s6, s5  }
0xab: {  	[sflag:s5] =	ssyncadd.remote.s32 @p0 $0x1;
	_ =	sdelay $0x1  }
0xac: {  	s5 =	simm.s32 @p0 $0x1B8D  }
0xad: {  	_ =	swait.eq @p0 [sflag:s5], $0x1  }
0xae: {  	[sflag:s5] =	ssyncadd.s32 @p0 $0xFFFFFFFF  }
0xaf: {  	s6 =	sshll.u32 @!p0 s1, $0xE  }
0xb0: {  	s6 =	sor.u32 @!p0 $0x4000, s6;
	s5 =	simm.s32 @!p0 $0x1B8D  }
0xb1: {  	s4 =	sshll.u32 @!p0 s4, $0x11;
	s6 =	sadd.s32 @!p0 $0x11B8D, s6;
	_ =	swait.eq @!p0 [sflag:s5], $0x1  }
0xb2: {  	s4 =	sor.u32 @!p0 s4, s6;
	[sflag:s5] =	ssyncadd.s32 @!p0 $0xFFFFFFFF  }
0xb3: {  	s25 =	simm.s32 $0x1B8E;
	s24 =	sld [smem:$0x3FFE];
	[sflag:s4] =	ssyncadd.remote.s32 @!p0 $0x1  }
0xb4: {  	s26 =	simm.s32 $execute0_lowered;
	[smem:$0x3FD2] =	sst s25  }
0xb5: {  	s5 =	sshll.u32 s26, $0x1;
	_ =	strace $0x8000004F;
	[dreg:$0x1] =	wrdreg $0xFFFFFFFF  }
0xb6: {  	s28 =	simm.s32 $_size_execute0_lowered;
	s3 =	sadd.s32 s3, s5;
	[dreg:$0x0] =	wrdreg $0x0  }
0xb7: {  	s5 =	sshll.u32 s28, $0x1;
	[dreg:$0x2] =	wrdreg s3  }
0xb8: {  	[dreg:$0x3] =	wrdreg s5  }
0xb9: {  	[dreg:$0x4] =	wrdreg $0xC0  }
0xba: {  	_ =	task [dreg:s22], $0x5FFFF  }
0xbb: {  	[dreg:$0x1] =	wrdreg $0xFFFFFFFF  }
0xbc: {  	[dreg:$0x0] =	wrdreg $0x60  }
0xbd: {  	[dreg:$0x2] =	wrdreg s24  }
0xbe: {  	[dreg:$0x3] =	wrdreg $0xB  }
0xbf: {  	_ =	task.clear_ibuf [dreg:s22], $0x4FFFF;
	_ =	strace $0x9000004F  }
0xc0: {  	s29 =	simm.s32 $0xB;
	_ =	strace $0x80000051  }
0xc1: {  	_ =	swait.ge [sflag:s29], $0x1  }
0xc2: {  	[sflag:s29] =	ssyncadd.s32 $0xFFFFFFFF  }
0xc3: {  	_ =	strace $0x90000051  }
0xc4: {  	_ =	sfence  }
0xc5: {  	s30 =	sld [smem:$0x0];
	_ =	sdelay $0x2  }
0xc6: {  	s31 =	sshll.u32 s1, $0xD;
	s1 =	sshrl.u32 s1, $0x2  }
0xc7: {  	s4 =	sand.u32 $0x4000, s31;
	s1 =	sadd.s32 s1, s30  }
0xc8: {  	s0 =	sor.u32 s4, s0;
	s1 =	sshll.u32 s1, $0x11  }
0xc9: {  	s0 =	sor.u32 s1, s0  }
0xca: {  	s0 =	sadd.s32 $0x8F2B, s0  }
0xcb: {  	[sflag:s0] =	ssyncadd.remote.s32 $0x1  }
0xcc: {  	_ =	sfence.sel $0xFFFF  }
0xcd: {  	[dreg:$0x0] =	wrdreg $0xFFFFFFFF;
	(pc) =	sbr.abs _section_cstart, $3  }
0xce: {  	[dreg:$0x1] =	wrdreg $0xFFFFFFFF  }
0xcf: {  	_ =	task.clear_ibuf [dreg:s22], $0x2FFFF;
	_ =	strace $0x9FFFFFFF  }
0xd0: {  	(tm) =	ssettm $0x7FFFFFFF  }
0xd1: {  	_ =	shalt  }
tec
execute0_lowered:
.L_overlay_start_1:
0x0: {  	(tag) =	ssettag $0x1  }
0x1: {  	s0 =	rddreg [dreg:$0x0];
	s2 =	simm.s32 $0x0;
	s3 =	srdreg.scid  }
0x2: {  	s1 =	stileid.u32;
	s15 =	simm.s32 $0x5;
	s16 =	simm.s32 $0x80  }
0x3: {  	s17 =	simm.s32 $0x100;
	s18 =	simm.s32 $0x300;
	s20 =	simm.s32 $0x4300  }
0x4: {  	s21 =	simm.s32 $0x40;
	s22 =	simm.s32 $0x6300;
	s23 =	simm.s32 $0xA300  }
0x5: {  	s24 =	simm.s32 $0x3;
	s25 =	simm.s32 $0x4;
	s26 =	simm.s32 $0x0  }
0x6: {  	[smem:$0x7FF] =	sst s2;
	s6 =	sand.u32 $0x1, s3;
	s3 =	sadd.s32 $0xAE00, s0  }
0x7: {  	s5 =	sshll.u32 s1, $0x1;
	s4 =	sadd.s32 $0x2EA200, s0;
	s7 =	sadd.s32 $0x425200, s0  }
0x8: {  	s13 =	sadd.s32 $0x425208, s0;
	_ =	strace $0x80000050;
	s9 =	sor.u32 s6, s5  }
0x9: {  	s5 =	sadd.s32 $0x2E5200, s0;
	s8 =	ssub.s32 $0x2, s6;
	s10 =	smul.u32 $0x13, s9  }
.Ltmp0:
0xa: {  	s11 =	sshrl.u32 s8, $0x1;
	s12 =	smin.u32 s9, $0x11;
	(pc) =	sbr.rel .LBB2_1-.Ltmp0, $4  }
0xb: {  	s6 =	sadd.s32 $0x2E0200, s0;
	s14 =	ssub.s32 s8, s11;
	s8 =	sadd.s32 s12, s10  }
0xc: {  	p0 =	slt.u32 s9, $0x11;
	s9 =	simm.s32 $0x14;
	s12 =	sshll.u32 s8, $0x4  }
0xd: {  	s9 =	simm.s32 @!p0 $0x13;
	s14 =	smax.u32 s14, $0x1;
	s31 =	sadd.s32 s4, s12  }
0xe: {  	s11 =	sadd.s32 s5, s12;
	s12 =	sadd.s32 s6, s12;
	[dreg:$0x2] =	wrdreg s31  }
.LBB2_9:
0xf: {  	_ =	swait.ge [sflag:s24], $0x2000  }
0x10: {  	[sflag:s24] =	ssyncset.done $0x0  }
0x11: {  	[sflag:s24] =	ssyncadd.s32 $0xFFFFE000  }
0x12: {  	_ =	swait.ge [sflag:s24], $0x2000  }
0x13: {  	[sflag:s24] =	ssyncset.done $0x0  }
0x14: {  	s26 =	sadd.s32 $0x1, s26;
	[sflag:s24] =	ssyncadd.s32 $0xFFFFE000  }
0x15: {  	p0 =	sne.s32 s26, s14;
	_ =	swait.ge [sflag:s25], $0x2000  }
.Ltmp1:
0x16: {  	[sflag:s25] =	ssyncset.done $0x0;
	(pc) =	sbr.rel @!p0 .LBB2_10-.Ltmp1, $4  }
0x17: {  	[sflag:s25] =	ssyncadd.s32 $0xFFFFE000  }
0x18: {  	_ =	swait.ge [sflag:s25], $0x2000  }
0x19: {  	[sflag:s25] =	ssyncset.done $0x0  }
0x1a: {  	[sflag:s25] =	ssyncadd.s32 $0xFFFFE000  }
.LBB2_1:
0x1b: {  	s0 =	rddreg [dreg:$0x2]  }
0x1c: {  	[tilespmem:s2], [sflag:$0x5] =	stream.linear.gather [hbm4b:s0+s2], $0x80, $0x38;
	[tilespmem:$0xC300] =	vst v63  }
0x1d: {  	_ =	swait.ge [sflag:s15], $0x80  }
0x1e: {  	[sflag:s15] =	ssyncset.done $0x0  }
0x1f: {  	[sflag:s15] =	ssyncadd.s32 $0xFFFFFF80  }
0x20: {  	[tilespmem:s16], [sflag:$0x5] =	stream.linear.gather [hbm4b:s11+s2], $0x80, $0x38;
	[tilespmem:$0xC300] =	vst v63  }
0x21: {  	_ =	swait.ge [sflag:s15], $0x80  }
0x22: {  	[sflag:s15] =	ssyncset.done $0x0  }
0x23: {  	[sflag:s15] =	ssyncadd.s32 $0xFFFFFF80  }
0x24: {  	[tilespmem:s17], [sflag:$0x5] =	stream.linear.gather [hbm4b:s12+s2], $0x80, $0x38;
	[tilespmem:$0xC300] =	vst v63  }
0x25: {  	_ =	swait.ge [sflag:s15], $0x80  }
0x26: {  	[sflag:s15] =	ssyncset.done $0x0  }
0x27: {  	[sflag:s15] =	ssyncadd.s32 $0xFFFFFF80  }
0x28: {  	[tilespmem:s18], [sflag:$0x1] =	stream.indirect.gather [hbm4b:s3+s16], $0x40, s2, s16, $0xb8;
	[tilespmem:$0xC300] =	vst v63  }
.Ltmp2:
0x29: {  	_ = 	snop;
	(pc) =	sbr.rel .LBB2_2-.Ltmp2, $4  }
0x2a: {  	s31 =	simm.s32 $0x2300  }
0x2b: {  	[tilespmem:s31], [sflag:$0x1] =	stream.indirect.gather [hbm4b:s3+s16], $0x40, s16, s16, $0xb8;
	[tilespmem:$0xC300] =	vst v63  }
0x2c: {  	s28 =	simm.s32 $0x0  }
0x2d: {  	[tilespmem:s20], [sflag:$0x1] =	stream.indirect.gather [hbm4b:s3+s16], $0x40, s17, s16, $0xb8;
	[tilespmem:$0xC300] =	vst v63  }
.LBB2_8:
0x2e: {  	s28 =	sadd.s32 $0x1, s28  }
0x2f: {  	p0 =	sne.s32 s28, $0xA  }
.Ltmp3:
0x30: {  	_ = 	snop;
	(pc) =	sbr.rel @!p0 .LBB2_9-.Ltmp3, $1  }
0x31: {  	_ =	sdelay $0x3  }
.LBB2_2:
0x32: {  	s29 =	sshllo.u32 s28, $0x1  }
0x33: {  	p0 =	sge.u32 s29, s9  }
0x34: {  	s0 =	simm.s32 @p0 $0x1  }
0x35: {  	_ =	swait.ge @p0 [sflag:s0], $0x2000  }
0x36: {  	[sflag:s0] =	ssyncset.done @p0 $0x0  }
0x37: {  	[sflag:s0] =	ssyncadd.s32 @p0 $0xFFFFE000  }
0x38: {  	_ =	swait.ge @p0 [sflag:s0], $0x2000  }
0x39: {  	[sflag:s0] =	ssyncset.done @p0 $0x0  }
0x3a: {  	[sflag:s0] =	ssyncadd.s32 @p0 $0xFFFFE000  }
0x3b: {  	p1 =	seq.s32 @!p0 s28, $0x0;
	_ =	swait.ge @p0 [sflag:s0], $0x2000  }
0x3c: {  	p1 =	por p1, p0;
	[sflag:s0] =	ssyncset.done @p0 $0x0  }
0x3d: {  	[sflag:s0] =	ssyncadd.s32 @p0 $0xFFFFE000;
	s0 =	simm.s32 @!p1 $0x4  }
0x3e: {  	_ =	swait.ge @!p1 [sflag:s0], $0x2000  }
0x3f: {  	[sflag:s0] =	ssyncset.done @!p1 $0x0  }
0x40: {  	[sflag:s0] =	ssyncadd.s32 @!p1 $0xFFFFE000  }
0x41: {  	s30 =	sadd.s32 @!p0 s8, s29;
	_ =	swait.ge @!p1 [sflag:s0], $0x2000  }
0x42: {  	s30 =	sshll.u32 @!p0 s30, $0x4;
	[sflag:s0] =	ssyncset.done @!p1 $0x0  }
0x43: {  	[sflag:s0] =	ssyncadd.s32 @!p1 $0xFFFFE000;
	s0 =	sand.u32 @!p0 $0x1FFFFFF0, s30  }
0x44: {  	s31 =	simm.s32 @!p0 $0x0;
	s1 =	simm.s32 @!p0 $0x180;
	s30 =	sadd.s32 @!p0 s4, s0  }
0x45: {  	[tilespmem:s1], [sflag:$0x5] =	stream.linear.gather @!p0 [hbm4b:s30+s31], $0x80, $0x38;
	[tilespmem:$0xC300] =	vst v63  }
0x46: {  	s30 =	simm.s32 @!p0 $0x5  }
0x47: {  	_ =	swait.ge @!p0 [sflag:s30], $0x80  }
0x48: {  	[sflag:s30] =	ssyncset.done @!p0 $0x0  }
0x49: {  	s10 =	simm.s32 @!p0 $0x200;
	s19 =	sadd.s32 @!p0 s5, s0;
	[sflag:s30] =	ssyncadd.s32 @!p0 $0xFFFFFF80  }
0x4a: {  	[tilespmem:s10], [sflag:$0x5] =	stream.linear.gather @!p0 [hbm4b:s19+s31], $0x80, $0x38;
	[tilespmem:$0xC300] =	vst v63  }
0x4b: {  	_ =	swait.ge @!p0 [sflag:s30], $0x80  }
0x4c: {  	[sflag:s30] =	ssyncset.done @!p0 $0x0  }
0x4d: {  	s0 =	sadd.s32 @!p0 s6, s0;
	s19 =	simm.s32 @!p0 $0x280;
	[sflag:s30] =	ssyncadd.s32 @!p0 $0xFFFFFF80  }
0x4e: {  	[tilespmem:s19], [sflag:$0x5] =	stream.linear.gather @!p0 [hbm4b:s0+s31], $0x80, $0x38;
	[tilespmem:$0xC300] =	vst v63  }
0x4f: {  	_ =	swait.ge @!p0 [sflag:s30], $0x80  }
0x50: {  	[sflag:s30] =	ssyncset.done @!p0 $0x0  }
0x51: {  	s0 =	simm.s32 @!p0 $0x1;
	[sflag:s30] =	ssyncadd.s32 @!p0 $0xFFFFFF80  }
0x52: {  	_ =	swait.ge @!p0 [sflag:s0], $0x2000  }
0x53: {  	[sflag:s0] =	ssyncset.done @!p0 $0x0  }
0x54: {  	[sflag:s0] =	ssyncadd.s32 @!p0 $0xFFFFE000  }
0x55: {  	_ =	swait.ge @!p0 [sflag:s0], $0x2000  }
0x56: {  	[sflag:s0] =	ssyncset.done @!p0 $0x0  }
0x57: {  	[sflag:s0] =	ssyncadd.s32 @!p0 $0xFFFFE000  }
0x58: {  	_ =	swait.ge @!p0 [sflag:s0], $0x2000  }
0x59: {  	[sflag:s0] =	ssyncset.done @!p0 $0x0  }
0x5a: {  	s30 =	simm.s32 @!p0 $0x6300;
	[sflag:s0] =	ssyncadd.s32 @!p0 $0xFFFFE000;
	s0 =	simm.s32 @!p0 $0x80  }
0x5b: {  	[tilespmem:s30], [sflag:$0x2] =	stream.indirect.gather @!p0 [hbm4b:s3+s0], $0x40, s1, s0, $0xb8;
	[tilespmem:$0xC300] =	vst v63  }
0x5c: {  	s1 =	simm.s32 @!p0 $0x8300  }
0x5d: {  	[tilespmem:s1], [sflag:$0x2] =	stream.indirect.gather @!p0 [hbm4b:s3+s0], $0x40, s10, s0, $0xb8;
	[tilespmem:$0xC300] =	vst v63  }
0x5e: {  	s31 =	simm.s32 $0x0;
	s1 =	simm.s32 @!p0 $0xA300  }
0x5f: {  	[tilespmem:s1], [sflag:$0x2] =	stream.indirect.gather @!p0 [hbm4b:s3+s0], $0x40, s19, s0, $0xb8;
	[tilespmem:$0xC300] =	vst v63  }
0x60: {  	v5 =	vld [tilespmem:s31+$0x2300]  }
0x61: {  	v6 =	vld [tilespmem:s31+$0x2310]  }
0x62: {  	v1 =	vld [tilespmem:s31+$0x2320]  }
0x63: {  	v0 =	vld [tilespmem:s31+$0x2330]  }
0x64: {  	v2 =	vld [tilespmem:s31+$0x300]  }
0x65: {  	v3 =	vld [tilespmem:s31+$0x310]  }
0x66: {  	s30 =	sshll.u32 s28, $0x1;
	s0 =	simm.s32 $0x100;
	v4 =	vld [tilespmem:s31+$0x320]  }
.LBB2_3:
0x67: {  	s1 =	sshra.s32 s0, $0x2;
	p1 =	sne.s32 s0, $0x7F00;
	v7 =	vld [tilespmem:s31+$0x330];
	v8 =	vmov v1  }
0x68: {  	v9 =	vld [tilespmem:s1+$0x2300];
	v10 =	vmov v0  }
0x69: {  	v11 =	vld [tilespmem:s1+$0x2310];
	v2 =	vadd.f32 v5, v2  }
.Ltmp4:
0x6a: {  	v1 =	vld [tilespmem:s1+$0x2320];
	v3 =	vadd.f32 v6, v3;
	(pc) =	sbr.rel @p1 .LBB2_3-.Ltmp4, $4  }
0x6b: {  	v0 =	vld [tilespmem:s1+$0x2330];
	[tilespmem:s31+$0x300] =	vst v2;
	v4 =	vadd.f32 v8, v4  }
0x6c: {  	v2 =	vld [tilespmem:s1+$0x300];
	[tilespmem:s31+$0x310] =	vst v3;
	v7 =	vadd.f32 v10, v7  }
0x6d: {  	v3 =	vld [tilespmem:s1+$0x310];
	[tilespmem:s31+$0x320] =	vst v4;
	v5 =	vmov v9  }
0x6e: {  	s0 =	sadd.s32 $0x100, s0;
	v4 =	vld [tilespmem:s1+$0x320];
	[tilespmem:s31+$0x330] =	vst v7;
	v6 =	vmov v11;
	s31 =	smov.u32 s1  }
0x6f: {  	v7 =	vld [tilespmem:s31+$0x330];
	_ =	sdelay $0x1  }
0x70: {  	v2 =	vadd.f32 v5, v2  }
0x71: {  	v3 =	vadd.f32 v6, v3  }
0x72: {  	[tilespmem:s31+$0x300] =	vst v2;
	v1 =	vadd.f32 v1, v4  }
0x73: {  	s0 =	sadd.s32 s8, s30;
	[tilespmem:s31+$0x310] =	vst v3;
	v0 =	vadd.f32 v0, v7  }
.Ltmp5:
0x74: {  	s0 =	sshll.u32 s0, $0xB;
	[tilespmem:s31+$0x320] =	vst v1;
	(pc) =	sbr.rel @p0 .LBB2_8-.Ltmp5, $4  }
0x75: {  	s1 =	sadd.s32 s7, s0;
	[tilespmem:s31+$0x330] =	vst v0  }
0x76: {  	[hbm4b:s1+s21] =	stream.strided.scatter [tilespmem:s18], [sflag:$0x3], $0x2000, s16, s21, $0x38;
	[tilespmem:$0xC300] =	vst v63  }
0x77: {  	s0 =	sadd.s32 s0, s13  }
0x78: {  	[hbm4b:s0+s21] =	stream.strided.scatter [tilespmem:s20], [sflag:$0x3], $0x2000, s16, s21, $0x38;
	[tilespmem:$0xC300] =	vst v63  }
0x79: {  	s0 =	sadd.s32 $0x2, s30  }
0x7a: {  	p0 =	sge.u32 s0, s9  }
0x7b: {  	s1 =	simm.s32 @p0 $0x2  }
0x7c: {  	_ =	swait.ge @p0 [sflag:s1], $0x2000  }
0x7d: {  	[sflag:s1] =	ssyncset.done @p0 $0x0  }
0x7e: {  	[sflag:s1] =	ssyncadd.s32 @p0 $0xFFFFE000  }
0x7f: {  	_ =	swait.ge @p0 [sflag:s1], $0x2000  }
0x80: {  	[sflag:s1] =	ssyncset.done @p0 $0x0  }
0x81: {  	[sflag:s1] =	ssyncadd.s32 @p0 $0xFFFFE000  }
0x82: {  	_ =	swait.ge @p0 [sflag:s1], $0x2000  }
0x83: {  	[sflag:s1] =	ssyncset.done @p0 $0x0  }
0x84: {  	[sflag:s1] =	ssyncadd.s32 @p0 $0xFFFFE000;
	s1 =	simm.s32 @!p0 $0x3  }
0x85: {  	_ =	swait.ge @!p0 [sflag:s1], $0x2000  }
0x86: {  	[sflag:s1] =	ssyncset.done @!p0 $0x0  }
0x87: {  	s0 =	sadd.s32 @!p0 s8, s0;
	[sflag:s1] =	ssyncadd.s32 @!p0 $0xFFFFE000  }
0x88: {  	s0 =	sshll.u32 @!p0 s0, $0x4;
	_ =	swait.ge @!p0 [sflag:s1], $0x2000  }
0x89: {  	s0 =	sand.u32 @!p0 $0x1FFFFFF0, s0;
	[sflag:s1] =	ssyncset.done @!p0 $0x0  }
0x8a: {  	s10 =	simm.s32 @!p0 $0x0;
	[sflag:s1] =	ssyncadd.s32 @!p0 $0xFFFFE000;
	s1 =	sadd.s32 @!p0 s4, s0  }
0x8b: {  	[tilespmem:s10], [sflag:$0x5] =	stream.linear.gather @!p0 [hbm4b:s1+s10], $0x80, $0x38;
	[tilespmem:$0xC300] =	vst v63  }
0x8c: {  	s1 =	simm.s32 @!p0 $0x5  }
0x8d: {  	_ =	swait.ge @!p0 [sflag:s1], $0x80  }
0x8e: {  	[sflag:s1] =	ssyncset.done @!p0 $0x0  }
0x8f: {  	s30 =	simm.s32 @!p0 $0x80;
	s19 =	sadd.s32 @!p0 s5, s0;
	[sflag:s1] =	ssyncadd.s32 @!p0 $0xFFFFFF80  }
0x90: {  	[tilespmem:s30], [sflag:$0x5] =	stream.linear.gather @!p0 [hbm4b:s19+s10], $0x80, $0x38;
	[tilespmem:$0xC300] =	vst v63  }
0x91: {  	_ =	swait.ge @!p0 [sflag:s1], $0x80  }
0x92: {  	[sflag:s1] =	ssyncset.done @!p0 $0x0  }
0x93: {  	s0 =	sadd.s32 @!p0 s6, s0;
	s19 =	simm.s32 @!p0 $0x100;
	[sflag:s1] =	ssyncadd.s32 @!p0 $0xFFFFFF80  }
0x94: {  	[tilespmem:s19], [sflag:$0x5] =	stream.linear.gather @!p0 [hbm4b:s0+s10], $0x80, $0x38;
	[tilespmem:$0xC300] =	vst v63  }
0x95: {  	_ =	swait.ge @!p0 [sflag:s1], $0x80  }
0x96: {  	[sflag:s1] =	ssyncset.done @!p0 $0x0  }
0x97: {  	s0 =	simm.s32 @!p0 $0x2;
	[sflag:s1] =	ssyncadd.s32 @!p0 $0xFFFFFF80  }
0x98: {  	_ =	swait.ge @!p0 [sflag:s0], $0x2000  }
0x99: {  	[sflag:s0] =	ssyncset.done @!p0 $0x0  }
0x9a: {  	[sflag:s0] =	ssyncadd.s32 @!p0 $0xFFFFE000  }
0x9b: {  	_ =	swait.ge @!p0 [sflag:s0], $0x2000  }
0x9c: {  	[sflag:s0] =	ssyncset.done @!p0 $0x0  }
0x9d: {  	[sflag:s0] =	ssyncadd.s32 @!p0 $0xFFFFE000  }
0x9e: {  	_ =	swait.ge @!p0 [sflag:s0], $0x2000  }
0x9f: {  	[sflag:s0] =	ssyncset.done @!p0 $0x0  }
0xa0: {  	[sflag:s0] =	ssyncadd.s32 @!p0 $0xFFFFE000;
	s0 =	simm.s32 @!p0 $0x300  }
0xa1: {  	[tilespmem:s0], [sflag:$0x1] =	stream.indirect.gather @!p0 [hbm4b:s3+s30], $0x40, s10, s30, $0xb8;
	[tilespmem:$0xC300] =	vst v63  }
0xa2: {  	s0 =	simm.s32 @!p0 $0x2300  }
0xa3: {  	[tilespmem:s0], [sflag:$0x1] =	stream.indirect.gather @!p0 [hbm4b:s3+s30], $0x40, s30, s30, $0xb8;
	[tilespmem:$0xC300] =	vst v63  }
0xa4: {  	s0 =	simm.s32 @!p0 $0x4300  }
0xa5: {  	[tilespmem:s0], [sflag:$0x1] =	stream.indirect.gather @!p0 [hbm4b:s3+s30], $0x40, s19, s30, $0xb8;
	[tilespmem:$0xC300] =	vst v63  }
0xa6: {  	s30 =	simm.s32 $0x0  }
0xa7: {  	v5 =	vld [tilespmem:s30+$0x8300]  }
0xa8: {  	v6 =	vld [tilespmem:s30+$0x8310]  }
0xa9: {  	v1 =	vld [tilespmem:s30+$0x8320]  }
0xaa: {  	v0 =	vld [tilespmem:s30+$0x8330]  }
0xab: {  	v2 =	vld [tilespmem:s30+$0x6300]  }
0xac: {  	v4 =	vld [tilespmem:s30+$0x6310]  }
0xad: {  	s0 =	simm.s32 $0x100;
	v3 =	vld [tilespmem:s30+$0x6320]  }
.LBB2_6:
0xae: {  	s1 =	sshra.s32 s0, $0x2;
	p0 =	sne.s32 s0, $0x7F00;
	v7 =	vld [tilespmem:s30+$0x6330];
	v8 =	vmov v1  }
0xaf: {  	v9 =	vld [tilespmem:s1+$0x8300];
	v10 =	vmov v0  }
0xb0: {  	v11 =	vld [tilespmem:s1+$0x8310];
	v2 =	vadd.f32 v5, v2  }
.Ltmp6:
0xb1: {  	v1 =	vld [tilespmem:s1+$0x8320];
	v4 =	vadd.f32 v6, v4;
	(pc) =	sbr.rel @p0 .LBB2_6-.Ltmp6, $4  }
0xb2: {  	v0 =	vld [tilespmem:s1+$0x8330];
	[tilespmem:s30+$0x6300] =	vst v2;
	v3 =	vadd.f32 v8, v3  }
0xb3: {  	v2 =	vld [tilespmem:s1+$0x6300];
	[tilespmem:s30+$0x6310] =	vst v4;
	v7 =	vadd.f32 v10, v7  }
0xb4: {  	v4 =	vld [tilespmem:s1+$0x6310];
	[tilespmem:s30+$0x6320] =	vst v3;
	v5 =	vmov v9  }
0xb5: {  	s0 =	sadd.s32 $0x100, s0;
	v3 =	vld [tilespmem:s1+$0x6320];
	[tilespmem:s30+$0x6330] =	vst v7;
	v6 =	vmov v11;
	s30 =	smov.u32 s1  }
0xb6: {  	v7 =	vld [tilespmem:s30+$0x6330];
	_ =	sdelay $0x1  }
0xb7: {  	v2 =	vadd.f32 v5, v2  }
0xb8: {  	v4 =	vadd.f32 v6, v4  }
0xb9: {  	[tilespmem:s30+$0x6300] =	vst v2;
	v1 =	vadd.f32 v1, v3  }
0xba: {  	s0 =	sadd.s32 s8, s29;
	[tilespmem:s30+$0x6310] =	vst v4;
	v0 =	vadd.f32 v0, v7  }
.Ltmp7:
0xbb: {  	s0 =	sshll.u32 s0, $0xB;
	[tilespmem:s30+$0x6320] =	vst v1;
	(pc) =	sbr.rel .LBB2_8-.Ltmp7, $4  }
0xbc: {  	s1 =	sadd.s32 s7, s0;
	[tilespmem:s30+$0x6330] =	vst v0  }
0xbd: {  	[hbm4b:s1+s21] =	stream.strided.scatter [tilespmem:s22], [sflag:$0x4], $0x2000, s16, s21, $0x38;
	[tilespmem:$0xC300] =	vst v63  }
0xbe: {  	s0 =	sadd.s32 s0, s13  }
0xbf: {  	[hbm4b:s0+s21] =	stream.strided.scatter [tilespmem:s23], [sflag:$0x4], $0x2000, s16, s21, $0x38;
	[tilespmem:$0xC300] =	vst v63  }
.LBB2_10:
0xc0: {  	_ =	sfence.sel $0x180000  }
0xc1: {  	[bflag:$0x0] =	sbarrier.arrive $0xFFFF  }
0xc2: {  	_ =	strace $0x90000050  }
0xc3: {  	s0 =	stileid.u32;
	[bflag:$0x2] =	sbarrier.arrive $0xFFFF  }
0xc4: {  	p0 =	sne.s32 s0, $0x0;
	s0 =	rddreg [dreg:$0x1]  }
0xc5: {  	s0 =	sadd.s32 @!p0 $0x100000, s0  }
0xc6: {  	[sflag:s0] =	ssyncadd.tile.s32 @!p0 $0x1;
	_ =	shalt  }
.Lfunc_end2:
_tile_overlayer_lowered:
.L_overlay_start_2:
0xc7: {  	(tag) =	ssettag $0x2  }
0xc8: {  	s0 =	rddreg [dreg:$0x0];
	s2 =	stileid.u32  }
0xc9: {  	s1 =	rddreg [dreg:$0x1];
	p0 =	sne.s32 s2, $0x0  }
0xca: {  	s3 =	rddreg [dreg:$0x2];
	[bflag:$0x3] =	sbarrier.arrive $0xFFFF;
	s2 =	simm.s32 @!p0 $0x1C05  }
0xcb: {  	[timem:s3], [sflag:s2] =	dma.local @!p0 [hbm:s0], s1  }
0xcc: {  	s0 =	simm.s32 @!p0 $0x5  }
0xcd: {  	_ =	swait.ge @!p0 [sflag:s0], s1  }
0xce: {  	s1 =	ssub.s32 @!p0 $0x0, s1;
	[sflag:s0] =	ssyncset.done @!p0 $0x0  }
0xcf: {  	[sflag:s0] =	ssyncadd.s32 @!p0 s1  }
0xd0: {  	[bflag:$0x3] =	sbarrier.arrive $0xFFFF  }
0xd1: {  	_ =	shalt  }

// kernel: kernel.20.cloned.1.call-start
scs
__scs_entry_jumppad:
0x0: {  	(pc) =	sbr.rel $0x88, $3  }
0x1: {  	(tag) =	ssettag $0x0;
	lr =	simm.s32 $0x1  }
0x2: {  	[smem:$0x3F8D] =	sst lr;
	_ =	strace $0xD0000000  }
0x3: {  	_ = 	snop  }
0x4: {  	_ = 	snop  }
0x5: {  	_ = 	snop  }
0x6: {  	_ = 	snop  }
0x7: {  	_ = 	snop  }
__scs_overlays_trampoline_lowered:
0x8: {  	[smem:$0x3F9C] =	sst s0  }
0x9: {  	[smem:$0x3F9D] =	sst s1  }
0xa: {  	[smem:$0x3F9E] =	sst s2  }
0xb: {  	[smem:$0x3F9F] =	sst s3  }
0xc: {  	[smem:$0x3FA0] =	sst s4  }
0xd: {  	[smem:$0x3FA1] =	sst s5  }
0xe: {  	[smem:$0x3FA2] =	sst s6  }
0xf: {  	[smem:$0x3FA3] =	sst s7  }
0x10: {  	[smem:$0x3FA4] =	sst s8  }
0x11: {  	[smem:$0x3FA5] =	sst s9;
	s0 =	simm.s32 @!p0 $0x0  }
0x12: {  	s1 =	sld [smem:$0x3F8B];
	s0 =	simm.s32 @p0 $0x1  }
0x13: {  	[smem:$0x3FA6] =	sst s0;
	s0 =	simm.s32 @!p1 $0x0  }
0x14: {  	s2 =	sld [smem:$0x3F8A];
	s0 =	simm.s32 @p1 $0x1  }
0x15: {  	[smem:$0x3FA7] =	sst s0;
	s0 =	simm.s32 @!p2 $0x0  }
0x16: {  	s3 =	sld [smem:$0x3FDB];
	s0 =	simm.s32 @p2 $0x1  }
0x17: {  	s4 =	simm.s32 $0x1BF5;
	[smem:$0x3FA9] =	sst s0  }
0x18: {  	s0 =	sld [smem:$0x3F8C];
	_ =	swait.ge [sflag:s4], $0x0  }
0x19: {  	s7 =	sld [smem:$0x3F8D]  }
0x1a: {  	s8 =	sadd.s32 $0xFFFFE003, lr  }
0x1b: {  	s9 =	sadd.s32 $0xFFFFFEF7, lr;
	s5 =	simm.s32 $0xFFFFFFFF;
	p2 =	slt.u32 s8, $0xFFFFF086  }
0x1c: {  	p1 =	slt.u32 s9, $0xF7A;
	s5 =	simm.s32 @!p2 $0x0  }
0x1d: {  	s5 =	simm.s32 @p1 $0x1;
	p0 =	seq.s32 s7, s2  }
0x1e: {  	s7 =	smul.u32 @!p0 $0xF7A, s2;
	p2 =	seq.s32 @!p0 s5, $0x0  }
0x1f: {  	s9 =	smul.u32 $0xF7A, s1;
	s8 =	simm.s32 @!p0 $0x1BF5;
	p2 =	por !p2, p0  }
0x20: {  	[sflag:s8] =	ssyncset.s32 @!p0 $0xFFFFF086;
	s6 =	sadd.s32 @!p0 s3, s7;
	s7 =	simm.s32 @!p0 $0x108  }
0x21: {  	s3 =	sadd.s32 s3, s9;
	s6 =	sadd.s32 @!p0 $0x88, s6;
	s7 =	simm.s32 @p2 $0x1082  }
0x22: {  	[simem:s7], [sflag:s8] =	dma.local @!p0 [hbm:s6], $0xF7A  }
0x23: {  	s9 =	sor.u32 $0xD0000000, s2;
	s6 =	simm.s32 $0x108;
	_ =	swait.ge @!p0 [sflag:s8], $0x0  }
0x24: {  	s3 =	sadd.s32 $0x88, s3;
	s6 =	simm.s32 @!p1 $0x1082;
	[sflag:s4] =	ssyncset.s32 $0xFFFFF086  }
0x25: {  	[simem:s6], [sflag:s4] =	dma.local [hbm:s3], $0xF7A  }
0x26: {  	[smem:$0x3F8D] =	sst s1;
	(tag) =	ssettag s2;
	_ =	strace s9  }
0x27: {  	s1 =	sld [smem:$0x3F9D]  }
0x28: {  	s2 =	sld [smem:$0x3F9E]  }
0x29: {  	s4 =	sld [smem:$0x3FA0]  }
0x2a: {  	p0 =	seq.s32 s5, $0x0;
	s5 =	sld [smem:$0x3FA1]  }
0x2b: {  	s6 =	sld [smem:$0x3FA2]  }
0x2c: {  	s7 =	sld [smem:$0x3FA3]  }
0x2d: {  	s3 =	simm.s32 $0x108;
	s8 =	sld [smem:$0x3FA4]  }
0x2e: {  	s3 =	simm.s32 @!p0 $0x1082;
	s9 =	sld [smem:$0x3FA5]  }
0x2f: {  	lr =	sadd.s32 s0, s3;
	s0 =	sld [smem:$0x3F9C]  }
0x30: {  	s3 =	sld [smem:$0x3F9F]  }
0x31: {  	[smem:$0x3FA8] =	sst s10  }
0x32: {  	s10 =	sld [smem:$0x3FA6];
	_ =	sdelay $0x3  }
0x33: {  	p0 =	seq.s32 s10, $0x1;
	s10 =	sld [smem:$0x3FA8];
	_ =	sdelay $0x3  }
0x34: {  	[smem:$0x3FA8] =	sst s10  }
0x35: {  	s10 =	sld [smem:$0x3FA7];
	_ =	sdelay $0x3  }
0x36: {  	p1 =	seq.s32 s10, $0x1;
	s10 =	sld [smem:$0x3FA8];
	_ =	sdelay $0x3  }
0x37: {  	[smem:$0x3FA8] =	sst s10  }
0x38: {  	s10 =	sld [smem:$0x3FA9]  }
0x39: {  	_ = 	snop;
	(pc) =	sbr.ind lr, $3  }
0x3a: {  	_ = 	snop  }
0x3b: {  	_ = 	snop  }
0x3c: {  	p2 =	seq.s32 s10, $0x1;
	s10 =	sld [smem:$0x3FA8]  }
0x3d: {  	_ =	shalt  }
0x3e: {  	_ =	shalt  }
0x3f: {  	_ =	shalt  }
0x40: {  	_ =	shalt  }
0x41: {  	_ =	shalt  }
0x42: {  	_ =	shalt  }
0x43: {  	_ =	shalt  }
0x44: {  	_ =	shalt  }
0x45: {  	_ =	shalt  }
0x46: {  	_ =	shalt  }
0x47: {  	_ =	shalt  }
0x48: {  	_ =	shalt  }
0x49: {  	_ =	shalt  }
0x4a: {  	_ =	shalt  }
0x4b: {  	_ =	shalt  }
0x4c: {  	_ =	shalt  }
0x4d: {  	_ =	shalt  }
0x4e: {  	_ =	shalt  }
0x4f: {  	_ =	shalt  }
0x50: {  	_ =	shalt  }
0x51: {  	_ =	shalt  }
0x52: {  	_ =	shalt  }
0x53: {  	_ =	shalt  }
0x54: {  	_ =	shalt  }
0x55: {  	_ =	shalt  }
0x56: {  	_ =	shalt  }
0x57: {  	_ =	shalt  }
0x58: {  	_ =	shalt  }
0x59: {  	_ =	shalt  }
0x5a: {  	_ =	shalt  }
0x5b: {  	_ =	shalt  }
0x5c: {  	_ =	shalt  }
0x5d: {  	_ =	shalt  }
0x5e: {  	_ =	shalt  }
0x5f: {  	_ =	shalt  }
0x60: {  	_ =	shalt  }
0x61: {  	_ =	shalt  }
0x62: {  	_ =	shalt  }
0x63: {  	_ =	shalt  }
0x64: {  	_ =	shalt  }
0x65: {  	_ =	shalt  }
0x66: {  	_ =	shalt  }
0x67: {  	_ =	shalt  }
0x68: {  	_ =	shalt  }
0x69: {  	_ =	shalt  }
0x6a: {  	_ =	shalt  }
0x6b: {  	_ =	shalt  }
0x6c: {  	_ =	shalt  }
0x6d: {  	_ =	shalt  }
0x6e: {  	_ =	shalt  }
0x6f: {  	_ =	shalt  }
0x70: {  	_ =	shalt  }
0x71: {  	_ =	shalt  }
0x72: {  	_ =	shalt  }
0x73: {  	_ =	shalt  }
0x74: {  	_ =	shalt  }
0x75: {  	_ =	shalt  }
0x76: {  	_ =	shalt  }
0x77: {  	_ =	shalt  }
0x78: {  	_ =	shalt  }
0x79: {  	_ =	shalt  }
0x7a: {  	_ =	shalt  }
0x7b: {  	_ =	shalt  }
0x7c: {  	_ =	shalt  }
0x7d: {  	_ =	shalt  }
0x7e: {  	_ =	shalt  }
0x7f: {  	_ =	shalt  }
0x80: {  	_ =	shalt  }
0x81: {  	_ =	shalt  }
0x82: {  	_ =	shalt  }
0x83: {  	_ =	shalt  }
0x84: {  	_ =	shalt  }
0x85: {  	_ =	shalt  }
0x86: {  	_ =	shalt  }
0x87: {  	_ =	shalt  }
.Lfunc_end0:
.L_simem_size_0:
called_computation.3_lowered:
.L_overlay_start_0:
0x88: {  	s2 =	sld [smem:$0x3FD9]  }
0x89: {  	s3 =	sld [smem:$0x3FFE];
	_ =	sdelay $0x1  }
0x8a: {  	s1 =	srdreg.scid  }
0x8b: {  	s0 =	sand.u32 $0x1, s1  }
0x8c: {  	s17 =	sshll.u32 s0, $0xA;
	s2 =	sadd.s32 s3, s2  }
0x8d: {  	s2 =	sadd.s32 s2, s17  }
0x8e: {  	[smem:$0x3FB4] =	sst s2  }
0x8f: {  	_ = 	snop  }
0x90: {  	(tm) =	ssettm $0x1  }
0x91: {  	s18 =	sld [smem:$0x3FFB];
	_ =	sdelay $0x3  }
0x92: {  	_ =	strace s18  }
0x93: {  	s2 =	sld [smem:$0x3FFC];
	_ =	sdelay $0x3  }
0x94: {  	_ =	strace s2  }
0x95: {  	s2 =	sld [smem:$0x3FFD];
	_ =	sdelay $0x3  }
0x96: {  	_ =	strace s2  }
0x97: {  	_ =	strace $0x8FFFFFFF  }
0x98: {  	s19 =	sld [smem:$0x3FDB];
	_ =	sdelay $0x1  }
0x99: {  	s20 =	simm.s32 $_scs_section_size  }
0x9a: {  	s4 =	simm.s32 $_size__tile_overlayer_lowered;
	s5 =	simm.s32 $_tile_overlayer_lowered  }
0x9b: {  	s6 =	simm.s32 $0x1BFF;
	s21 =	sshll.u32 s5, $0x1;
	s3 =	sadd.s32 s20, s19  }
0x9c: {  	s22 =	simm.s32 $0x0;
	s4 =	sshll.u32 s4, $0x1;
	s5 =	sadd.s32 s21, s3  }
0x9d: {  	[timem:s22], [sflag:s6] =	dma.local [hbm:s5], s4  }
0x9e: {  	_ =	swait.ge [sflag:s6], s4  }
0x9f: {  	s4 =	ssub.s32 $0x0, s4;
	[sflag:s6] =	ssyncset.done $0x0  }
0xa0: {  	[sflag:s6] =	ssyncadd.s32 s4;
	_ =	sdelay $0x1  }
0xa1: {  	s23 =	simm.s32 $0x1B8B  }
0xa2: {  	_ =	swait.ge [sflag:s23], $0x1  }
0xa3: {  	[sflag:s23] =	ssyncset.done $0x0  }
0xa4: {  	[sflag:s23] =	ssyncadd.s32 $0xFFFFFFFF  }
0xa5: {  	s4 =	sld [smem:$0x0]  }
0xa6: {  	s5 =	sand.u32 $0xFFFFFFFE, s1  }
0xa7: {  	p0 =	sne.s32 s1, s5  }
0xa8: {  	s5 =	sshll.u32 @p0 s5, $0xE  }
0xa9: {  	s5 =	sadd.s32 @p0 $0x11B8D, s5;
	s6 =	sshll.u32 @p0 s4, $0x11  }
0xaa: {  	s5 =	sor.u32 @p0 s6, s5  }
0xab: {  	[sflag:s5] =	ssyncadd.remote.s32 @p0 $0x1;
	_ =	sdelay $0x1  }
0xac: {  	s5 =	simm.s32 @p0 $0x1B8D  }
0xad: {  	_ =	swait.eq @p0 [sflag:s5], $0x1  }
0xae: {  	[sflag:s5] =	ssyncadd.s32 @p0 $0xFFFFFFFF  }
0xaf: {  	s6 =	sshll.u32 @!p0 s1, $0xE  }
0xb0: {  	s6 =	sor.u32 @!p0 $0x4000, s6;
	s5 =	simm.s32 @!p0 $0x1B8D  }
0xb1: {  	s4 =	sshll.u32 @!p0 s4, $0x11;
	s6 =	sadd.s32 @!p0 $0x11B8D, s6;
	_ =	swait.eq @!p0 [sflag:s5], $0x1  }
0xb2: {  	s4 =	sor.u32 @!p0 s4, s6;
	[sflag:s5] =	ssyncadd.s32 @!p0 $0xFFFFFFFF  }
0xb3: {  	s25 =	simm.s32 $0x1B8E;
	s24 =	sld [smem:$0x3FFE];
	[sflag:s4] =	ssyncadd.remote.s32 @!p0 $0x1  }
0xb4: {  	s26 =	simm.s32 $execute0_lowered;
	[smem:$0x3FD2] =	sst s25  }
0xb5: {  	s5 =	sshll.u32 s26, $0x1;
	_ =	strace $0x8000004C;
	[dreg:$0x1] =	wrdreg $0xFFFFFFFF  }
0xb6: {  	s28 =	simm.s32 $_size_execute0_lowered;
	s3 =	sadd.s32 s3, s5;
	[dreg:$0x0] =	wrdreg $0x0  }
0xb7: {  	s5 =	sshll.u32 s28, $0x1;
	[dreg:$0x2] =	wrdreg s3  }
0xb8: {  	[dreg:$0x3] =	wrdreg s5  }
0xb9: {  	[dreg:$0x4] =	wrdreg $0xC0  }
0xba: {  	_ =	task [dreg:s22], $0x5FFFF  }
0xbb: {  	[dreg:$0x1] =	wrdreg $0xFFFFFFFF  }
0xbc: {  	[dreg:$0x0] =	wrdreg $0x60  }
0xbd: {  	[dreg:$0x2] =	wrdreg s24  }
0xbe: {  	[dreg:$0x3] =	wrdreg $0xC  }
0xbf: {  	_ =	task.clear_ibuf [dreg:s22], $0x4FFFF;
	_ =	strace $0x9000004C  }
0xc0: {  	s29 =	simm.s32 $0xC;
	_ =	strace $0x8000004E  }
0xc1: {  	_ =	swait.ge [sflag:s29], $0x1  }
0xc2: {  	[sflag:s29] =	ssyncadd.s32 $0xFFFFFFFF  }
0xc3: {  	_ =	strace $0x9000004E  }
0xc4: {  	_ =	sfence  }
0xc5: {  	s30 =	sld [smem:$0x0];
	_ =	sdelay $0x2  }
0xc6: {  	s31 =	sshll.u32 s1, $0xD;
	s1 =	sshrl.u32 s1, $0x2  }
0xc7: {  	s4 =	sand.u32 $0x4000, s31;
	s1 =	sadd.s32 s1, s30  }
0xc8: {  	s0 =	sor.u32 s4, s0;
	s1 =	sshll.u32 s1, $0x11  }
0xc9: {  	s0 =	sor.u32 s1, s0  }
0xca: {  	s0 =	sadd.s32 $0x8F2B, s0  }
0xcb: {  	[sflag:s0] =	ssyncadd.remote.s32 $0x1  }
0xcc: {  	_ =	sfence.sel $0xFFFF  }
0xcd: {  	[dreg:$0x0] =	wrdreg $0xFFFFFFFF;
	(pc) =	sbr.abs _section_cstart, $3  }
0xce: {  	[dreg:$0x1] =	wrdreg $0xFFFFFFFF  }
0xcf: {  	_ =	task.clear_ibuf [dreg:s22], $0x2FFFF;
	_ =	strace $0x9FFFFFFF  }
0xd0: {  	(tm) =	ssettm $0x7FFFFFFF  }
0xd1: {  	_ =	shalt  }
tec
execute0_lowered:
.L_overlay_start_1:
0x0: {  	(tag) =	ssettag $0x1  }
0x1: {  	s0 =	rddreg [dreg:$0x0];
	s2 =	simm.s32 $0x0;
	s3 =	srdreg.scid  }
0x2: {  	s1 =	stileid.u32;
	s15 =	simm.s32 $0x5;
	s16 =	simm.s32 $0x80  }
0x3: {  	s17 =	simm.s32 $0x100;
	s18 =	simm.s32 $0x300;
	s20 =	simm.s32 $0x4300  }
0x4: {  	s21 =	simm.s32 $0x40;
	s22 =	simm.s32 $0x6300;
	s23 =	simm.s32 $0xA300  }
0x5: {  	s24 =	simm.s32 $0x3;
	s25 =	simm.s32 $0x4;
	s26 =	simm.s32 $0x0  }
0x6: {  	[smem:$0x7FF] =	sst s2;
	s6 =	sand.u32 $0x1, s3;
	s3 =	sadd.s32 $0xAE00, s0  }
0x7: {  	s5 =	sshll.u32 s1, $0x1;
	s4 =	sadd.s32 $0x2E7A00, s0;
	s7 =	sadd.s32 $0x2ECA00, s0  }
0x8: {  	s13 =	sadd.s32 $0x2ECA08, s0;
	_ =	strace $0x8000004D;
	s9 =	sor.u32 s6, s5  }
0x9: {  	s5 =	sadd.s32 $0x2E2A00, s0;
	s8 =	ssub.s32 $0x2, s6;
	s10 =	smul.u32 $0x13, s9  }
.Ltmp0:
0xa: {  	s11 =	sshrl.u32 s8, $0x1;
	s12 =	smin.u32 s9, $0x11;
	(pc) =	sbr.rel .LBB2_1-.Ltmp0, $4  }
0xb: {  	s6 =	sadd.s32 $0x2DDA00, s0;
	s14 =	ssub.s32 s8, s11;
	s8 =	sadd.s32 s12, s10  }
0xc: {  	p0 =	slt.u32 s9, $0x11;
	s9 =	simm.s32 $0x14;
	s12 =	sshll.u32 s8, $0x4  }
0xd: {  	s9 =	simm.s32 @!p0 $0x13;
	s14 =	smax.u32 s14, $0x1;
	s31 =	sadd.s32 s4, s12  }
0xe: {  	s11 =	sadd.s32 s5, s12;
	s12 =	sadd.s32 s6, s12;
	[dreg:$0x2] =	wrdreg s31  }
.LBB2_9:
0xf: {  	_ =	swait.ge [sflag:s24], $0x2000  }
0x10: {  	[sflag:s24] =	ssyncset.done $0x0  }
0x11: {  	[sflag:s24] =	ssyncadd.s32 $0xFFFFE000  }
0x12: {  	_ =	swait.ge [sflag:s24], $0x2000  }
0x13: {  	[sflag:s24] =	ssyncset.done $0x0  }
0x14: {  	s26 =	sadd.s32 $0x1, s26;
	[sflag:s24] =	ssyncadd.s32 $0xFFFFE000  }
0x15: {  	p0 =	sne.s32 s26, s14;
	_ =	swait.ge [sflag:s25], $0x2000  }
.Ltmp1:
0x16: {  	[sflag:s25] =	ssyncset.done $0x0;
	(pc) =	sbr.rel @!p0 .LBB2_10-.Ltmp1, $4  }
0x17: {  	[sflag:s25] =	ssyncadd.s32 $0xFFFFE000  }
0x18: {  	_ =	swait.ge [sflag:s25], $0x2000  }
0x19: {  	[sflag:s25] =	ssyncset.done $0x0  }
0x1a: {  	[sflag:s25] =	ssyncadd.s32 $0xFFFFE000  }
.LBB2_1:
0x1b: {  	s0 =	rddreg [dreg:$0x2]  }
0x1c: {  	[tilespmem:s2], [sflag:$0x5] =	stream.linear.gather [hbm4b:s0+s2], $0x80, $0x38;
	[tilespmem:$0xC300] =	vst v63  }
0x1d: {  	_ =	swait.ge [sflag:s15], $0x80  }
0x1e: {  	[sflag:s15] =	ssyncset.done $0x0  }
0x1f: {  	[sflag:s15] =	ssyncadd.s32 $0xFFFFFF80  }
0x20: {  	[tilespmem:s16], [sflag:$0x5] =	stream.linear.gather [hbm4b:s11+s2], $0x80, $0x38;
	[tilespmem:$0xC300] =	vst v63  }
0x21: {  	_ =	swait.ge [sflag:s15], $0x80  }
0x22: {  	[sflag:s15] =	ssyncset.done $0x0  }
0x23: {  	[sflag:s15] =	ssyncadd.s32 $0xFFFFFF80  }
0x24: {  	[tilespmem:s17], [sflag:$0x5] =	stream.linear.gather [hbm4b:s12+s2], $0x80, $0x38;
	[tilespmem:$0xC300] =	vst v63  }
0x25: {  	_ =	swait.ge [sflag:s15], $0x80  }
0x26: {  	[sflag:s15] =	ssyncset.done $0x0  }
0x27: {  	[sflag:s15] =	ssyncadd.s32 $0xFFFFFF80  }
0x28: {  	[tilespmem:s18], [sflag:$0x1] =	stream.indirect.gather [hbm4b:s3+s16], $0x40, s2, s16, $0xb8;
	[tilespmem:$0xC300] =	vst v63  }
.Ltmp2:
0x29: {  	_ = 	snop;
	(pc) =	sbr.rel .LBB2_2-.Ltmp2, $4  }
0x2a: {  	s31 =	simm.s32 $0x2300  }
0x2b: {  	[tilespmem:s31], [sflag:$0x1] =	stream.indirect.gather [hbm4b:s3+s16], $0x40, s16, s16, $0xb8;
	[tilespmem:$0xC300] =	vst v63  }
0x2c: {  	s28 =	simm.s32 $0x0  }
0x2d: {  	[tilespmem:s20], [sflag:$0x1] =	stream.indirect.gather [hbm4b:s3+s16], $0x40, s17, s16, $0xb8;
	[tilespmem:$0xC300] =	vst v63  }
.LBB2_8:
0x2e: {  	s28 =	sadd.s32 $0x1, s28  }
0x2f: {  	p0 =	sne.s32 s28, $0xA  }
.Ltmp3:
0x30: {  	_ = 	snop;
	(pc) =	sbr.rel @!p0 .LBB2_9-.Ltmp3, $1  }
0x31: {  	_ =	sdelay $0x3  }
.LBB2_2:
0x32: {  	s29 =	sshllo.u32 s28, $0x1  }
0x33: {  	p0 =	sge.u32 s29, s9  }
0x34: {  	s0 =	simm.s32 @p0 $0x1  }
0x35: {  	_ =	swait.ge @p0 [sflag:s0], $0x2000  }
0x36: {  	[sflag:s0] =	ssyncset.done @p0 $0x0  }
0x37: {  	[sflag:s0] =	ssyncadd.s32 @p0 $0xFFFFE000  }
0x38: {  	_ =	swait.ge @p0 [sflag:s0], $0x2000  }
0x39: {  	[sflag:s0] =	ssyncset.done @p0 $0x0  }
0x3a: {  	[sflag:s0] =	ssyncadd.s32 @p0 $0xFFFFE000  }
0x3b: {  	p1 =	seq.s32 @!p0 s28, $0x0;
	_ =	swait.ge @p0 [sflag:s0], $0x2000  }
0x3c: {  	p1 =	por p1, p0;
	[sflag:s0] =	ssyncset.done @p0 $0x0  }
0x3d: {  	[sflag:s0] =	ssyncadd.s32 @p0 $0xFFFFE000;
	s0 =	simm.s32 @!p1 $0x4  }
0x3e: {  	_ =	swait.ge @!p1 [sflag:s0], $0x2000  }
0x3f: {  	[sflag:s0] =	ssyncset.done @!p1 $0x0  }
0x40: {  	[sflag:s0] =	ssyncadd.s32 @!p1 $0xFFFFE000  }
0x41: {  	s30 =	sadd.s32 @!p0 s8, s29;
	_ =	swait.ge @!p1 [sflag:s0], $0x2000  }
0x42: {  	s30 =	sshll.u32 @!p0 s30, $0x4;
	[sflag:s0] =	ssyncset.done @!p1 $0x0  }
0x43: {  	[sflag:s0] =	ssyncadd.s32 @!p1 $0xFFFFE000;
	s0 =	sand.u32 @!p0 $0x1FFFFFF0, s30  }
0x44: {  	s31 =	simm.s32 @!p0 $0x0;
	s1 =	simm.s32 @!p0 $0x180;
	s30 =	sadd.s32 @!p0 s4, s0  }
0x45: {  	[tilespmem:s1], [sflag:$0x5] =	stream.linear.gather @!p0 [hbm4b:s30+s31], $0x80, $0x38;
	[tilespmem:$0xC300] =	vst v63  }
0x46: {  	s30 =	simm.s32 @!p0 $0x5  }
0x47: {  	_ =	swait.ge @!p0 [sflag:s30], $0x80  }
0x48: {  	[sflag:s30] =	ssyncset.done @!p0 $0x0  }
0x49: {  	s10 =	simm.s32 @!p0 $0x200;
	s19 =	sadd.s32 @!p0 s5, s0;
	[sflag:s30] =	ssyncadd.s32 @!p0 $0xFFFFFF80  }
0x4a: {  	[tilespmem:s10], [sflag:$0x5] =	stream.linear.gather @!p0 [hbm4b:s19+s31], $0x80, $0x38;
	[tilespmem:$0xC300] =	vst v63  }
0x4b: {  	_ =	swait.ge @!p0 [sflag:s30], $0x80  }
0x4c: {  	[sflag:s30] =	ssyncset.done @!p0 $0x0  }
0x4d: {  	s0 =	sadd.s32 @!p0 s6, s0;
	s19 =	simm.s32 @!p0 $0x280;
	[sflag:s30] =	ssyncadd.s32 @!p0 $0xFFFFFF80  }
0x4e: {  	[tilespmem:s19], [sflag:$0x5] =	stream.linear.gather @!p0 [hbm4b:s0+s31], $0x80, $0x38;
	[tilespmem:$0xC300] =	vst v63  }
0x4f: {  	_ =	swait.ge @!p0 [sflag:s30], $0x80  }
0x50: {  	[sflag:s30] =	ssyncset.done @!p0 $0x0  }
0x51: {  	s0 =	simm.s32 @!p0 $0x1;
	[sflag:s30] =	ssyncadd.s32 @!p0 $0xFFFFFF80  }
0x52: {  	_ =	swait.ge @!p0 [sflag:s0], $0x2000  }
0x53: {  	[sflag:s0] =	ssyncset.done @!p0 $0x0  }
0x54: {  	[sflag:s0] =	ssyncadd.s32 @!p0 $0xFFFFE000  }
0x55: {  	_ =	swait.ge @!p0 [sflag:s0], $0x2000  }
0x56: {  	[sflag:s0] =	ssyncset.done @!p0 $0x0  }
0x57: {  	[sflag:s0] =	ssyncadd.s32 @!p0 $0xFFFFE000  }
0x58: {  	_ =	swait.ge @!p0 [sflag:s0], $0x2000  }
0x59: {  	[sflag:s0] =	ssyncset.done @!p0 $0x0  }
0x5a: {  	s30 =	simm.s32 @!p0 $0x6300;
	[sflag:s0] =	ssyncadd.s32 @!p0 $0xFFFFE000;
	s0 =	simm.s32 @!p0 $0x80  }
0x5b: {  	[tilespmem:s30], [sflag:$0x2] =	stream.indirect.gather @!p0 [hbm4b:s3+s0], $0x40, s1, s0, $0xb8;
	[tilespmem:$0xC300] =	vst v63  }
0x5c: {  	s1 =	simm.s32 @!p0 $0x8300  }
0x5d: {  	[tilespmem:s1], [sflag:$0x2] =	stream.indirect.gather @!p0 [hbm4b:s3+s0], $0x40, s10, s0, $0xb8;
	[tilespmem:$0xC300] =	vst v63  }
0x5e: {  	s31 =	simm.s32 $0x0;
	s1 =	simm.s32 @!p0 $0xA300  }
0x5f: {  	[tilespmem:s1], [sflag:$0x2] =	stream.indirect.gather @!p0 [hbm4b:s3+s0], $0x40, s19, s0, $0xb8;
	[tilespmem:$0xC300] =	vst v63  }
0x60: {  	v5 =	vld [tilespmem:s31+$0x2300]  }
0x61: {  	v6 =	vld [tilespmem:s31+$0x2310]  }
0x62: {  	v1 =	vld [tilespmem:s31+$0x2320]  }
0x63: {  	v0 =	vld [tilespmem:s31+$0x2330]  }
0x64: {  	v2 =	vld [tilespmem:s31+$0x300]  }
0x65: {  	v3 =	vld [tilespmem:s31+$0x310]  }
0x66: {  	s30 =	sshll.u32 s28, $0x1;
	s0 =	simm.s32 $0x100;
	v4 =	vld [tilespmem:s31+$0x320]  }
.LBB2_3:
0x67: {  	s1 =	sshra.s32 s0, $0x2;
	p1 =	sne.s32 s0, $0x7F00;
	v7 =	vld [tilespmem:s31+$0x330];
	v8 =	vmov v1  }
0x68: {  	v9 =	vld [tilespmem:s1+$0x2300];
	v10 =	vmov v0  }
0x69: {  	v11 =	vld [tilespmem:s1+$0x2310];
	v2 =	vadd.f32 v5, v2  }
.Ltmp4:
0x6a: {  	v1 =	vld [tilespmem:s1+$0x2320];
	v3 =	vadd.f32 v6, v3;
	(pc) =	sbr.rel @p1 .LBB2_3-.Ltmp4, $4  }
0x6b: {  	v0 =	vld [tilespmem:s1+$0x2330];
	[tilespmem:s31+$0x300] =	vst v2;
	v4 =	vadd.f32 v8, v4  }
0x6c: {  	v2 =	vld [tilespmem:s1+$0x300];
	[tilespmem:s31+$0x310] =	vst v3;
	v7 =	vadd.f32 v10, v7  }
0x6d: {  	v3 =	vld [tilespmem:s1+$0x310];
	[tilespmem:s31+$0x320] =	vst v4;
	v5 =	vmov v9  }
0x6e: {  	s0 =	sadd.s32 $0x100, s0;
	v4 =	vld [tilespmem:s1+$0x320];
	[tilespmem:s31+$0x330] =	vst v7;
	v6 =	vmov v11;
	s31 =	smov.u32 s1  }
0x6f: {  	v7 =	vld [tilespmem:s31+$0x330];
	_ =	sdelay $0x1  }
0x70: {  	v2 =	vadd.f32 v5, v2  }
0x71: {  	v3 =	vadd.f32 v6, v3  }
0x72: {  	[tilespmem:s31+$0x300] =	vst v2;
	v1 =	vadd.f32 v1, v4  }
0x73: {  	s0 =	sadd.s32 s8, s30;
	[tilespmem:s31+$0x310] =	vst v3;
	v0 =	vadd.f32 v0, v7  }
.Ltmp5:
0x74: {  	s0 =	sshll.u32 s0, $0xB;
	[tilespmem:s31+$0x320] =	vst v1;
	(pc) =	sbr.rel @p0 .LBB2_8-.Ltmp5, $4  }
0x75: {  	s1 =	sadd.s32 s7, s0;
	[tilespmem:s31+$0x330] =	vst v0  }
0x76: {  	[hbm4b:s1+s21] =	stream.strided.scatter [tilespmem:s18], [sflag:$0x3], $0x2000, s16, s21, $0x38;
	[tilespmem:$0xC300] =	vst v63  }
0x77: {  	s0 =	sadd.s32 s0, s13  }
0x78: {  	[hbm4b:s0+s21] =	stream.strided.scatter [tilespmem:s20], [sflag:$0x3], $0x2000, s16, s21, $0x38;
	[tilespmem:$0xC300] =	vst v63  }
0x79: {  	s0 =	sadd.s32 $0x2, s30  }
0x7a: {  	p0 =	sge.u32 s0, s9  }
0x7b: {  	s1 =	simm.s32 @p0 $0x2  }
0x7c: {  	_ =	swait.ge @p0 [sflag:s1], $0x2000  }
0x7d: {  	[sflag:s1] =	ssyncset.done @p0 $0x0  }
0x7e: {  	[sflag:s1] =	ssyncadd.s32 @p0 $0xFFFFE000  }
0x7f: {  	_ =	swait.ge @p0 [sflag:s1], $0x2000  }
0x80: {  	[sflag:s1] =	ssyncset.done @p0 $0x0  }
0x81: {  	[sflag:s1] =	ssyncadd.s32 @p0 $0xFFFFE000  }
0x82: {  	_ =	swait.ge @p0 [sflag:s1], $0x2000  }
0x83: {  	[sflag:s1] =	ssyncset.done @p0 $0x0  }
0x84: {  	[sflag:s1] =	ssyncadd.s32 @p0 $0xFFFFE000;
	s1 =	simm.s32 @!p0 $0x3  }
0x85: {  	_ =	swait.ge @!p0 [sflag:s1], $0x2000  }
0x86: {  	[sflag:s1] =	ssyncset.done @!p0 $0x0  }
0x87: {  	s0 =	sadd.s32 @!p0 s8, s0;
	[sflag:s1] =	ssyncadd.s32 @!p0 $0xFFFFE000  }
0x88: {  	s0 =	sshll.u32 @!p0 s0, $0x4;
	_ =	swait.ge @!p0 [sflag:s1], $0x2000  }
0x89: {  	s0 =	sand.u32 @!p0 $0x1FFFFFF0, s0;
	[sflag:s1] =	ssyncset.done @!p0 $0x0  }
0x8a: {  	s10 =	simm.s32 @!p0 $0x0;
	[sflag:s1] =	ssyncadd.s32 @!p0 $0xFFFFE000;
	s1 =	sadd.s32 @!p0 s4, s0  }
0x8b: {  	[tilespmem:s10], [sflag:$0x5] =	stream.linear.gather @!p0 [hbm4b:s1+s10], $0x80, $0x38;
	[tilespmem:$0xC300] =	vst v63  }
0x8c: {  	s1 =	simm.s32 @!p0 $0x5  }
0x8d: {  	_ =	swait.ge @!p0 [sflag:s1], $0x80  }
0x8e: {  	[sflag:s1] =	ssyncset.done @!p0 $0x0  }
0x8f: {  	s30 =	simm.s32 @!p0 $0x80;
	s19 =	sadd.s32 @!p0 s5, s0;
	[sflag:s1] =	ssyncadd.s32 @!p0 $0xFFFFFF80  }
0x90: {  	[tilespmem:s30], [sflag:$0x5] =	stream.linear.gather @!p0 [hbm4b:s19+s10], $0x80, $0x38;
	[tilespmem:$0xC300] =	vst v63  }
0x91: {  	_ =	swait.ge @!p0 [sflag:s1], $0x80  }
0x92: {  	[sflag:s1] =	ssyncset.done @!p0 $0x0  }
0x93: {  	s0 =	sadd.s32 @!p0 s6, s0;
	s19 =	simm.s32 @!p0 $0x100;
	[sflag:s1] =	ssyncadd.s32 @!p0 $0xFFFFFF80  }
0x94: {  	[tilespmem:s19], [sflag:$0x5] =	stream.linear.gather @!p0 [hbm4b:s0+s10], $0x80, $0x38;
	[tilespmem:$0xC300] =	vst v63  }
0x95: {  	_ =	swait.ge @!p0 [sflag:s1], $0x80  }
0x96: {  	[sflag:s1] =	ssyncset.done @!p0 $0x0  }
0x97: {  	s0 =	simm.s32 @!p0 $0x2;
	[sflag:s1] =	ssyncadd.s32 @!p0 $0xFFFFFF80  }
0x98: {  	_ =	swait.ge @!p0 [sflag:s0], $0x2000  }
0x99: {  	[sflag:s0] =	ssyncset.done @!p0 $0x0  }
0x9a: {  	[sflag:s0] =	ssyncadd.s32 @!p0 $0xFFFFE000  }
0x9b: {  	_ =	swait.ge @!p0 [sflag:s0], $0x2000  }
0x9c: {  	[sflag:s0] =	ssyncset.done @!p0 $0x0  }
0x9d: {  	[sflag:s0] =	ssyncadd.s32 @!p0 $0xFFFFE000  }
0x9e: {  	_ =	swait.ge @!p0 [sflag:s0], $0x2000  }
0x9f: {  	[sflag:s0] =	ssyncset.done @!p0 $0x0  }
0xa0: {  	[sflag:s0] =	ssyncadd.s32 @!p0 $0xFFFFE000;
	s0 =	simm.s32 @!p0 $0x300  }
0xa1: {  	[tilespmem:s0], [sflag:$0x1] =	stream.indirect.gather @!p0 [hbm4b:s3+s30], $0x40, s10, s30, $0xb8;
	[tilespmem:$0xC300] =	vst v63  }
0xa2: {  	s0 =	simm.s32 @!p0 $0x2300  }
0xa3: {  	[tilespmem:s0], [sflag:$0x1] =	stream.indirect.gather @!p0 [hbm4b:s3+s30], $0x40, s30, s30, $0xb8;
	[tilespmem:$0xC300] =	vst v63  }
0xa4: {  	s0 =	simm.s32 @!p0 $0x4300  }
0xa5: {  	[tilespmem:s0], [sflag:$0x1] =	stream.indirect.gather @!p0 [hbm4b:s3+s30], $0x40, s19, s30, $0xb8;
	[tilespmem:$0xC300] =	vst v63  }
0xa6: {  	s30 =	simm.s32 $0x0  }
0xa7: {  	v5 =	vld [tilespmem:s30+$0x8300]  }
0xa8: {  	v6 =	vld [tilespmem:s30+$0x8310]  }
0xa9: {  	v1 =	vld [tilespmem:s30+$0x8320]  }
0xaa: {  	v0 =	vld [tilespmem:s30+$0x8330]  }
0xab: {  	v2 =	vld [tilespmem:s30+$0x6300]  }
0xac: {  	v4 =	vld [tilespmem:s30+$0x6310]  }
0xad: {  	s0 =	simm.s32 $0x100;
	v3 =	vld [tilespmem:s30+$0x6320]  }
.LBB2_6:
0xae: {  	s1 =	sshra.s32 s0, $0x2;
	p0 =	sne.s32 s0, $0x7F00;
	v7 =	vld [tilespmem:s30+$0x6330];
	v8 =	vmov v1  }
0xaf: {  	v9 =	vld [tilespmem:s1+$0x8300];
	v10 =	vmov v0  }
0xb0: {  	v11 =	vld [tilespmem:s1+$0x8310];
	v2 =	vadd.f32 v5, v2  }
.Ltmp6:
0xb1: {  	v1 =	vld [tilespmem:s1+$0x8320];
	v4 =	vadd.f32 v6, v4;
	(pc) =	sbr.rel @p0 .LBB2_6-.Ltmp6, $4  }
0xb2: {  	v0 =	vld [tilespmem:s1+$0x8330];
	[tilespmem:s30+$0x6300] =	vst v2;
	v3 =	vadd.f32 v8, v3  }
0xb3: {  	v2 =	vld [tilespmem:s1+$0x6300];
	[tilespmem:s30+$0x6310] =	vst v4;
	v7 =	vadd.f32 v10, v7  }
0xb4: {  	v4 =	vld [tilespmem:s1+$0x6310];
	[tilespmem:s30+$0x6320] =	vst v3;
	v5 =	vmov v9  }
0xb5: {  	s0 =	sadd.s32 $0x100, s0;
	v3 =	vld [tilespmem:s1+$0x6320];
	[tilespmem:s30+$0x6330] =	vst v7;
	v6 =	vmov v11;
	s30 =	smov.u32 s1  }
0xb6: {  	v7 =	vld [tilespmem:s30+$0x6330];
	_ =	sdelay $0x1  }
0xb7: {  	v2 =	vadd.f32 v5, v2  }
0xb8: {  	v4 =	vadd.f32 v6, v4  }
0xb9: {  	[tilespmem:s30+$0x6300] =	vst v2;
	v1 =	vadd.f32 v1, v3  }
0xba: {  	s0 =	sadd.s32 s8, s29;
	[tilespmem:s30+$0x6310] =	vst v4;
	v0 =	vadd.f32 v0, v7  }
.Ltmp7:
0xbb: {  	s0 =	sshll.u32 s0, $0xB;
	[tilespmem:s30+$0x6320] =	vst v1;
	(pc) =	sbr.rel .LBB2_8-.Ltmp7, $4  }
0xbc: {  	s1 =	sadd.s32 s7, s0;
	[tilespmem:s30+$0x6330] =	vst v0  }
0xbd: {  	[hbm4b:s1+s21] =	stream.strided.scatter [tilespmem:s22], [sflag:$0x4], $0x2000, s16, s21, $0x38;
	[tilespmem:$0xC300] =	vst v63  }
0xbe: {  	s0 =	sadd.s32 s0, s13  }
0xbf: {  	[hbm4b:s0+s21] =	stream.strided.scatter [tilespmem:s23], [sflag:$0x4], $0x2000, s16, s21, $0x38;
	[tilespmem:$0xC300] =	vst v63  }
.LBB2_10:
0xc0: {  	_ =	sfence.sel $0x180000  }
0xc1: {  	[bflag:$0x0] =	sbarrier.arrive $0xFFFF  }
0xc2: {  	_ =	strace $0x9000004D  }
0xc3: {  	s0 =	stileid.u32;
	[bflag:$0x2] =	sbarrier.arrive $0xFFFF  }
0xc4: {  	p0 =	sne.s32 s0, $0x0;
	s0 =	rddreg [dreg:$0x1]  }
0xc5: {  	s0 =	sadd.s32 @!p0 $0x100000, s0  }
0xc6: {  	[sflag:s0] =	ssyncadd.tile.s32 @!p0 $0x1;
	_ =	shalt  }
.Lfunc_end2:
_tile_overlayer_lowered:
.L_overlay_start_2:
0xc7: {  	(tag) =	ssettag $0x2  }
0xc8: {  	s0 =	rddreg [dreg:$0x0];
	s2 =	stileid.u32  }
0xc9: {  	s1 =	rddreg [dreg:$0x1];
	p0 =	sne.s32 s2, $0x0  }
0xca: {  	s3 =	rddreg [dreg:$0x2];
	[bflag:$0x3] =	sbarrier.arrive $0xFFFF;
	s2 =	simm.s32 @!p0 $0x1C05  }
0xcb: {  	[timem:s3], [sflag:s2] =	dma.local @!p0 [hbm:s0], s1  }
0xcc: {  	s0 =	simm.s32 @!p0 $0x5  }
0xcd: {  	_ =	swait.ge @!p0 [sflag:s0], s1  }
0xce: {  	s1 =	ssub.s32 @!p0 $0x0, s1;
	[sflag:s0] =	ssyncset.done @!p0 $0x0  }
0xcf: {  	[sflag:s0] =	ssyncadd.s32 @!p0 s1  }
0xd0: {  	[bflag:$0x3] =	sbarrier.arrive $0xFFFF  }
0xd1: {  	_ =	shalt  }

</sc_bundles>
